<compile_context>
chip_gen: v7x
topology: tpu7x:2x2x1
jax: 0.10.2.dev20260603
libtpu: 0.0.44.dev20260713+nightly
codegen_flags: <defaults>
</compile_context>

<pallas_src>
import functools

import jax
import jax.numpy as jnp
from jax import lax
from jax.experimental import pallas as pl
from jax.experimental.pallas import tpu as pltpu
from jax.experimental.pallas import tpu_sc as plsc

_NC = 2
_NS = 16
_NW = _NC * _NS
_CHUNK = 128
_NBUF = 6
_DEPTH = 3



def _proj_body(n, x_ref, wa_ref, wb_ref, oa_ref, ob_ref):
    x = x_ref[...]
    d = wa_ref.shape[1]
    oa_ref[pl.ds(0, n), pl.ds(0, d)] = jnp.dot(
        x, wa_ref[...], preferred_element_type=jnp.float32)
    ob_ref[pl.ds(0, n), pl.ds(0, d)] = jnp.dot(
        x, wb_ref[...], preferred_element_type=jnp.float32)


def _mid_body(agg_ref, b_ref, wa_ref, wb_ref, oa_ref, ob_ref):
    d = wa_ref.shape[0]
    do = wa_ref.shape[1]
    agg = agg_ref[0, :, pl.ds(0, d)] + agg_ref[1, :, pl.ds(0, d)]
    h = jnp.maximum(agg + b_ref[...], 0.0)
    oa_ref[:, pl.ds(0, do)] = jnp.dot(h, wa_ref[...],
                                      preferred_element_type=jnp.float32)
    ob_ref[:, pl.ds(0, do)] = jnp.dot(h, wb_ref[...],
                                      preferred_element_type=jnp.float32)


def _final_body(n, d, agg_ref, b_ref, o_ref):
    z = (agg_ref[0, pl.ds(0, n), pl.ds(0, d)]
         + agg_ref[1, pl.ds(0, n), pl.ds(0, d)] + b_ref[...])
    m = jnp.max(z, axis=1, keepdims=True)
    s = jnp.sum(jnp.exp(z - m), axis=1, keepdims=True)
    o_ref[...] = (z - m) - jnp.log(s)



def _make_seg_sum(n_pad, n_chunks, d):
    rpt = n_pad // _NS
    base_chunks = n_chunks // _NW
    n_extra = n_chunks - base_chunks * _NW
    assert base_chunks % _NBUF == 0 and base_chunks // _NBUF >= 2
    mesh = plsc.VectorSubcoreMesh(
        core_axis_name="c", subcore_axis_name="s",
        num_cores=_NC, num_subcores=_NS)

    def body(table_hbm, init_hbm, zeros_hbm, edges_hbm, out_hbm,
             src_v, dst_v, rows_v, table_sh, acc_sh, *sems):
        cid = lax.axis_index("c")
        sid = lax.axis_index("s")
        wid = cid * _NS + sid
        row0 = sid * rpt
        @pl.when(cid == 0)
        def _():
            pltpu.sync_copy(init_hbm.at[pl.ds(row0, rpt), pl.ds(0, d)],
                            acc_sh.at[pl.ds(row0, rpt)])
        @pl.when(cid == 1)
        def _():
            pltpu.sync_copy(zeros_hbm.at[pl.ds(row0, rpt)],
                            acc_sh.at[pl.ds(row0, rpt)])
        pltpu.sync_copy(table_hbm.at[pl.ds(row0, rpt), pl.ds(0, d)],
                        table_sh.at[pl.ds(row0, rpt)])
        chunk0 = wid * base_chunks + jnp.minimum(wid, n_extra)
        pltpu.sync_copy(edges_hbm.at[pl.ds(chunk0, base_chunks),
                                     pl.ds(0, _CHUNK)],
                        src_v.at[pl.ds(0, base_chunks)])
        pltpu.sync_copy(edges_hbm.at[pl.ds(chunk0, base_chunks),
                                     pl.ds(_CHUNK, _CHUNK)],
                        dst_v.at[pl.ds(0, base_chunks)])
        @pl.when(wid < n_extra)
        def _():
            pltpu.sync_copy(edges_hbm.at[pl.ds(chunk0 + base_chunks, 1),
                                         pl.ds(0, _CHUNK)],
                            src_v.at[pl.ds(base_chunks, 1)])
            pltpu.sync_copy(edges_hbm.at[pl.ds(chunk0 + base_chunks, 1),
                                         pl.ds(_CHUNK, _CHUNK)],
                            dst_v.at[pl.ds(base_chunks, 1)])
        plsc.subcore_barrier()

        gs = sems[:_NBUF]
        ss = sems[_NBUF:]

        def fire_g(c, b):
            pltpu.async_copy(table_sh.at[src_v.at[c]], rows_v.at[b], gs[b])

        def wait_g(c, b):
            pltpu.make_async_copy(
                table_sh.at[src_v.at[c]], rows_v.at[b], gs[b]).wait()

        def fire_s(c, b):
            pltpu.async_copy(rows_v.at[b], acc_sh.at[dst_v.at[c]], ss[b],
                             add=True)

        def wait_s(c, b):
            pltpu.make_async_copy(
                rows_v.at[b], acc_sh.at[dst_v.at[c]], ss[b]).wait()

        R, D = _NBUF, _DEPTH
        G = base_chunks // R
        for b in range(D):
            fire_g(b, b)
        for c in range(R):
            wait_g(c, c)
            fire_s(c, c)
            if c >= D:
                wait_s(c - D, c - D)
            fire_g(c + D, (c + D) % R)

        def outer(g, carry):
            base = g * R
            for b in range(R):
                c = base + b
                wait_g(c, b)
                fire_s(c, b)
                wait_s(c - D, (b + R - D) % R)
                fire_g(c + D, (b + D) % R)
            return carry
        lax.fori_loop(1, G - 1, outer, 0)

        base = (G - 1) * R
        for b in range(R):
            c = base + b
            wait_g(c, b)
            fire_s(c, b)
            wait_s(c - D, (b + R - D) % R)
            if c + D < base_chunks:
                fire_g(c + D, (b + D) % R)
        for k in range(D):
            c = base_chunks - D + k
            wait_s(c, c % R)

        @pl.when(wid < n_extra)
        def _():
            pltpu.sync_copy(table_sh.at[src_v.at[base_chunks]], rows_v.at[0])
            pltpu.sync_copy(rows_v.at[0], acc_sh.at[dst_v.at[base_chunks]],
                            add=True)

        plsc.subcore_barrier()
        pltpu.sync_copy(acc_sh.at[pl.ds(row0, rpt)],
                        out_hbm.at[cid, pl.ds(row0, rpt), pl.ds(0, d)])

    return pl.kernel(
        body,
        out_type=jax.ShapeDtypeStruct((_NC, n_pad, 128), jnp.float32),
        mesh=mesh,
        scratch_types=[
            pltpu.VMEM((base_chunks + 1, _CHUNK), jnp.int32),
            pltpu.VMEM((base_chunks + 1, _CHUNK), jnp.int32),
            pltpu.VMEM((_NBUF, _CHUNK, d), jnp.float32),
            pltpu.VMEM_SHARED((n_pad, d), jnp.float32),
            pltpu.VMEM_SHARED((n_pad, d), jnp.float32),
        ] + [pltpu.SemaphoreType.DMA] * (2 * _NBUF),
        compiler_params=pltpu.CompilerParams(use_tc_tiling_on_sc=False),
    )



def kernel(x, edge_index, W1_root, W1_neigh, b1, W2_root, W2_neigh, b2):
    n, _ = x.shape
    dh = W1_root.shape[1]
    do = W2_root.shape[1]
    e = edge_index.shape[1]

    n_pad = -(-n // (_NS * 8)) * (_NS * 8)
    assert e % _CHUNK == 0
    n_chunks = e // _CHUNK
    edges = edge_index.reshape(2, n_chunks, _CHUNK).transpose(1, 0, 2) \
                      .reshape(n_chunks, 2 * _CHUNK)

    f32 = jnp.float32
    wide = jax.ShapeDtypeStruct((n_pad, 128), f32)
    xr, xn = pl.pallas_call(
        functools.partial(_proj_body, n),
        out_shape=[wide, wide],
    )(x, W1_root, W1_neigh)

    seg_sum = _make_seg_sum(n_pad, n_chunks, dh)
    zeros = jnp.zeros((n_pad, dh), f32)
    agg1 = seg_sum(xn, xr, zeros, edges)

    hr, hn = pl.pallas_call(
        _mid_body,
        out_shape=[wide, wide],
    )(agg1, b1.reshape(1, dh), W2_root, W2_neigh)

    if do == dh:
        seg_sum2, zeros2 = seg_sum, zeros
    else:
        seg_sum2 = _make_seg_sum(n_pad, n_chunks, do)
        zeros2 = jnp.zeros((n_pad, do), f32)
    agg2 = seg_sum2(hn, hr, zeros2, edges)

    out = pl.pallas_call(
        functools.partial(_final_body, n, do),
        out_shape=jax.ShapeDtypeStruct((n, do), f32),
    )(agg2, b2.reshape(1, do))
    return out

# --- scband reference (transcript-rebuilt; emitter-appended) ---
"""Pipeline reference for scband-net-61521111548294 (READ-ONLY COPY).

The authoritative reference and input builder live on the scoring server;
editing this copy changes nothing except your own understanding.
"""

import jax, jax.numpy as jnp
import numpy as np

N = 10000
E = 320000
D_IN = 128
D_HID = 16
D_OUT = 16


def setup_inputs(seed: int = 0) -> dict:
    key = jax.random.key(seed)
    ks = jax.random.split(key, 8)
    x = jax.random.normal(ks[0], (N, D_IN), dtype=jnp.float32)
    edge_index = jax.random.randint(ks[1], (2, E), 0, N, dtype=jnp.int32)
    s1 = 1.0 / np.sqrt(D_IN)
    s2 = 1.0 / np.sqrt(D_HID)
    W1_root = jax.random.uniform(ks[2], (D_IN, D_HID), jnp.float32, -s1, s1)
    W1_neigh = jax.random.uniform(ks[3], (D_IN, D_HID), jnp.float32, -s1, s1)
    b1 = jnp.zeros((D_HID,), dtype=jnp.float32)
    W2_root = jax.random.uniform(ks[4], (D_HID, D_OUT), jnp.float32, -s2, s2)
    W2_neigh = jax.random.uniform(ks[5], (D_HID, D_OUT), jnp.float32, -s2, s2)
    b2 = jnp.zeros((D_OUT,), dtype=jnp.float32)
    return {
        'x': x,
        'edge_index': edge_index,
        'W1_root': W1_root,
        'W1_neigh': W1_neigh,
        'b1': b1,
        'W2_root': W2_root,
        'W2_neigh': W2_neigh,
        'b2': b2,
    }


def reference(x, edge_index, W1_root, W1_neigh, b1, W2_root, W2_neigh, b2):
    # GraphConv (PyG semantics): out_i = W_root x_i + W_neigh * sum_{j in N(i)} x_j + b
    src = edge_index[0]
    dst = edge_index[1]
    # layer 1
    agg1 = jax.ops.segment_sum(x[src], dst, num_segments=N)
    h = x @ W1_root + agg1 @ W1_neigh + b1
    h = jax.nn.relu(h)
    # F.dropout(x, training=self.training): identity in eval mode
    # layer 2
    agg2 = jax.ops.segment_sum(h[src], dst, num_segments=N)
    out = h @ W2_root + agg2 @ W2_neigh + b2
    return jax.nn.log_softmax(out, axis=1)

if __name__ == "__main__":
    import jax
    _d = setup_inputs()
    print(jax.jit(kernel)(*tuple(_d.values())))

</pallas_src>

<mosaic_0001>
#map = affine_map<(d0, d1) -> (0, 0)>
#map1 = affine_map<(d0, d1) -> (0, 0, 0)>
module attributes {stable_mosaic.version = 14 : i64} {
  func.func @body(%arg0: i32, %arg1: i32, %arg2: memref<10112x128xf32, #tpu.memory_space<hbm>>, %arg3: memref<10112x128xf32, #tpu.memory_space<hbm>>, %arg4: memref<10112x16xf32, #tpu.memory_space<hbm>>, %arg5: memref<2500x256xi32, #tpu.memory_space<hbm>>, %arg6: memref<2x10112x128xf32, #tpu.memory_space<hbm>>, %arg7: memref<79x128xi32, #tpu.memory_space<vmem>>, %arg8: memref<79x128xi32, #tpu.memory_space<vmem>>, %arg9: memref<6x128x16xf32, #tpu.memory_space<vmem>>, %arg10: memref<10112x16xf32, #tpu.memory_space<vmem_shared>>, %arg11: memref<10112x16xf32, #tpu.memory_space<vmem_shared>>, %arg12: memref<!tpu.dma_semaphore, #tpu.memory_space<semaphore_mem>>, %arg13: memref<!tpu.dma_semaphore, #tpu.memory_space<semaphore_mem>>, %arg14: memref<!tpu.dma_semaphore, #tpu.memory_space<semaphore_mem>>, %arg15: memref<!tpu.dma_semaphore, #tpu.memory_space<semaphore_mem>>, %arg16: memref<!tpu.dma_semaphore, #tpu.memory_space<semaphore_mem>>, %arg17: memref<!tpu.dma_semaphore, #tpu.memory_space<semaphore_mem>>, %arg18: memref<!tpu.dma_semaphore, #tpu.memory_space<semaphore_mem>>, %arg19: memref<!tpu.dma_semaphore, #tpu.memory_space<semaphore_mem>>, %arg20: memref<!tpu.dma_semaphore, #tpu.memory_space<semaphore_mem>>, %arg21: memref<!tpu.dma_semaphore, #tpu.memory_space<semaphore_mem>>, %arg22: memref<!tpu.dma_semaphore, #tpu.memory_space<semaphore_mem>>, %arg23: memref<!tpu.dma_semaphore, #tpu.memory_space<semaphore_mem>>) attributes {dimension_semantics = [#tpu.dimension_semantics<core_parallel>, #tpu.dimension_semantics<subcore_parallel>], iteration_bounds = array<i64: 2, 16>, scalar_prefetch = 0 : i64, scratch_operands = 17 : i64, tpu.core_type = #tpu.core_type<sc_vector_subcore>, window_params = [{transform_indices = #map}, {transform_indices = #map}, {transform_indices = #map}, {transform_indices = #map}, {transform_indices = #map1}]} {
    %mul3A = arith.constant 16 : i32
    %mul3A_0 = arith.muli %arg0, %mul3A : i32
    %add3A = arith.addi %mul3A_0, %arg1 : i32
    %mul3A_1 = arith.constant 632 : i32
    %mul3A_2 = arith.muli %arg1, %mul3A_1 : i32
    %eq3A = arith.constant 0 : i32
    %eq3A_3 = arith.cmpi eq, %arg0, %eq3A : i32
    %convert_element_type3A = arith.extui %eq3A_3 : i1 to i32
    %cond3A = arith.constant 0 : i32
    %cond3A_4 = arith.cmpi ne, %convert_element_type3A, %cond3A : i32
    scf.if %cond3A_4 {
      "tpu.region"() ({
        %run_scoped3A = tpu.sem_alloc : memref<!tpu.dma_semaphore, #tpu.memory_space<semaphore_mem>>
        %dma_start3A_603 = arith.constant 0 : i32
        %dma_start3A_604 = tpu.memref_slice %arg11[%mul3A_2, %dma_start3A_603] : memref<10112x16xf32, #tpu.memory_space<vmem_shared>> -> memref<632x16xf32, #tpu.memory_space<vmem_shared>>
        %dma_start3A_605 = arith.constant 0 : i32
        %dma_start3A_606 = tpu.memref_slice %arg3[%mul3A_2, %dma_start3A_605] : memref<10112x128xf32, #tpu.memory_space<hbm>> -> memref<632x16xf32, #tpu.memory_space<hbm>>
        tpu.enqueue_dma source(%dma_start3A_606 : memref<632x16xf32, #tpu.memory_space<hbm>>) target(%dma_start3A_604 : memref<632x16xf32, #tpu.memory_space<vmem_shared>>) target_semaphore(%run_scoped3A : memref<!tpu.dma_semaphore, #tpu.memory_space<semaphore_mem>>)
        %dma_wait3A_607 = arith.constant 0 : i32
        %dma_wait3A_608 = tpu.memref_slice %arg11[%mul3A_2, %dma_wait3A_607] : memref<10112x16xf32, #tpu.memory_space<vmem_shared>> -> memref<632x16xf32, #tpu.memory_space<vmem_shared>>
        %dma_wait3A_609 = arith.constant 0 : i32
        %dma_wait3A_610 = tpu.memref_slice %arg3[%mul3A_2, %dma_wait3A_609] : memref<10112x128xf32, #tpu.memory_space<hbm>> -> memref<632x16xf32, #tpu.memory_space<hbm>>
        tpu.wait_dma2 semaphore(%run_scoped3A : memref<!tpu.dma_semaphore, #tpu.memory_space<semaphore_mem>>) src(%dma_wait3A_610 : memref<632x16xf32, #tpu.memory_space<hbm>>) dst(%dma_wait3A_608 : memref<632x16xf32, #tpu.memory_space<vmem_shared>>)
        tpu.yield
      }) : () -> ()
    } else {
    }
    %eq3A_5 = arith.constant 1 : i32
    %eq3A_6 = arith.cmpi eq, %arg0, %eq3A_5 : i32
    %convert_element_type3A_7 = arith.extui %eq3A_6 : i1 to i32
    %cond3A_8 = arith.constant 0 : i32
    %cond3A_9 = arith.cmpi ne, %convert_element_type3A_7, %cond3A_8 : i32
    scf.if %cond3A_9 {
      "tpu.region"() ({
        %run_scoped3A = tpu.sem_alloc : memref<!tpu.dma_semaphore, #tpu.memory_space<semaphore_mem>>
        %dma_start3A_603 = arith.constant 0 : i32
        %dma_start3A_604 = tpu.memref_slice %arg11[%mul3A_2, %dma_start3A_603] : memref<10112x16xf32, #tpu.memory_space<vmem_shared>> -> memref<632x16xf32, #tpu.memory_space<vmem_shared>>
        %dma_start3A_605 = arith.constant 0 : i32
        %dma_start3A_606 = tpu.memref_slice %arg4[%mul3A_2, %dma_start3A_605] : memref<10112x16xf32, #tpu.memory_space<hbm>> -> memref<632x16xf32, #tpu.memory_space<hbm>>
        tpu.enqueue_dma source(%dma_start3A_606 : memref<632x16xf32, #tpu.memory_space<hbm>>) target(%dma_start3A_604 : memref<632x16xf32, #tpu.memory_space<vmem_shared>>) target_semaphore(%run_scoped3A : memref<!tpu.dma_semaphore, #tpu.memory_space<semaphore_mem>>)
        %dma_wait3A_607 = arith.constant 0 : i32
        %dma_wait3A_608 = tpu.memref_slice %arg11[%mul3A_2, %dma_wait3A_607] : memref<10112x16xf32, #tpu.memory_space<vmem_shared>> -> memref<632x16xf32, #tpu.memory_space<vmem_shared>>
        %dma_wait3A_609 = arith.constant 0 : i32
        %dma_wait3A_610 = tpu.memref_slice %arg4[%mul3A_2, %dma_wait3A_609] : memref<10112x16xf32, #tpu.memory_space<hbm>> -> memref<632x16xf32, #tpu.memory_space<hbm>>
        tpu.wait_dma2 semaphore(%run_scoped3A : memref<!tpu.dma_semaphore, #tpu.memory_space<semaphore_mem>>) src(%dma_wait3A_610 : memref<632x16xf32, #tpu.memory_space<hbm>>) dst(%dma_wait3A_608 : memref<632x16xf32, #tpu.memory_space<vmem_shared>>)
        tpu.yield
      }) : () -> ()
    } else {
    }
    "tpu.region"() ({
      %run_scoped3A = tpu.sem_alloc : memref<!tpu.dma_semaphore, #tpu.memory_space<semaphore_mem>>
      %dma_start3A_603 = arith.constant 0 : i32
      %dma_start3A_604 = tpu.memref_slice %arg10[%mul3A_2, %dma_start3A_603] : memref<10112x16xf32, #tpu.memory_space<vmem_shared>> -> memref<632x16xf32, #tpu.memory_space<vmem_shared>>
      %dma_start3A_605 = arith.constant 0 : i32
      %dma_start3A_606 = tpu.memref_slice %arg2[%mul3A_2, %dma_start3A_605] : memref<10112x128xf32, #tpu.memory_space<hbm>> -> memref<632x16xf32, #tpu.memory_space<hbm>>
      tpu.enqueue_dma source(%dma_start3A_606 : memref<632x16xf32, #tpu.memory_space<hbm>>) target(%dma_start3A_604 : memref<632x16xf32, #tpu.memory_space<vmem_shared>>) target_semaphore(%run_scoped3A : memref<!tpu.dma_semaphore, #tpu.memory_space<semaphore_mem>>)
      %dma_wait3A_607 = arith.constant 0 : i32
      %dma_wait3A_608 = tpu.memref_slice %arg10[%mul3A_2, %dma_wait3A_607] : memref<10112x16xf32, #tpu.memory_space<vmem_shared>> -> memref<632x16xf32, #tpu.memory_space<vmem_shared>>
      %dma_wait3A_609 = arith.constant 0 : i32
      %dma_wait3A_610 = tpu.memref_slice %arg2[%mul3A_2, %dma_wait3A_609] : memref<10112x128xf32, #tpu.memory_space<hbm>> -> memref<632x16xf32, #tpu.memory_space<hbm>>
      tpu.wait_dma2 semaphore(%run_scoped3A : memref<!tpu.dma_semaphore, #tpu.memory_space<semaphore_mem>>) src(%dma_wait3A_610 : memref<632x16xf32, #tpu.memory_space<hbm>>) dst(%dma_wait3A_608 : memref<632x16xf32, #tpu.memory_space<vmem_shared>>)
      tpu.yield
    }) : () -> ()
    %mul3A_10 = arith.constant 78 : i32
    %mul3A_11 = arith.muli %add3A, %mul3A_10 : i32
    %min3A = arith.constant 4 : i32
    %min3A_12 = arith.minsi %add3A, %min3A : i32
    %add3A_13 = arith.addi %mul3A_11, %min3A_12 : i32
    "tpu.region"() ({
      %run_scoped3A = tpu.sem_alloc : memref<!tpu.dma_semaphore, #tpu.memory_space<semaphore_mem>>
      %dma_start3A_603 = arith.constant 0 : i32
      %dma_start3A_604 = arith.constant 0 : i32
      %dma_start3A_605 = tpu.memref_slice %arg7[%dma_start3A_603, %dma_start3A_604] : memref<79x128xi32, #tpu.memory_space<vmem>> -> memref<78x128xi32, #tpu.memory_space<vmem>>
      %dma_start3A_606 = arith.constant 0 : i32
      %dma_start3A_607 = tpu.memref_slice %arg5[%add3A_13, %dma_start3A_606] : memref<2500x256xi32, #tpu.memory_space<hbm>> -> memref<78x128xi32, #tpu.memory_space<hbm>>
      %dma_start3A_608 = arith.constant 0 : i32
      %dma_start3A_609 = arith.constant 0 : i32
      %dma_start3A_610 = tpu.memref_slice %arg7[%dma_start3A_608, %dma_start3A_609] : memref<79x128xi32, #tpu.memory_space<vmem>> -> memref<78x128xi32, #tpu.memory_space<vmem>>
      %dma_start3A_611 = arith.constant 0 : i32
      %dma_start3A_612 = tpu.memref_slice %arg5[%add3A_13, %dma_start3A_611] : memref<2500x256xi32, #tpu.memory_space<hbm>> -> memref<78x128xi32, #tpu.memory_space<hbm>>
      tpu.enqueue_dma source(%dma_start3A_612 : memref<78x128xi32, #tpu.memory_space<hbm>>) target(%dma_start3A_610 : memref<78x128xi32, #tpu.memory_space<vmem>>) target_semaphore(%run_scoped3A : memref<!tpu.dma_semaphore, #tpu.memory_space<semaphore_mem>>)
      %dma_wait3A_613 = arith.constant 0 : i32
      %dma_wait3A_614 = arith.constant 0 : i32
      %dma_wait3A_615 = tpu.memref_slice %arg7[%dma_wait3A_613, %dma_wait3A_614] : memref<79x128xi32, #tpu.memory_space<vmem>> -> memref<78x128xi32, #tpu.memory_space<vmem>>
      %dma_wait3A_616 = arith.constant 0 : i32
      %dma_wait3A_617 = tpu.memref_slice %arg5[%add3A_13, %dma_wait3A_616] : memref<2500x256xi32, #tpu.memory_space<hbm>> -> memref<78x128xi32, #tpu.memory_space<hbm>>
      %dma_wait3A_618 = arith.constant 0 : i32
      %dma_wait3A_619 = arith.constant 0 : i32
      %dma_wait3A_620 = tpu.memref_slice %arg7[%dma_wait3A_618, %dma_wait3A_619] : memref<79x128xi32, #tpu.memory_space<vmem>> -> memref<78x128xi32, #tpu.memory_space<vmem>>
      %dma_wait3A_621 = arith.constant 0 : i32
      %dma_wait3A_622 = tpu.memref_slice %arg5[%add3A_13, %dma_wait3A_621] : memref<2500x256xi32, #tpu.memory_space<hbm>> -> memref<78x128xi32, #tpu.memory_space<hbm>>
      tpu.wait_dma2 semaphore(%run_scoped3A : memref<!tpu.dma_semaphore, #tpu.memory_space<semaphore_mem>>) src(%dma_wait3A_622 : memref<78x128xi32, #tpu.memory_space<hbm>>) dst(%dma_wait3A_620 : memref<78x128xi32, #tpu.memory_space<vmem>>)
      tpu.yield
    }) : () -> ()
    "tpu.region"() ({
      %run_scoped3A = tpu.sem_alloc : memref<!tpu.dma_semaphore, #tpu.memory_space<semaphore_mem>>
      %dma_start3A_603 = arith.constant 0 : i32
      %dma_start3A_604 = arith.constant 0 : i32
      %dma_start3A_605 = tpu.memref_slice %arg8[%dma_start3A_603, %dma_start3A_604] : memref<79x128xi32, #tpu.memory_space<vmem>> -> memref<78x128xi32, #tpu.memory_space<vmem>>
      %dma_start3A_606 = arith.constant 128 : i32
      %dma_start3A_607 = tpu.memref_slice %arg5[%add3A_13, %dma_start3A_606] : memref<2500x256xi32, #tpu.memory_space<hbm>> -> memref<78x128xi32, #tpu.memory_space<hbm>>
      %dma_start3A_608 = arith.constant 0 : i32
      %dma_start3A_609 = arith.constant 0 : i32
      %dma_start3A_610 = tpu.memref_slice %arg8[%dma_start3A_608, %dma_start3A_609] : memref<79x128xi32, #tpu.memory_space<vmem>> -> memref<78x128xi32, #tpu.memory_space<vmem>>
      %dma_start3A_611 = arith.constant 128 : i32
      %dma_start3A_612 = tpu.memref_slice %arg5[%add3A_13, %dma_start3A_611] : memref<2500x256xi32, #tpu.memory_space<hbm>> -> memref<78x128xi32, #tpu.memory_space<hbm>>
      tpu.enqueue_dma source(%dma_start3A_612 : memref<78x128xi32, #tpu.memory_space<hbm>>) target(%dma_start3A_610 : memref<78x128xi32, #tpu.memory_space<vmem>>) target_semaphore(%run_scoped3A : memref<!tpu.dma_semaphore, #tpu.memory_space<semaphore_mem>>)
      %dma_wait3A_613 = arith.constant 0 : i32
      %dma_wait3A_614 = arith.constant 0 : i32
      %dma_wait3A_615 = tpu.memref_slice %arg8[%dma_wait3A_613, %dma_wait3A_614] : memref<79x128xi32, #tpu.memory_space<vmem>> -> memref<78x128xi32, #tpu.memory_space<vmem>>
      %dma_wait3A_616 = arith.constant 128 : i32
      %dma_wait3A_617 = tpu.memref_slice %arg5[%add3A_13, %dma_wait3A_616] : memref<2500x256xi32, #tpu.memory_space<hbm>> -> memref<78x128xi32, #tpu.memory_space<hbm>>
      %dma_wait3A_618 = arith.constant 0 : i32
      %dma_wait3A_619 = arith.constant 0 : i32
      %dma_wait3A_620 = tpu.memref_slice %arg8[%dma_wait3A_618, %dma_wait3A_619] : memref<79x128xi32, #tpu.memory_space<vmem>> -> memref<78x128xi32, #tpu.memory_space<vmem>>
      %dma_wait3A_621 = arith.constant 128 : i32
      %dma_wait3A_622 = tpu.memref_slice %arg5[%add3A_13, %dma_wait3A_621] : memref<2500x256xi32, #tpu.memory_space<hbm>> -> memref<78x128xi32, #tpu.memory_space<hbm>>
      tpu.wait_dma2 semaphore(%run_scoped3A : memref<!tpu.dma_semaphore, #tpu.memory_space<semaphore_mem>>) src(%dma_wait3A_622 : memref<78x128xi32, #tpu.memory_space<hbm>>) dst(%dma_wait3A_620 : memref<78x128xi32, #tpu.memory_space<vmem>>)
      tpu.yield
    }) : () -> ()
    %lt3A = arith.constant 4 : i32
    %lt3A_14 = arith.cmpi slt, %add3A, %lt3A : i32
    %convert_element_type3A_15 = arith.extui %lt3A_14 : i1 to i32
    %cond3A_16 = arith.constant 0 : i32
    %cond3A_17 = arith.cmpi ne, %convert_element_type3A_15, %cond3A_16 : i32
    scf.if %cond3A_17 {
      %add3A_603 = arith.constant 78 : i32
      %add3A_604 = arith.addi %add3A_13, %add3A_603 : i32
      "tpu.region"() ({
        %run_scoped3A = tpu.sem_alloc : memref<!tpu.dma_semaphore, #tpu.memory_space<semaphore_mem>>
        %dma_start3A_607 = arith.constant 78 : i32
        %dma_start3A_608 = arith.constant 0 : i32
        %dma_start3A_609 = tpu.memref_slice %arg7[%dma_start3A_607, %dma_start3A_608] : memref<79x128xi32, #tpu.memory_space<vmem>> -> memref<1x128xi32, #tpu.memory_space<vmem>>
        %dma_start3A_610 = arith.constant 0 : i32
        %dma_start3A_611 = tpu.memref_slice %arg5[%add3A_604, %dma_start3A_610] : memref<2500x256xi32, #tpu.memory_space<hbm>> -> memref<1x128xi32, #tpu.memory_space<hbm>>
        %dma_start3A_612 = arith.constant 78 : i32
        %dma_start3A_613 = arith.constant 0 : i32
        %dma_start3A_614 = tpu.memref_slice %arg7[%dma_start3A_612, %dma_start3A_613] : memref<79x128xi32, #tpu.memory_space<vmem>> -> memref<1x128xi32, #tpu.memory_space<vmem>>
        %dma_start3A_615 = arith.constant 0 : i32
        %dma_start3A_616 = tpu.memref_slice %arg5[%add3A_604, %dma_start3A_615] : memref<2500x256xi32, #tpu.memory_space<hbm>> -> memref<1x128xi32, #tpu.memory_space<hbm>>
        tpu.enqueue_dma source(%dma_start3A_616 : memref<1x128xi32, #tpu.memory_space<hbm>>) target(%dma_start3A_614 : memref<1x128xi32, #tpu.memory_space<vmem>>) target_semaphore(%run_scoped3A : memref<!tpu.dma_semaphore, #tpu.memory_space<semaphore_mem>>)
        %dma_wait3A_617 = arith.constant 78 : i32
        %dma_wait3A_618 = arith.constant 0 : i32
        %dma_wait3A_619 = tpu.memref_slice %arg7[%dma_wait3A_617, %dma_wait3A_618] : memref<79x128xi32, #tpu.memory_space<vmem>> -> memref<1x128xi32, #tpu.memory_space<vmem>>
        %dma_wait3A_620 = arith.constant 0 : i32
        %dma_wait3A_621 = tpu.memref_slice %arg5[%add3A_604, %dma_wait3A_620] : memref<2500x256xi32, #tpu.memory_space<hbm>> -> memref<1x128xi32, #tpu.memory_space<hbm>>
        %dma_wait3A_622 = arith.constant 78 : i32
        %dma_wait3A_623 = arith.constant 0 : i32
        %dma_wait3A_624 = tpu.memref_slice %arg7[%dma_wait3A_622, %dma_wait3A_623] : memref<79x128xi32, #tpu.memory_space<vmem>> -> memref<1x128xi32, #tpu.memory_space<vmem>>
        %dma_wait3A_625 = arith.constant 0 : i32
        %dma_wait3A_626 = tpu.memref_slice %arg5[%add3A_604, %dma_wait3A_625] : memref<2500x256xi32, #tpu.memory_space<hbm>> -> memref<1x128xi32, #tpu.memory_space<hbm>>
        tpu.wait_dma2 semaphore(%run_scoped3A : memref<!tpu.dma_semaphore, #tpu.memory_space<semaphore_mem>>) src(%dma_wait3A_626 : memref<1x128xi32, #tpu.memory_space<hbm>>) dst(%dma_wait3A_624 : memref<1x128xi32, #tpu.memory_space<vmem>>)
        tpu.yield
      }) : () -> ()
      %add3A_605 = arith.constant 78 : i32
      %add3A_606 = arith.addi %add3A_13, %add3A_605 : i32
      "tpu.region"() ({
        %run_scoped3A = tpu.sem_alloc : memref<!tpu.dma_semaphore, #tpu.memory_space<semaphore_mem>>
        %dma_start3A_607 = arith.constant 78 : i32
        %dma_start3A_608 = arith.constant 0 : i32
        %dma_start3A_609 = tpu.memref_slice %arg8[%dma_start3A_607, %dma_start3A_608] : memref<79x128xi32, #tpu.memory_space<vmem>> -> memref<1x128xi32, #tpu.memory_space<vmem>>
        %dma_start3A_610 = arith.constant 128 : i32
        %dma_start3A_611 = tpu.memref_slice %arg5[%add3A_606, %dma_start3A_610] : memref<2500x256xi32, #tpu.memory_space<hbm>> -> memref<1x128xi32, #tpu.memory_space<hbm>>
        %dma_start3A_612 = arith.constant 78 : i32
        %dma_start3A_613 = arith.constant 0 : i32
        %dma_start3A_614 = tpu.memref_slice %arg8[%dma_start3A_612, %dma_start3A_613] : memref<79x128xi32, #tpu.memory_space<vmem>> -> memref<1x128xi32, #tpu.memory_space<vmem>>
        %dma_start3A_615 = arith.constant 128 : i32
        %dma_start3A_616 = tpu.memref_slice %arg5[%add3A_606, %dma_start3A_615] : memref<2500x256xi32, #tpu.memory_space<hbm>> -> memref<1x128xi32, #tpu.memory_space<hbm>>
        tpu.enqueue_dma source(%dma_start3A_616 : memref<1x128xi32, #tpu.memory_space<hbm>>) target(%dma_start3A_614 : memref<1x128xi32, #tpu.memory_space<vmem>>) target_semaphore(%run_scoped3A : memref<!tpu.dma_semaphore, #tpu.memory_space<semaphore_mem>>)
        %dma_wait3A_617 = arith.constant 78 : i32
        %dma_wait3A_618 = arith.constant 0 : i32
        %dma_wait3A_619 = tpu.memref_slice %arg8[%dma_wait3A_617, %dma_wait3A_618] : memref<79x128xi32, #tpu.memory_space<vmem>> -> memref<1x128xi32, #tpu.memory_space<vmem>>
        %dma_wait3A_620 = arith.constant 128 : i32
        %dma_wait3A_621 = tpu.memref_slice %arg5[%add3A_606, %dma_wait3A_620] : memref<2500x256xi32, #tpu.memory_space<hbm>> -> memref<1x128xi32, #tpu.memory_space<hbm>>
        %dma_wait3A_622 = arith.constant 78 : i32
        %dma_wait3A_623 = arith.constant 0 : i32
        %dma_wait3A_624 = tpu.memref_slice %arg8[%dma_wait3A_622, %dma_wait3A_623] : memref<79x128xi32, #tpu.memory_space<vmem>> -> memref<1x128xi32, #tpu.memory_space<vmem>>
        %dma_wait3A_625 = arith.constant 128 : i32
        %dma_wait3A_626 = tpu.memref_slice %arg5[%add3A_606, %dma_wait3A_625] : memref<2500x256xi32, #tpu.memory_space<hbm>> -> memref<1x128xi32, #tpu.memory_space<hbm>>
        tpu.wait_dma2 semaphore(%run_scoped3A : memref<!tpu.dma_semaphore, #tpu.memory_space<semaphore_mem>>) src(%dma_wait3A_626 : memref<1x128xi32, #tpu.memory_space<hbm>>) dst(%dma_wait3A_624 : memref<1x128xi32, #tpu.memory_space<vmem>>)
        tpu.yield
      }) : () -> ()
    } else {
    }
    %barrier3A = arith.constant 0 : index
    tpu.barrier barrier_id(%barrier3A)
    %dma_start3A = arith.constant 0 : i32
    %dma_start3A_18 = arith.constant 0 : i32
    %dma_start3A_19 = arith.constant 0 : i32
    %dma_start3A_20 = arith.constant 0 : i32
    %dma_start3A_21 = tpu.memref_slice %arg9[%dma_start3A_18, %dma_start3A_19, %dma_start3A_20] : memref<6x128x16xf32, #tpu.memory_space<vmem>> -> memref<1x128x16xf32, #tpu.memory_space<vmem>>
    %dma_start3A_22 = tpu.memref_squeeze %dma_start3A_21 : memref<1x128x16xf32, #tpu.memory_space<vmem>> -> memref<128x16xf32, #tpu.memory_space<vmem>>
    %dma_start3A_23 = arith.constant 0 : i32
    %dma_start3A_24 = tpu.memref_slice %arg7[%dma_start3A, %dma_start3A_23] : memref<79x128xi32, #tpu.memory_space<vmem>> -> memref<1x128xi32, #tpu.memory_space<vmem>>
    %dma_start3A_25 = tpu.memref_squeeze %dma_start3A_24 : memref<1x128xi32, #tpu.memory_space<vmem>> -> memref<128xi32, #tpu.memory_space<vmem>>
    %dma_start3A_26 = arith.constant 0 : i32
    %dma_start3A_27 = arith.constant 0 : i32
    %dma_start3A_28 = tpu.memref_slice %arg10[%dma_start3A_26, %dma_start3A_27] : memref<10112x16xf32, #tpu.memory_space<vmem_shared>> -> memref<10112x16xf32, #tpu.memory_space<vmem_shared>>
    tpu.enqueue_indirect_dma source(%dma_start3A_28 : memref<10112x16xf32, #tpu.memory_space<vmem_shared>>) target(%dma_start3A_22 : memref<128x16xf32, #tpu.memory_space<vmem>>) offsets(%dma_start3A_25 : memref<128xi32, #tpu.memory_space<vmem>>) semaphore(%arg12 : memref<!tpu.dma_semaphore, #tpu.memory_space<semaphore_mem>>)
    %dma_start3A_29 = arith.constant 1 : i32
    %dma_start3A_30 = arith.constant 1 : i32
    %dma_start3A_31 = arith.constant 0 : i32
    %dma_start3A_32 = arith.constant 0 : i32
    %dma_start3A_33 = tpu.memref_slice %arg9[%dma_start3A_30, %dma_start3A_31, %dma_start3A_32] : memref<6x128x16xf32, #tpu.memory_space<vmem>> -> memref<1x128x16xf32, #tpu.memory_space<vmem>>
    %dma_start3A_34 = tpu.memref_squeeze %dma_start3A_33 : memref<1x128x16xf32, #tpu.memory_space<vmem>> -> memref<128x16xf32, #tpu.memory_space<vmem>>
    %dma_start3A_35 = arith.constant 0 : i32
    %dma_start3A_36 = tpu.memref_slice %arg7[%dma_start3A_29, %dma_start3A_35] : memref<79x128xi32, #tpu.memory_space<vmem>> -> memref<1x128xi32, #tpu.memory_space<vmem>>
    %dma_start3A_37 = tpu.memref_squeeze %dma_start3A_36 : memref<1x128xi32, #tpu.memory_space<vmem>> -> memref<128xi32, #tpu.memory_space<vmem>>
    %dma_start3A_38 = arith.constant 0 : i32
    %dma_start3A_39 = arith.constant 0 : i32
    %dma_start3A_40 = tpu.memref_slice %arg10[%dma_start3A_38, %dma_start3A_39] : memref<10112x16xf32, #tpu.memory_space<vmem_shared>> -> memref<10112x16xf32, #tpu.memory_space<vmem_shared>>
    tpu.enqueue_indirect_dma source(%dma_start3A_40 : memref<10112x16xf32, #tpu.memory_space<vmem_shared>>) target(%dma_start3A_34 : memref<128x16xf32, #tpu.memory_space<vmem>>) offsets(%dma_start3A_37 : memref<128xi32, #tpu.memory_space<vmem>>) semaphore(%arg13 : memref<!tpu.dma_semaphore, #tpu.memory_space<semaphore_mem>>)
    %dma_start3A_41 = arith.constant 2 : i32
    %dma_start3A_42 = arith.constant 2 : i32
    %dma_start3A_43 = arith.constant 0 : i32
    %dma_start3A_44 = arith.constant 0 : i32
    %dma_start3A_45 = tpu.memref_slice %arg9[%dma_start3A_42, %dma_start3A_43, %dma_start3A_44] : memref<6x128x16xf32, #tpu.memory_space<vmem>> -> memref<1x128x16xf32, #tpu.memory_space<vmem>>
    %dma_start3A_46 = tpu.memref_squeeze %dma_start3A_45 : memref<1x128x16xf32, #tpu.memory_space<vmem>> -> memref<128x16xf32, #tpu.memory_space<vmem>>
    %dma_start3A_47 = arith.constant 0 : i32
    %dma_start3A_48 = tpu.memref_slice %arg7[%dma_start3A_41, %dma_start3A_47] : memref<79x128xi32, #tpu.memory_space<vmem>> -> memref<1x128xi32, #tpu.memory_space<vmem>>
    %dma_start3A_49 = tpu.memref_squeeze %dma_start3A_48 : memref<1x128xi32, #tpu.memory_space<vmem>> -> memref<128xi32, #tpu.memory_space<vmem>>
    %dma_start3A_50 = arith.constant 0 : i32
    %dma_start3A_51 = arith.constant 0 : i32
    %dma_start3A_52 = tpu.memref_slice %arg10[%dma_start3A_50, %dma_start3A_51] : memref<10112x16xf32, #tpu.memory_space<vmem_shared>> -> memref<10112x16xf32, #tpu.memory_space<vmem_shared>>
    tpu.enqueue_indirect_dma source(%dma_start3A_52 : memref<10112x16xf32, #tpu.memory_space<vmem_shared>>) target(%dma_start3A_46 : memref<128x16xf32, #tpu.memory_space<vmem>>) offsets(%dma_start3A_49 : memref<128xi32, #tpu.memory_space<vmem>>) semaphore(%arg14 : memref<!tpu.dma_semaphore, #tpu.memory_space<semaphore_mem>>)
    %dma_wait3A = arith.constant 0 : i32
    %dma_wait3A_53 = arith.constant 0 : i32
    %dma_wait3A_54 = arith.constant 0 : i32
    %dma_wait3A_55 = arith.constant 0 : i32
    %dma_wait3A_56 = tpu.memref_slice %arg9[%dma_wait3A_53, %dma_wait3A_54, %dma_wait3A_55] : memref<6x128x16xf32, #tpu.memory_space<vmem>> -> memref<1x128x16xf32, #tpu.memory_space<vmem>>
    %dma_wait3A_57 = tpu.memref_squeeze %dma_wait3A_56 : memref<1x128x16xf32, #tpu.memory_space<vmem>> -> memref<128x16xf32, #tpu.memory_space<vmem>>
    %dma_wait3A_58 = arith.constant 0 : i32
    %dma_wait3A_59 = tpu.memref_slice %arg7[%dma_wait3A, %dma_wait3A_58] : memref<79x128xi32, #tpu.memory_space<vmem>> -> memref<1x128xi32, #tpu.memory_space<vmem>>
    %dma_wait3A_60 = tpu.memref_squeeze %dma_wait3A_59 : memref<1x128xi32, #tpu.memory_space<vmem>> -> memref<128xi32, #tpu.memory_space<vmem>>
    %dma_wait3A_61 = arith.constant 0 : i32
    %dma_wait3A_62 = arith.constant 0 : i32
    %dma_wait3A_63 = tpu.memref_slice %arg10[%dma_wait3A_61, %dma_wait3A_62] : memref<10112x16xf32, #tpu.memory_space<vmem_shared>> -> memref<10112x16xf32, #tpu.memory_space<vmem_shared>>
    tpu.wait_indirect_dma semaphore(%arg12 : memref<!tpu.dma_semaphore, #tpu.memory_space<semaphore_mem>>) src(%dma_wait3A_63 : memref<10112x16xf32, #tpu.memory_space<vmem_shared>>) dst(%dma_wait3A_57 : memref<128x16xf32, #tpu.memory_space<vmem>>)
    %dma_start3A_64 = arith.constant 0 : i32
    %dma_start3A_65 = arith.constant 0 : i32
    %dma_start3A_66 = arith.constant 0 : i32
    %dma_start3A_67 = arith.constant 0 : i32
    %dma_start3A_68 = tpu.memref_slice %arg9[%dma_start3A_64, %dma_start3A_66, %dma_start3A_67] : memref<6x128x16xf32, #tpu.memory_space<vmem>> -> memref<1x128x16xf32, #tpu.memory_space<vmem>>
    %dma_start3A_69 = tpu.memref_squeeze %dma_start3A_68 : memref<1x128x16xf32, #tpu.memory_space<vmem>> -> memref<128x16xf32, #tpu.memory_space<vmem>>
    %dma_start3A_70 = arith.constant 0 : i32
    %dma_start3A_71 = tpu.memref_slice %arg8[%dma_start3A_65, %dma_start3A_70] : memref<79x128xi32, #tpu.memory_space<vmem>> -> memref<1x128xi32, #tpu.memory_space<vmem>>
    %dma_start3A_72 = tpu.memref_squeeze %dma_start3A_71 : memref<1x128xi32, #tpu.memory_space<vmem>> -> memref<128xi32, #tpu.memory_space<vmem>>
    %dma_start3A_73 = arith.constant 0 : i32
    %dma_start3A_74 = arith.constant 0 : i32
    %dma_start3A_75 = tpu.memref_slice %arg11[%dma_start3A_73, %dma_start3A_74] : memref<10112x16xf32, #tpu.memory_space<vmem_shared>> -> memref<10112x16xf32, #tpu.memory_space<vmem_shared>>
    tpu.enqueue_indirect_dma source(%dma_start3A_69 : memref<128x16xf32, #tpu.memory_space<vmem>>) target(%dma_start3A_75 : memref<10112x16xf32, #tpu.memory_space<vmem_shared>>) offsets(%dma_start3A_72 : memref<128xi32, #tpu.memory_space<vmem>>) semaphore(%arg18 : memref<!tpu.dma_semaphore, #tpu.memory_space<semaphore_mem>>) {add = true}
    %dma_start3A_76 = arith.constant 3 : i32
    %dma_start3A_77 = arith.constant 3 : i32
    %dma_start3A_78 = arith.constant 0 : i32
    %dma_start3A_79 = arith.constant 0 : i32
    %dma_start3A_80 = tpu.memref_slice %arg9[%dma_start3A_77, %dma_start3A_78, %dma_start3A_79] : memref<6x128x16xf32, #tpu.memory_space<vmem>> -> memref<1x128x16xf32, #tpu.memory_space<vmem>>
    %dma_start3A_81 = tpu.memref_squeeze %dma_start3A_80 : memref<1x128x16xf32, #tpu.memory_space<vmem>> -> memref<128x16xf32, #tpu.memory_space<vmem>>
    %dma_start3A_82 = arith.constant 0 : i32
    %dma_start3A_83 = tpu.memref_slice %arg7[%dma_start3A_76, %dma_start3A_82] : memref<79x128xi32, #tpu.memory_space<vmem>> -> memref<1x128xi32, #tpu.memory_space<vmem>>
    %dma_start3A_84 = tpu.memref_squeeze %dma_start3A_83 : memref<1x128xi32, #tpu.memory_space<vmem>> -> memref<128xi32, #tpu.memory_space<vmem>>
    %dma_start3A_85 = arith.constant 0 : i32
    %dma_start3A_86 = arith.constant 0 : i32
    %dma_start3A_87 = tpu.memref_slice %arg10[%dma_start3A_85, %dma_start3A_86] : memref<10112x16xf32, #tpu.memory_space<vmem_shared>> -> memref<10112x16xf32, #tpu.memory_space<vmem_shared>>
    tpu.enqueue_indirect_dma source(%dma_start3A_87 : memref<10112x16xf32, #tpu.memory_space<vmem_shared>>) target(%dma_start3A_81 : memref<128x16xf32, #tpu.memory_space<vmem>>) offsets(%dma_start3A_84 : memref<128xi32, #tpu.memory_space<vmem>>) semaphore(%arg15 : memref<!tpu.dma_semaphore, #tpu.memory_space<semaphore_mem>>)
    %dma_wait3A_88 = arith.constant 1 : i32
    %dma_wait3A_89 = arith.constant 1 : i32
    %dma_wait3A_90 = arith.constant 0 : i32
    %dma_wait3A_91 = arith.constant 0 : i32
    %dma_wait3A_92 = tpu.memref_slice %arg9[%dma_wait3A_89, %dma_wait3A_90, %dma_wait3A_91] : memref<6x128x16xf32, #tpu.memory_space<vmem>> -> memref<1x128x16xf32, #tpu.memory_space<vmem>>
    %dma_wait3A_93 = tpu.memref_squeeze %dma_wait3A_92 : memref<1x128x16xf32, #tpu.memory_space<vmem>> -> memref<128x16xf32, #tpu.memory_space<vmem>>
    %dma_wait3A_94 = arith.constant 0 : i32
    %dma_wait3A_95 = tpu.memref_slice %arg7[%dma_wait3A_88, %dma_wait3A_94] : memref<79x128xi32, #tpu.memory_space<vmem>> -> memref<1x128xi32, #tpu.memory_space<vmem>>
    %dma_wait3A_96 = tpu.memref_squeeze %dma_wait3A_95 : memref<1x128xi32, #tpu.memory_space<vmem>> -> memref<128xi32, #tpu.memory_space<vmem>>
    %dma_wait3A_97 = arith.constant 0 : i32
    %dma_wait3A_98 = arith.constant 0 : i32
    %dma_wait3A_99 = tpu.memref_slice %arg10[%dma_wait3A_97, %dma_wait3A_98] : memref<10112x16xf32, #tpu.memory_space<vmem_shared>> -> memref<10112x16xf32, #tpu.memory_space<vmem_shared>>
    tpu.wait_indirect_dma semaphore(%arg13 : memref<!tpu.dma_semaphore, #tpu.memory_space<semaphore_mem>>) src(%dma_wait3A_99 : memref<10112x16xf32, #tpu.memory_space<vmem_shared>>) dst(%dma_wait3A_93 : memref<128x16xf32, #tpu.memory_space<vmem>>)
    %dma_start3A_100 = arith.constant 1 : i32
    %dma_start3A_101 = arith.constant 1 : i32
    %dma_start3A_102 = arith.constant 0 : i32
    %dma_start3A_103 = arith.constant 0 : i32
    %dma_start3A_104 = tpu.memref_slice %arg9[%dma_start3A_100, %dma_start3A_102, %dma_start3A_103] : memref<6x128x16xf32, #tpu.memory_space<vmem>> -> memref<1x128x16xf32, #tpu.memory_space<vmem>>
    %dma_start3A_105 = tpu.memref_squeeze %dma_start3A_104 : memref<1x128x16xf32, #tpu.memory_space<vmem>> -> memref<128x16xf32, #tpu.memory_space<vmem>>
    %dma_start3A_106 = arith.constant 0 : i32
    %dma_start3A_107 = tpu.memref_slice %arg8[%dma_start3A_101, %dma_start3A_106] : memref<79x128xi32, #tpu.memory_space<vmem>> -> memref<1x128xi32, #tpu.memory_space<vmem>>
    %dma_start3A_108 = tpu.memref_squeeze %dma_start3A_107 : memref<1x128xi32, #tpu.memory_space<vmem>> -> memref<128xi32, #tpu.memory_space<vmem>>
    %dma_start3A_109 = arith.constant 0 : i32
    %dma_start3A_110 = arith.constant 0 : i32
    %dma_start3A_111 = tpu.memref_slice %arg11[%dma_start3A_109, %dma_start3A_110] : memref<10112x16xf32, #tpu.memory_space<vmem_shared>> -> memref<10112x16xf32, #tpu.memory_space<vmem_shared>>
    tpu.enqueue_indirect_dma source(%dma_start3A_105 : memref<128x16xf32, #tpu.memory_space<vmem>>) target(%dma_start3A_111 : memref<10112x16xf32, #tpu.memory_space<vmem_shared>>) offsets(%dma_start3A_108 : memref<128xi32, #tpu.memory_space<vmem>>) semaphore(%arg19 : memref<!tpu.dma_semaphore, #tpu.memory_space<semaphore_mem>>) {add = true}
    %dma_start3A_112 = arith.constant 4 : i32
    %dma_start3A_113 = arith.constant 4 : i32
    %dma_start3A_114 = arith.constant 0 : i32
    %dma_start3A_115 = arith.constant 0 : i32
    %dma_start3A_116 = tpu.memref_slice %arg9[%dma_start3A_113, %dma_start3A_114, %dma_start3A_115] : memref<6x128x16xf32, #tpu.memory_space<vmem>> -> memref<1x128x16xf32, #tpu.memory_space<vmem>>
    %dma_start3A_117 = tpu.memref_squeeze %dma_start3A_116 : memref<1x128x16xf32, #tpu.memory_space<vmem>> -> memref<128x16xf32, #tpu.memory_space<vmem>>
    %dma_start3A_118 = arith.constant 0 : i32
    %dma_start3A_119 = tpu.memref_slice %arg7[%dma_start3A_112, %dma_start3A_118] : memref<79x128xi32, #tpu.memory_space<vmem>> -> memref<1x128xi32, #tpu.memory_space<vmem>>
    %dma_start3A_120 = tpu.memref_squeeze %dma_start3A_119 : memref<1x128xi32, #tpu.memory_space<vmem>> -> memref<128xi32, #tpu.memory_space<vmem>>
    %dma_start3A_121 = arith.constant 0 : i32
    %dma_start3A_122 = arith.constant 0 : i32
    %dma_start3A_123 = tpu.memref_slice %arg10[%dma_start3A_121, %dma_start3A_122] : memref<10112x16xf32, #tpu.memory_space<vmem_shared>> -> memref<10112x16xf32, #tpu.memory_space<vmem_shared>>
    tpu.enqueue_indirect_dma source(%dma_start3A_123 : memref<10112x16xf32, #tpu.memory_space<vmem_shared>>) target(%dma_start3A_117 : memref<128x16xf32, #tpu.memory_space<vmem>>) offsets(%dma_start3A_120 : memref<128xi32, #tpu.memory_space<vmem>>) semaphore(%arg16 : memref<!tpu.dma_semaphore, #tpu.memory_space<semaphore_mem>>)
    %dma_wait3A_124 = arith.constant 2 : i32
    %dma_wait3A_125 = arith.constant 2 : i32
    %dma_wait3A_126 = arith.constant 0 : i32
    %dma_wait3A_127 = arith.constant 0 : i32
    %dma_wait3A_128 = tpu.memref_slice %arg9[%dma_wait3A_125, %dma_wait3A_126, %dma_wait3A_127] : memref<6x128x16xf32, #tpu.memory_space<vmem>> -> memref<1x128x16xf32, #tpu.memory_space<vmem>>
    %dma_wait3A_129 = tpu.memref_squeeze %dma_wait3A_128 : memref<1x128x16xf32, #tpu.memory_space<vmem>> -> memref<128x16xf32, #tpu.memory_space<vmem>>
    %dma_wait3A_130 = arith.constant 0 : i32
    %dma_wait3A_131 = tpu.memref_slice %arg7[%dma_wait3A_124, %dma_wait3A_130] : memref<79x128xi32, #tpu.memory_space<vmem>> -> memref<1x128xi32, #tpu.memory_space<vmem>>
    %dma_wait3A_132 = tpu.memref_squeeze %dma_wait3A_131 : memref<1x128xi32, #tpu.memory_space<vmem>> -> memref<128xi32, #tpu.memory_space<vmem>>
    %dma_wait3A_133 = arith.constant 0 : i32
    %dma_wait3A_134 = arith.constant 0 : i32
    %dma_wait3A_135 = tpu.memref_slice %arg10[%dma_wait3A_133, %dma_wait3A_134] : memref<10112x16xf32, #tpu.memory_space<vmem_shared>> -> memref<10112x16xf32, #tpu.memory_space<vmem_shared>>
    tpu.wait_indirect_dma semaphore(%arg14 : memref<!tpu.dma_semaphore, #tpu.memory_space<semaphore_mem>>) src(%dma_wait3A_135 : memref<10112x16xf32, #tpu.memory_space<vmem_shared>>) dst(%dma_wait3A_129 : memref<128x16xf32, #tpu.memory_space<vmem>>)
    %dma_start3A_136 = arith.constant 2 : i32
    %dma_start3A_137 = arith.constant 2 : i32
    %dma_start3A_138 = arith.constant 0 : i32
    %dma_start3A_139 = arith.constant 0 : i32
    %dma_start3A_140 = tpu.memref_slice %arg9[%dma_start3A_136, %dma_start3A_138, %dma_start3A_139] : memref<6x128x16xf32, #tpu.memory_space<vmem>> -> memref<1x128x16xf32, #tpu.memory_space<vmem>>
    %dma_start3A_141 = tpu.memref_squeeze %dma_start3A_140 : memref<1x128x16xf32, #tpu.memory_space<vmem>> -> memref<128x16xf32, #tpu.memory_space<vmem>>
    %dma_start3A_142 = arith.constant 0 : i32
    %dma_start3A_143 = tpu.memref_slice %arg8[%dma_start3A_137, %dma_start3A_142] : memref<79x128xi32, #tpu.memory_space<vmem>> -> memref<1x128xi32, #tpu.memory_space<vmem>>
    %dma_start3A_144 = tpu.memref_squeeze %dma_start3A_143 : memref<1x128xi32, #tpu.memory_space<vmem>> -> memref<128xi32, #tpu.memory_space<vmem>>
    %dma_start3A_145 = arith.constant 0 : i32
    %dma_start3A_146 = arith.constant 0 : i32
    %dma_start3A_147 = tpu.memref_slice %arg11[%dma_start3A_145, %dma_start3A_146] : memref<10112x16xf32, #tpu.memory_space<vmem_shared>> -> memref<10112x16xf32, #tpu.memory_space<vmem_shared>>
    tpu.enqueue_indirect_dma source(%dma_start3A_141 : memref<128x16xf32, #tpu.memory_space<vmem>>) target(%dma_start3A_147 : memref<10112x16xf32, #tpu.memory_space<vmem_shared>>) offsets(%dma_start3A_144 : memref<128xi32, #tpu.memory_space<vmem>>) semaphore(%arg20 : memref<!tpu.dma_semaphore, #tpu.memory_space<semaphore_mem>>) {add = true}
    %dma_start3A_148 = arith.constant 5 : i32
    %dma_start3A_149 = arith.constant 5 : i32
    %dma_start3A_150 = arith.constant 0 : i32
    %dma_start3A_151 = arith.constant 0 : i32
    %dma_start3A_152 = tpu.memref_slice %arg9[%dma_start3A_149, %dma_start3A_150, %dma_start3A_151] : memref<6x128x16xf32, #tpu.memory_space<vmem>> -> memref<1x128x16xf32, #tpu.memory_space<vmem>>
    %dma_start3A_153 = tpu.memref_squeeze %dma_start3A_152 : memref<1x128x16xf32, #tpu.memory_space<vmem>> -> memref<128x16xf32, #tpu.memory_space<vmem>>
    %dma_start3A_154 = arith.constant 0 : i32
    %dma_start3A_155 = tpu.memref_slice %arg7[%dma_start3A_148, %dma_start3A_154] : memref<79x128xi32, #tpu.memory_space<vmem>> -> memref<1x128xi32, #tpu.memory_space<vmem>>
    %dma_start3A_156 = tpu.memref_squeeze %dma_start3A_155 : memref<1x128xi32, #tpu.memory_space<vmem>> -> memref<128xi32, #tpu.memory_space<vmem>>
    %dma_start3A_157 = arith.constant 0 : i32
    %dma_start3A_158 = arith.constant 0 : i32
    %dma_start3A_159 = tpu.memref_slice %arg10[%dma_start3A_157, %dma_start3A_158] : memref<10112x16xf32, #tpu.memory_space<vmem_shared>> -> memref<10112x16xf32, #tpu.memory_space<vmem_shared>>
    tpu.enqueue_indirect_dma source(%dma_start3A_159 : memref<10112x16xf32, #tpu.memory_space<vmem_shared>>) target(%dma_start3A_153 : memref<128x16xf32, #tpu.memory_space<vmem>>) offsets(%dma_start3A_156 : memref<128xi32, #tpu.memory_space<vmem>>) semaphore(%arg17 : memref<!tpu.dma_semaphore, #tpu.memory_space<semaphore_mem>>)
    %dma_wait3A_160 = arith.constant 3 : i32
    %dma_wait3A_161 = arith.constant 3 : i32
    %dma_wait3A_162 = arith.constant 0 : i32
    %dma_wait3A_163 = arith.constant 0 : i32
    %dma_wait3A_164 = tpu.memref_slice %arg9[%dma_wait3A_161, %dma_wait3A_162, %dma_wait3A_163] : memref<6x128x16xf32, #tpu.memory_space<vmem>> -> memref<1x128x16xf32, #tpu.memory_space<vmem>>
    %dma_wait3A_165 = tpu.memref_squeeze %dma_wait3A_164 : memref<1x128x16xf32, #tpu.memory_space<vmem>> -> memref<128x16xf32, #tpu.memory_space<vmem>>
    %dma_wait3A_166 = arith.constant 0 : i32
    %dma_wait3A_167 = tpu.memref_slice %arg7[%dma_wait3A_160, %dma_wait3A_166] : memref<79x128xi32, #tpu.memory_space<vmem>> -> memref<1x128xi32, #tpu.memory_space<vmem>>
    %dma_wait3A_168 = tpu.memref_squeeze %dma_wait3A_167 : memref<1x128xi32, #tpu.memory_space<vmem>> -> memref<128xi32, #tpu.memory_space<vmem>>
    %dma_wait3A_169 = arith.constant 0 : i32
    %dma_wait3A_170 = arith.constant 0 : i32
    %dma_wait3A_171 = tpu.memref_slice %arg10[%dma_wait3A_169, %dma_wait3A_170] : memref<10112x16xf32, #tpu.memory_space<vmem_shared>> -> memref<10112x16xf32, #tpu.memory_space<vmem_shared>>
    tpu.wait_indirect_dma semaphore(%arg15 : memref<!tpu.dma_semaphore, #tpu.memory_space<semaphore_mem>>) src(%dma_wait3A_171 : memref<10112x16xf32, #tpu.memory_space<vmem_shared>>) dst(%dma_wait3A_165 : memref<128x16xf32, #tpu.memory_space<vmem>>)
    %dma_start3A_172 = arith.constant 3 : i32
    %dma_start3A_173 = arith.constant 3 : i32
    %dma_start3A_174 = arith.constant 0 : i32
    %dma_start3A_175 = arith.constant 0 : i32
    %dma_start3A_176 = tpu.memref_slice %arg9[%dma_start3A_172, %dma_start3A_174, %dma_start3A_175] : memref<6x128x16xf32, #tpu.memory_space<vmem>> -> memref<1x128x16xf32, #tpu.memory_space<vmem>>
    %dma_start3A_177 = tpu.memref_squeeze %dma_start3A_176 : memref<1x128x16xf32, #tpu.memory_space<vmem>> -> memref<128x16xf32, #tpu.memory_space<vmem>>
    %dma_start3A_178 = arith.constant 0 : i32
    %dma_start3A_179 = tpu.memref_slice %arg8[%dma_start3A_173, %dma_start3A_178] : memref<79x128xi32, #tpu.memory_space<vmem>> -> memref<1x128xi32, #tpu.memory_space<vmem>>
    %dma_start3A_180 = tpu.memref_squeeze %dma_start3A_179 : memref<1x128xi32, #tpu.memory_space<vmem>> -> memref<128xi32, #tpu.memory_space<vmem>>
    %dma_start3A_181 = arith.constant 0 : i32
    %dma_start3A_182 = arith.constant 0 : i32
    %dma_start3A_183 = tpu.memref_slice %arg11[%dma_start3A_181, %dma_start3A_182] : memref<10112x16xf32, #tpu.memory_space<vmem_shared>> -> memref<10112x16xf32, #tpu.memory_space<vmem_shared>>
    tpu.enqueue_indirect_dma source(%dma_start3A_177 : memref<128x16xf32, #tpu.memory_space<vmem>>) target(%dma_start3A_183 : memref<10112x16xf32, #tpu.memory_space<vmem_shared>>) offsets(%dma_start3A_180 : memref<128xi32, #tpu.memory_space<vmem>>) semaphore(%arg21 : memref<!tpu.dma_semaphore, #tpu.memory_space<semaphore_mem>>) {add = true}
    %dma_wait3A_184 = arith.constant 0 : i32
    %dma_wait3A_185 = arith.constant 0 : i32
    %dma_wait3A_186 = arith.constant 0 : i32
    %dma_wait3A_187 = arith.constant 0 : i32
    %dma_wait3A_188 = tpu.memref_slice %arg9[%dma_wait3A_184, %dma_wait3A_186, %dma_wait3A_187] : memref<6x128x16xf32, #tpu.memory_space<vmem>> -> memref<1x128x16xf32, #tpu.memory_space<vmem>>
    %dma_wait3A_189 = tpu.memref_squeeze %dma_wait3A_188 : memref<1x128x16xf32, #tpu.memory_space<vmem>> -> memref<128x16xf32, #tpu.memory_space<vmem>>
    %dma_wait3A_190 = arith.constant 0 : i32
    %dma_wait3A_191 = tpu.memref_slice %arg8[%dma_wait3A_185, %dma_wait3A_190] : memref<79x128xi32, #tpu.memory_space<vmem>> -> memref<1x128xi32, #tpu.memory_space<vmem>>
    %dma_wait3A_192 = tpu.memref_squeeze %dma_wait3A_191 : memref<1x128xi32, #tpu.memory_space<vmem>> -> memref<128xi32, #tpu.memory_space<vmem>>
    %dma_wait3A_193 = arith.constant 0 : i32
    %dma_wait3A_194 = arith.constant 0 : i32
    %dma_wait3A_195 = tpu.memref_slice %arg11[%dma_wait3A_193, %dma_wait3A_194] : memref<10112x16xf32, #tpu.memory_space<vmem_shared>> -> memref<10112x16xf32, #tpu.memory_space<vmem_shared>>
    tpu.wait_indirect_dma semaphore(%arg18 : memref<!tpu.dma_semaphore, #tpu.memory_space<semaphore_mem>>) src(%dma_wait3A_189 : memref<128x16xf32, #tpu.memory_space<vmem>>) dst(%dma_wait3A_195 : memref<10112x16xf32, #tpu.memory_space<vmem_shared>>)
    %dma_start3A_196 = arith.constant 6 : i32
    %dma_start3A_197 = arith.constant 0 : i32
    %dma_start3A_198 = arith.constant 0 : i32
    %dma_start3A_199 = arith.constant 0 : i32
    %dma_start3A_200 = tpu.memref_slice %arg9[%dma_start3A_197, %dma_start3A_198, %dma_start3A_199] : memref<6x128x16xf32, #tpu.memory_space<vmem>> -> memref<1x128x16xf32, #tpu.memory_space<vmem>>
    %dma_start3A_201 = tpu.memref_squeeze %dma_start3A_200 : memref<1x128x16xf32, #tpu.memory_space<vmem>> -> memref<128x16xf32, #tpu.memory_space<vmem>>
    %dma_start3A_202 = arith.constant 0 : i32
    %dma_start3A_203 = tpu.memref_slice %arg7[%dma_start3A_196, %dma_start3A_202] : memref<79x128xi32, #tpu.memory_space<vmem>> -> memref<1x128xi32, #tpu.memory_space<vmem>>
    %dma_start3A_204 = tpu.memref_squeeze %dma_start3A_203 : memref<1x128xi32, #tpu.memory_space<vmem>> -> memref<128xi32, #tpu.memory_space<vmem>>
    %dma_start3A_205 = arith.constant 0 : i32
    %dma_start3A_206 = arith.constant 0 : i32
    %dma_start3A_207 = tpu.memref_slice %arg10[%dma_start3A_205, %dma_start3A_206] : memref<10112x16xf32, #tpu.memory_space<vmem_shared>> -> memref<10112x16xf32, #tpu.memory_space<vmem_shared>>
    tpu.enqueue_indirect_dma source(%dma_start3A_207 : memref<10112x16xf32, #tpu.memory_space<vmem_shared>>) target(%dma_start3A_201 : memref<128x16xf32, #tpu.memory_space<vmem>>) offsets(%dma_start3A_204 : memref<128xi32, #tpu.memory_space<vmem>>) semaphore(%arg12 : memref<!tpu.dma_semaphore, #tpu.memory_space<semaphore_mem>>)
    %dma_wait3A_208 = arith.constant 4 : i32
    %dma_wait3A_209 = arith.constant 4 : i32
    %dma_wait3A_210 = arith.constant 0 : i32
    %dma_wait3A_211 = arith.constant 0 : i32
    %dma_wait3A_212 = tpu.memref_slice %arg9[%dma_wait3A_209, %dma_wait3A_210, %dma_wait3A_211] : memref<6x128x16xf32, #tpu.memory_space<vmem>> -> memref<1x128x16xf32, #tpu.memory_space<vmem>>
    %dma_wait3A_213 = tpu.memref_squeeze %dma_wait3A_212 : memref<1x128x16xf32, #tpu.memory_space<vmem>> -> memref<128x16xf32, #tpu.memory_space<vmem>>
    %dma_wait3A_214 = arith.constant 0 : i32
    %dma_wait3A_215 = tpu.memref_slice %arg7[%dma_wait3A_208, %dma_wait3A_214] : memref<79x128xi32, #tpu.memory_space<vmem>> -> memref<1x128xi32, #tpu.memory_space<vmem>>
    %dma_wait3A_216 = tpu.memref_squeeze %dma_wait3A_215 : memref<1x128xi32, #tpu.memory_space<vmem>> -> memref<128xi32, #tpu.memory_space<vmem>>
    %dma_wait3A_217 = arith.constant 0 : i32
    %dma_wait3A_218 = arith.constant 0 : i32
    %dma_wait3A_219 = tpu.memref_slice %arg10[%dma_wait3A_217, %dma_wait3A_218] : memref<10112x16xf32, #tpu.memory_space<vmem_shared>> -> memref<10112x16xf32, #tpu.memory_space<vmem_shared>>
    tpu.wait_indirect_dma semaphore(%arg16 : memref<!tpu.dma_semaphore, #tpu.memory_space<semaphore_mem>>) src(%dma_wait3A_219 : memref<10112x16xf32, #tpu.memory_space<vmem_shared>>) dst(%dma_wait3A_213 : memref<128x16xf32, #tpu.memory_space<vmem>>)
    %dma_start3A_220 = arith.constant 4 : i32
    %dma_start3A_221 = arith.constant 4 : i32
    %dma_start3A_222 = arith.constant 0 : i32
    %dma_start3A_223 = arith.constant 0 : i32
    %dma_start3A_224 = tpu.memref_slice %arg9[%dma_start3A_220, %dma_start3A_222, %dma_start3A_223] : memref<6x128x16xf32, #tpu.memory_space<vmem>> -> memref<1x128x16xf32, #tpu.memory_space<vmem>>
    %dma_start3A_225 = tpu.memref_squeeze %dma_start3A_224 : memref<1x128x16xf32, #tpu.memory_space<vmem>> -> memref<128x16xf32, #tpu.memory_space<vmem>>
    %dma_start3A_226 = arith.constant 0 : i32
    %dma_start3A_227 = tpu.memref_slice %arg8[%dma_start3A_221, %dma_start3A_226] : memref<79x128xi32, #tpu.memory_space<vmem>> -> memref<1x128xi32, #tpu.memory_space<vmem>>
    %dma_start3A_228 = tpu.memref_squeeze %dma_start3A_227 : memref<1x128xi32, #tpu.memory_space<vmem>> -> memref<128xi32, #tpu.memory_space<vmem>>
    %dma_start3A_229 = arith.constant 0 : i32
    %dma_start3A_230 = arith.constant 0 : i32
    %dma_start3A_231 = tpu.memref_slice %arg11[%dma_start3A_229, %dma_start3A_230] : memref<10112x16xf32, #tpu.memory_space<vmem_shared>> -> memref<10112x16xf32, #tpu.memory_space<vmem_shared>>
    tpu.enqueue_indirect_dma source(%dma_start3A_225 : memref<128x16xf32, #tpu.memory_space<vmem>>) target(%dma_start3A_231 : memref<10112x16xf32, #tpu.memory_space<vmem_shared>>) offsets(%dma_start3A_228 : memref<128xi32, #tpu.memory_space<vmem>>) semaphore(%arg22 : memref<!tpu.dma_semaphore, #tpu.memory_space<semaphore_mem>>) {add = true}
    %dma_wait3A_232 = arith.constant 1 : i32
    %dma_wait3A_233 = arith.constant 1 : i32
    %dma_wait3A_234 = arith.constant 0 : i32
    %dma_wait3A_235 = arith.constant 0 : i32
    %dma_wait3A_236 = tpu.memref_slice %arg9[%dma_wait3A_232, %dma_wait3A_234, %dma_wait3A_235] : memref<6x128x16xf32, #tpu.memory_space<vmem>> -> memref<1x128x16xf32, #tpu.memory_space<vmem>>
    %dma_wait3A_237 = tpu.memref_squeeze %dma_wait3A_236 : memref<1x128x16xf32, #tpu.memory_space<vmem>> -> memref<128x16xf32, #tpu.memory_space<vmem>>
    %dma_wait3A_238 = arith.constant 0 : i32
    %dma_wait3A_239 = tpu.memref_slice %arg8[%dma_wait3A_233, %dma_wait3A_238] : memref<79x128xi32, #tpu.memory_space<vmem>> -> memref<1x128xi32, #tpu.memory_space<vmem>>
    %dma_wait3A_240 = tpu.memref_squeeze %dma_wait3A_239 : memref<1x128xi32, #tpu.memory_space<vmem>> -> memref<128xi32, #tpu.memory_space<vmem>>
    %dma_wait3A_241 = arith.constant 0 : i32
    %dma_wait3A_242 = arith.constant 0 : i32
    %dma_wait3A_243 = tpu.memref_slice %arg11[%dma_wait3A_241, %dma_wait3A_242] : memref<10112x16xf32, #tpu.memory_space<vmem_shared>> -> memref<10112x16xf32, #tpu.memory_space<vmem_shared>>
    tpu.wait_indirect_dma semaphore(%arg19 : memref<!tpu.dma_semaphore, #tpu.memory_space<semaphore_mem>>) src(%dma_wait3A_237 : memref<128x16xf32, #tpu.memory_space<vmem>>) dst(%dma_wait3A_243 : memref<10112x16xf32, #tpu.memory_space<vmem_shared>>)
    %dma_start3A_244 = arith.constant 7 : i32
    %dma_start3A_245 = arith.constant 1 : i32
    %dma_start3A_246 = arith.constant 0 : i32
    %dma_start3A_247 = arith.constant 0 : i32
    %dma_start3A_248 = tpu.memref_slice %arg9[%dma_start3A_245, %dma_start3A_246, %dma_start3A_247] : memref<6x128x16xf32, #tpu.memory_space<vmem>> -> memref<1x128x16xf32, #tpu.memory_space<vmem>>
    %dma_start3A_249 = tpu.memref_squeeze %dma_start3A_248 : memref<1x128x16xf32, #tpu.memory_space<vmem>> -> memref<128x16xf32, #tpu.memory_space<vmem>>
    %dma_start3A_250 = arith.constant 0 : i32
    %dma_start3A_251 = tpu.memref_slice %arg7[%dma_start3A_244, %dma_start3A_250] : memref<79x128xi32, #tpu.memory_space<vmem>> -> memref<1x128xi32, #tpu.memory_space<vmem>>
    %dma_start3A_252 = tpu.memref_squeeze %dma_start3A_251 : memref<1x128xi32, #tpu.memory_space<vmem>> -> memref<128xi32, #tpu.memory_space<vmem>>
    %dma_start3A_253 = arith.constant 0 : i32
    %dma_start3A_254 = arith.constant 0 : i32
    %dma_start3A_255 = tpu.memref_slice %arg10[%dma_start3A_253, %dma_start3A_254] : memref<10112x16xf32, #tpu.memory_space<vmem_shared>> -> memref<10112x16xf32, #tpu.memory_space<vmem_shared>>
    tpu.enqueue_indirect_dma source(%dma_start3A_255 : memref<10112x16xf32, #tpu.memory_space<vmem_shared>>) target(%dma_start3A_249 : memref<128x16xf32, #tpu.memory_space<vmem>>) offsets(%dma_start3A_252 : memref<128xi32, #tpu.memory_space<vmem>>) semaphore(%arg13 : memref<!tpu.dma_semaphore, #tpu.memory_space<semaphore_mem>>)
    %dma_wait3A_256 = arith.constant 5 : i32
    %dma_wait3A_257 = arith.constant 5 : i32
    %dma_wait3A_258 = arith.constant 0 : i32
    %dma_wait3A_259 = arith.constant 0 : i32
    %dma_wait3A_260 = tpu.memref_slice %arg9[%dma_wait3A_257, %dma_wait3A_258, %dma_wait3A_259] : memref<6x128x16xf32, #tpu.memory_space<vmem>> -> memref<1x128x16xf32, #tpu.memory_space<vmem>>
    %dma_wait3A_261 = tpu.memref_squeeze %dma_wait3A_260 : memref<1x128x16xf32, #tpu.memory_space<vmem>> -> memref<128x16xf32, #tpu.memory_space<vmem>>
    %dma_wait3A_262 = arith.constant 0 : i32
    %dma_wait3A_263 = tpu.memref_slice %arg7[%dma_wait3A_256, %dma_wait3A_262] : memref<79x128xi32, #tpu.memory_space<vmem>> -> memref<1x128xi32, #tpu.memory_space<vmem>>
    %dma_wait3A_264 = tpu.memref_squeeze %dma_wait3A_263 : memref<1x128xi32, #tpu.memory_space<vmem>> -> memref<128xi32, #tpu.memory_space<vmem>>
    %dma_wait3A_265 = arith.constant 0 : i32
    %dma_wait3A_266 = arith.constant 0 : i32
    %dma_wait3A_267 = tpu.memref_slice %arg10[%dma_wait3A_265, %dma_wait3A_266] : memref<10112x16xf32, #tpu.memory_space<vmem_shared>> -> memref<10112x16xf32, #tpu.memory_space<vmem_shared>>
    tpu.wait_indirect_dma semaphore(%arg17 : memref<!tpu.dma_semaphore, #tpu.memory_space<semaphore_mem>>) src(%dma_wait3A_267 : memref<10112x16xf32, #tpu.memory_space<vmem_shared>>) dst(%dma_wait3A_261 : memref<128x16xf32, #tpu.memory_space<vmem>>)
    %dma_start3A_268 = arith.constant 5 : i32
    %dma_start3A_269 = arith.constant 5 : i32
    %dma_start3A_270 = arith.constant 0 : i32
    %dma_start3A_271 = arith.constant 0 : i32
    %dma_start3A_272 = tpu.memref_slice %arg9[%dma_start3A_268, %dma_start3A_270, %dma_start3A_271] : memref<6x128x16xf32, #tpu.memory_space<vmem>> -> memref<1x128x16xf32, #tpu.memory_space<vmem>>
    %dma_start3A_273 = tpu.memref_squeeze %dma_start3A_272 : memref<1x128x16xf32, #tpu.memory_space<vmem>> -> memref<128x16xf32, #tpu.memory_space<vmem>>
    %dma_start3A_274 = arith.constant 0 : i32
    %dma_start3A_275 = tpu.memref_slice %arg8[%dma_start3A_269, %dma_start3A_274] : memref<79x128xi32, #tpu.memory_space<vmem>> -> memref<1x128xi32, #tpu.memory_space<vmem>>
    %dma_start3A_276 = tpu.memref_squeeze %dma_start3A_275 : memref<1x128xi32, #tpu.memory_space<vmem>> -> memref<128xi32, #tpu.memory_space<vmem>>
    %dma_start3A_277 = arith.constant 0 : i32
    %dma_start3A_278 = arith.constant 0 : i32
    %dma_start3A_279 = tpu.memref_slice %arg11[%dma_start3A_277, %dma_start3A_278] : memref<10112x16xf32, #tpu.memory_space<vmem_shared>> -> memref<10112x16xf32, #tpu.memory_space<vmem_shared>>
    tpu.enqueue_indirect_dma source(%dma_start3A_273 : memref<128x16xf32, #tpu.memory_space<vmem>>) target(%dma_start3A_279 : memref<10112x16xf32, #tpu.memory_space<vmem_shared>>) offsets(%dma_start3A_276 : memref<128xi32, #tpu.memory_space<vmem>>) semaphore(%arg23 : memref<!tpu.dma_semaphore, #tpu.memory_space<semaphore_mem>>) {add = true}
    %dma_wait3A_280 = arith.constant 2 : i32
    %dma_wait3A_281 = arith.constant 2 : i32
    %dma_wait3A_282 = arith.constant 0 : i32
    %dma_wait3A_283 = arith.constant 0 : i32
    %dma_wait3A_284 = tpu.memref_slice %arg9[%dma_wait3A_280, %dma_wait3A_282, %dma_wait3A_283] : memref<6x128x16xf32, #tpu.memory_space<vmem>> -> memref<1x128x16xf32, #tpu.memory_space<vmem>>
    %dma_wait3A_285 = tpu.memref_squeeze %dma_wait3A_284 : memref<1x128x16xf32, #tpu.memory_space<vmem>> -> memref<128x16xf32, #tpu.memory_space<vmem>>
    %dma_wait3A_286 = arith.constant 0 : i32
    %dma_wait3A_287 = tpu.memref_slice %arg8[%dma_wait3A_281, %dma_wait3A_286] : memref<79x128xi32, #tpu.memory_space<vmem>> -> memref<1x128xi32, #tpu.memory_space<vmem>>
    %dma_wait3A_288 = tpu.memref_squeeze %dma_wait3A_287 : memref<1x128xi32, #tpu.memory_space<vmem>> -> memref<128xi32, #tpu.memory_space<vmem>>
    %dma_wait3A_289 = arith.constant 0 : i32
    %dma_wait3A_290 = arith.constant 0 : i32
    %dma_wait3A_291 = tpu.memref_slice %arg11[%dma_wait3A_289, %dma_wait3A_290] : memref<10112x16xf32, #tpu.memory_space<vmem_shared>> -> memref<10112x16xf32, #tpu.memory_space<vmem_shared>>
    tpu.wait_indirect_dma semaphore(%arg20 : memref<!tpu.dma_semaphore, #tpu.memory_space<semaphore_mem>>) src(%dma_wait3A_285 : memref<128x16xf32, #tpu.memory_space<vmem>>) dst(%dma_wait3A_291 : memref<10112x16xf32, #tpu.memory_space<vmem_shared>>)
    %dma_start3A_292 = arith.constant 8 : i32
    %dma_start3A_293 = arith.constant 2 : i32
    %dma_start3A_294 = arith.constant 0 : i32
    %dma_start3A_295 = arith.constant 0 : i32
    %dma_start3A_296 = tpu.memref_slice %arg9[%dma_start3A_293, %dma_start3A_294, %dma_start3A_295] : memref<6x128x16xf32, #tpu.memory_space<vmem>> -> memref<1x128x16xf32, #tpu.memory_space<vmem>>
    %dma_start3A_297 = tpu.memref_squeeze %dma_start3A_296 : memref<1x128x16xf32, #tpu.memory_space<vmem>> -> memref<128x16xf32, #tpu.memory_space<vmem>>
    %dma_start3A_298 = arith.constant 0 : i32
    %dma_start3A_299 = tpu.memref_slice %arg7[%dma_start3A_292, %dma_start3A_298] : memref<79x128xi32, #tpu.memory_space<vmem>> -> memref<1x128xi32, #tpu.memory_space<vmem>>
    %dma_start3A_300 = tpu.memref_squeeze %dma_start3A_299 : memref<1x128xi32, #tpu.memory_space<vmem>> -> memref<128xi32, #tpu.memory_space<vmem>>
    %dma_start3A_301 = arith.constant 0 : i32
    %dma_start3A_302 = arith.constant 0 : i32
    %dma_start3A_303 = tpu.memref_slice %arg10[%dma_start3A_301, %dma_start3A_302] : memref<10112x16xf32, #tpu.memory_space<vmem_shared>> -> memref<10112x16xf32, #tpu.memory_space<vmem_shared>>
    tpu.enqueue_indirect_dma source(%dma_start3A_303 : memref<10112x16xf32, #tpu.memory_space<vmem_shared>>) target(%dma_start3A_297 : memref<128x16xf32, #tpu.memory_space<vmem>>) offsets(%dma_start3A_300 : memref<128xi32, #tpu.memory_space<vmem>>) semaphore(%arg14 : memref<!tpu.dma_semaphore, #tpu.memory_space<semaphore_mem>>)
    %scan3A = arith.constant 0 : i32
    %scan3A_304 = arith.constant 1 : i32
    %scan3A_305 = arith.constant 11 : i32
    %scan3A_306 = arith.addi %scan3A_304, %scan3A_305 : i32
    %scan3A_307 = arith.constant 1 : i32
    scf.for %scan3A_603 = %scan3A_304 to %scan3A_306 step %scan3A_307  : i32 {
      %mul3A_604 = arith.constant 6 : i32
      %mul3A_605 = arith.muli %scan3A_603, %mul3A_604 : i32
      %add3A_606 = arith.constant 0 : i32
      %add3A_607 = arith.addi %mul3A_605, %add3A_606 : i32
      %dma_wait3A_608 = arith.constant 0 : i32
      %dma_wait3A_609 = arith.constant 0 : i32
      %dma_wait3A_610 = arith.constant 0 : i32
      %dma_wait3A_611 = tpu.memref_slice %arg9[%dma_wait3A_608, %dma_wait3A_609, %dma_wait3A_610] : memref<6x128x16xf32, #tpu.memory_space<vmem>> -> memref<1x128x16xf32, #tpu.memory_space<vmem>>
      %dma_wait3A_612 = tpu.memref_squeeze %dma_wait3A_611 : memref<1x128x16xf32, #tpu.memory_space<vmem>> -> memref<128x16xf32, #tpu.memory_space<vmem>>
      %dma_wait3A_613 = arith.constant 0 : i32
      %dma_wait3A_614 = tpu.memref_slice %arg7[%add3A_607, %dma_wait3A_613] : memref<79x128xi32, #tpu.memory_space<vmem>> -> memref<1x128xi32, #tpu.memory_space<vmem>>
      %dma_wait3A_615 = tpu.memref_squeeze %dma_wait3A_614 : memref<1x128xi32, #tpu.memory_space<vmem>> -> memref<128xi32, #tpu.memory_space<vmem>>
      %dma_wait3A_616 = arith.constant 0 : i32
      %dma_wait3A_617 = arith.constant 0 : i32
      %dma_wait3A_618 = tpu.memref_slice %arg10[%dma_wait3A_616, %dma_wait3A_617] : memref<10112x16xf32, #tpu.memory_space<vmem_shared>> -> memref<10112x16xf32, #tpu.memory_space<vmem_shared>>
      tpu.wait_indirect_dma semaphore(%arg12 : memref<!tpu.dma_semaphore, #tpu.memory_space<semaphore_mem>>) src(%dma_wait3A_618 : memref<10112x16xf32, #tpu.memory_space<vmem_shared>>) dst(%dma_wait3A_612 : memref<128x16xf32, #tpu.memory_space<vmem>>)
      %dma_start3A_619 = arith.constant 0 : i32
      %dma_start3A_620 = arith.constant 0 : i32
      %dma_start3A_621 = arith.constant 0 : i32
      %dma_start3A_622 = tpu.memref_slice %arg9[%dma_start3A_619, %dma_start3A_620, %dma_start3A_621] : memref<6x128x16xf32, #tpu.memory_space<vmem>> -> memref<1x128x16xf32, #tpu.memory_space<vmem>>
      %dma_start3A_623 = tpu.memref_squeeze %dma_start3A_622 : memref<1x128x16xf32, #tpu.memory_space<vmem>> -> memref<128x16xf32, #tpu.memory_space<vmem>>
      %dma_start3A_624 = arith.constant 0 : i32
      %dma_start3A_625 = tpu.memref_slice %arg8[%add3A_607, %dma_start3A_624] : memref<79x128xi32, #tpu.memory_space<vmem>> -> memref<1x128xi32, #tpu.memory_space<vmem>>
      %dma_start3A_626 = tpu.memref_squeeze %dma_start3A_625 : memref<1x128xi32, #tpu.memory_space<vmem>> -> memref<128xi32, #tpu.memory_space<vmem>>
      %dma_start3A_627 = arith.constant 0 : i32
      %dma_start3A_628 = arith.constant 0 : i32
      %dma_start3A_629 = tpu.memref_slice %arg11[%dma_start3A_627, %dma_start3A_628] : memref<10112x16xf32, #tpu.memory_space<vmem_shared>> -> memref<10112x16xf32, #tpu.memory_space<vmem_shared>>
      tpu.enqueue_indirect_dma source(%dma_start3A_623 : memref<128x16xf32, #tpu.memory_space<vmem>>) target(%dma_start3A_629 : memref<10112x16xf32, #tpu.memory_space<vmem_shared>>) offsets(%dma_start3A_626 : memref<128xi32, #tpu.memory_space<vmem>>) semaphore(%arg18 : memref<!tpu.dma_semaphore, #tpu.memory_space<semaphore_mem>>) {add = true}
      %sub3A = arith.constant 3 : i32
      %sub3A_630 = arith.subi %add3A_607, %sub3A : i32
      %dma_wait3A_631 = arith.constant 3 : i32
      %dma_wait3A_632 = arith.constant 0 : i32
      %dma_wait3A_633 = arith.constant 0 : i32
      %dma_wait3A_634 = tpu.memref_slice %arg9[%dma_wait3A_631, %dma_wait3A_632, %dma_wait3A_633] : memref<6x128x16xf32, #tpu.memory_space<vmem>> -> memref<1x128x16xf32, #tpu.memory_space<vmem>>
      %dma_wait3A_635 = tpu.memref_squeeze %dma_wait3A_634 : memref<1x128x16xf32, #tpu.memory_space<vmem>> -> memref<128x16xf32, #tpu.memory_space<vmem>>
      %dma_wait3A_636 = arith.constant 0 : i32
      %dma_wait3A_637 = tpu.memref_slice %arg8[%sub3A_630, %dma_wait3A_636] : memref<79x128xi32, #tpu.memory_space<vmem>> -> memref<1x128xi32, #tpu.memory_space<vmem>>
      %dma_wait3A_638 = tpu.memref_squeeze %dma_wait3A_637 : memref<1x128xi32, #tpu.memory_space<vmem>> -> memref<128xi32, #tpu.memory_space<vmem>>
      %dma_wait3A_639 = arith.constant 0 : i32
      %dma_wait3A_640 = arith.constant 0 : i32
      %dma_wait3A_641 = tpu.memref_slice %arg11[%dma_wait3A_639, %dma_wait3A_640] : memref<10112x16xf32, #tpu.memory_space<vmem_shared>> -> memref<10112x16xf32, #tpu.memory_space<vmem_shared>>
      tpu.wait_indirect_dma semaphore(%arg21 : memref<!tpu.dma_semaphore, #tpu.memory_space<semaphore_mem>>) src(%dma_wait3A_635 : memref<128x16xf32, #tpu.memory_space<vmem>>) dst(%dma_wait3A_641 : memref<10112x16xf32, #tpu.memory_space<vmem_shared>>)
      %add3A_642 = arith.constant 3 : i32
      %add3A_643 = arith.addi %add3A_607, %add3A_642 : i32
      %dma_start3A_644 = arith.constant 3 : i32
      %dma_start3A_645 = arith.constant 0 : i32
      %dma_start3A_646 = arith.constant 0 : i32
      %dma_start3A_647 = tpu.memref_slice %arg9[%dma_start3A_644, %dma_start3A_645, %dma_start3A_646] : memref<6x128x16xf32, #tpu.memory_space<vmem>> -> memref<1x128x16xf32, #tpu.memory_space<vmem>>
      %dma_start3A_648 = tpu.memref_squeeze %dma_start3A_647 : memref<1x128x16xf32, #tpu.memory_space<vmem>> -> memref<128x16xf32, #tpu.memory_space<vmem>>
      %dma_start3A_649 = arith.constant 0 : i32
      %dma_start3A_650 = tpu.memref_slice %arg7[%add3A_643, %dma_start3A_649] : memref<79x128xi32, #tpu.memory_space<vmem>> -> memref<1x128xi32, #tpu.memory_space<vmem>>
      %dma_start3A_651 = tpu.memref_squeeze %dma_start3A_650 : memref<1x128xi32, #tpu.memory_space<vmem>> -> memref<128xi32, #tpu.memory_space<vmem>>
      %dma_start3A_652 = arith.constant 0 : i32
      %dma_start3A_653 = arith.constant 0 : i32
      %dma_start3A_654 = tpu.memref_slice %arg10[%dma_start3A_652, %dma_start3A_653] : memref<10112x16xf32, #tpu.memory_space<vmem_shared>> -> memref<10112x16xf32, #tpu.memory_space<vmem_shared>>
      tpu.enqueue_indirect_dma source(%dma_start3A_654 : memref<10112x16xf32, #tpu.memory_space<vmem_shared>>) target(%dma_start3A_648 : memref<128x16xf32, #tpu.memory_space<vmem>>) offsets(%dma_start3A_651 : memref<128xi32, #tpu.memory_space<vmem>>) semaphore(%arg15 : memref<!tpu.dma_semaphore, #tpu.memory_space<semaphore_mem>>)
      %add3A_655 = arith.constant 1 : i32
      %add3A_656 = arith.addi %mul3A_605, %add3A_655 : i32
      %dma_wait3A_657 = arith.constant 1 : i32
      %dma_wait3A_658 = arith.constant 0 : i32
      %dma_wait3A_659 = arith.constant 0 : i32
      %dma_wait3A_660 = tpu.memref_slice %arg9[%dma_wait3A_657, %dma_wait3A_658, %dma_wait3A_659] : memref<6x128x16xf32, #tpu.memory_space<vmem>> -> memref<1x128x16xf32, #tpu.memory_space<vmem>>
      %dma_wait3A_661 = tpu.memref_squeeze %dma_wait3A_660 : memref<1x128x16xf32, #tpu.memory_space<vmem>> -> memref<128x16xf32, #tpu.memory_space<vmem>>
      %dma_wait3A_662 = arith.constant 0 : i32
      %dma_wait3A_663 = tpu.memref_slice %arg7[%add3A_656, %dma_wait3A_662] : memref<79x128xi32, #tpu.memory_space<vmem>> -> memref<1x128xi32, #tpu.memory_space<vmem>>
      %dma_wait3A_664 = tpu.memref_squeeze %dma_wait3A_663 : memref<1x128xi32, #tpu.memory_space<vmem>> -> memref<128xi32, #tpu.memory_space<vmem>>
      %dma_wait3A_665 = arith.constant 0 : i32
      %dma_wait3A_666 = arith.constant 0 : i32
      %dma_wait3A_667 = tpu.memref_slice %arg10[%dma_wait3A_665, %dma_wait3A_666] : memref<10112x16xf32, #tpu.memory_space<vmem_shared>> -> memref<10112x16xf32, #tpu.memory_space<vmem_shared>>
      tpu.wait_indirect_dma semaphore(%arg13 : memref<!tpu.dma_semaphore, #tpu.memory_space<semaphore_mem>>) src(%dma_wait3A_667 : memref<10112x16xf32, #tpu.memory_space<vmem_shared>>) dst(%dma_wait3A_661 : memref<128x16xf32, #tpu.memory_space<vmem>>)
      %dma_start3A_668 = arith.constant 1 : i32
      %dma_start3A_669 = arith.constant 0 : i32
      %dma_start3A_670 = arith.constant 0 : i32
      %dma_start3A_671 = tpu.memref_slice %arg9[%dma_start3A_668, %dma_start3A_669, %dma_start3A_670] : memref<6x128x16xf32, #tpu.memory_space<vmem>> -> memref<1x128x16xf32, #tpu.memory_space<vmem>>
      %dma_start3A_672 = tpu.memref_squeeze %dma_start3A_671 : memref<1x128x16xf32, #tpu.memory_space<vmem>> -> memref<128x16xf32, #tpu.memory_space<vmem>>
      %dma_start3A_673 = arith.constant 0 : i32
      %dma_start3A_674 = tpu.memref_slice %arg8[%add3A_656, %dma_start3A_673] : memref<79x128xi32, #tpu.memory_space<vmem>> -> memref<1x128xi32, #tpu.memory_space<vmem>>
      %dma_start3A_675 = tpu.memref_squeeze %dma_start3A_674 : memref<1x128xi32, #tpu.memory_space<vmem>> -> memref<128xi32, #tpu.memory_space<vmem>>
      %dma_start3A_676 = arith.constant 0 : i32
      %dma_start3A_677 = arith.constant 0 : i32
      %dma_start3A_678 = tpu.memref_slice %arg11[%dma_start3A_676, %dma_start3A_677] : memref<10112x16xf32, #tpu.memory_space<vmem_shared>> -> memref<10112x16xf32, #tpu.memory_space<vmem_shared>>
      tpu.enqueue_indirect_dma source(%dma_start3A_672 : memref<128x16xf32, #tpu.memory_space<vmem>>) target(%dma_start3A_678 : memref<10112x16xf32, #tpu.memory_space<vmem_shared>>) offsets(%dma_start3A_675 : memref<128xi32, #tpu.memory_space<vmem>>) semaphore(%arg19 : memref<!tpu.dma_semaphore, #tpu.memory_space<semaphore_mem>>) {add = true}
      %sub3A_679 = arith.constant 3 : i32
      %sub3A_680 = arith.subi %add3A_656, %sub3A_679 : i32
      %dma_wait3A_681 = arith.constant 4 : i32
      %dma_wait3A_682 = arith.constant 0 : i32
      %dma_wait3A_683 = arith.constant 0 : i32
      %dma_wait3A_684 = tpu.memref_slice %arg9[%dma_wait3A_681, %dma_wait3A_682, %dma_wait3A_683] : memref<6x128x16xf32, #tpu.memory_space<vmem>> -> memref<1x128x16xf32, #tpu.memory_space<vmem>>
      %dma_wait3A_685 = tpu.memref_squeeze %dma_wait3A_684 : memref<1x128x16xf32, #tpu.memory_space<vmem>> -> memref<128x16xf32, #tpu.memory_space<vmem>>
      %dma_wait3A_686 = arith.constant 0 : i32
      %dma_wait3A_687 = tpu.memref_slice %arg8[%sub3A_680, %dma_wait3A_686] : memref<79x128xi32, #tpu.memory_space<vmem>> -> memref<1x128xi32, #tpu.memory_space<vmem>>
      %dma_wait3A_688 = tpu.memref_squeeze %dma_wait3A_687 : memref<1x128xi32, #tpu.memory_space<vmem>> -> memref<128xi32, #tpu.memory_space<vmem>>
      %dma_wait3A_689 = arith.constant 0 : i32
      %dma_wait3A_690 = arith.constant 0 : i32
      %dma_wait3A_691 = tpu.memref_slice %arg11[%dma_wait3A_689, %dma_wait3A_690] : memref<10112x16xf32, #tpu.memory_space<vmem_shared>> -> memref<10112x16xf32, #tpu.memory_space<vmem_shared>>
      tpu.wait_indirect_dma semaphore(%arg22 : memref<!tpu.dma_semaphore, #tpu.memory_space<semaphore_mem>>) src(%dma_wait3A_685 : memref<128x16xf32, #tpu.memory_space<vmem>>) dst(%dma_wait3A_691 : memref<10112x16xf32, #tpu.memory_space<vmem_shared>>)
      %add3A_692 = arith.constant 3 : i32
      %add3A_693 = arith.addi %add3A_656, %add3A_692 : i32
      %dma_start3A_694 = arith.constant 4 : i32
      %dma_start3A_695 = arith.constant 0 : i32
      %dma_start3A_696 = arith.constant 0 : i32
      %dma_start3A_697 = tpu.memref_slice %arg9[%dma_start3A_694, %dma_start3A_695, %dma_start3A_696] : memref<6x128x16xf32, #tpu.memory_space<vmem>> -> memref<1x128x16xf32, #tpu.memory_space<vmem>>
      %dma_start3A_698 = tpu.memref_squeeze %dma_start3A_697 : memref<1x128x16xf32, #tpu.memory_space<vmem>> -> memref<128x16xf32, #tpu.memory_space<vmem>>
      %dma_start3A_699 = arith.constant 0 : i32
      %dma_start3A_700 = tpu.memref_slice %arg7[%add3A_693, %dma_start3A_699] : memref<79x128xi32, #tpu.memory_space<vmem>> -> memref<1x128xi32, #tpu.memory_space<vmem>>
      %dma_start3A_701 = tpu.memref_squeeze %dma_start3A_700 : memref<1x128xi32, #tpu.memory_space<vmem>> -> memref<128xi32, #tpu.memory_space<vmem>>
      %dma_start3A_702 = arith.constant 0 : i32
      %dma_start3A_703 = arith.constant 0 : i32
      %dma_start3A_704 = tpu.memref_slice %arg10[%dma_start3A_702, %dma_start3A_703] : memref<10112x16xf32, #tpu.memory_space<vmem_shared>> -> memref<10112x16xf32, #tpu.memory_space<vmem_shared>>
      tpu.enqueue_indirect_dma source(%dma_start3A_704 : memref<10112x16xf32, #tpu.memory_space<vmem_shared>>) target(%dma_start3A_698 : memref<128x16xf32, #tpu.memory_space<vmem>>) offsets(%dma_start3A_701 : memref<128xi32, #tpu.memory_space<vmem>>) semaphore(%arg16 : memref<!tpu.dma_semaphore, #tpu.memory_space<semaphore_mem>>)
      %add3A_705 = arith.constant 2 : i32
      %add3A_706 = arith.addi %mul3A_605, %add3A_705 : i32
      %dma_wait3A_707 = arith.constant 2 : i32
      %dma_wait3A_708 = arith.constant 0 : i32
      %dma_wait3A_709 = arith.constant 0 : i32
      %dma_wait3A_710 = tpu.memref_slice %arg9[%dma_wait3A_707, %dma_wait3A_708, %dma_wait3A_709] : memref<6x128x16xf32, #tpu.memory_space<vmem>> -> memref<1x128x16xf32, #tpu.memory_space<vmem>>
      %dma_wait3A_711 = tpu.memref_squeeze %dma_wait3A_710 : memref<1x128x16xf32, #tpu.memory_space<vmem>> -> memref<128x16xf32, #tpu.memory_space<vmem>>
      %dma_wait3A_712 = arith.constant 0 : i32
      %dma_wait3A_713 = tpu.memref_slice %arg7[%add3A_706, %dma_wait3A_712] : memref<79x128xi32, #tpu.memory_space<vmem>> -> memref<1x128xi32, #tpu.memory_space<vmem>>
      %dma_wait3A_714 = tpu.memref_squeeze %dma_wait3A_713 : memref<1x128xi32, #tpu.memory_space<vmem>> -> memref<128xi32, #tpu.memory_space<vmem>>
      %dma_wait3A_715 = arith.constant 0 : i32
      %dma_wait3A_716 = arith.constant 0 : i32
      %dma_wait3A_717 = tpu.memref_slice %arg10[%dma_wait3A_715, %dma_wait3A_716] : memref<10112x16xf32, #tpu.memory_space<vmem_shared>> -> memref<10112x16xf32, #tpu.memory_space<vmem_shared>>
      tpu.wait_indirect_dma semaphore(%arg14 : memref<!tpu.dma_semaphore, #tpu.memory_space<semaphore_mem>>) src(%dma_wait3A_717 : memref<10112x16xf32, #tpu.memory_space<vmem_shared>>) dst(%dma_wait3A_711 : memref<128x16xf32, #tpu.memory_space<vmem>>)
      %dma_start3A_718 = arith.constant 2 : i32
      %dma_start3A_719 = arith.constant 0 : i32
      %dma_start3A_720 = arith.constant 0 : i32
      %dma_start3A_721 = tpu.memref_slice %arg9[%dma_start3A_718, %dma_start3A_719, %dma_start3A_720] : memref<6x128x16xf32, #tpu.memory_space<vmem>> -> memref<1x128x16xf32, #tpu.memory_space<vmem>>
      %dma_start3A_722 = tpu.memref_squeeze %dma_start3A_721 : memref<1x128x16xf32, #tpu.memory_space<vmem>> -> memref<128x16xf32, #tpu.memory_space<vmem>>
      %dma_start3A_723 = arith.constant 0 : i32
      %dma_start3A_724 = tpu.memref_slice %arg8[%add3A_706, %dma_start3A_723] : memref<79x128xi32, #tpu.memory_space<vmem>> -> memref<1x128xi32, #tpu.memory_space<vmem>>
      %dma_start3A_725 = tpu.memref_squeeze %dma_start3A_724 : memref<1x128xi32, #tpu.memory_space<vmem>> -> memref<128xi32, #tpu.memory_space<vmem>>
      %dma_start3A_726 = arith.constant 0 : i32
      %dma_start3A_727 = arith.constant 0 : i32
      %dma_start3A_728 = tpu.memref_slice %arg11[%dma_start3A_726, %dma_start3A_727] : memref<10112x16xf32, #tpu.memory_space<vmem_shared>> -> memref<10112x16xf32, #tpu.memory_space<vmem_shared>>
      tpu.enqueue_indirect_dma source(%dma_start3A_722 : memref<128x16xf32, #tpu.memory_space<vmem>>) target(%dma_start3A_728 : memref<10112x16xf32, #tpu.memory_space<vmem_shared>>) offsets(%dma_start3A_725 : memref<128xi32, #tpu.memory_space<vmem>>) semaphore(%arg20 : memref<!tpu.dma_semaphore, #tpu.memory_space<semaphore_mem>>) {add = true}
      %sub3A_729 = arith.constant 3 : i32
      %sub3A_730 = arith.subi %add3A_706, %sub3A_729 : i32
      %dma_wait3A_731 = arith.constant 5 : i32
      %dma_wait3A_732 = arith.constant 0 : i32
      %dma_wait3A_733 = arith.constant 0 : i32
      %dma_wait3A_734 = tpu.memref_slice %arg9[%dma_wait3A_731, %dma_wait3A_732, %dma_wait3A_733] : memref<6x128x16xf32, #tpu.memory_space<vmem>> -> memref<1x128x16xf32, #tpu.memory_space<vmem>>
      %dma_wait3A_735 = tpu.memref_squeeze %dma_wait3A_734 : memref<1x128x16xf32, #tpu.memory_space<vmem>> -> memref<128x16xf32, #tpu.memory_space<vmem>>
      %dma_wait3A_736 = arith.constant 0 : i32
      %dma_wait3A_737 = tpu.memref_slice %arg8[%sub3A_730, %dma_wait3A_736] : memref<79x128xi32, #tpu.memory_space<vmem>> -> memref<1x128xi32, #tpu.memory_space<vmem>>
      %dma_wait3A_738 = tpu.memref_squeeze %dma_wait3A_737 : memref<1x128xi32, #tpu.memory_space<vmem>> -> memref<128xi32, #tpu.memory_space<vmem>>
      %dma_wait3A_739 = arith.constant 0 : i32
      %dma_wait3A_740 = arith.constant 0 : i32
      %dma_wait3A_741 = tpu.memref_slice %arg11[%dma_wait3A_739, %dma_wait3A_740] : memref<10112x16xf32, #tpu.memory_space<vmem_shared>> -> memref<10112x16xf32, #tpu.memory_space<vmem_shared>>
      tpu.wait_indirect_dma semaphore(%arg23 : memref<!tpu.dma_semaphore, #tpu.memory_space<semaphore_mem>>) src(%dma_wait3A_735 : memref<128x16xf32, #tpu.memory_space<vmem>>) dst(%dma_wait3A_741 : memref<10112x16xf32, #tpu.memory_space<vmem_shared>>)
      %add3A_742 = arith.constant 3 : i32
      %add3A_743 = arith.addi %add3A_706, %add3A_742 : i32
      %dma_start3A_744 = arith.constant 5 : i32
      %dma_start3A_745 = arith.constant 0 : i32
      %dma_start3A_746 = arith.constant 0 : i32
      %dma_start3A_747 = tpu.memref_slice %arg9[%dma_start3A_744, %dma_start3A_745, %dma_start3A_746] : memref<6x128x16xf32, #tpu.memory_space<vmem>> -> memref<1x128x16xf32, #tpu.memory_space<vmem>>
      %dma_start3A_748 = tpu.memref_squeeze %dma_start3A_747 : memref<1x128x16xf32, #tpu.memory_space<vmem>> -> memref<128x16xf32, #tpu.memory_space<vmem>>
      %dma_start3A_749 = arith.constant 0 : i32
      %dma_start3A_750 = tpu.memref_slice %arg7[%add3A_743, %dma_start3A_749] : memref<79x128xi32, #tpu.memory_space<vmem>> -> memref<1x128xi32, #tpu.memory_space<vmem>>
      %dma_start3A_751 = tpu.memref_squeeze %dma_start3A_750 : memref<1x128xi32, #tpu.memory_space<vmem>> -> memref<128xi32, #tpu.memory_space<vmem>>
      %dma_start3A_752 = arith.constant 0 : i32
      %dma_start3A_753 = arith.constant 0 : i32
      %dma_start3A_754 = tpu.memref_slice %arg10[%dma_start3A_752, %dma_start3A_753] : memref<10112x16xf32, #tpu.memory_space<vmem_shared>> -> memref<10112x16xf32, #tpu.memory_space<vmem_shared>>
      tpu.enqueue_indirect_dma source(%dma_start3A_754 : memref<10112x16xf32, #tpu.memory_space<vmem_shared>>) target(%dma_start3A_748 : memref<128x16xf32, #tpu.memory_space<vmem>>) offsets(%dma_start3A_751 : memref<128xi32, #tpu.memory_space<vmem>>) semaphore(%arg17 : memref<!tpu.dma_semaphore, #tpu.memory_space<semaphore_mem>>)
      %add3A_755 = arith.constant 3 : i32
      %add3A_756 = arith.addi %mul3A_605, %add3A_755 : i32
      %dma_wait3A_757 = arith.constant 3 : i32
      %dma_wait3A_758 = arith.constant 0 : i32
      %dma_wait3A_759 = arith.constant 0 : i32
      %dma_wait3A_760 = tpu.memref_slice %arg9[%dma_wait3A_757, %dma_wait3A_758, %dma_wait3A_759] : memref<6x128x16xf32, #tpu.memory_space<vmem>> -> memref<1x128x16xf32, #tpu.memory_space<vmem>>
      %dma_wait3A_761 = tpu.memref_squeeze %dma_wait3A_760 : memref<1x128x16xf32, #tpu.memory_space<vmem>> -> memref<128x16xf32, #tpu.memory_space<vmem>>
      %dma_wait3A_762 = arith.constant 0 : i32
      %dma_wait3A_763 = tpu.memref_slice %arg7[%add3A_756, %dma_wait3A_762] : memref<79x128xi32, #tpu.memory_space<vmem>> -> memref<1x128xi32, #tpu.memory_space<vmem>>
      %dma_wait3A_764 = tpu.memref_squeeze %dma_wait3A_763 : memref<1x128xi32, #tpu.memory_space<vmem>> -> memref<128xi32, #tpu.memory_space<vmem>>
      %dma_wait3A_765 = arith.constant 0 : i32
      %dma_wait3A_766 = arith.constant 0 : i32
      %dma_wait3A_767 = tpu.memref_slice %arg10[%dma_wait3A_765, %dma_wait3A_766] : memref<10112x16xf32, #tpu.memory_space<vmem_shared>> -> memref<10112x16xf32, #tpu.memory_space<vmem_shared>>
      tpu.wait_indirect_dma semaphore(%arg15 : memref<!tpu.dma_semaphore, #tpu.memory_space<semaphore_mem>>) src(%dma_wait3A_767 : memref<10112x16xf32, #tpu.memory_space<vmem_shared>>) dst(%dma_wait3A_761 : memref<128x16xf32, #tpu.memory_space<vmem>>)
      %dma_start3A_768 = arith.constant 3 : i32
      %dma_start3A_769 = arith.constant 0 : i32
      %dma_start3A_770 = arith.constant 0 : i32
      %dma_start3A_771 = tpu.memref_slice %arg9[%dma_start3A_768, %dma_start3A_769, %dma_start3A_770] : memref<6x128x16xf32, #tpu.memory_space<vmem>> -> memref<1x128x16xf32, #tpu.memory_space<vmem>>
      %dma_start3A_772 = tpu.memref_squeeze %dma_start3A_771 : memref<1x128x16xf32, #tpu.memory_space<vmem>> -> memref<128x16xf32, #tpu.memory_space<vmem>>
      %dma_start3A_773 = arith.constant 0 : i32
      %dma_start3A_774 = tpu.memref_slice %arg8[%add3A_756, %dma_start3A_773] : memref<79x128xi32, #tpu.memory_space<vmem>> -> memref<1x128xi32, #tpu.memory_space<vmem>>
      %dma_start3A_775 = tpu.memref_squeeze %dma_start3A_774 : memref<1x128xi32, #tpu.memory_space<vmem>> -> memref<128xi32, #tpu.memory_space<vmem>>
      %dma_start3A_776 = arith.constant 0 : i32
      %dma_start3A_777 = arith.constant 0 : i32
      %dma_start3A_778 = tpu.memref_slice %arg11[%dma_start3A_776, %dma_start3A_777] : memref<10112x16xf32, #tpu.memory_space<vmem_shared>> -> memref<10112x16xf32, #tpu.memory_space<vmem_shared>>
      tpu.enqueue_indirect_dma source(%dma_start3A_772 : memref<128x16xf32, #tpu.memory_space<vmem>>) target(%dma_start3A_778 : memref<10112x16xf32, #tpu.memory_space<vmem_shared>>) offsets(%dma_start3A_775 : memref<128xi32, #tpu.memory_space<vmem>>) semaphore(%arg21 : memref<!tpu.dma_semaphore, #tpu.memory_space<semaphore_mem>>) {add = true}
      %sub3A_779 = arith.constant 3 : i32
      %sub3A_780 = arith.subi %add3A_756, %sub3A_779 : i32
      %dma_wait3A_781 = arith.constant 0 : i32
      %dma_wait3A_782 = arith.constant 0 : i32
      %dma_wait3A_783 = arith.constant 0 : i32
      %dma_wait3A_784 = tpu.memref_slice %arg9[%dma_wait3A_781, %dma_wait3A_782, %dma_wait3A_783] : memref<6x128x16xf32, #tpu.memory_space<vmem>> -> memref<1x128x16xf32, #tpu.memory_space<vmem>>
      %dma_wait3A_785 = tpu.memref_squeeze %dma_wait3A_784 : memref<1x128x16xf32, #tpu.memory_space<vmem>> -> memref<128x16xf32, #tpu.memory_space<vmem>>
      %dma_wait3A_786 = arith.constant 0 : i32
      %dma_wait3A_787 = tpu.memref_slice %arg8[%sub3A_780, %dma_wait3A_786] : memref<79x128xi32, #tpu.memory_space<vmem>> -> memref<1x128xi32, #tpu.memory_space<vmem>>
      %dma_wait3A_788 = tpu.memref_squeeze %dma_wait3A_787 : memref<1x128xi32, #tpu.memory_space<vmem>> -> memref<128xi32, #tpu.memory_space<vmem>>
      %dma_wait3A_789 = arith.constant 0 : i32
      %dma_wait3A_790 = arith.constant 0 : i32
      %dma_wait3A_791 = tpu.memref_slice %arg11[%dma_wait3A_789, %dma_wait3A_790] : memref<10112x16xf32, #tpu.memory_space<vmem_shared>> -> memref<10112x16xf32, #tpu.memory_space<vmem_shared>>
      tpu.wait_indirect_dma semaphore(%arg18 : memref<!tpu.dma_semaphore, #tpu.memory_space<semaphore_mem>>) src(%dma_wait3A_785 : memref<128x16xf32, #tpu.memory_space<vmem>>) dst(%dma_wait3A_791 : memref<10112x16xf32, #tpu.memory_space<vmem_shared>>)
      %add3A_792 = arith.constant 3 : i32
      %add3A_793 = arith.addi %add3A_756, %add3A_792 : i32
      %dma_start3A_794 = arith.constant 0 : i32
      %dma_start3A_795 = arith.constant 0 : i32
      %dma_start3A_796 = arith.constant 0 : i32
      %dma_start3A_797 = tpu.memref_slice %arg9[%dma_start3A_794, %dma_start3A_795, %dma_start3A_796] : memref<6x128x16xf32, #tpu.memory_space<vmem>> -> memref<1x128x16xf32, #tpu.memory_space<vmem>>
      %dma_start3A_798 = tpu.memref_squeeze %dma_start3A_797 : memref<1x128x16xf32, #tpu.memory_space<vmem>> -> memref<128x16xf32, #tpu.memory_space<vmem>>
      %dma_start3A_799 = arith.constant 0 : i32
      %dma_start3A_800 = tpu.memref_slice %arg7[%add3A_793, %dma_start3A_799] : memref<79x128xi32, #tpu.memory_space<vmem>> -> memref<1x128xi32, #tpu.memory_space<vmem>>
      %dma_start3A_801 = tpu.memref_squeeze %dma_start3A_800 : memref<1x128xi32, #tpu.memory_space<vmem>> -> memref<128xi32, #tpu.memory_space<vmem>>
      %dma_start3A_802 = arith.constant 0 : i32
      %dma_start3A_803 = arith.constant 0 : i32
      %dma_start3A_804 = tpu.memref_slice %arg10[%dma_start3A_802, %dma_start3A_803] : memref<10112x16xf32, #tpu.memory_space<vmem_shared>> -> memref<10112x16xf32, #tpu.memory_space<vmem_shared>>
      tpu.enqueue_indirect_dma source(%dma_start3A_804 : memref<10112x16xf32, #tpu.memory_space<vmem_shared>>) target(%dma_start3A_798 : memref<128x16xf32, #tpu.memory_space<vmem>>) offsets(%dma_start3A_801 : memref<128xi32, #tpu.memory_space<vmem>>) semaphore(%arg12 : memref<!tpu.dma_semaphore, #tpu.memory_space<semaphore_mem>>)
      %add3A_805 = arith.constant 4 : i32
      %add3A_806 = arith.addi %mul3A_605, %add3A_805 : i32
      %dma_wait3A_807 = arith.constant 4 : i32
      %dma_wait3A_808 = arith.constant 0 : i32
      %dma_wait3A_809 = arith.constant 0 : i32
      %dma_wait3A_810 = tpu.memref_slice %arg9[%dma_wait3A_807, %dma_wait3A_808, %dma_wait3A_809] : memref<6x128x16xf32, #tpu.memory_space<vmem>> -> memref<1x128x16xf32, #tpu.memory_space<vmem>>
      %dma_wait3A_811 = tpu.memref_squeeze %dma_wait3A_810 : memref<1x128x16xf32, #tpu.memory_space<vmem>> -> memref<128x16xf32, #tpu.memory_space<vmem>>
      %dma_wait3A_812 = arith.constant 0 : i32
      %dma_wait3A_813 = tpu.memref_slice %arg7[%add3A_806, %dma_wait3A_812] : memref<79x128xi32, #tpu.memory_space<vmem>> -> memref<1x128xi32, #tpu.memory_space<vmem>>
      %dma_wait3A_814 = tpu.memref_squeeze %dma_wait3A_813 : memref<1x128xi32, #tpu.memory_space<vmem>> -> memref<128xi32, #tpu.memory_space<vmem>>
      %dma_wait3A_815 = arith.constant 0 : i32
      %dma_wait3A_816 = arith.constant 0 : i32
      %dma_wait3A_817 = tpu.memref_slice %arg10[%dma_wait3A_815, %dma_wait3A_816] : memref<10112x16xf32, #tpu.memory_space<vmem_shared>> -> memref<10112x16xf32, #tpu.memory_space<vmem_shared>>
      tpu.wait_indirect_dma semaphore(%arg16 : memref<!tpu.dma_semaphore, #tpu.memory_space<semaphore_mem>>) src(%dma_wait3A_817 : memref<10112x16xf32, #tpu.memory_space<vmem_shared>>) dst(%dma_wait3A_811 : memref<128x16xf32, #tpu.memory_space<vmem>>)
      %dma_start3A_818 = arith.constant 4 : i32
      %dma_start3A_819 = arith.constant 0 : i32
      %dma_start3A_820 = arith.constant 0 : i32
      %dma_start3A_821 = tpu.memref_slice %arg9[%dma_start3A_818, %dma_start3A_819, %dma_start3A_820] : memref<6x128x16xf32, #tpu.memory_space<vmem>> -> memref<1x128x16xf32, #tpu.memory_space<vmem>>
      %dma_start3A_822 = tpu.memref_squeeze %dma_start3A_821 : memref<1x128x16xf32, #tpu.memory_space<vmem>> -> memref<128x16xf32, #tpu.memory_space<vmem>>
      %dma_start3A_823 = arith.constant 0 : i32
      %dma_start3A_824 = tpu.memref_slice %arg8[%add3A_806, %dma_start3A_823] : memref<79x128xi32, #tpu.memory_space<vmem>> -> memref<1x128xi32, #tpu.memory_space<vmem>>
      %dma_start3A_825 = tpu.memref_squeeze %dma_start3A_824 : memref<1x128xi32, #tpu.memory_space<vmem>> -> memref<128xi32, #tpu.memory_space<vmem>>
      %dma_start3A_826 = arith.constant 0 : i32
      %dma_start3A_827 = arith.constant 0 : i32
      %dma_start3A_828 = tpu.memref_slice %arg11[%dma_start3A_826, %dma_start3A_827] : memref<10112x16xf32, #tpu.memory_space<vmem_shared>> -> memref<10112x16xf32, #tpu.memory_space<vmem_shared>>
      tpu.enqueue_indirect_dma source(%dma_start3A_822 : memref<128x16xf32, #tpu.memory_space<vmem>>) target(%dma_start3A_828 : memref<10112x16xf32, #tpu.memory_space<vmem_shared>>) offsets(%dma_start3A_825 : memref<128xi32, #tpu.memory_space<vmem>>) semaphore(%arg22 : memref<!tpu.dma_semaphore, #tpu.memory_space<semaphore_mem>>) {add = true}
      %sub3A_829 = arith.constant 3 : i32
      %sub3A_830 = arith.subi %add3A_806, %sub3A_829 : i32
      %dma_wait3A_831 = arith.constant 1 : i32
      %dma_wait3A_832 = arith.constant 0 : i32
      %dma_wait3A_833 = arith.constant 0 : i32
      %dma_wait3A_834 = tpu.memref_slice %arg9[%dma_wait3A_831, %dma_wait3A_832, %dma_wait3A_833] : memref<6x128x16xf32, #tpu.memory_space<vmem>> -> memref<1x128x16xf32, #tpu.memory_space<vmem>>
      %dma_wait3A_835 = tpu.memref_squeeze %dma_wait3A_834 : memref<1x128x16xf32, #tpu.memory_space<vmem>> -> memref<128x16xf32, #tpu.memory_space<vmem>>
      %dma_wait3A_836 = arith.constant 0 : i32
      %dma_wait3A_837 = tpu.memref_slice %arg8[%sub3A_830, %dma_wait3A_836] : memref<79x128xi32, #tpu.memory_space<vmem>> -> memref<1x128xi32, #tpu.memory_space<vmem>>
      %dma_wait3A_838 = tpu.memref_squeeze %dma_wait3A_837 : memref<1x128xi32, #tpu.memory_space<vmem>> -> memref<128xi32, #tpu.memory_space<vmem>>
      %dma_wait3A_839 = arith.constant 0 : i32
      %dma_wait3A_840 = arith.constant 0 : i32
      %dma_wait3A_841 = tpu.memref_slice %arg11[%dma_wait3A_839, %dma_wait3A_840] : memref<10112x16xf32, #tpu.memory_space<vmem_shared>> -> memref<10112x16xf32, #tpu.memory_space<vmem_shared>>
      tpu.wait_indirect_dma semaphore(%arg19 : memref<!tpu.dma_semaphore, #tpu.memory_space<semaphore_mem>>) src(%dma_wait3A_835 : memref<128x16xf32, #tpu.memory_space<vmem>>) dst(%dma_wait3A_841 : memref<10112x16xf32, #tpu.memory_space<vmem_shared>>)
      %add3A_842 = arith.constant 3 : i32
      %add3A_843 = arith.addi %add3A_806, %add3A_842 : i32
      %dma_start3A_844 = arith.constant 1 : i32
      %dma_start3A_845 = arith.constant 0 : i32
      %dma_start3A_846 = arith.constant 0 : i32
      %dma_start3A_847 = tpu.memref_slice %arg9[%dma_start3A_844, %dma_start3A_845, %dma_start3A_846] : memref<6x128x16xf32, #tpu.memory_space<vmem>> -> memref<1x128x16xf32, #tpu.memory_space<vmem>>
      %dma_start3A_848 = tpu.memref_squeeze %dma_start3A_847 : memref<1x128x16xf32, #tpu.memory_space<vmem>> -> memref<128x16xf32, #tpu.memory_space<vmem>>
      %dma_start3A_849 = arith.constant 0 : i32
      %dma_start3A_850 = tpu.memref_slice %arg7[%add3A_843, %dma_start3A_849] : memref<79x128xi32, #tpu.memory_space<vmem>> -> memref<1x128xi32, #tpu.memory_space<vmem>>
      %dma_start3A_851 = tpu.memref_squeeze %dma_start3A_850 : memref<1x128xi32, #tpu.memory_space<vmem>> -> memref<128xi32, #tpu.memory_space<vmem>>
      %dma_start3A_852 = arith.constant 0 : i32
      %dma_start3A_853 = arith.constant 0 : i32
      %dma_start3A_854 = tpu.memref_slice %arg10[%dma_start3A_852, %dma_start3A_853] : memref<10112x16xf32, #tpu.memory_space<vmem_shared>> -> memref<10112x16xf32, #tpu.memory_space<vmem_shared>>
      tpu.enqueue_indirect_dma source(%dma_start3A_854 : memref<10112x16xf32, #tpu.memory_space<vmem_shared>>) target(%dma_start3A_848 : memref<128x16xf32, #tpu.memory_space<vmem>>) offsets(%dma_start3A_851 : memref<128xi32, #tpu.memory_space<vmem>>) semaphore(%arg13 : memref<!tpu.dma_semaphore, #tpu.memory_space<semaphore_mem>>)
      %add3A_855 = arith.constant 5 : i32
      %add3A_856 = arith.addi %mul3A_605, %add3A_855 : i32
      %dma_wait3A_857 = arith.constant 5 : i32
      %dma_wait3A_858 = arith.constant 0 : i32
      %dma_wait3A_859 = arith.constant 0 : i32
      %dma_wait3A_860 = tpu.memref_slice %arg9[%dma_wait3A_857, %dma_wait3A_858, %dma_wait3A_859] : memref<6x128x16xf32, #tpu.memory_space<vmem>> -> memref<1x128x16xf32, #tpu.memory_space<vmem>>
      %dma_wait3A_861 = tpu.memref_squeeze %dma_wait3A_860 : memref<1x128x16xf32, #tpu.memory_space<vmem>> -> memref<128x16xf32, #tpu.memory_space<vmem>>
      %dma_wait3A_862 = arith.constant 0 : i32
      %dma_wait3A_863 = tpu.memref_slice %arg7[%add3A_856, %dma_wait3A_862] : memref<79x128xi32, #tpu.memory_space<vmem>> -> memref<1x128xi32, #tpu.memory_space<vmem>>
      %dma_wait3A_864 = tpu.memref_squeeze %dma_wait3A_863 : memref<1x128xi32, #tpu.memory_space<vmem>> -> memref<128xi32, #tpu.memory_space<vmem>>
      %dma_wait3A_865 = arith.constant 0 : i32
      %dma_wait3A_866 = arith.constant 0 : i32
      %dma_wait3A_867 = tpu.memref_slice %arg10[%dma_wait3A_865, %dma_wait3A_866] : memref<10112x16xf32, #tpu.memory_space<vmem_shared>> -> memref<10112x16xf32, #tpu.memory_space<vmem_shared>>
      tpu.wait_indirect_dma semaphore(%arg17 : memref<!tpu.dma_semaphore, #tpu.memory_space<semaphore_mem>>) src(%dma_wait3A_867 : memref<10112x16xf32, #tpu.memory_space<vmem_shared>>) dst(%dma_wait3A_861 : memref<128x16xf32, #tpu.memory_space<vmem>>)
      %dma_start3A_868 = arith.constant 5 : i32
      %dma_start3A_869 = arith.constant 0 : i32
      %dma_start3A_870 = arith.constant 0 : i32
      %dma_start3A_871 = tpu.memref_slice %arg9[%dma_start3A_868, %dma_start3A_869, %dma_start3A_870] : memref<6x128x16xf32, #tpu.memory_space<vmem>> -> memref<1x128x16xf32, #tpu.memory_space<vmem>>
      %dma_start3A_872 = tpu.memref_squeeze %dma_start3A_871 : memref<1x128x16xf32, #tpu.memory_space<vmem>> -> memref<128x16xf32, #tpu.memory_space<vmem>>
      %dma_start3A_873 = arith.constant 0 : i32
      %dma_start3A_874 = tpu.memref_slice %arg8[%add3A_856, %dma_start3A_873] : memref<79x128xi32, #tpu.memory_space<vmem>> -> memref<1x128xi32, #tpu.memory_space<vmem>>
      %dma_start3A_875 = tpu.memref_squeeze %dma_start3A_874 : memref<1x128xi32, #tpu.memory_space<vmem>> -> memref<128xi32, #tpu.memory_space<vmem>>
      %dma_start3A_876 = arith.constant 0 : i32
      %dma_start3A_877 = arith.constant 0 : i32
      %dma_start3A_878 = tpu.memref_slice %arg11[%dma_start3A_876, %dma_start3A_877] : memref<10112x16xf32, #tpu.memory_space<vmem_shared>> -> memref<10112x16xf32, #tpu.memory_space<vmem_shared>>
      tpu.enqueue_indirect_dma source(%dma_start3A_872 : memref<128x16xf32, #tpu.memory_space<vmem>>) target(%dma_start3A_878 : memref<10112x16xf32, #tpu.memory_space<vmem_shared>>) offsets(%dma_start3A_875 : memref<128xi32, #tpu.memory_space<vmem>>) semaphore(%arg23 : memref<!tpu.dma_semaphore, #tpu.memory_space<semaphore_mem>>) {add = true}
      %sub3A_879 = arith.constant 3 : i32
      %sub3A_880 = arith.subi %add3A_856, %sub3A_879 : i32
      %dma_wait3A_881 = arith.constant 2 : i32
      %dma_wait3A_882 = arith.constant 0 : i32
      %dma_wait3A_883 = arith.constant 0 : i32
      %dma_wait3A_884 = tpu.memref_slice %arg9[%dma_wait3A_881, %dma_wait3A_882, %dma_wait3A_883] : memref<6x128x16xf32, #tpu.memory_space<vmem>> -> memref<1x128x16xf32, #tpu.memory_space<vmem>>
      %dma_wait3A_885 = tpu.memref_squeeze %dma_wait3A_884 : memref<1x128x16xf32, #tpu.memory_space<vmem>> -> memref<128x16xf32, #tpu.memory_space<vmem>>
      %dma_wait3A_886 = arith.constant 0 : i32
      %dma_wait3A_887 = tpu.memref_slice %arg8[%sub3A_880, %dma_wait3A_886] : memref<79x128xi32, #tpu.memory_space<vmem>> -> memref<1x128xi32, #tpu.memory_space<vmem>>
      %dma_wait3A_888 = tpu.memref_squeeze %dma_wait3A_887 : memref<1x128xi32, #tpu.memory_space<vmem>> -> memref<128xi32, #tpu.memory_space<vmem>>
      %dma_wait3A_889 = arith.constant 0 : i32
      %dma_wait3A_890 = arith.constant 0 : i32
      %dma_wait3A_891 = tpu.memref_slice %arg11[%dma_wait3A_889, %dma_wait3A_890] : memref<10112x16xf32, #tpu.memory_space<vmem_shared>> -> memref<10112x16xf32, #tpu.memory_space<vmem_shared>>
      tpu.wait_indirect_dma semaphore(%arg20 : memref<!tpu.dma_semaphore, #tpu.memory_space<semaphore_mem>>) src(%dma_wait3A_885 : memref<128x16xf32, #tpu.memory_space<vmem>>) dst(%dma_wait3A_891 : memref<10112x16xf32, #tpu.memory_space<vmem_shared>>)
      %add3A_892 = arith.constant 3 : i32
      %add3A_893 = arith.addi %add3A_856, %add3A_892 : i32
      %dma_start3A_894 = arith.constant 2 : i32
      %dma_start3A_895 = arith.constant 0 : i32
      %dma_start3A_896 = arith.constant 0 : i32
      %dma_start3A_897 = tpu.memref_slice %arg9[%dma_start3A_894, %dma_start3A_895, %dma_start3A_896] : memref<6x128x16xf32, #tpu.memory_space<vmem>> -> memref<1x128x16xf32, #tpu.memory_space<vmem>>
      %dma_start3A_898 = tpu.memref_squeeze %dma_start3A_897 : memref<1x128x16xf32, #tpu.memory_space<vmem>> -> memref<128x16xf32, #tpu.memory_space<vmem>>
      %dma_start3A_899 = arith.constant 0 : i32
      %dma_start3A_900 = tpu.memref_slice %arg7[%add3A_893, %dma_start3A_899] : memref<79x128xi32, #tpu.memory_space<vmem>> -> memref<1x128xi32, #tpu.memory_space<vmem>>
      %dma_start3A_901 = tpu.memref_squeeze %dma_start3A_900 : memref<1x128xi32, #tpu.memory_space<vmem>> -> memref<128xi32, #tpu.memory_space<vmem>>
      %dma_start3A_902 = arith.constant 0 : i32
      %dma_start3A_903 = arith.constant 0 : i32
      %dma_start3A_904 = tpu.memref_slice %arg10[%dma_start3A_902, %dma_start3A_903] : memref<10112x16xf32, #tpu.memory_space<vmem_shared>> -> memref<10112x16xf32, #tpu.memory_space<vmem_shared>>
      tpu.enqueue_indirect_dma source(%dma_start3A_904 : memref<10112x16xf32, #tpu.memory_space<vmem_shared>>) target(%dma_start3A_898 : memref<128x16xf32, #tpu.memory_space<vmem>>) offsets(%dma_start3A_901 : memref<128xi32, #tpu.memory_space<vmem>>) semaphore(%arg14 : memref<!tpu.dma_semaphore, #tpu.memory_space<semaphore_mem>>)
    }
    %scan3A_308 = arith.constant 11 : i32
    %dma_wait3A_309 = arith.constant 72 : i32
    %dma_wait3A_310 = arith.constant 0 : i32
    %dma_wait3A_311 = arith.constant 0 : i32
    %dma_wait3A_312 = arith.constant 0 : i32
    %dma_wait3A_313 = tpu.memref_slice %arg9[%dma_wait3A_310, %dma_wait3A_311, %dma_wait3A_312] : memref<6x128x16xf32, #tpu.memory_space<vmem>> -> memref<1x128x16xf32, #tpu.memory_space<vmem>>
    %dma_wait3A_314 = tpu.memref_squeeze %dma_wait3A_313 : memref<1x128x16xf32, #tpu.memory_space<vmem>> -> memref<128x16xf32, #tpu.memory_space<vmem>>
    %dma_wait3A_315 = arith.constant 0 : i32
    %dma_wait3A_316 = tpu.memref_slice %arg7[%dma_wait3A_309, %dma_wait3A_315] : memref<79x128xi32, #tpu.memory_space<vmem>> -> memref<1x128xi32, #tpu.memory_space<vmem>>
    %dma_wait3A_317 = tpu.memref_squeeze %dma_wait3A_316 : memref<1x128xi32, #tpu.memory_space<vmem>> -> memref<128xi32, #tpu.memory_space<vmem>>
    %dma_wait3A_318 = arith.constant 0 : i32
    %dma_wait3A_319 = arith.constant 0 : i32
    %dma_wait3A_320 = tpu.memref_slice %arg10[%dma_wait3A_318, %dma_wait3A_319] : memref<10112x16xf32, #tpu.memory_space<vmem_shared>> -> memref<10112x16xf32, #tpu.memory_space<vmem_shared>>
    tpu.wait_indirect_dma semaphore(%arg12 : memref<!tpu.dma_semaphore, #tpu.memory_space<semaphore_mem>>) src(%dma_wait3A_320 : memref<10112x16xf32, #tpu.memory_space<vmem_shared>>) dst(%dma_wait3A_314 : memref<128x16xf32, #tpu.memory_space<vmem>>)
    %dma_start3A_321 = arith.constant 0 : i32
    %dma_start3A_322 = arith.constant 72 : i32
    %dma_start3A_323 = arith.constant 0 : i32
    %dma_start3A_324 = arith.constant 0 : i32
    %dma_start3A_325 = tpu.memref_slice %arg9[%dma_start3A_321, %dma_start3A_323, %dma_start3A_324] : memref<6x128x16xf32, #tpu.memory_space<vmem>> -> memref<1x128x16xf32, #tpu.memory_space<vmem>>
    %dma_start3A_326 = tpu.memref_squeeze %dma_start3A_325 : memref<1x128x16xf32, #tpu.memory_space<vmem>> -> memref<128x16xf32, #tpu.memory_space<vmem>>
    %dma_start3A_327 = arith.constant 0 : i32
    %dma_start3A_328 = tpu.memref_slice %arg8[%dma_start3A_322, %dma_start3A_327] : memref<79x128xi32, #tpu.memory_space<vmem>> -> memref<1x128xi32, #tpu.memory_space<vmem>>
    %dma_start3A_329 = tpu.memref_squeeze %dma_start3A_328 : memref<1x128xi32, #tpu.memory_space<vmem>> -> memref<128xi32, #tpu.memory_space<vmem>>
    %dma_start3A_330 = arith.constant 0 : i32
    %dma_start3A_331 = arith.constant 0 : i32
    %dma_start3A_332 = tpu.memref_slice %arg11[%dma_start3A_330, %dma_start3A_331] : memref<10112x16xf32, #tpu.memory_space<vmem_shared>> -> memref<10112x16xf32, #tpu.memory_space<vmem_shared>>
    tpu.enqueue_indirect_dma source(%dma_start3A_326 : memref<128x16xf32, #tpu.memory_space<vmem>>) target(%dma_start3A_332 : memref<10112x16xf32, #tpu.memory_space<vmem_shared>>) offsets(%dma_start3A_329 : memref<128xi32, #tpu.memory_space<vmem>>) semaphore(%arg18 : memref<!tpu.dma_semaphore, #tpu.memory_space<semaphore_mem>>) {add = true}
    %dma_wait3A_333 = arith.constant 3 : i32
    %dma_wait3A_334 = arith.constant 69 : i32
    %dma_wait3A_335 = arith.constant 0 : i32
    %dma_wait3A_336 = arith.constant 0 : i32
    %dma_wait3A_337 = tpu.memref_slice %arg9[%dma_wait3A_333, %dma_wait3A_335, %dma_wait3A_336] : memref<6x128x16xf32, #tpu.memory_space<vmem>> -> memref<1x128x16xf32, #tpu.memory_space<vmem>>
    %dma_wait3A_338 = tpu.memref_squeeze %dma_wait3A_337 : memref<1x128x16xf32, #tpu.memory_space<vmem>> -> memref<128x16xf32, #tpu.memory_space<vmem>>
    %dma_wait3A_339 = arith.constant 0 : i32
    %dma_wait3A_340 = tpu.memref_slice %arg8[%dma_wait3A_334, %dma_wait3A_339] : memref<79x128xi32, #tpu.memory_space<vmem>> -> memref<1x128xi32, #tpu.memory_space<vmem>>
    %dma_wait3A_341 = tpu.memref_squeeze %dma_wait3A_340 : memref<1x128xi32, #tpu.memory_space<vmem>> -> memref<128xi32, #tpu.memory_space<vmem>>
    %dma_wait3A_342 = arith.constant 0 : i32
    %dma_wait3A_343 = arith.constant 0 : i32
    %dma_wait3A_344 = tpu.memref_slice %arg11[%dma_wait3A_342, %dma_wait3A_343] : memref<10112x16xf32, #tpu.memory_space<vmem_shared>> -> memref<10112x16xf32, #tpu.memory_space<vmem_shared>>
    tpu.wait_indirect_dma semaphore(%arg21 : memref<!tpu.dma_semaphore, #tpu.memory_space<semaphore_mem>>) src(%dma_wait3A_338 : memref<128x16xf32, #tpu.memory_space<vmem>>) dst(%dma_wait3A_344 : memref<10112x16xf32, #tpu.memory_space<vmem_shared>>)
    %dma_start3A_345 = arith.constant 75 : i32
    %dma_start3A_346 = arith.constant 3 : i32
    %dma_start3A_347 = arith.constant 0 : i32
    %dma_start3A_348 = arith.constant 0 : i32
    %dma_start3A_349 = tpu.memref_slice %arg9[%dma_start3A_346, %dma_start3A_347, %dma_start3A_348] : memref<6x128x16xf32, #tpu.memory_space<vmem>> -> memref<1x128x16xf32, #tpu.memory_space<vmem>>
    %dma_start3A_350 = tpu.memref_squeeze %dma_start3A_349 : memref<1x128x16xf32, #tpu.memory_space<vmem>> -> memref<128x16xf32, #tpu.memory_space<vmem>>
    %dma_start3A_351 = arith.constant 0 : i32
    %dma_start3A_352 = tpu.memref_slice %arg7[%dma_start3A_345, %dma_start3A_351] : memref<79x128xi32, #tpu.memory_space<vmem>> -> memref<1x128xi32, #tpu.memory_space<vmem>>
    %dma_start3A_353 = tpu.memref_squeeze %dma_start3A_352 : memref<1x128xi32, #tpu.memory_space<vmem>> -> memref<128xi32, #tpu.memory_space<vmem>>
    %dma_start3A_354 = arith.constant 0 : i32
    %dma_start3A_355 = arith.constant 0 : i32
    %dma_start3A_356 = tpu.memref_slice %arg10[%dma_start3A_354, %dma_start3A_355] : memref<10112x16xf32, #tpu.memory_space<vmem_shared>> -> memref<10112x16xf32, #tpu.memory_space<vmem_shared>>
    tpu.enqueue_indirect_dma source(%dma_start3A_356 : memref<10112x16xf32, #tpu.memory_space<vmem_shared>>) target(%dma_start3A_350 : memref<128x16xf32, #tpu.memory_space<vmem>>) offsets(%dma_start3A_353 : memref<128xi32, #tpu.memory_space<vmem>>) semaphore(%arg15 : memref<!tpu.dma_semaphore, #tpu.memory_space<semaphore_mem>>)
    %dma_wait3A_357 = arith.constant 73 : i32
    %dma_wait3A_358 = arith.constant 1 : i32
    %dma_wait3A_359 = arith.constant 0 : i32
    %dma_wait3A_360 = arith.constant 0 : i32
    %dma_wait3A_361 = tpu.memref_slice %arg9[%dma_wait3A_358, %dma_wait3A_359, %dma_wait3A_360] : memref<6x128x16xf32, #tpu.memory_space<vmem>> -> memref<1x128x16xf32, #tpu.memory_space<vmem>>
    %dma_wait3A_362 = tpu.memref_squeeze %dma_wait3A_361 : memref<1x128x16xf32, #tpu.memory_space<vmem>> -> memref<128x16xf32, #tpu.memory_space<vmem>>
    %dma_wait3A_363 = arith.constant 0 : i32
    %dma_wait3A_364 = tpu.memref_slice %arg7[%dma_wait3A_357, %dma_wait3A_363] : memref<79x128xi32, #tpu.memory_space<vmem>> -> memref<1x128xi32, #tpu.memory_space<vmem>>
    %dma_wait3A_365 = tpu.memref_squeeze %dma_wait3A_364 : memref<1x128xi32, #tpu.memory_space<vmem>> -> memref<128xi32, #tpu.memory_space<vmem>>
    %dma_wait3A_366 = arith.constant 0 : i32
    %dma_wait3A_367 = arith.constant 0 : i32
    %dma_wait3A_368 = tpu.memref_slice %arg10[%dma_wait3A_366, %dma_wait3A_367] : memref<10112x16xf32, #tpu.memory_space<vmem_shared>> -> memref<10112x16xf32, #tpu.memory_space<vmem_shared>>
    tpu.wait_indirect_dma semaphore(%arg13 : memref<!tpu.dma_semaphore, #tpu.memory_space<semaphore_mem>>) src(%dma_wait3A_368 : memref<10112x16xf32, #tpu.memory_space<vmem_shared>>) dst(%dma_wait3A_362 : memref<128x16xf32, #tpu.memory_space<vmem>>)
    %dma_start3A_369 = arith.constant 1 : i32
    %dma_start3A_370 = arith.constant 73 : i32
    %dma_start3A_371 = arith.constant 0 : i32
    %dma_start3A_372 = arith.constant 0 : i32
    %dma_start3A_373 = tpu.memref_slice %arg9[%dma_start3A_369, %dma_start3A_371, %dma_start3A_372] : memref<6x128x16xf32, #tpu.memory_space<vmem>> -> memref<1x128x16xf32, #tpu.memory_space<vmem>>
    %dma_start3A_374 = tpu.memref_squeeze %dma_start3A_373 : memref<1x128x16xf32, #tpu.memory_space<vmem>> -> memref<128x16xf32, #tpu.memory_space<vmem>>
    %dma_start3A_375 = arith.constant 0 : i32
    %dma_start3A_376 = tpu.memref_slice %arg8[%dma_start3A_370, %dma_start3A_375] : memref<79x128xi32, #tpu.memory_space<vmem>> -> memref<1x128xi32, #tpu.memory_space<vmem>>
    %dma_start3A_377 = tpu.memref_squeeze %dma_start3A_376 : memref<1x128xi32, #tpu.memory_space<vmem>> -> memref<128xi32, #tpu.memory_space<vmem>>
    %dma_start3A_378 = arith.constant 0 : i32
    %dma_start3A_379 = arith.constant 0 : i32
    %dma_start3A_380 = tpu.memref_slice %arg11[%dma_start3A_378, %dma_start3A_379] : memref<10112x16xf32, #tpu.memory_space<vmem_shared>> -> memref<10112x16xf32, #tpu.memory_space<vmem_shared>>
    tpu.enqueue_indirect_dma source(%dma_start3A_374 : memref<128x16xf32, #tpu.memory_space<vmem>>) target(%dma_start3A_380 : memref<10112x16xf32, #tpu.memory_space<vmem_shared>>) offsets(%dma_start3A_377 : memref<128xi32, #tpu.memory_space<vmem>>) semaphore(%arg19 : memref<!tpu.dma_semaphore, #tpu.memory_space<semaphore_mem>>) {add = true}
    %dma_wait3A_381 = arith.constant 4 : i32
    %dma_wait3A_382 = arith.constant 70 : i32
    %dma_wait3A_383 = arith.constant 0 : i32
    %dma_wait3A_384 = arith.constant 0 : i32
    %dma_wait3A_385 = tpu.memref_slice %arg9[%dma_wait3A_381, %dma_wait3A_383, %dma_wait3A_384] : memref<6x128x16xf32, #tpu.memory_space<vmem>> -> memref<1x128x16xf32, #tpu.memory_space<vmem>>
    %dma_wait3A_386 = tpu.memref_squeeze %dma_wait3A_385 : memref<1x128x16xf32, #tpu.memory_space<vmem>> -> memref<128x16xf32, #tpu.memory_space<vmem>>
    %dma_wait3A_387 = arith.constant 0 : i32
    %dma_wait3A_388 = tpu.memref_slice %arg8[%dma_wait3A_382, %dma_wait3A_387] : memref<79x128xi32, #tpu.memory_space<vmem>> -> memref<1x128xi32, #tpu.memory_space<vmem>>
    %dma_wait3A_389 = tpu.memref_squeeze %dma_wait3A_388 : memref<1x128xi32, #tpu.memory_space<vmem>> -> memref<128xi32, #tpu.memory_space<vmem>>
    %dma_wait3A_390 = arith.constant 0 : i32
    %dma_wait3A_391 = arith.constant 0 : i32
    %dma_wait3A_392 = tpu.memref_slice %arg11[%dma_wait3A_390, %dma_wait3A_391] : memref<10112x16xf32, #tpu.memory_space<vmem_shared>> -> memref<10112x16xf32, #tpu.memory_space<vmem_shared>>
    tpu.wait_indirect_dma semaphore(%arg22 : memref<!tpu.dma_semaphore, #tpu.memory_space<semaphore_mem>>) src(%dma_wait3A_386 : memref<128x16xf32, #tpu.memory_space<vmem>>) dst(%dma_wait3A_392 : memref<10112x16xf32, #tpu.memory_space<vmem_shared>>)
    %dma_start3A_393 = arith.constant 76 : i32
    %dma_start3A_394 = arith.constant 4 : i32
    %dma_start3A_395 = arith.constant 0 : i32
    %dma_start3A_396 = arith.constant 0 : i32
    %dma_start3A_397 = tpu.memref_slice %arg9[%dma_start3A_394, %dma_start3A_395, %dma_start3A_396] : memref<6x128x16xf32, #tpu.memory_space<vmem>> -> memref<1x128x16xf32, #tpu.memory_space<vmem>>
    %dma_start3A_398 = tpu.memref_squeeze %dma_start3A_397 : memref<1x128x16xf32, #tpu.memory_space<vmem>> -> memref<128x16xf32, #tpu.memory_space<vmem>>
    %dma_start3A_399 = arith.constant 0 : i32
    %dma_start3A_400 = tpu.memref_slice %arg7[%dma_start3A_393, %dma_start3A_399] : memref<79x128xi32, #tpu.memory_space<vmem>> -> memref<1x128xi32, #tpu.memory_space<vmem>>
    %dma_start3A_401 = tpu.memref_squeeze %dma_start3A_400 : memref<1x128xi32, #tpu.memory_space<vmem>> -> memref<128xi32, #tpu.memory_space<vmem>>
    %dma_start3A_402 = arith.constant 0 : i32
    %dma_start3A_403 = arith.constant 0 : i32
    %dma_start3A_404 = tpu.memref_slice %arg10[%dma_start3A_402, %dma_start3A_403] : memref<10112x16xf32, #tpu.memory_space<vmem_shared>> -> memref<10112x16xf32, #tpu.memory_space<vmem_shared>>
    tpu.enqueue_indirect_dma source(%dma_start3A_404 : memref<10112x16xf32, #tpu.memory_space<vmem_shared>>) target(%dma_start3A_398 : memref<128x16xf32, #tpu.memory_space<vmem>>) offsets(%dma_start3A_401 : memref<128xi32, #tpu.memory_space<vmem>>) semaphore(%arg16 : memref<!tpu.dma_semaphore, #tpu.memory_space<semaphore_mem>>)
    %dma_wait3A_405 = arith.constant 74 : i32
    %dma_wait3A_406 = arith.constant 2 : i32
    %dma_wait3A_407 = arith.constant 0 : i32
    %dma_wait3A_408 = arith.constant 0 : i32
    %dma_wait3A_409 = tpu.memref_slice %arg9[%dma_wait3A_406, %dma_wait3A_407, %dma_wait3A_408] : memref<6x128x16xf32, #tpu.memory_space<vmem>> -> memref<1x128x16xf32, #tpu.memory_space<vmem>>
    %dma_wait3A_410 = tpu.memref_squeeze %dma_wait3A_409 : memref<1x128x16xf32, #tpu.memory_space<vmem>> -> memref<128x16xf32, #tpu.memory_space<vmem>>
    %dma_wait3A_411 = arith.constant 0 : i32
    %dma_wait3A_412 = tpu.memref_slice %arg7[%dma_wait3A_405, %dma_wait3A_411] : memref<79x128xi32, #tpu.memory_space<vmem>> -> memref<1x128xi32, #tpu.memory_space<vmem>>
    %dma_wait3A_413 = tpu.memref_squeeze %dma_wait3A_412 : memref<1x128xi32, #tpu.memory_space<vmem>> -> memref<128xi32, #tpu.memory_space<vmem>>
    %dma_wait3A_414 = arith.constant 0 : i32
    %dma_wait3A_415 = arith.constant 0 : i32
    %dma_wait3A_416 = tpu.memref_slice %arg10[%dma_wait3A_414, %dma_wait3A_415] : memref<10112x16xf32, #tpu.memory_space<vmem_shared>> -> memref<10112x16xf32, #tpu.memory_space<vmem_shared>>
    tpu.wait_indirect_dma semaphore(%arg14 : memref<!tpu.dma_semaphore, #tpu.memory_space<semaphore_mem>>) src(%dma_wait3A_416 : memref<10112x16xf32, #tpu.memory_space<vmem_shared>>) dst(%dma_wait3A_410 : memref<128x16xf32, #tpu.memory_space<vmem>>)
    %dma_start3A_417 = arith.constant 2 : i32
    %dma_start3A_418 = arith.constant 74 : i32
    %dma_start3A_419 = arith.constant 0 : i32
    %dma_start3A_420 = arith.constant 0 : i32
    %dma_start3A_421 = tpu.memref_slice %arg9[%dma_start3A_417, %dma_start3A_419, %dma_start3A_420] : memref<6x128x16xf32, #tpu.memory_space<vmem>> -> memref<1x128x16xf32, #tpu.memory_space<vmem>>
    %dma_start3A_422 = tpu.memref_squeeze %dma_start3A_421 : memref<1x128x16xf32, #tpu.memory_space<vmem>> -> memref<128x16xf32, #tpu.memory_space<vmem>>
    %dma_start3A_423 = arith.constant 0 : i32
    %dma_start3A_424 = tpu.memref_slice %arg8[%dma_start3A_418, %dma_start3A_423] : memref<79x128xi32, #tpu.memory_space<vmem>> -> memref<1x128xi32, #tpu.memory_space<vmem>>
    %dma_start3A_425 = tpu.memref_squeeze %dma_start3A_424 : memref<1x128xi32, #tpu.memory_space<vmem>> -> memref<128xi32, #tpu.memory_space<vmem>>
    %dma_start3A_426 = arith.constant 0 : i32
    %dma_start3A_427 = arith.constant 0 : i32
    %dma_start3A_428 = tpu.memref_slice %arg11[%dma_start3A_426, %dma_start3A_427] : memref<10112x16xf32, #tpu.memory_space<vmem_shared>> -> memref<10112x16xf32, #tpu.memory_space<vmem_shared>>
    tpu.enqueue_indirect_dma source(%dma_start3A_422 : memref<128x16xf32, #tpu.memory_space<vmem>>) target(%dma_start3A_428 : memref<10112x16xf32, #tpu.memory_space<vmem_shared>>) offsets(%dma_start3A_425 : memref<128xi32, #tpu.memory_space<vmem>>) semaphore(%arg20 : memref<!tpu.dma_semaphore, #tpu.memory_space<semaphore_mem>>) {add = true}
    %dma_wait3A_429 = arith.constant 5 : i32
    %dma_wait3A_430 = arith.constant 71 : i32
    %dma_wait3A_431 = arith.constant 0 : i32
    %dma_wait3A_432 = arith.constant 0 : i32
    %dma_wait3A_433 = tpu.memref_slice %arg9[%dma_wait3A_429, %dma_wait3A_431, %dma_wait3A_432] : memref<6x128x16xf32, #tpu.memory_space<vmem>> -> memref<1x128x16xf32, #tpu.memory_space<vmem>>
    %dma_wait3A_434 = tpu.memref_squeeze %dma_wait3A_433 : memref<1x128x16xf32, #tpu.memory_space<vmem>> -> memref<128x16xf32, #tpu.memory_space<vmem>>
    %dma_wait3A_435 = arith.constant 0 : i32
    %dma_wait3A_436 = tpu.memref_slice %arg8[%dma_wait3A_430, %dma_wait3A_435] : memref<79x128xi32, #tpu.memory_space<vmem>> -> memref<1x128xi32, #tpu.memory_space<vmem>>
    %dma_wait3A_437 = tpu.memref_squeeze %dma_wait3A_436 : memref<1x128xi32, #tpu.memory_space<vmem>> -> memref<128xi32, #tpu.memory_space<vmem>>
    %dma_wait3A_438 = arith.constant 0 : i32
    %dma_wait3A_439 = arith.constant 0 : i32
    %dma_wait3A_440 = tpu.memref_slice %arg11[%dma_wait3A_438, %dma_wait3A_439] : memref<10112x16xf32, #tpu.memory_space<vmem_shared>> -> memref<10112x16xf32, #tpu.memory_space<vmem_shared>>
    tpu.wait_indirect_dma semaphore(%arg23 : memref<!tpu.dma_semaphore, #tpu.memory_space<semaphore_mem>>) src(%dma_wait3A_434 : memref<128x16xf32, #tpu.memory_space<vmem>>) dst(%dma_wait3A_440 : memref<10112x16xf32, #tpu.memory_space<vmem_shared>>)
    %dma_start3A_441 = arith.constant 77 : i32
    %dma_start3A_442 = arith.constant 5 : i32
    %dma_start3A_443 = arith.constant 0 : i32
    %dma_start3A_444 = arith.constant 0 : i32
    %dma_start3A_445 = tpu.memref_slice %arg9[%dma_start3A_442, %dma_start3A_443, %dma_start3A_444] : memref<6x128x16xf32, #tpu.memory_space<vmem>> -> memref<1x128x16xf32, #tpu.memory_space<vmem>>
    %dma_start3A_446 = tpu.memref_squeeze %dma_start3A_445 : memref<1x128x16xf32, #tpu.memory_space<vmem>> -> memref<128x16xf32, #tpu.memory_space<vmem>>
    %dma_start3A_447 = arith.constant 0 : i32
    %dma_start3A_448 = tpu.memref_slice %arg7[%dma_start3A_441, %dma_start3A_447] : memref<79x128xi32, #tpu.memory_space<vmem>> -> memref<1x128xi32, #tpu.memory_space<vmem>>
    %dma_start3A_449 = tpu.memref_squeeze %dma_start3A_448 : memref<1x128xi32, #tpu.memory_space<vmem>> -> memref<128xi32, #tpu.memory_space<vmem>>
    %dma_start3A_450 = arith.constant 0 : i32
    %dma_start3A_451 = arith.constant 0 : i32
    %dma_start3A_452 = tpu.memref_slice %arg10[%dma_start3A_450, %dma_start3A_451] : memref<10112x16xf32, #tpu.memory_space<vmem_shared>> -> memref<10112x16xf32, #tpu.memory_space<vmem_shared>>
    tpu.enqueue_indirect_dma source(%dma_start3A_452 : memref<10112x16xf32, #tpu.memory_space<vmem_shared>>) target(%dma_start3A_446 : memref<128x16xf32, #tpu.memory_space<vmem>>) offsets(%dma_start3A_449 : memref<128xi32, #tpu.memory_space<vmem>>) semaphore(%arg17 : memref<!tpu.dma_semaphore, #tpu.memory_space<semaphore_mem>>)
    %dma_wait3A_453 = arith.constant 75 : i32
    %dma_wait3A_454 = arith.constant 3 : i32
    %dma_wait3A_455 = arith.constant 0 : i32
    %dma_wait3A_456 = arith.constant 0 : i32
    %dma_wait3A_457 = tpu.memref_slice %arg9[%dma_wait3A_454, %dma_wait3A_455, %dma_wait3A_456] : memref<6x128x16xf32, #tpu.memory_space<vmem>> -> memref<1x128x16xf32, #tpu.memory_space<vmem>>
    %dma_wait3A_458 = tpu.memref_squeeze %dma_wait3A_457 : memref<1x128x16xf32, #tpu.memory_space<vmem>> -> memref<128x16xf32, #tpu.memory_space<vmem>>
    %dma_wait3A_459 = arith.constant 0 : i32
    %dma_wait3A_460 = tpu.memref_slice %arg7[%dma_wait3A_453, %dma_wait3A_459] : memref<79x128xi32, #tpu.memory_space<vmem>> -> memref<1x128xi32, #tpu.memory_space<vmem>>
    %dma_wait3A_461 = tpu.memref_squeeze %dma_wait3A_460 : memref<1x128xi32, #tpu.memory_space<vmem>> -> memref<128xi32, #tpu.memory_space<vmem>>
    %dma_wait3A_462 = arith.constant 0 : i32
    %dma_wait3A_463 = arith.constant 0 : i32
    %dma_wait3A_464 = tpu.memref_slice %arg10[%dma_wait3A_462, %dma_wait3A_463] : memref<10112x16xf32, #tpu.memory_space<vmem_shared>> -> memref<10112x16xf32, #tpu.memory_space<vmem_shared>>
    tpu.wait_indirect_dma semaphore(%arg15 : memref<!tpu.dma_semaphore, #tpu.memory_space<semaphore_mem>>) src(%dma_wait3A_464 : memref<10112x16xf32, #tpu.memory_space<vmem_shared>>) dst(%dma_wait3A_458 : memref<128x16xf32, #tpu.memory_space<vmem>>)
    %dma_start3A_465 = arith.constant 3 : i32
    %dma_start3A_466 = arith.constant 75 : i32
    %dma_start3A_467 = arith.constant 0 : i32
    %dma_start3A_468 = arith.constant 0 : i32
    %dma_start3A_469 = tpu.memref_slice %arg9[%dma_start3A_465, %dma_start3A_467, %dma_start3A_468] : memref<6x128x16xf32, #tpu.memory_space<vmem>> -> memref<1x128x16xf32, #tpu.memory_space<vmem>>
    %dma_start3A_470 = tpu.memref_squeeze %dma_start3A_469 : memref<1x128x16xf32, #tpu.memory_space<vmem>> -> memref<128x16xf32, #tpu.memory_space<vmem>>
    %dma_start3A_471 = arith.constant 0 : i32
    %dma_start3A_472 = tpu.memref_slice %arg8[%dma_start3A_466, %dma_start3A_471] : memref<79x128xi32, #tpu.memory_space<vmem>> -> memref<1x128xi32, #tpu.memory_space<vmem>>
    %dma_start3A_473 = tpu.memref_squeeze %dma_start3A_472 : memref<1x128xi32, #tpu.memory_space<vmem>> -> memref<128xi32, #tpu.memory_space<vmem>>
    %dma_start3A_474 = arith.constant 0 : i32
    %dma_start3A_475 = arith.constant 0 : i32
    %dma_start3A_476 = tpu.memref_slice %arg11[%dma_start3A_474, %dma_start3A_475] : memref<10112x16xf32, #tpu.memory_space<vmem_shared>> -> memref<10112x16xf32, #tpu.memory_space<vmem_shared>>
    tpu.enqueue_indirect_dma source(%dma_start3A_470 : memref<128x16xf32, #tpu.memory_space<vmem>>) target(%dma_start3A_476 : memref<10112x16xf32, #tpu.memory_space<vmem_shared>>) offsets(%dma_start3A_473 : memref<128xi32, #tpu.memory_space<vmem>>) semaphore(%arg21 : memref<!tpu.dma_semaphore, #tpu.memory_space<semaphore_mem>>) {add = true}
    %dma_wait3A_477 = arith.constant 0 : i32
    %dma_wait3A_478 = arith.constant 72 : i32
    %dma_wait3A_479 = arith.constant 0 : i32
    %dma_wait3A_480 = arith.constant 0 : i32
    %dma_wait3A_481 = tpu.memref_slice %arg9[%dma_wait3A_477, %dma_wait3A_479, %dma_wait3A_480] : memref<6x128x16xf32, #tpu.memory_space<vmem>> -> memref<1x128x16xf32, #tpu.memory_space<vmem>>
    %dma_wait3A_482 = tpu.memref_squeeze %dma_wait3A_481 : memref<1x128x16xf32, #tpu.memory_space<vmem>> -> memref<128x16xf32, #tpu.memory_space<vmem>>
    %dma_wait3A_483 = arith.constant 0 : i32
    %dma_wait3A_484 = tpu.memref_slice %arg8[%dma_wait3A_478, %dma_wait3A_483] : memref<79x128xi32, #tpu.memory_space<vmem>> -> memref<1x128xi32, #tpu.memory_space<vmem>>
    %dma_wait3A_485 = tpu.memref_squeeze %dma_wait3A_484 : memref<1x128xi32, #tpu.memory_space<vmem>> -> memref<128xi32, #tpu.memory_space<vmem>>
    %dma_wait3A_486 = arith.constant 0 : i32
    %dma_wait3A_487 = arith.constant 0 : i32
    %dma_wait3A_488 = tpu.memref_slice %arg11[%dma_wait3A_486, %dma_wait3A_487] : memref<10112x16xf32, #tpu.memory_space<vmem_shared>> -> memref<10112x16xf32, #tpu.memory_space<vmem_shared>>
    tpu.wait_indirect_dma semaphore(%arg18 : memref<!tpu.dma_semaphore, #tpu.memory_space<semaphore_mem>>) src(%dma_wait3A_482 : memref<128x16xf32, #tpu.memory_space<vmem>>) dst(%dma_wait3A_488 : memref<10112x16xf32, #tpu.memory_space<vmem_shared>>)
    %dma_wait3A_489 = arith.constant 76 : i32
    %dma_wait3A_490 = arith.constant 4 : i32
    %dma_wait3A_491 = arith.constant 0 : i32
    %dma_wait3A_492 = arith.constant 0 : i32
    %dma_wait3A_493 = tpu.memref_slice %arg9[%dma_wait3A_490, %dma_wait3A_491, %dma_wait3A_492] : memref<6x128x16xf32, #tpu.memory_space<vmem>> -> memref<1x128x16xf32, #tpu.memory_space<vmem>>
    %dma_wait3A_494 = tpu.memref_squeeze %dma_wait3A_493 : memref<1x128x16xf32, #tpu.memory_space<vmem>> -> memref<128x16xf32, #tpu.memory_space<vmem>>
    %dma_wait3A_495 = arith.constant 0 : i32
    %dma_wait3A_496 = tpu.memref_slice %arg7[%dma_wait3A_489, %dma_wait3A_495] : memref<79x128xi32, #tpu.memory_space<vmem>> -> memref<1x128xi32, #tpu.memory_space<vmem>>
    %dma_wait3A_497 = tpu.memref_squeeze %dma_wait3A_496 : memref<1x128xi32, #tpu.memory_space<vmem>> -> memref<128xi32, #tpu.memory_space<vmem>>
    %dma_wait3A_498 = arith.constant 0 : i32
    %dma_wait3A_499 = arith.constant 0 : i32
    %dma_wait3A_500 = tpu.memref_slice %arg10[%dma_wait3A_498, %dma_wait3A_499] : memref<10112x16xf32, #tpu.memory_space<vmem_shared>> -> memref<10112x16xf32, #tpu.memory_space<vmem_shared>>
    tpu.wait_indirect_dma semaphore(%arg16 : memref<!tpu.dma_semaphore, #tpu.memory_space<semaphore_mem>>) src(%dma_wait3A_500 : memref<10112x16xf32, #tpu.memory_space<vmem_shared>>) dst(%dma_wait3A_494 : memref<128x16xf32, #tpu.memory_space<vmem>>)
    %dma_start3A_501 = arith.constant 4 : i32
    %dma_start3A_502 = arith.constant 76 : i32
    %dma_start3A_503 = arith.constant 0 : i32
    %dma_start3A_504 = arith.constant 0 : i32
    %dma_start3A_505 = tpu.memref_slice %arg9[%dma_start3A_501, %dma_start3A_503, %dma_start3A_504] : memref<6x128x16xf32, #tpu.memory_space<vmem>> -> memref<1x128x16xf32, #tpu.memory_space<vmem>>
    %dma_start3A_506 = tpu.memref_squeeze %dma_start3A_505 : memref<1x128x16xf32, #tpu.memory_space<vmem>> -> memref<128x16xf32, #tpu.memory_space<vmem>>
    %dma_start3A_507 = arith.constant 0 : i32
    %dma_start3A_508 = tpu.memref_slice %arg8[%dma_start3A_502, %dma_start3A_507] : memref<79x128xi32, #tpu.memory_space<vmem>> -> memref<1x128xi32, #tpu.memory_space<vmem>>
    %dma_start3A_509 = tpu.memref_squeeze %dma_start3A_508 : memref<1x128xi32, #tpu.memory_space<vmem>> -> memref<128xi32, #tpu.memory_space<vmem>>
    %dma_start3A_510 = arith.constant 0 : i32
    %dma_start3A_511 = arith.constant 0 : i32
    %dma_start3A_512 = tpu.memref_slice %arg11[%dma_start3A_510, %dma_start3A_511] : memref<10112x16xf32, #tpu.memory_space<vmem_shared>> -> memref<10112x16xf32, #tpu.memory_space<vmem_shared>>
    tpu.enqueue_indirect_dma source(%dma_start3A_506 : memref<128x16xf32, #tpu.memory_space<vmem>>) target(%dma_start3A_512 : memref<10112x16xf32, #tpu.memory_space<vmem_shared>>) offsets(%dma_start3A_509 : memref<128xi32, #tpu.memory_space<vmem>>) semaphore(%arg22 : memref<!tpu.dma_semaphore, #tpu.memory_space<semaphore_mem>>) {add = true}
    %dma_wait3A_513 = arith.constant 1 : i32
    %dma_wait3A_514 = arith.constant 73 : i32
    %dma_wait3A_515 = arith.constant 0 : i32
    %dma_wait3A_516 = arith.constant 0 : i32
    %dma_wait3A_517 = tpu.memref_slice %arg9[%dma_wait3A_513, %dma_wait3A_515, %dma_wait3A_516] : memref<6x128x16xf32, #tpu.memory_space<vmem>> -> memref<1x128x16xf32, #tpu.memory_space<vmem>>
    %dma_wait3A_518 = tpu.memref_squeeze %dma_wait3A_517 : memref<1x128x16xf32, #tpu.memory_space<vmem>> -> memref<128x16xf32, #tpu.memory_space<vmem>>
    %dma_wait3A_519 = arith.constant 0 : i32
    %dma_wait3A_520 = tpu.memref_slice %arg8[%dma_wait3A_514, %dma_wait3A_519] : memref<79x128xi32, #tpu.memory_space<vmem>> -> memref<1x128xi32, #tpu.memory_space<vmem>>
    %dma_wait3A_521 = tpu.memref_squeeze %dma_wait3A_520 : memref<1x128xi32, #tpu.memory_space<vmem>> -> memref<128xi32, #tpu.memory_space<vmem>>
    %dma_wait3A_522 = arith.constant 0 : i32
    %dma_wait3A_523 = arith.constant 0 : i32
    %dma_wait3A_524 = tpu.memref_slice %arg11[%dma_wait3A_522, %dma_wait3A_523] : memref<10112x16xf32, #tpu.memory_space<vmem_shared>> -> memref<10112x16xf32, #tpu.memory_space<vmem_shared>>
    tpu.wait_indirect_dma semaphore(%arg19 : memref<!tpu.dma_semaphore, #tpu.memory_space<semaphore_mem>>) src(%dma_wait3A_518 : memref<128x16xf32, #tpu.memory_space<vmem>>) dst(%dma_wait3A_524 : memref<10112x16xf32, #tpu.memory_space<vmem_shared>>)
    %dma_wait3A_525 = arith.constant 77 : i32
    %dma_wait3A_526 = arith.constant 5 : i32
    %dma_wait3A_527 = arith.constant 0 : i32
    %dma_wait3A_528 = arith.constant 0 : i32
    %dma_wait3A_529 = tpu.memref_slice %arg9[%dma_wait3A_526, %dma_wait3A_527, %dma_wait3A_528] : memref<6x128x16xf32, #tpu.memory_space<vmem>> -> memref<1x128x16xf32, #tpu.memory_space<vmem>>
    %dma_wait3A_530 = tpu.memref_squeeze %dma_wait3A_529 : memref<1x128x16xf32, #tpu.memory_space<vmem>> -> memref<128x16xf32, #tpu.memory_space<vmem>>
    %dma_wait3A_531 = arith.constant 0 : i32
    %dma_wait3A_532 = tpu.memref_slice %arg7[%dma_wait3A_525, %dma_wait3A_531] : memref<79x128xi32, #tpu.memory_space<vmem>> -> memref<1x128xi32, #tpu.memory_space<vmem>>
    %dma_wait3A_533 = tpu.memref_squeeze %dma_wait3A_532 : memref<1x128xi32, #tpu.memory_space<vmem>> -> memref<128xi32, #tpu.memory_space<vmem>>
    %dma_wait3A_534 = arith.constant 0 : i32
    %dma_wait3A_535 = arith.constant 0 : i32
    %dma_wait3A_536 = tpu.memref_slice %arg10[%dma_wait3A_534, %dma_wait3A_535] : memref<10112x16xf32, #tpu.memory_space<vmem_shared>> -> memref<10112x16xf32, #tpu.memory_space<vmem_shared>>
    tpu.wait_indirect_dma semaphore(%arg17 : memref<!tpu.dma_semaphore, #tpu.memory_space<semaphore_mem>>) src(%dma_wait3A_536 : memref<10112x16xf32, #tpu.memory_space<vmem_shared>>) dst(%dma_wait3A_530 : memref<128x16xf32, #tpu.memory_space<vmem>>)
    %dma_start3A_537 = arith.constant 5 : i32
    %dma_start3A_538 = arith.constant 77 : i32
    %dma_start3A_539 = arith.constant 0 : i32
    %dma_start3A_540 = arith.constant 0 : i32
    %dma_start3A_541 = tpu.memref_slice %arg9[%dma_start3A_537, %dma_start3A_539, %dma_start3A_540] : memref<6x128x16xf32, #tpu.memory_space<vmem>> -> memref<1x128x16xf32, #tpu.memory_space<vmem>>
    %dma_start3A_542 = tpu.memref_squeeze %dma_start3A_541 : memref<1x128x16xf32, #tpu.memory_space<vmem>> -> memref<128x16xf32, #tpu.memory_space<vmem>>
    %dma_start3A_543 = arith.constant 0 : i32
    %dma_start3A_544 = tpu.memref_slice %arg8[%dma_start3A_538, %dma_start3A_543] : memref<79x128xi32, #tpu.memory_space<vmem>> -> memref<1x128xi32, #tpu.memory_space<vmem>>
    %dma_start3A_545 = tpu.memref_squeeze %dma_start3A_544 : memref<1x128xi32, #tpu.memory_space<vmem>> -> memref<128xi32, #tpu.memory_space<vmem>>
    %dma_start3A_546 = arith.constant 0 : i32
    %dma_start3A_547 = arith.constant 0 : i32
    %dma_start3A_548 = tpu.memref_slice %arg11[%dma_start3A_546, %dma_start3A_547] : memref<10112x16xf32, #tpu.memory_space<vmem_shared>> -> memref<10112x16xf32, #tpu.memory_space<vmem_shared>>
    tpu.enqueue_indirect_dma source(%dma_start3A_542 : memref<128x16xf32, #tpu.memory_space<vmem>>) target(%dma_start3A_548 : memref<10112x16xf32, #tpu.memory_space<vmem_shared>>) offsets(%dma_start3A_545 : memref<128xi32, #tpu.memory_space<vmem>>) semaphore(%arg23 : memref<!tpu.dma_semaphore, #tpu.memory_space<semaphore_mem>>) {add = true}
    %dma_wait3A_549 = arith.constant 2 : i32
    %dma_wait3A_550 = arith.constant 74 : i32
    %dma_wait3A_551 = arith.constant 0 : i32
    %dma_wait3A_552 = arith.constant 0 : i32
    %dma_wait3A_553 = tpu.memref_slice %arg9[%dma_wait3A_549, %dma_wait3A_551, %dma_wait3A_552] : memref<6x128x16xf32, #tpu.memory_space<vmem>> -> memref<1x128x16xf32, #tpu.memory_space<vmem>>
    %dma_wait3A_554 = tpu.memref_squeeze %dma_wait3A_553 : memref<1x128x16xf32, #tpu.memory_space<vmem>> -> memref<128x16xf32, #tpu.memory_space<vmem>>
    %dma_wait3A_555 = arith.constant 0 : i32
    %dma_wait3A_556 = tpu.memref_slice %arg8[%dma_wait3A_550, %dma_wait3A_555] : memref<79x128xi32, #tpu.memory_space<vmem>> -> memref<1x128xi32, #tpu.memory_space<vmem>>
    %dma_wait3A_557 = tpu.memref_squeeze %dma_wait3A_556 : memref<1x128xi32, #tpu.memory_space<vmem>> -> memref<128xi32, #tpu.memory_space<vmem>>
    %dma_wait3A_558 = arith.constant 0 : i32
    %dma_wait3A_559 = arith.constant 0 : i32
    %dma_wait3A_560 = tpu.memref_slice %arg11[%dma_wait3A_558, %dma_wait3A_559] : memref<10112x16xf32, #tpu.memory_space<vmem_shared>> -> memref<10112x16xf32, #tpu.memory_space<vmem_shared>>
    tpu.wait_indirect_dma semaphore(%arg20 : memref<!tpu.dma_semaphore, #tpu.memory_space<semaphore_mem>>) src(%dma_wait3A_554 : memref<128x16xf32, #tpu.memory_space<vmem>>) dst(%dma_wait3A_560 : memref<10112x16xf32, #tpu.memory_space<vmem_shared>>)
    %dma_wait3A_561 = arith.constant 3 : i32
    %dma_wait3A_562 = arith.constant 75 : i32
    %dma_wait3A_563 = arith.constant 0 : i32
    %dma_wait3A_564 = arith.constant 0 : i32
    %dma_wait3A_565 = tpu.memref_slice %arg9[%dma_wait3A_561, %dma_wait3A_563, %dma_wait3A_564] : memref<6x128x16xf32, #tpu.memory_space<vmem>> -> memref<1x128x16xf32, #tpu.memory_space<vmem>>
    %dma_wait3A_566 = tpu.memref_squeeze %dma_wait3A_565 : memref<1x128x16xf32, #tpu.memory_space<vmem>> -> memref<128x16xf32, #tpu.memory_space<vmem>>
    %dma_wait3A_567 = arith.constant 0 : i32
    %dma_wait3A_568 = tpu.memref_slice %arg8[%dma_wait3A_562, %dma_wait3A_567] : memref<79x128xi32, #tpu.memory_space<vmem>> -> memref<1x128xi32, #tpu.memory_space<vmem>>
    %dma_wait3A_569 = tpu.memref_squeeze %dma_wait3A_568 : memref<1x128xi32, #tpu.memory_space<vmem>> -> memref<128xi32, #tpu.memory_space<vmem>>
    %dma_wait3A_570 = arith.constant 0 : i32
    %dma_wait3A_571 = arith.constant 0 : i32
    %dma_wait3A_572 = tpu.memref_slice %arg11[%dma_wait3A_570, %dma_wait3A_571] : memref<10112x16xf32, #tpu.memory_space<vmem_shared>> -> memref<10112x16xf32, #tpu.memory_space<vmem_shared>>
    tpu.wait_indirect_dma semaphore(%arg21 : memref<!tpu.dma_semaphore, #tpu.memory_space<semaphore_mem>>) src(%dma_wait3A_566 : memref<128x16xf32, #tpu.memory_space<vmem>>) dst(%dma_wait3A_572 : memref<10112x16xf32, #tpu.memory_space<vmem_shared>>)
    %dma_wait3A_573 = arith.constant 4 : i32
    %dma_wait3A_574 = arith.constant 76 : i32
    %dma_wait3A_575 = arith.constant 0 : i32
    %dma_wait3A_576 = arith.constant 0 : i32
    %dma_wait3A_577 = tpu.memref_slice %arg9[%dma_wait3A_573, %dma_wait3A_575, %dma_wait3A_576] : memref<6x128x16xf32, #tpu.memory_space<vmem>> -> memref<1x128x16xf32, #tpu.memory_space<vmem>>
    %dma_wait3A_578 = tpu.memref_squeeze %dma_wait3A_577 : memref<1x128x16xf32, #tpu.memory_space<vmem>> -> memref<128x16xf32, #tpu.memory_space<vmem>>
    %dma_wait3A_579 = arith.constant 0 : i32
    %dma_wait3A_580 = tpu.memref_slice %arg8[%dma_wait3A_574, %dma_wait3A_579] : memref<79x128xi32, #tpu.memory_space<vmem>> -> memref<1x128xi32, #tpu.memory_space<vmem>>
    %dma_wait3A_581 = tpu.memref_squeeze %dma_wait3A_580 : memref<1x128xi32, #tpu.memory_space<vmem>> -> memref<128xi32, #tpu.memory_space<vmem>>
    %dma_wait3A_582 = arith.constant 0 : i32
    %dma_wait3A_583 = arith.constant 0 : i32
    %dma_wait3A_584 = tpu.memref_slice %arg11[%dma_wait3A_582, %dma_wait3A_583] : memref<10112x16xf32, #tpu.memory_space<vmem_shared>> -> memref<10112x16xf32, #tpu.memory_space<vmem_shared>>
    tpu.wait_indirect_dma semaphore(%arg22 : memref<!tpu.dma_semaphore, #tpu.memory_space<semaphore_mem>>) src(%dma_wait3A_578 : memref<128x16xf32, #tpu.memory_space<vmem>>) dst(%dma_wait3A_584 : memref<10112x16xf32, #tpu.memory_space<vmem_shared>>)
    %dma_wait3A_585 = arith.constant 5 : i32
    %dma_wait3A_586 = arith.constant 77 : i32
    %dma_wait3A_587 = arith.constant 0 : i32
    %dma_wait3A_588 = arith.constant 0 : i32
    %dma_wait3A_589 = tpu.memref_slice %arg9[%dma_wait3A_585, %dma_wait3A_587, %dma_wait3A_588] : memref<6x128x16xf32, #tpu.memory_space<vmem>> -> memref<1x128x16xf32, #tpu.memory_space<vmem>>
    %dma_wait3A_590 = tpu.memref_squeeze %dma_wait3A_589 : memref<1x128x16xf32, #tpu.memory_space<vmem>> -> memref<128x16xf32, #tpu.memory_space<vmem>>
    %dma_wait3A_591 = arith.constant 0 : i32
    %dma_wait3A_592 = tpu.memref_slice %arg8[%dma_wait3A_586, %dma_wait3A_591] : memref<79x128xi32, #tpu.memory_space<vmem>> -> memref<1x128xi32, #tpu.memory_space<vmem>>
    %dma_wait3A_593 = tpu.memref_squeeze %dma_wait3A_592 : memref<1x128xi32, #tpu.memory_space<vmem>> -> memref<128xi32, #tpu.memory_space<vmem>>
    %dma_wait3A_594 = arith.constant 0 : i32
    %dma_wait3A_595 = arith.constant 0 : i32
    %dma_wait3A_596 = tpu.memref_slice %arg11[%dma_wait3A_594, %dma_wait3A_595] : memref<10112x16xf32, #tpu.memory_space<vmem_shared>> -> memref<10112x16xf32, #tpu.memory_space<vmem_shared>>
    tpu.wait_indirect_dma semaphore(%arg23 : memref<!tpu.dma_semaphore, #tpu.memory_space<semaphore_mem>>) src(%dma_wait3A_590 : memref<128x16xf32, #tpu.memory_space<vmem>>) dst(%dma_wait3A_596 : memref<10112x16xf32, #tpu.memory_space<vmem_shared>>)
    %lt3A_597 = arith.constant 4 : i32
    %lt3A_598 = arith.cmpi slt, %add3A, %lt3A_597 : i32
    %convert_element_type3A_599 = arith.extui %lt3A_598 : i1 to i32
    %cond3A_600 = arith.constant 0 : i32
    %cond3A_601 = arith.cmpi ne, %convert_element_type3A_599, %cond3A_600 : i32
    scf.if %cond3A_601 {
      %run_scoped3A = arith.constant 78 : i32
      %run_scoped3A_603 = arith.constant 0 : i32
      "tpu.region"() ({
        %run_scoped3A_606 = tpu.sem_alloc : memref<!tpu.dma_semaphore, #tpu.memory_space<semaphore_mem>>
        %dma_start3A_607 = arith.constant 0 : i32
        %dma_start3A_608 = arith.constant 0 : i32
        %dma_start3A_609 = tpu.memref_slice %arg9[%run_scoped3A_603, %dma_start3A_607, %dma_start3A_608] : memref<6x128x16xf32, #tpu.memory_space<vmem>> -> memref<1x128x16xf32, #tpu.memory_space<vmem>>
        %dma_start3A_610 = tpu.memref_squeeze %dma_start3A_609 : memref<1x128x16xf32, #tpu.memory_space<vmem>> -> memref<128x16xf32, #tpu.memory_space<vmem>>
        %dma_start3A_611 = arith.constant 0 : i32
        %dma_start3A_612 = tpu.memref_slice %arg7[%run_scoped3A, %dma_start3A_611] : memref<79x128xi32, #tpu.memory_space<vmem>> -> memref<1x128xi32, #tpu.memory_space<vmem>>
        %dma_start3A_613 = tpu.memref_squeeze %dma_start3A_612 : memref<1x128xi32, #tpu.memory_space<vmem>> -> memref<128xi32, #tpu.memory_space<vmem>>
        %dma_start3A_614 = arith.constant 0 : i32
        %dma_start3A_615 = arith.constant 0 : i32
        %dma_start3A_616 = tpu.memref_slice %arg10[%dma_start3A_614, %dma_start3A_615] : memref<10112x16xf32, #tpu.memory_space<vmem_shared>> -> memref<10112x16xf32, #tpu.memory_space<vmem_shared>>
        tpu.enqueue_indirect_dma source(%dma_start3A_616 : memref<10112x16xf32, #tpu.memory_space<vmem_shared>>) target(%dma_start3A_610 : memref<128x16xf32, #tpu.memory_space<vmem>>) offsets(%dma_start3A_613 : memref<128xi32, #tpu.memory_space<vmem>>) semaphore(%run_scoped3A_606 : memref<!tpu.dma_semaphore, #tpu.memory_space<semaphore_mem>>)
        %dma_wait3A_617 = arith.constant 0 : i32
        %dma_wait3A_618 = arith.constant 0 : i32
        %dma_wait3A_619 = tpu.memref_slice %arg9[%run_scoped3A_603, %dma_wait3A_617, %dma_wait3A_618] : memref<6x128x16xf32, #tpu.memory_space<vmem>> -> memref<1x128x16xf32, #tpu.memory_space<vmem>>
        %dma_wait3A_620 = tpu.memref_squeeze %dma_wait3A_619 : memref<1x128x16xf32, #tpu.memory_space<vmem>> -> memref<128x16xf32, #tpu.memory_space<vmem>>
        %dma_wait3A_621 = arith.constant 0 : i32
        %dma_wait3A_622 = tpu.memref_slice %arg7[%run_scoped3A, %dma_wait3A_621] : memref<79x128xi32, #tpu.memory_space<vmem>> -> memref<1x128xi32, #tpu.memory_space<vmem>>
        %dma_wait3A_623 = tpu.memref_squeeze %dma_wait3A_622 : memref<1x128xi32, #tpu.memory_space<vmem>> -> memref<128xi32, #tpu.memory_space<vmem>>
        %dma_wait3A_624 = arith.constant 0 : i32
        %dma_wait3A_625 = arith.constant 0 : i32
        %dma_wait3A_626 = tpu.memref_slice %arg10[%dma_wait3A_624, %dma_wait3A_625] : memref<10112x16xf32, #tpu.memory_space<vmem_shared>> -> memref<10112x16xf32, #tpu.memory_space<vmem_shared>>
        tpu.wait_indirect_dma semaphore(%run_scoped3A_606 : memref<!tpu.dma_semaphore, #tpu.memory_space<semaphore_mem>>) src(%dma_wait3A_626 : memref<10112x16xf32, #tpu.memory_space<vmem_shared>>) dst(%dma_wait3A_620 : memref<128x16xf32, #tpu.memory_space<vmem>>)
        tpu.yield
      }) : () -> ()
      %run_scoped3A_604 = arith.constant 0 : i32
      %run_scoped3A_605 = arith.constant 78 : i32
      "tpu.region"() ({
        %run_scoped3A_606 = tpu.sem_alloc : memref<!tpu.dma_semaphore, #tpu.memory_space<semaphore_mem>>
        %dma_start3A_607 = arith.constant 0 : i32
        %dma_start3A_608 = arith.constant 0 : i32
        %dma_start3A_609 = tpu.memref_slice %arg9[%run_scoped3A_604, %dma_start3A_607, %dma_start3A_608] : memref<6x128x16xf32, #tpu.memory_space<vmem>> -> memref<1x128x16xf32, #tpu.memory_space<vmem>>
        %dma_start3A_610 = tpu.memref_squeeze %dma_start3A_609 : memref<1x128x16xf32, #tpu.memory_space<vmem>> -> memref<128x16xf32, #tpu.memory_space<vmem>>
        %dma_start3A_611 = arith.constant 0 : i32
        %dma_start3A_612 = tpu.memref_slice %arg8[%run_scoped3A_605, %dma_start3A_611] : memref<79x128xi32, #tpu.memory_space<vmem>> -> memref<1x128xi32, #tpu.memory_space<vmem>>
        %dma_start3A_613 = tpu.memref_squeeze %dma_start3A_612 : memref<1x128xi32, #tpu.memory_space<vmem>> -> memref<128xi32, #tpu.memory_space<vmem>>
        %dma_start3A_614 = arith.constant 0 : i32
        %dma_start3A_615 = arith.constant 0 : i32
        %dma_start3A_616 = tpu.memref_slice %arg11[%dma_start3A_614, %dma_start3A_615] : memref<10112x16xf32, #tpu.memory_space<vmem_shared>> -> memref<10112x16xf32, #tpu.memory_space<vmem_shared>>
        tpu.enqueue_indirect_dma source(%dma_start3A_610 : memref<128x16xf32, #tpu.memory_space<vmem>>) target(%dma_start3A_616 : memref<10112x16xf32, #tpu.memory_space<vmem_shared>>) offsets(%dma_start3A_613 : memref<128xi32, #tpu.memory_space<vmem>>) semaphore(%run_scoped3A_606 : memref<!tpu.dma_semaphore, #tpu.memory_space<semaphore_mem>>) {add = true}
        %dma_wait3A_617 = arith.constant 0 : i32
        %dma_wait3A_618 = arith.constant 0 : i32
        %dma_wait3A_619 = tpu.memref_slice %arg9[%run_scoped3A_604, %dma_wait3A_617, %dma_wait3A_618] : memref<6x128x16xf32, #tpu.memory_space<vmem>> -> memref<1x128x16xf32, #tpu.memory_space<vmem>>
        %dma_wait3A_620 = tpu.memref_squeeze %dma_wait3A_619 : memref<1x128x16xf32, #tpu.memory_space<vmem>> -> memref<128x16xf32, #tpu.memory_space<vmem>>
        %dma_wait3A_621 = arith.constant 0 : i32
        %dma_wait3A_622 = tpu.memref_slice %arg8[%run_scoped3A_605, %dma_wait3A_621] : memref<79x128xi32, #tpu.memory_space<vmem>> -> memref<1x128xi32, #tpu.memory_space<vmem>>
        %dma_wait3A_623 = tpu.memref_squeeze %dma_wait3A_622 : memref<1x128xi32, #tpu.memory_space<vmem>> -> memref<128xi32, #tpu.memory_space<vmem>>
        %dma_wait3A_624 = arith.constant 0 : i32
        %dma_wait3A_625 = arith.constant 0 : i32
        %dma_wait3A_626 = tpu.memref_slice %arg11[%dma_wait3A_624, %dma_wait3A_625] : memref<10112x16xf32, #tpu.memory_space<vmem_shared>> -> memref<10112x16xf32, #tpu.memory_space<vmem_shared>>
        tpu.wait_indirect_dma semaphore(%run_scoped3A_606 : memref<!tpu.dma_semaphore, #tpu.memory_space<semaphore_mem>>) src(%dma_wait3A_620 : memref<128x16xf32, #tpu.memory_space<vmem>>) dst(%dma_wait3A_626 : memref<10112x16xf32, #tpu.memory_space<vmem_shared>>)
        tpu.yield
      }) : () -> ()
    } else {
    }
    %barrier3A_602 = arith.constant 0 : index
    tpu.barrier barrier_id(%barrier3A_602)
    "tpu.region"() ({
      %run_scoped3A = tpu.sem_alloc : memref<!tpu.dma_semaphore, #tpu.memory_space<semaphore_mem>>
      %dma_start3A_603 = arith.constant 0 : i32
      %dma_start3A_604 = tpu.memref_slice %arg6[%arg0, %mul3A_2, %dma_start3A_603] : memref<2x10112x128xf32, #tpu.memory_space<hbm>> -> memref<1x632x16xf32, #tpu.memory_space<hbm>>
      %dma_start3A_605 = tpu.memref_squeeze %dma_start3A_604 : memref<1x632x16xf32, #tpu.memory_space<hbm>> -> memref<632x16xf32, #tpu.memory_space<hbm>>
      %dma_start3A_606 = arith.constant 0 : i32
      %dma_start3A_607 = tpu.memref_slice %arg11[%mul3A_2, %dma_start3A_606] : memref<10112x16xf32, #tpu.memory_space<vmem_shared>> -> memref<632x16xf32, #tpu.memory_space<vmem_shared>>
      tpu.enqueue_dma source(%dma_start3A_607 : memref<632x16xf32, #tpu.memory_space<vmem_shared>>) target(%dma_start3A_605 : memref<632x16xf32, #tpu.memory_space<hbm>>) target_semaphore(%run_scoped3A : memref<!tpu.dma_semaphore, #tpu.memory_space<semaphore_mem>>)
      %dma_wait3A_608 = arith.constant 0 : i32
      %dma_wait3A_609 = tpu.memref_slice %arg6[%arg0, %mul3A_2, %dma_wait3A_608] : memref<2x10112x128xf32, #tpu.memory_space<hbm>> -> memref<1x632x16xf32, #tpu.memory_space<hbm>>
      %dma_wait3A_610 = tpu.memref_squeeze %dma_wait3A_609 : memref<1x632x16xf32, #tpu.memory_space<hbm>> -> memref<632x16xf32, #tpu.memory_space<hbm>>
      %dma_wait3A_611 = arith.constant 0 : i32
      %dma_wait3A_612 = tpu.memref_slice %arg11[%mul3A_2, %dma_wait3A_611] : memref<10112x16xf32, #tpu.memory_space<vmem_shared>> -> memref<632x16xf32, #tpu.memory_space<vmem_shared>>
      tpu.wait_dma2 semaphore(%run_scoped3A : memref<!tpu.dma_semaphore, #tpu.memory_space<semaphore_mem>>) src(%dma_wait3A_612 : memref<632x16xf32, #tpu.memory_space<vmem_shared>>) dst(%dma_wait3A_610 : memref<632x16xf32, #tpu.memory_space<hbm>>)
      tpu.yield
    }) : () -> ()
    return
  }
}

#map = affine_map<(d0, d1) -> (0, 0)>
#map1 = affine_map<(d0, d1) -> (0, 0, 0)>
module attributes {stable_mosaic.version = 14 : i64} {
  func.func @body(%arg0: i32, %arg1: i32, %arg2: memref<10112x128xf32, #tpu.memory_space<hbm>>, %arg3: memref<10112x128xf32, #tpu.memory_space<hbm>>, %arg4: memref<10112x16xf32, #tpu.memory_space<hbm>>, %arg5: memref<2500x256xi32, #tpu.memory_space<hbm>>, %arg6: memref<2x10112x128xf32, #tpu.memory_space<hbm>>, %arg7: memref<79x128xi32, #tpu.memory_space<vmem>>, %arg8: memref<79x128xi32, #tpu.memory_space<vmem>>, %arg9: memref<6x128x16xf32, #tpu.memory_space<vmem>>, %arg10: memref<10112x16xf32, #tpu.memory_space<vmem_shared>>, %arg11: memref<10112x16xf32, #tpu.memory_space<vmem_shared>>, %arg12: memref<!tpu.dma_semaphore, #tpu.memory_space<semaphore_mem>>, %arg13: memref<!tpu.dma_semaphore, #tpu.memory_space<semaphore_mem>>, %arg14: memref<!tpu.dma_semaphore, #tpu.memory_space<semaphore_mem>>, %arg15: memref<!tpu.dma_semaphore, #tpu.memory_space<semaphore_mem>>, %arg16: memref<!tpu.dma_semaphore, #tpu.memory_space<semaphore_mem>>, %arg17: memref<!tpu.dma_semaphore, #tpu.memory_space<semaphore_mem>>, %arg18: memref<!tpu.dma_semaphore, #tpu.memory_space<semaphore_mem>>, %arg19: memref<!tpu.dma_semaphore, #tpu.memory_space<semaphore_mem>>, %arg20: memref<!tpu.dma_semaphore, #tpu.memory_space<semaphore_mem>>, %arg21: memref<!tpu.dma_semaphore, #tpu.memory_space<semaphore_mem>>, %arg22: memref<!tpu.dma_semaphore, #tpu.memory_space<semaphore_mem>>, %arg23: memref<!tpu.dma_semaphore, #tpu.memory_space<semaphore_mem>>) attributes {dimension_semantics = [#tpu.dimension_semantics<core_parallel>, #tpu.dimension_semantics<subcore_parallel>], iteration_bounds = array<i64: 2, 16>, scalar_prefetch = 0 : i64, scratch_operands = 17 : i64, tpu.core_type = #tpu.core_type<sc_vector_subcore>, window_params = [{transform_indices = #map}, {transform_indices = #map}, {transform_indices = #map}, {transform_indices = #map}, {transform_indices = #map1}]} {
    %mul3A = arith.constant 16 : i32
    %mul3A_0 = arith.muli %arg0, %mul3A : i32
    %add3A = arith.addi %mul3A_0, %arg1 : i32
    %mul3A_1 = arith.constant 632 : i32
    %mul3A_2 = arith.muli %arg1, %mul3A_1 : i32
    %eq3A = arith.constant 0 : i32
    %eq3A_3 = arith.cmpi eq, %arg0, %eq3A : i32
    %convert_element_type3A = arith.extui %eq3A_3 : i1 to i32
    %cond3A = arith.constant 0 : i32
    %cond3A_4 = arith.cmpi ne, %convert_element_type3A, %cond3A : i32
    scf.if %cond3A_4 {
      "tpu.region"() ({
        %run_scoped3A = tpu.sem_alloc : memref<!tpu.dma_semaphore, #tpu.memory_space<semaphore_mem>>
        %dma_start3A_603 = arith.constant 0 : i32
        %dma_start3A_604 = tpu.memref_slice %arg11[%mul3A_2, %dma_start3A_603] : memref<10112x16xf32, #tpu.memory_space<vmem_shared>> -> memref<632x16xf32, #tpu.memory_space<vmem_shared>>
        %dma_start3A_605 = arith.constant 0 : i32
        %dma_start3A_606 = tpu.memref_slice %arg3[%mul3A_2, %dma_start3A_605] : memref<10112x128xf32, #tpu.memory_space<hbm>> -> memref<632x16xf32, #tpu.memory_space<hbm>>
        tpu.enqueue_dma source(%dma_start3A_606 : memref<632x16xf32, #tpu.memory_space<hbm>>) target(%dma_start3A_604 : memref<632x16xf32, #tpu.memory_space<vmem_shared>>) target_semaphore(%run_scoped3A : memref<!tpu.dma_semaphore, #tpu.memory_space<semaphore_mem>>)
        %dma_wait3A_607 = arith.constant 0 : i32
        %dma_wait3A_608 = tpu.memref_slice %arg11[%mul3A_2, %dma_wait3A_607] : memref<10112x16xf32, #tpu.memory_space<vmem_shared>> -> memref<632x16xf32, #tpu.memory_space<vmem_shared>>
        %dma_wait3A_609 = arith.constant 0 : i32
        %dma_wait3A_610 = tpu.memref_slice %arg3[%mul3A_2, %dma_wait3A_609] : memref<10112x128xf32, #tpu.memory_space<hbm>> -> memref<632x16xf32, #tpu.memory_space<hbm>>
        tpu.wait_dma2 semaphore(%run_scoped3A : memref<!tpu.dma_semaphore, #tpu.memory_space<semaphore_mem>>) src(%dma_wait3A_610 : memref<632x16xf32, #tpu.memory_space<hbm>>) dst(%dma_wait3A_608 : memref<632x16xf32, #tpu.memory_space<vmem_shared>>)
        tpu.yield
      }) : () -> ()
    } else {
    }
    %eq3A_5 = arith.constant 1 : i32
    %eq3A_6 = arith.cmpi eq, %arg0, %eq3A_5 : i32
    %convert_element_type3A_7 = arith.extui %eq3A_6 : i1 to i32
    %cond3A_8 = arith.constant 0 : i32
    %cond3A_9 = arith.cmpi ne, %convert_element_type3A_7, %cond3A_8 : i32
    scf.if %cond3A_9 {
      "tpu.region"() ({
        %run_scoped3A = tpu.sem_alloc : memref<!tpu.dma_semaphore, #tpu.memory_space<semaphore_mem>>
        %dma_start3A_603 = arith.constant 0 : i32
        %dma_start3A_604 = tpu.memref_slice %arg11[%mul3A_2, %dma_start3A_603] : memref<10112x16xf32, #tpu.memory_space<vmem_shared>> -> memref<632x16xf32, #tpu.memory_space<vmem_shared>>
        %dma_start3A_605 = arith.constant 0 : i32
        %dma_start3A_606 = tpu.memref_slice %arg4[%mul3A_2, %dma_start3A_605] : memref<10112x16xf32, #tpu.memory_space<hbm>> -> memref<632x16xf32, #tpu.memory_space<hbm>>
        tpu.enqueue_dma source(%dma_start3A_606 : memref<632x16xf32, #tpu.memory_space<hbm>>) target(%dma_start3A_604 : memref<632x16xf32, #tpu.memory_space<vmem_shared>>) target_semaphore(%run_scoped3A : memref<!tpu.dma_semaphore, #tpu.memory_space<semaphore_mem>>)
        %dma_wait3A_607 = arith.constant 0 : i32
        %dma_wait3A_608 = tpu.memref_slice %arg11[%mul3A_2, %dma_wait3A_607] : memref<10112x16xf32, #tpu.memory_space<vmem_shared>> -> memref<632x16xf32, #tpu.memory_space<vmem_shared>>
        %dma_wait3A_609 = arith.constant 0 : i32
        %dma_wait3A_610 = tpu.memref_slice %arg4[%mul3A_2, %dma_wait3A_609] : memref<10112x16xf32, #tpu.memory_space<hbm>> -> memref<632x16xf32, #tpu.memory_space<hbm>>
        tpu.wait_dma2 semaphore(%run_scoped3A : memref<!tpu.dma_semaphore, #tpu.memory_space<semaphore_mem>>) src(%dma_wait3A_610 : memref<632x16xf32, #tpu.memory_space<hbm>>) dst(%dma_wait3A_608 : memref<632x16xf32, #tpu.memory_space<vmem_shared>>)
        tpu.yield
      }) : () -> ()
    } else {
    }
    "tpu.region"() ({
      %run_scoped3A = tpu.sem_alloc : memref<!tpu.dma_semaphore, #tpu.memory_space<semaphore_mem>>
      %dma_start3A_603 = arith.constant 0 : i32
      %dma_start3A_604 = tpu.memref_slice %arg10[%mul3A_2, %dma_start3A_603] : memref<10112x16xf32, #tpu.memory_space<vmem_shared>> -> memref<632x16xf32, #tpu.memory_space<vmem_shared>>
      %dma_start3A_605 = arith.constant 0 : i32
      %dma_start3A_606 = tpu.memref_slice %arg2[%mul3A_2, %dma_start3A_605] : memref<10112x128xf32, #tpu.memory_space<hbm>> -> memref<632x16xf32, #tpu.memory_space<hbm>>
      tpu.enqueue_dma source(%dma_start3A_606 : memref<632x16xf32, #tpu.memory_space<hbm>>) target(%dma_start3A_604 : memref<632x16xf32, #tpu.memory_space<vmem_shared>>) target_semaphore(%run_scoped3A : memref<!tpu.dma_semaphore, #tpu.memory_space<semaphore_mem>>)
      %dma_wait3A_607 = arith.constant 0 : i32
      %dma_wait3A_608 = tpu.memref_slice %arg10[%mul3A_2, %dma_wait3A_607] : memref<10112x16xf32, #tpu.memory_space<vmem_shared>> -> memref<632x16xf32, #tpu.memory_space<vmem_shared>>
      %dma_wait3A_609 = arith.constant 0 : i32
      %dma_wait3A_610 = tpu.memref_slice %arg2[%mul3A_2, %dma_wait3A_609] : memref<10112x128xf32, #tpu.memory_space<hbm>> -> memref<632x16xf32, #tpu.memory_space<hbm>>
      tpu.wait_dma2 semaphore(%run_scoped3A : memref<!tpu.dma_semaphore, #tpu.memory_space<semaphore_mem>>) src(%dma_wait3A_610 : memref<632x16xf32, #tpu.memory_space<hbm>>) dst(%dma_wait3A_608 : memref<632x16xf32, #tpu.memory_space<vmem_shared>>)
      tpu.yield
    }) : () -> ()
    %mul3A_10 = arith.constant 78 : i32
    %mul3A_11 = arith.muli %add3A, %mul3A_10 : i32
    %min3A = arith.constant 4 : i32
    %min3A_12 = arith.minsi %add3A, %min3A : i32
    %add3A_13 = arith.addi %mul3A_11, %min3A_12 : i32
    "tpu.region"() ({
      %run_scoped3A = tpu.sem_alloc : memref<!tpu.dma_semaphore, #tpu.memory_space<semaphore_mem>>
      %dma_start3A_603 = arith.constant 0 : i32
      %dma_start3A_604 = arith.constant 0 : i32
      %dma_start3A_605 = tpu.memref_slice %arg7[%dma_start3A_603, %dma_start3A_604] : memref<79x128xi32, #tpu.memory_space<vmem>> -> memref<78x128xi32, #tpu.memory_space<vmem>>
      %dma_start3A_606 = arith.constant 0 : i32
      %dma_start3A_607 = tpu.memref_slice %arg5[%add3A_13, %dma_start3A_606] : memref<2500x256xi32, #tpu.memory_space<hbm>> -> memref<78x128xi32, #tpu.memory_space<hbm>>
      %dma_start3A_608 = arith.constant 0 : i32
      %dma_start3A_609 = arith.constant 0 : i32
      %dma_start3A_610 = tpu.memref_slice %arg7[%dma_start3A_608, %dma_start3A_609] : memref<79x128xi32, #tpu.memory_space<vmem>> -> memref<78x128xi32, #tpu.memory_space<vmem>>
      %dma_start3A_611 = arith.constant 0 : i32
      %dma_start3A_612 = tpu.memref_slice %arg5[%add3A_13, %dma_start3A_611] : memref<2500x256xi32, #tpu.memory_space<hbm>> -> memref<78x128xi32, #tpu.memory_space<hbm>>
      tpu.enqueue_dma source(%dma_start3A_612 : memref<78x128xi32, #tpu.memory_space<hbm>>) target(%dma_start3A_610 : memref<78x128xi32, #tpu.memory_space<vmem>>) target_semaphore(%run_scoped3A : memref<!tpu.dma_semaphore, #tpu.memory_space<semaphore_mem>>)
      %dma_wait3A_613 = arith.constant 0 : i32
      %dma_wait3A_614 = arith.constant 0 : i32
      %dma_wait3A_615 = tpu.memref_slice %arg7[%dma_wait3A_613, %dma_wait3A_614] : memref<79x128xi32, #tpu.memory_space<vmem>> -> memref<78x128xi32, #tpu.memory_space<vmem>>
      %dma_wait3A_616 = arith.constant 0 : i32
      %dma_wait3A_617 = tpu.memref_slice %arg5[%add3A_13, %dma_wait3A_616] : memref<2500x256xi32, #tpu.memory_space<hbm>> -> memref<78x128xi32, #tpu.memory_space<hbm>>
      %dma_wait3A_618 = arith.constant 0 : i32
      %dma_wait3A_619 = arith.constant 0 : i32
      %dma_wait3A_620 = tpu.memref_slice %arg7[%dma_wait3A_618, %dma_wait3A_619] : memref<79x128xi32, #tpu.memory_space<vmem>> -> memref<78x128xi32, #tpu.memory_space<vmem>>
      %dma_wait3A_621 = arith.constant 0 : i32
      %dma_wait3A_622 = tpu.memref_slice %arg5[%add3A_13, %dma_wait3A_621] : memref<2500x256xi32, #tpu.memory_space<hbm>> -> memref<78x128xi32, #tpu.memory_space<hbm>>
      tpu.wait_dma2 semaphore(%run_scoped3A : memref<!tpu.dma_semaphore, #tpu.memory_space<semaphore_mem>>) src(%dma_wait3A_622 : memref<78x128xi32, #tpu.memory_space<hbm>>) dst(%dma_wait3A_620 : memref<78x128xi32, #tpu.memory_space<vmem>>)
      tpu.yield
    }) : () -> ()
    "tpu.region"() ({
      %run_scoped3A = tpu.sem_alloc : memref<!tpu.dma_semaphore, #tpu.memory_space<semaphore_mem>>
      %dma_start3A_603 = arith.constant 0 : i32
      %dma_start3A_604 = arith.constant 0 : i32
      %dma_start3A_605 = tpu.memref_slice %arg8[%dma_start3A_603, %dma_start3A_604] : memref<79x128xi32, #tpu.memory_space<vmem>> -> memref<78x128xi32, #tpu.memory_space<vmem>>
      %dma_start3A_606 = arith.constant 128 : i32
      %dma_start3A_607 = tpu.memref_slice %arg5[%add3A_13, %dma_start3A_606] : memref<2500x256xi32, #tpu.memory_space<hbm>> -> memref<78x128xi32, #tpu.memory_space<hbm>>
      %dma_start3A_608 = arith.constant 0 : i32
      %dma_start3A_609 = arith.constant 0 : i32
      %dma_start3A_610 = tpu.memref_slice %arg8[%dma_start3A_608, %dma_start3A_609] : memref<79x128xi32, #tpu.memory_space<vmem>> -> memref<78x128xi32, #tpu.memory_space<vmem>>
      %dma_start3A_611 = arith.constant 128 : i32
      %dma_start3A_612 = tpu.memref_slice %arg5[%add3A_13, %dma_start3A_611] : memref<2500x256xi32, #tpu.memory_space<hbm>> -> memref<78x128xi32, #tpu.memory_space<hbm>>
      tpu.enqueue_dma source(%dma_start3A_612 : memref<78x128xi32, #tpu.memory_space<hbm>>) target(%dma_start3A_610 : memref<78x128xi32, #tpu.memory_space<vmem>>) target_semaphore(%run_scoped3A : memref<!tpu.dma_semaphore, #tpu.memory_space<semaphore_mem>>)
      %dma_wait3A_613 = arith.constant 0 : i32
      %dma_wait3A_614 = arith.constant 0 : i32
      %dma_wait3A_615 = tpu.memref_slice %arg8[%dma_wait3A_613, %dma_wait3A_614] : memref<79x128xi32, #tpu.memory_space<vmem>> -> memref<78x128xi32, #tpu.memory_space<vmem>>
      %dma_wait3A_616 = arith.constant 128 : i32
      %dma_wait3A_617 = tpu.memref_slice %arg5[%add3A_13, %dma_wait3A_616] : memref<2500x256xi32, #tpu.memory_space<hbm>> -> memref<78x128xi32, #tpu.memory_space<hbm>>
      %dma_wait3A_618 = arith.constant 0 : i32
      %dma_wait3A_619 = arith.constant 0 : i32
      %dma_wait3A_620 = tpu.memref_slice %arg8[%dma_wait3A_618, %dma_wait3A_619] : memref<79x128xi32, #tpu.memory_space<vmem>> -> memref<78x128xi32, #tpu.memory_space<vmem>>
      %dma_wait3A_621 = arith.constant 128 : i32
      %dma_wait3A_622 = tpu.memref_slice %arg5[%add3A_13, %dma_wait3A_621] : memref<2500x256xi32, #tpu.memory_space<hbm>> -> memref<78x128xi32, #tpu.memory_space<hbm>>
      tpu.wait_dma2 semaphore(%run_scoped3A : memref<!tpu.dma_semaphore, #tpu.memory_space<semaphore_mem>>) src(%dma_wait3A_622 : memref<78x128xi32, #tpu.memory_space<hbm>>) dst(%dma_wait3A_620 : memref<78x128xi32, #tpu.memory_space<vmem>>)
      tpu.yield
    }) : () -> ()
    %lt3A = arith.constant 4 : i32
    %lt3A_14 = arith.cmpi slt, %add3A, %lt3A : i32
    %convert_element_type3A_15 = arith.extui %lt3A_14 : i1 to i32
    %cond3A_16 = arith.constant 0 : i32
    %cond3A_17 = arith.cmpi ne, %convert_element_type3A_15, %cond3A_16 : i32
    scf.if %cond3A_17 {
      %add3A_603 = arith.constant 78 : i32
      %add3A_604 = arith.addi %add3A_13, %add3A_603 : i32
      "tpu.region"() ({
        %run_scoped3A = tpu.sem_alloc : memref<!tpu.dma_semaphore, #tpu.memory_space<semaphore_mem>>
        %dma_start3A_607 = arith.constant 78 : i32
        %dma_start3A_608 = arith.constant 0 : i32
        %dma_start3A_609 = tpu.memref_slice %arg7[%dma_start3A_607, %dma_start3A_608] : memref<79x128xi32, #tpu.memory_space<vmem>> -> memref<1x128xi32, #tpu.memory_space<vmem>>
        %dma_start3A_610 = arith.constant 0 : i32
        %dma_start3A_611 = tpu.memref_slice %arg5[%add3A_604, %dma_start3A_610] : memref<2500x256xi32, #tpu.memory_space<hbm>> -> memref<1x128xi32, #tpu.memory_space<hbm>>
        %dma_start3A_612 = arith.constant 78 : i32
        %dma_start3A_613 = arith.constant 0 : i32
        %dma_start3A_614 = tpu.memref_slice %arg7[%dma_start3A_612, %dma_start3A_613] : memref<79x128xi32, #tpu.memory_space<vmem>> -> memref<1x128xi32, #tpu.memory_space<vmem>>
        %dma_start3A_615 = arith.constant 0 : i32
        %dma_start3A_616 = tpu.memref_slice %arg5[%add3A_604, %dma_start3A_615] : memref<2500x256xi32, #tpu.memory_space<hbm>> -> memref<1x128xi32, #tpu.memory_space<hbm>>
        tpu.enqueue_dma source(%dma_start3A_616 : memref<1x128xi32, #tpu.memory_space<hbm>>) target(%dma_start3A_614 : memref<1x128xi32, #tpu.memory_space<vmem>>) target_semaphore(%run_scoped3A : memref<!tpu.dma_semaphore, #tpu.memory_space<semaphore_mem>>)
        %dma_wait3A_617 = arith.constant 78 : i32
        %dma_wait3A_618 = arith.constant 0 : i32
        %dma_wait3A_619 = tpu.memref_slice %arg7[%dma_wait3A_617, %dma_wait3A_618] : memref<79x128xi32, #tpu.memory_space<vmem>> -> memref<1x128xi32, #tpu.memory_space<vmem>>
        %dma_wait3A_620 = arith.constant 0 : i32
        %dma_wait3A_621 = tpu.memref_slice %arg5[%add3A_604, %dma_wait3A_620] : memref<2500x256xi32, #tpu.memory_space<hbm>> -> memref<1x128xi32, #tpu.memory_space<hbm>>
        %dma_wait3A_622 = arith.constant 78 : i32
        %dma_wait3A_623 = arith.constant 0 : i32
        %dma_wait3A_624 = tpu.memref_slice %arg7[%dma_wait3A_622, %dma_wait3A_623] : memref<79x128xi32, #tpu.memory_space<vmem>> -> memref<1x128xi32, #tpu.memory_space<vmem>>
        %dma_wait3A_625 = arith.constant 0 : i32
        %dma_wait3A_626 = tpu.memref_slice %arg5[%add3A_604, %dma_wait3A_625] : memref<2500x256xi32, #tpu.memory_space<hbm>> -> memref<1x128xi32, #tpu.memory_space<hbm>>
        tpu.wait_dma2 semaphore(%run_scoped3A : memref<!tpu.dma_semaphore, #tpu.memory_space<semaphore_mem>>) src(%dma_wait3A_626 : memref<1x128xi32, #tpu.memory_space<hbm>>) dst(%dma_wait3A_624 : memref<1x128xi32, #tpu.memory_space<vmem>>)
        tpu.yield
      }) : () -> ()
      %add3A_605 = arith.constant 78 : i32
      %add3A_606 = arith.addi %add3A_13, %add3A_605 : i32
      "tpu.region"() ({
        %run_scoped3A = tpu.sem_alloc : memref<!tpu.dma_semaphore, #tpu.memory_space<semaphore_mem>>
        %dma_start3A_607 = arith.constant 78 : i32
        %dma_start3A_608 = arith.constant 0 : i32
        %dma_start3A_609 = tpu.memref_slice %arg8[%dma_start3A_607, %dma_start3A_608] : memref<79x128xi32, #tpu.memory_space<vmem>> -> memref<1x128xi32, #tpu.memory_space<vmem>>
        %dma_start3A_610 = arith.constant 128 : i32
        %dma_start3A_611 = tpu.memref_slice %arg5[%add3A_606, %dma_start3A_610] : memref<2500x256xi32, #tpu.memory_space<hbm>> -> memref<1x128xi32, #tpu.memory_space<hbm>>
        %dma_start3A_612 = arith.constant 78 : i32
        %dma_start3A_613 = arith.constant 0 : i32
        %dma_start3A_614 = tpu.memref_slice %arg8[%dma_start3A_612, %dma_start3A_613] : memref<79x128xi32, #tpu.memory_space<vmem>> -> memref<1x128xi32, #tpu.memory_space<vmem>>
        %dma_start3A_615 = arith.constant 128 : i32
        %dma_start3A_616 = tpu.memref_slice %arg5[%add3A_606, %dma_start3A_615] : memref<2500x256xi32, #tpu.memory_space<hbm>> -> memref<1x128xi32, #tpu.memory_space<hbm>>
        tpu.enqueue_dma source(%dma_start3A_616 : memref<1x128xi32, #tpu.memory_space<hbm>>) target(%dma_start3A_614 : memref<1x128xi32, #tpu.memory_space<vmem>>) target_semaphore(%run_scoped3A : memref<!tpu.dma_semaphore, #tpu.memory_space<semaphore_mem>>)
        %dma_wait3A_617 = arith.constant 78 : i32
        %dma_wait3A_618 = arith.constant 0 : i32
        %dma_wait3A_619 = tpu.memref_slice %arg8[%dma_wait3A_617, %dma_wait3A_618] : memref<79x128xi32, #tpu.memory_space<vmem>> -> memref<1x128xi32, #tpu.memory_space<vmem>>
        %dma_wait3A_620 = arith.constant 128 : i32
        %dma_wait3A_621 = tpu.memref_slice %arg5[%add3A_606, %dma_wait3A_620] : memref<2500x256xi32, #tpu.memory_space<hbm>> -> memref<1x128xi32, #tpu.memory_space<hbm>>
        %dma_wait3A_622 = arith.constant 78 : i32
        %dma_wait3A_623 = arith.constant 0 : i32
        %dma_wait3A_624 = tpu.memref_slice %arg8[%dma_wait3A_622, %dma_wait3A_623] : memref<79x128xi32, #tpu.memory_space<vmem>> -> memref<1x128xi32, #tpu.memory_space<vmem>>
        %dma_wait3A_625 = arith.constant 128 : i32
        %dma_wait3A_626 = tpu.memref_slice %arg5[%add3A_606, %dma_wait3A_625] : memref<2500x256xi32, #tpu.memory_space<hbm>> -> memref<1x128xi32, #tpu.memory_space<hbm>>
        tpu.wait_dma2 semaphore(%run_scoped3A : memref<!tpu.dma_semaphore, #tpu.memory_space<semaphore_mem>>) src(%dma_wait3A_626 : memref<1x128xi32, #tpu.memory_space<hbm>>) dst(%dma_wait3A_624 : memref<1x128xi32, #tpu.memory_space<vmem>>)
        tpu.yield
      }) : () -> ()
    } else {
    }
    %barrier3A = arith.constant 0 : index
    tpu.barrier barrier_id(%barrier3A)
    %dma_start3A = arith.constant 0 : i32
    %dma_start3A_18 = arith.constant 0 : i32
    %dma_start3A_19 = arith.constant 0 : i32
    %dma_start3A_20 = arith.constant 0 : i32
    %dma_start3A_21 = tpu.memref_slice %arg9[%dma_start3A_18, %dma_start3A_19, %dma_start3A_20] : memref<6x128x16xf32, #tpu.memory_space<vmem>> -> memref<1x128x16xf32, #tpu.memory_space<vmem>>
    %dma_start3A_22 = tpu.memref_squeeze %dma_start3A_21 : memref<1x128x16xf32, #tpu.memory_space<vmem>> -> memref<128x16xf32, #tpu.memory_space<vmem>>
    %dma_start3A_23 = arith.constant 0 : i32
    %dma_start3A_24 = tpu.memref_slice %arg7[%dma_start3A, %dma_start3A_23] : memref<79x128xi32, #tpu.memory_space<vmem>> -> memref<1x128xi32, #tpu.memory_space<vmem>>
    %dma_start3A_25 = tpu.memref_squeeze %dma_start3A_24 : memref<1x128xi32, #tpu.memory_space<vmem>> -> memref<128xi32, #tpu.memory_space<vmem>>
    %dma_start3A_26 = arith.constant 0 : i32
    %dma_start3A_27 = arith.constant 0 : i32
    %dma_start3A_28 = tpu.memref_slice %arg10[%dma_start3A_26, %dma_start3A_27] : memref<10112x16xf32, #tpu.memory_space<vmem_shared>> -> memref<10112x16xf32, #tpu.memory_space<vmem_shared>>
    tpu.enqueue_indirect_dma source(%dma_start3A_28 : memref<10112x16xf32, #tpu.memory_space<vmem_shared>>) target(%dma_start3A_22 : memref<128x16xf32, #tpu.memory_space<vmem>>) offsets(%dma_start3A_25 : memref<128xi32, #tpu.memory_space<vmem>>) semaphore(%arg12 : memref<!tpu.dma_semaphore, #tpu.memory_space<semaphore_mem>>)
    %dma_start3A_29 = arith.constant 1 : i32
    %dma_start3A_30 = arith.constant 1 : i32
    %dma_start3A_31 = arith.constant 0 : i32
    %dma_start3A_32 = arith.constant 0 : i32
    %dma_start3A_33 = tpu.memref_slice %arg9[%dma_start3A_30, %dma_start3A_31, %dma_start3A_32] : memref<6x128x16xf32, #tpu.memory_space<vmem>> -> memref<1x128x16xf32, #tpu.memory_space<vmem>>
    %dma_start3A_34 = tpu.memref_squeeze %dma_start3A_33 : memref<1x128x16xf32, #tpu.memory_space<vmem>> -> memref<128x16xf32, #tpu.memory_space<vmem>>
    %dma_start3A_35 = arith.constant 0 : i32
    %dma_start3A_36 = tpu.memref_slice %arg7[%dma_start3A_29, %dma_start3A_35] : memref<79x128xi32, #tpu.memory_space<vmem>> -> memref<1x128xi32, #tpu.memory_space<vmem>>
    %dma_start3A_37 = tpu.memref_squeeze %dma_start3A_36 : memref<1x128xi32, #tpu.memory_space<vmem>> -> memref<128xi32, #tpu.memory_space<vmem>>
    %dma_start3A_38 = arith.constant 0 : i32
    %dma_start3A_39 = arith.constant 0 : i32
    %dma_start3A_40 = tpu.memref_slice %arg10[%dma_start3A_38, %dma_start3A_39] : memref<10112x16xf32, #tpu.memory_space<vmem_shared>> -> memref<10112x16xf32, #tpu.memory_space<vmem_shared>>
    tpu.enqueue_indirect_dma source(%dma_start3A_40 : memref<10112x16xf32, #tpu.memory_space<vmem_shared>>) target(%dma_start3A_34 : memref<128x16xf32, #tpu.memory_space<vmem>>) offsets(%dma_start3A_37 : memref<128xi32, #tpu.memory_space<vmem>>) semaphore(%arg13 : memref<!tpu.dma_semaphore, #tpu.memory_space<semaphore_mem>>)
    %dma_start3A_41 = arith.constant 2 : i32
    %dma_start3A_42 = arith.constant 2 : i32
    %dma_start3A_43 = arith.constant 0 : i32
    %dma_start3A_44 = arith.constant 0 : i32
    %dma_start3A_45 = tpu.memref_slice %arg9[%dma_start3A_42, %dma_start3A_43, %dma_start3A_44] : memref<6x128x16xf32, #tpu.memory_space<vmem>> -> memref<1x128x16xf32, #tpu.memory_space<vmem>>
    %dma_start3A_46 = tpu.memref_squeeze %dma_start3A_45 : memref<1x128x16xf32, #tpu.memory_space<vmem>> -> memref<128x16xf32, #tpu.memory_space<vmem>>
    %dma_start3A_47 = arith.constant 0 : i32
    %dma_start3A_48 = tpu.memref_slice %arg7[%dma_start3A_41, %dma_start3A_47] : memref<79x128xi32, #tpu.memory_space<vmem>> -> memref<1x128xi32, #tpu.memory_space<vmem>>
    %dma_start3A_49 = tpu.memref_squeeze %dma_start3A_48 : memref<1x128xi32, #tpu.memory_space<vmem>> -> memref<128xi32, #tpu.memory_space<vmem>>
    %dma_start3A_50 = arith.constant 0 : i32
    %dma_start3A_51 = arith.constant 0 : i32
    %dma_start3A_52 = tpu.memref_slice %arg10[%dma_start3A_50, %dma_start3A_51] : memref<10112x16xf32, #tpu.memory_space<vmem_shared>> -> memref<10112x16xf32, #tpu.memory_space<vmem_shared>>
    tpu.enqueue_indirect_dma source(%dma_start3A_52 : memref<10112x16xf32, #tpu.memory_space<vmem_shared>>) target(%dma_start3A_46 : memref<128x16xf32, #tpu.memory_space<vmem>>) offsets(%dma_start3A_49 : memref<128xi32, #tpu.memory_space<vmem>>) semaphore(%arg14 : memref<!tpu.dma_semaphore, #tpu.memory_space<semaphore_mem>>)
    %dma_wait3A = arith.constant 0 : i32
    %dma_wait3A_53 = arith.constant 0 : i32
    %dma_wait3A_54 = arith.constant 0 : i32
    %dma_wait3A_55 = arith.constant 0 : i32
    %dma_wait3A_56 = tpu.memref_slice %arg9[%dma_wait3A_53, %dma_wait3A_54, %dma_wait3A_55] : memref<6x128x16xf32, #tpu.memory_space<vmem>> -> memref<1x128x16xf32, #tpu.memory_space<vmem>>
    %dma_wait3A_57 = tpu.memref_squeeze %dma_wait3A_56 : memref<1x128x16xf32, #tpu.memory_space<vmem>> -> memref<128x16xf32, #tpu.memory_space<vmem>>
    %dma_wait3A_58 = arith.constant 0 : i32
    %dma_wait3A_59 = tpu.memref_slice %arg7[%dma_wait3A, %dma_wait3A_58] : memref<79x128xi32, #tpu.memory_space<vmem>> -> memref<1x128xi32, #tpu.memory_space<vmem>>
    %dma_wait3A_60 = tpu.memref_squeeze %dma_wait3A_59 : memref<1x128xi32, #tpu.memory_space<vmem>> -> memref<128xi32, #tpu.memory_space<vmem>>
    %dma_wait3A_61 = arith.constant 0 : i32
    %dma_wait3A_62 = arith.constant 0 : i32
    %dma_wait3A_63 = tpu.memref_slice %arg10[%dma_wait3A_61, %dma_wait3A_62] : memref<10112x16xf32, #tpu.memory_space<vmem_shared>> -> memref<10112x16xf32, #tpu.memory_space<vmem_shared>>
    tpu.wait_indirect_dma semaphore(%arg12 : memref<!tpu.dma_semaphore, #tpu.memory_space<semaphore_mem>>) src(%dma_wait3A_63 : memref<10112x16xf32, #tpu.memory_space<vmem_shared>>) dst(%dma_wait3A_57 : memref<128x16xf32, #tpu.memory_space<vmem>>)
    %dma_start3A_64 = arith.constant 0 : i32
    %dma_start3A_65 = arith.constant 0 : i32
    %dma_start3A_66 = arith.constant 0 : i32
    %dma_start3A_67 = arith.constant 0 : i32
    %dma_start3A_68 = tpu.memref_slice %arg9[%dma_start3A_64, %dma_start3A_66, %dma_start3A_67] : memref<6x128x16xf32, #tpu.memory_space<vmem>> -> memref<1x128x16xf32, #tpu.memory_space<vmem>>
    %dma_start3A_69 = tpu.memref_squeeze %dma_start3A_68 : memref<1x128x16xf32, #tpu.memory_space<vmem>> -> memref<128x16xf32, #tpu.memory_space<vmem>>
    %dma_start3A_70 = arith.constant 0 : i32
    %dma_start3A_71 = tpu.memref_slice %arg8[%dma_start3A_65, %dma_start3A_70] : memref<79x128xi32, #tpu.memory_space<vmem>> -> memref<1x128xi32, #tpu.memory_space<vmem>>
    %dma_start3A_72 = tpu.memref_squeeze %dma_start3A_71 : memref<1x128xi32, #tpu.memory_space<vmem>> -> memref<128xi32, #tpu.memory_space<vmem>>
    %dma_start3A_73 = arith.constant 0 : i32
    %dma_start3A_74 = arith.constant 0 : i32
    %dma_start3A_75 = tpu.memref_slice %arg11[%dma_start3A_73, %dma_start3A_74] : memref<10112x16xf32, #tpu.memory_space<vmem_shared>> -> memref<10112x16xf32, #tpu.memory_space<vmem_shared>>
    tpu.enqueue_indirect_dma source(%dma_start3A_69 : memref<128x16xf32, #tpu.memory_space<vmem>>) target(%dma_start3A_75 : memref<10112x16xf32, #tpu.memory_space<vmem_shared>>) offsets(%dma_start3A_72 : memref<128xi32, #tpu.memory_space<vmem>>) semaphore(%arg18 : memref<!tpu.dma_semaphore, #tpu.memory_space<semaphore_mem>>) {add = true}
    %dma_start3A_76 = arith.constant 3 : i32
    %dma_start3A_77 = arith.constant 3 : i32
    %dma_start3A_78 = arith.constant 0 : i32
    %dma_start3A_79 = arith.constant 0 : i32
    %dma_start3A_80 = tpu.memref_slice %arg9[%dma_start3A_77, %dma_start3A_78, %dma_start3A_79] : memref<6x128x16xf32, #tpu.memory_space<vmem>> -> memref<1x128x16xf32, #tpu.memory_space<vmem>>
    %dma_start3A_81 = tpu.memref_squeeze %dma_start3A_80 : memref<1x128x16xf32, #tpu.memory_space<vmem>> -> memref<128x16xf32, #tpu.memory_space<vmem>>
    %dma_start3A_82 = arith.constant 0 : i32
    %dma_start3A_83 = tpu.memref_slice %arg7[%dma_start3A_76, %dma_start3A_82] : memref<79x128xi32, #tpu.memory_space<vmem>> -> memref<1x128xi32, #tpu.memory_space<vmem>>
    %dma_start3A_84 = tpu.memref_squeeze %dma_start3A_83 : memref<1x128xi32, #tpu.memory_space<vmem>> -> memref<128xi32, #tpu.memory_space<vmem>>
    %dma_start3A_85 = arith.constant 0 : i32
    %dma_start3A_86 = arith.constant 0 : i32
    %dma_start3A_87 = tpu.memref_slice %arg10[%dma_start3A_85, %dma_start3A_86] : memref<10112x16xf32, #tpu.memory_space<vmem_shared>> -> memref<10112x16xf32, #tpu.memory_space<vmem_shared>>
    tpu.enqueue_indirect_dma source(%dma_start3A_87 : memref<10112x16xf32, #tpu.memory_space<vmem_shared>>) target(%dma_start3A_81 : memref<128x16xf32, #tpu.memory_space<vmem>>) offsets(%dma_start3A_84 : memref<128xi32, #tpu.memory_space<vmem>>) semaphore(%arg15 : memref<!tpu.dma_semaphore, #tpu.memory_space<semaphore_mem>>)
    %dma_wait3A_88 = arith.constant 1 : i32
    %dma_wait3A_89 = arith.constant 1 : i32
    %dma_wait3A_90 = arith.constant 0 : i32
    %dma_wait3A_91 = arith.constant 0 : i32
    %dma_wait3A_92 = tpu.memref_slice %arg9[%dma_wait3A_89, %dma_wait3A_90, %dma_wait3A_91] : memref<6x128x16xf32, #tpu.memory_space<vmem>> -> memref<1x128x16xf32, #tpu.memory_space<vmem>>
    %dma_wait3A_93 = tpu.memref_squeeze %dma_wait3A_92 : memref<1x128x16xf32, #tpu.memory_space<vmem>> -> memref<128x16xf32, #tpu.memory_space<vmem>>
    %dma_wait3A_94 = arith.constant 0 : i32
    %dma_wait3A_95 = tpu.memref_slice %arg7[%dma_wait3A_88, %dma_wait3A_94] : memref<79x128xi32, #tpu.memory_space<vmem>> -> memref<1x128xi32, #tpu.memory_space<vmem>>
    %dma_wait3A_96 = tpu.memref_squeeze %dma_wait3A_95 : memref<1x128xi32, #tpu.memory_space<vmem>> -> memref<128xi32, #tpu.memory_space<vmem>>
    %dma_wait3A_97 = arith.constant 0 : i32
    %dma_wait3A_98 = arith.constant 0 : i32
    %dma_wait3A_99 = tpu.memref_slice %arg10[%dma_wait3A_97, %dma_wait3A_98] : memref<10112x16xf32, #tpu.memory_space<vmem_shared>> -> memref<10112x16xf32, #tpu.memory_space<vmem_shared>>
    tpu.wait_indirect_dma semaphore(%arg13 : memref<!tpu.dma_semaphore, #tpu.memory_space<semaphore_mem>>) src(%dma_wait3A_99 : memref<10112x16xf32, #tpu.memory_space<vmem_shared>>) dst(%dma_wait3A_93 : memref<128x16xf32, #tpu.memory_space<vmem>>)
    %dma_start3A_100 = arith.constant 1 : i32
    %dma_start3A_101 = arith.constant 1 : i32
    %dma_start3A_102 = arith.constant 0 : i32
    %dma_start3A_103 = arith.constant 0 : i32
    %dma_start3A_104 = tpu.memref_slice %arg9[%dma_start3A_100, %dma_start3A_102, %dma_start3A_103] : memref<6x128x16xf32, #tpu.memory_space<vmem>> -> memref<1x128x16xf32, #tpu.memory_space<vmem>>
    %dma_start3A_105 = tpu.memref_squeeze %dma_start3A_104 : memref<1x128x16xf32, #tpu.memory_space<vmem>> -> memref<128x16xf32, #tpu.memory_space<vmem>>
    %dma_start3A_106 = arith.constant 0 : i32
    %dma_start3A_107 = tpu.memref_slice %arg8[%dma_start3A_101, %dma_start3A_106] : memref<79x128xi32, #tpu.memory_space<vmem>> -> memref<1x128xi32, #tpu.memory_space<vmem>>
    %dma_start3A_108 = tpu.memref_squeeze %dma_start3A_107 : memref<1x128xi32, #tpu.memory_space<vmem>> -> memref<128xi32, #tpu.memory_space<vmem>>
    %dma_start3A_109 = arith.constant 0 : i32
    %dma_start3A_110 = arith.constant 0 : i32
    %dma_start3A_111 = tpu.memref_slice %arg11[%dma_start3A_109, %dma_start3A_110] : memref<10112x16xf32, #tpu.memory_space<vmem_shared>> -> memref<10112x16xf32, #tpu.memory_space<vmem_shared>>
    tpu.enqueue_indirect_dma source(%dma_start3A_105 : memref<128x16xf32, #tpu.memory_space<vmem>>) target(%dma_start3A_111 : memref<10112x16xf32, #tpu.memory_space<vmem_shared>>) offsets(%dma_start3A_108 : memref<128xi32, #tpu.memory_space<vmem>>) semaphore(%arg19 : memref<!tpu.dma_semaphore, #tpu.memory_space<semaphore_mem>>) {add = true}
    %dma_start3A_112 = arith.constant 4 : i32
    %dma_start3A_113 = arith.constant 4 : i32
    %dma_start3A_114 = arith.constant 0 : i32
    %dma_start3A_115 = arith.constant 0 : i32
    %dma_start3A_116 = tpu.memref_slice %arg9[%dma_start3A_113, %dma_start3A_114, %dma_start3A_115] : memref<6x128x16xf32, #tpu.memory_space<vmem>> -> memref<1x128x16xf32, #tpu.memory_space<vmem>>
    %dma_start3A_117 = tpu.memref_squeeze %dma_start3A_116 : memref<1x128x16xf32, #tpu.memory_space<vmem>> -> memref<128x16xf32, #tpu.memory_space<vmem>>
    %dma_start3A_118 = arith.constant 0 : i32
    %dma_start3A_119 = tpu.memref_slice %arg7[%dma_start3A_112, %dma_start3A_118] : memref<79x128xi32, #tpu.memory_space<vmem>> -> memref<1x128xi32, #tpu.memory_space<vmem>>
    %dma_start3A_120 = tpu.memref_squeeze %dma_start3A_119 : memref<1x128xi32, #tpu.memory_space<vmem>> -> memref<128xi32, #tpu.memory_space<vmem>>
    %dma_start3A_121 = arith.constant 0 : i32
    %dma_start3A_122 = arith.constant 0 : i32
    %dma_start3A_123 = tpu.memref_slice %arg10[%dma_start3A_121, %dma_start3A_122] : memref<10112x16xf32, #tpu.memory_space<vmem_shared>> -> memref<10112x16xf32, #tpu.memory_space<vmem_shared>>
    tpu.enqueue_indirect_dma source(%dma_start3A_123 : memref<10112x16xf32, #tpu.memory_space<vmem_shared>>) target(%dma_start3A_117 : memref<128x16xf32, #tpu.memory_space<vmem>>) offsets(%dma_start3A_120 : memref<128xi32, #tpu.memory_space<vmem>>) semaphore(%arg16 : memref<!tpu.dma_semaphore, #tpu.memory_space<semaphore_mem>>)
    %dma_wait3A_124 = arith.constant 2 : i32
    %dma_wait3A_125 = arith.constant 2 : i32
    %dma_wait3A_126 = arith.constant 0 : i32
    %dma_wait3A_127 = arith.constant 0 : i32
    %dma_wait3A_128 = tpu.memref_slice %arg9[%dma_wait3A_125, %dma_wait3A_126, %dma_wait3A_127] : memref<6x128x16xf32, #tpu.memory_space<vmem>> -> memref<1x128x16xf32, #tpu.memory_space<vmem>>
    %dma_wait3A_129 = tpu.memref_squeeze %dma_wait3A_128 : memref<1x128x16xf32, #tpu.memory_space<vmem>> -> memref<128x16xf32, #tpu.memory_space<vmem>>
    %dma_wait3A_130 = arith.constant 0 : i32
    %dma_wait3A_131 = tpu.memref_slice %arg7[%dma_wait3A_124, %dma_wait3A_130] : memref<79x128xi32, #tpu.memory_space<vmem>> -> memref<1x128xi32, #tpu.memory_space<vmem>>
    %dma_wait3A_132 = tpu.memref_squeeze %dma_wait3A_131 : memref<1x128xi32, #tpu.memory_space<vmem>> -> memref<128xi32, #tpu.memory_space<vmem>>
    %dma_wait3A_133 = arith.constant 0 : i32
    %dma_wait3A_134 = arith.constant 0 : i32
    %dma_wait3A_135 = tpu.memref_slice %arg10[%dma_wait3A_133, %dma_wait3A_134] : memref<10112x16xf32, #tpu.memory_space<vmem_shared>> -> memref<10112x16xf32, #tpu.memory_space<vmem_shared>>
    tpu.wait_indirect_dma semaphore(%arg14 : memref<!tpu.dma_semaphore, #tpu.memory_space<semaphore_mem>>) src(%dma_wait3A_135 : memref<10112x16xf32, #tpu.memory_space<vmem_shared>>) dst(%dma_wait3A_129 : memref<128x16xf32, #tpu.memory_space<vmem>>)
    %dma_start3A_136 = arith.constant 2 : i32
    %dma_start3A_137 = arith.constant 2 : i32
    %dma_start3A_138 = arith.constant 0 : i32
    %dma_start3A_139 = arith.constant 0 : i32
    %dma_start3A_140 = tpu.memref_slice %arg9[%dma_start3A_136, %dma_start3A_138, %dma_start3A_139] : memref<6x128x16xf32, #tpu.memory_space<vmem>> -> memref<1x128x16xf32, #tpu.memory_space<vmem>>
    %dma_start3A_141 = tpu.memref_squeeze %dma_start3A_140 : memref<1x128x16xf32, #tpu.memory_space<vmem>> -> memref<128x16xf32, #tpu.memory_space<vmem>>
    %dma_start3A_142 = arith.constant 0 : i32
    %dma_start3A_143 = tpu.memref_slice %arg8[%dma_start3A_137, %dma_start3A_142] : memref<79x128xi32, #tpu.memory_space<vmem>> -> memref<1x128xi32, #tpu.memory_space<vmem>>
    %dma_start3A_144 = tpu.memref_squeeze %dma_start3A_143 : memref<1x128xi32, #tpu.memory_space<vmem>> -> memref<128xi32, #tpu.memory_space<vmem>>
    %dma_start3A_145 = arith.constant 0 : i32
    %dma_start3A_146 = arith.constant 0 : i32
    %dma_start3A_147 = tpu.memref_slice %arg11[%dma_start3A_145, %dma_start3A_146] : memref<10112x16xf32, #tpu.memory_space<vmem_shared>> -> memref<10112x16xf32, #tpu.memory_space<vmem_shared>>
    tpu.enqueue_indirect_dma source(%dma_start3A_141 : memref<128x16xf32, #tpu.memory_space<vmem>>) target(%dma_start3A_147 : memref<10112x16xf32, #tpu.memory_space<vmem_shared>>) offsets(%dma_start3A_144 : memref<128xi32, #tpu.memory_space<vmem>>) semaphore(%arg20 : memref<!tpu.dma_semaphore, #tpu.memory_space<semaphore_mem>>) {add = true}
    %dma_start3A_148 = arith.constant 5 : i32
    %dma_start3A_149 = arith.constant 5 : i32
    %dma_start3A_150 = arith.constant 0 : i32
    %dma_start3A_151 = arith.constant 0 : i32
    %dma_start3A_152 = tpu.memref_slice %arg9[%dma_start3A_149, %dma_start3A_150, %dma_start3A_151] : memref<6x128x16xf32, #tpu.memory_space<vmem>> -> memref<1x128x16xf32, #tpu.memory_space<vmem>>
    %dma_start3A_153 = tpu.memref_squeeze %dma_start3A_152 : memref<1x128x16xf32, #tpu.memory_space<vmem>> -> memref<128x16xf32, #tpu.memory_space<vmem>>
    %dma_start3A_154 = arith.constant 0 : i32
    %dma_start3A_155 = tpu.memref_slice %arg7[%dma_start3A_148, %dma_start3A_154] : memref<79x128xi32, #tpu.memory_space<vmem>> -> memref<1x128xi32, #tpu.memory_space<vmem>>
    %dma_start3A_156 = tpu.memref_squeeze %dma_start3A_155 : memref<1x128xi32, #tpu.memory_space<vmem>> -> memref<128xi32, #tpu.memory_space<vmem>>
    %dma_start3A_157 = arith.constant 0 : i32
    %dma_start3A_158 = arith.constant 0 : i32
    %dma_start3A_159 = tpu.memref_slice %arg10[%dma_start3A_157, %dma_start3A_158] : memref<10112x16xf32, #tpu.memory_space<vmem_shared>> -> memref<10112x16xf32, #tpu.memory_space<vmem_shared>>
    tpu.enqueue_indirect_dma source(%dma_start3A_159 : memref<10112x16xf32, #tpu.memory_space<vmem_shared>>) target(%dma_start3A_153 : memref<128x16xf32, #tpu.memory_space<vmem>>) offsets(%dma_start3A_156 : memref<128xi32, #tpu.memory_space<vmem>>) semaphore(%arg17 : memref<!tpu.dma_semaphore, #tpu.memory_space<semaphore_mem>>)
    %dma_wait3A_160 = arith.constant 3 : i32
    %dma_wait3A_161 = arith.constant 3 : i32
    %dma_wait3A_162 = arith.constant 0 : i32
    %dma_wait3A_163 = arith.constant 0 : i32
    %dma_wait3A_164 = tpu.memref_slice %arg9[%dma_wait3A_161, %dma_wait3A_162, %dma_wait3A_163] : memref<6x128x16xf32, #tpu.memory_space<vmem>> -> memref<1x128x16xf32, #tpu.memory_space<vmem>>
    %dma_wait3A_165 = tpu.memref_squeeze %dma_wait3A_164 : memref<1x128x16xf32, #tpu.memory_space<vmem>> -> memref<128x16xf32, #tpu.memory_space<vmem>>
    %dma_wait3A_166 = arith.constant 0 : i32
    %dma_wait3A_167 = tpu.memref_slice %arg7[%dma_wait3A_160, %dma_wait3A_166] : memref<79x128xi32, #tpu.memory_space<vmem>> -> memref<1x128xi32, #tpu.memory_space<vmem>>
    %dma_wait3A_168 = tpu.memref_squeeze %dma_wait3A_167 : memref<1x128xi32, #tpu.memory_space<vmem>> -> memref<128xi32, #tpu.memory_space<vmem>>
    %dma_wait3A_169 = arith.constant 0 : i32
    %dma_wait3A_170 = arith.constant 0 : i32
    %dma_wait3A_171 = tpu.memref_slice %arg10[%dma_wait3A_169, %dma_wait3A_170] : memref<10112x16xf32, #tpu.memory_space<vmem_shared>> -> memref<10112x16xf32, #tpu.memory_space<vmem_shared>>
    tpu.wait_indirect_dma semaphore(%arg15 : memref<!tpu.dma_semaphore, #tpu.memory_space<semaphore_mem>>) src(%dma_wait3A_171 : memref<10112x16xf32, #tpu.memory_space<vmem_shared>>) dst(%dma_wait3A_165 : memref<128x16xf32, #tpu.memory_space<vmem>>)
    %dma_start3A_172 = arith.constant 3 : i32
    %dma_start3A_173 = arith.constant 3 : i32
    %dma_start3A_174 = arith.constant 0 : i32
    %dma_start3A_175 = arith.constant 0 : i32
    %dma_start3A_176 = tpu.memref_slice %arg9[%dma_start3A_172, %dma_start3A_174, %dma_start3A_175] : memref<6x128x16xf32, #tpu.memory_space<vmem>> -> memref<1x128x16xf32, #tpu.memory_space<vmem>>
    %dma_start3A_177 = tpu.memref_squeeze %dma_start3A_176 : memref<1x128x16xf32, #tpu.memory_space<vmem>> -> memref<128x16xf32, #tpu.memory_space<vmem>>
    %dma_start3A_178 = arith.constant 0 : i32
    %dma_start3A_179 = tpu.memref_slice %arg8[%dma_start3A_173, %dma_start3A_178] : memref<79x128xi32, #tpu.memory_space<vmem>> -> memref<1x128xi32, #tpu.memory_space<vmem>>
    %dma_start3A_180 = tpu.memref_squeeze %dma_start3A_179 : memref<1x128xi32, #tpu.memory_space<vmem>> -> memref<128xi32, #tpu.memory_space<vmem>>
    %dma_start3A_181 = arith.constant 0 : i32
    %dma_start3A_182 = arith.constant 0 : i32
    %dma_start3A_183 = tpu.memref_slice %arg11[%dma_start3A_181, %dma_start3A_182] : memref<10112x16xf32, #tpu.memory_space<vmem_shared>> -> memref<10112x16xf32, #tpu.memory_space<vmem_shared>>
    tpu.enqueue_indirect_dma source(%dma_start3A_177 : memref<128x16xf32, #tpu.memory_space<vmem>>) target(%dma_start3A_183 : memref<10112x16xf32, #tpu.memory_space<vmem_shared>>) offsets(%dma_start3A_180 : memref<128xi32, #tpu.memory_space<vmem>>) semaphore(%arg21 : memref<!tpu.dma_semaphore, #tpu.memory_space<semaphore_mem>>) {add = true}
    %dma_wait3A_184 = arith.constant 0 : i32
    %dma_wait3A_185 = arith.constant 0 : i32
    %dma_wait3A_186 = arith.constant 0 : i32
    %dma_wait3A_187 = arith.constant 0 : i32
    %dma_wait3A_188 = tpu.memref_slice %arg9[%dma_wait3A_184, %dma_wait3A_186, %dma_wait3A_187] : memref<6x128x16xf32, #tpu.memory_space<vmem>> -> memref<1x128x16xf32, #tpu.memory_space<vmem>>
    %dma_wait3A_189 = tpu.memref_squeeze %dma_wait3A_188 : memref<1x128x16xf32, #tpu.memory_space<vmem>> -> memref<128x16xf32, #tpu.memory_space<vmem>>
    %dma_wait3A_190 = arith.constant 0 : i32
    %dma_wait3A_191 = tpu.memref_slice %arg8[%dma_wait3A_185, %dma_wait3A_190] : memref<79x128xi32, #tpu.memory_space<vmem>> -> memref<1x128xi32, #tpu.memory_space<vmem>>
    %dma_wait3A_192 = tpu.memref_squeeze %dma_wait3A_191 : memref<1x128xi32, #tpu.memory_space<vmem>> -> memref<128xi32, #tpu.memory_space<vmem>>
    %dma_wait3A_193 = arith.constant 0 : i32
    %dma_wait3A_194 = arith.constant 0 : i32
    %dma_wait3A_195 = tpu.memref_slice %arg11[%dma_wait3A_193, %dma_wait3A_194] : memref<10112x16xf32, #tpu.memory_space<vmem_shared>> -> memref<10112x16xf32, #tpu.memory_space<vmem_shared>>
    tpu.wait_indirect_dma semaphore(%arg18 : memref<!tpu.dma_semaphore, #tpu.memory_space<semaphore_mem>>) src(%dma_wait3A_189 : memref<128x16xf32, #tpu.memory_space<vmem>>) dst(%dma_wait3A_195 : memref<10112x16xf32, #tpu.memory_space<vmem_shared>>)
    %dma_start3A_196 = arith.constant 6 : i32
    %dma_start3A_197 = arith.constant 0 : i32
    %dma_start3A_198 = arith.constant 0 : i32
    %dma_start3A_199 = arith.constant 0 : i32
    %dma_start3A_200 = tpu.memref_slice %arg9[%dma_start3A_197, %dma_start3A_198, %dma_start3A_199] : memref<6x128x16xf32, #tpu.memory_space<vmem>> -> memref<1x128x16xf32, #tpu.memory_space<vmem>>
    %dma_start3A_201 = tpu.memref_squeeze %dma_start3A_200 : memref<1x128x16xf32, #tpu.memory_space<vmem>> -> memref<128x16xf32, #tpu.memory_space<vmem>>
    %dma_start3A_202 = arith.constant 0 : i32
    %dma_start3A_203 = tpu.memref_slice %arg7[%dma_start3A_196, %dma_start3A_202] : memref<79x128xi32, #tpu.memory_space<vmem>> -> memref<1x128xi32, #tpu.memory_space<vmem>>
    %dma_start3A_204 = tpu.memref_squeeze %dma_start3A_203 : memref<1x128xi32, #tpu.memory_space<vmem>> -> memref<128xi32, #tpu.memory_space<vmem>>
    %dma_start3A_205 = arith.constant 0 : i32
    %dma_start3A_206 = arith.constant 0 : i32
    %dma_start3A_207 = tpu.memref_slice %arg10[%dma_start3A_205, %dma_start3A_206] : memref<10112x16xf32, #tpu.memory_space<vmem_shared>> -> memref<10112x16xf32, #tpu.memory_space<vmem_shared>>
    tpu.enqueue_indirect_dma source(%dma_start3A_207 : memref<10112x16xf32, #tpu.memory_space<vmem_shared>>) target(%dma_start3A_201 : memref<128x16xf32, #tpu.memory_space<vmem>>) offsets(%dma_start3A_204 : memref<128xi32, #tpu.memory_space<vmem>>) semaphore(%arg12 : memref<!tpu.dma_semaphore, #tpu.memory_space<semaphore_mem>>)
    %dma_wait3A_208 = arith.constant 4 : i32
    %dma_wait3A_209 = arith.constant 4 : i32
    %dma_wait3A_210 = arith.constant 0 : i32
    %dma_wait3A_211 = arith.constant 0 : i32
    %dma_wait3A_212 = tpu.memref_slice %arg9[%dma_wait3A_209, %dma_wait3A_210, %dma_wait3A_211] : memref<6x128x16xf32, #tpu.memory_space<vmem>> -> memref<1x128x16xf32, #tpu.memory_space<vmem>>
    %dma_wait3A_213 = tpu.memref_squeeze %dma_wait3A_212 : memref<1x128x16xf32, #tpu.memory_space<vmem>> -> memref<128x16xf32, #tpu.memory_space<vmem>>
    %dma_wait3A_214 = arith.constant 0 : i32
    %dma_wait3A_215 = tpu.memref_slice %arg7[%dma_wait3A_208, %dma_wait3A_214] : memref<79x128xi32, #tpu.memory_space<vmem>> -> memref<1x128xi32, #tpu.memory_space<vmem>>
    %dma_wait3A_216 = tpu.memref_squeeze %dma_wait3A_215 : memref<1x128xi32, #tpu.memory_space<vmem>> -> memref<128xi32, #tpu.memory_space<vmem>>
    %dma_wait3A_217 = arith.constant 0 : i32
    %dma_wait3A_218 = arith.constant 0 : i32
    %dma_wait3A_219 = tpu.memref_slice %arg10[%dma_wait3A_217, %dma_wait3A_218] : memref<10112x16xf32, #tpu.memory_space<vmem_shared>> -> memref<10112x16xf32, #tpu.memory_space<vmem_shared>>
    tpu.wait_indirect_dma semaphore(%arg16 : memref<!tpu.dma_semaphore, #tpu.memory_space<semaphore_mem>>) src(%dma_wait3A_219 : memref<10112x16xf32, #tpu.memory_space<vmem_shared>>) dst(%dma_wait3A_213 : memref<128x16xf32, #tpu.memory_space<vmem>>)
    %dma_start3A_220 = arith.constant 4 : i32
    %dma_start3A_221 = arith.constant 4 : i32
    %dma_start3A_222 = arith.constant 0 : i32
    %dma_start3A_223 = arith.constant 0 : i32
    %dma_start3A_224 = tpu.memref_slice %arg9[%dma_start3A_220, %dma_start3A_222, %dma_start3A_223] : memref<6x128x16xf32, #tpu.memory_space<vmem>> -> memref<1x128x16xf32, #tpu.memory_space<vmem>>
    %dma_start3A_225 = tpu.memref_squeeze %dma_start3A_224 : memref<1x128x16xf32, #tpu.memory_space<vmem>> -> memref<128x16xf32, #tpu.memory_space<vmem>>
    %dma_start3A_226 = arith.constant 0 : i32
    %dma_start3A_227 = tpu.memref_slice %arg8[%dma_start3A_221, %dma_start3A_226] : memref<79x128xi32, #tpu.memory_space<vmem>> -> memref<1x128xi32, #tpu.memory_space<vmem>>
    %dma_start3A_228 = tpu.memref_squeeze %dma_start3A_227 : memref<1x128xi32, #tpu.memory_space<vmem>> -> memref<128xi32, #tpu.memory_space<vmem>>
    %dma_start3A_229 = arith.constant 0 : i32
    %dma_start3A_230 = arith.constant 0 : i32
    %dma_start3A_231 = tpu.memref_slice %arg11[%dma_start3A_229, %dma_start3A_230] : memref<10112x16xf32, #tpu.memory_space<vmem_shared>> -> memref<10112x16xf32, #tpu.memory_space<vmem_shared>>
    tpu.enqueue_indirect_dma source(%dma_start3A_225 : memref<128x16xf32, #tpu.memory_space<vmem>>) target(%dma_start3A_231 : memref<10112x16xf32, #tpu.memory_space<vmem_shared>>) offsets(%dma_start3A_228 : memref<128xi32, #tpu.memory_space<vmem>>) semaphore(%arg22 : memref<!tpu.dma_semaphore, #tpu.memory_space<semaphore_mem>>) {add = true}
    %dma_wait3A_232 = arith.constant 1 : i32
    %dma_wait3A_233 = arith.constant 1 : i32
    %dma_wait3A_234 = arith.constant 0 : i32
    %dma_wait3A_235 = arith.constant 0 : i32
    %dma_wait3A_236 = tpu.memref_slice %arg9[%dma_wait3A_232, %dma_wait3A_234, %dma_wait3A_235] : memref<6x128x16xf32, #tpu.memory_space<vmem>> -> memref<1x128x16xf32, #tpu.memory_space<vmem>>
    %dma_wait3A_237 = tpu.memref_squeeze %dma_wait3A_236 : memref<1x128x16xf32, #tpu.memory_space<vmem>> -> memref<128x16xf32, #tpu.memory_space<vmem>>
    %dma_wait3A_238 = arith.constant 0 : i32
    %dma_wait3A_239 = tpu.memref_slice %arg8[%dma_wait3A_233, %dma_wait3A_238] : memref<79x128xi32, #tpu.memory_space<vmem>> -> memref<1x128xi32, #tpu.memory_space<vmem>>
    %dma_wait3A_240 = tpu.memref_squeeze %dma_wait3A_239 : memref<1x128xi32, #tpu.memory_space<vmem>> -> memref<128xi32, #tpu.memory_space<vmem>>
    %dma_wait3A_241 = arith.constant 0 : i32
    %dma_wait3A_242 = arith.constant 0 : i32
    %dma_wait3A_243 = tpu.memref_slice %arg11[%dma_wait3A_241, %dma_wait3A_242] : memref<10112x16xf32, #tpu.memory_space<vmem_shared>> -> memref<10112x16xf32, #tpu.memory_space<vmem_shared>>
    tpu.wait_indirect_dma semaphore(%arg19 : memref<!tpu.dma_semaphore, #tpu.memory_space<semaphore_mem>>) src(%dma_wait3A_237 : memref<128x16xf32, #tpu.memory_space<vmem>>) dst(%dma_wait3A_243 : memref<10112x16xf32, #tpu.memory_space<vmem_shared>>)
    %dma_start3A_244 = arith.constant 7 : i32
    %dma_start3A_245 = arith.constant 1 : i32
    %dma_start3A_246 = arith.constant 0 : i32
    %dma_start3A_247 = arith.constant 0 : i32
    %dma_start3A_248 = tpu.memref_slice %arg9[%dma_start3A_245, %dma_start3A_246, %dma_start3A_247] : memref<6x128x16xf32, #tpu.memory_space<vmem>> -> memref<1x128x16xf32, #tpu.memory_space<vmem>>
    %dma_start3A_249 = tpu.memref_squeeze %dma_start3A_248 : memref<1x128x16xf32, #tpu.memory_space<vmem>> -> memref<128x16xf32, #tpu.memory_space<vmem>>
    %dma_start3A_250 = arith.constant 0 : i32
    %dma_start3A_251 = tpu.memref_slice %arg7[%dma_start3A_244, %dma_start3A_250] : memref<79x128xi32, #tpu.memory_space<vmem>> -> memref<1x128xi32, #tpu.memory_space<vmem>>
    %dma_start3A_252 = tpu.memref_squeeze %dma_start3A_251 : memref<1x128xi32, #tpu.memory_space<vmem>> -> memref<128xi32, #tpu.memory_space<vmem>>
    %dma_start3A_253 = arith.constant 0 : i32
    %dma_start3A_254 = arith.constant 0 : i32
    %dma_start3A_255 = tpu.memref_slice %arg10[%dma_start3A_253, %dma_start3A_254] : memref<10112x16xf32, #tpu.memory_space<vmem_shared>> -> memref<10112x16xf32, #tpu.memory_space<vmem_shared>>
    tpu.enqueue_indirect_dma source(%dma_start3A_255 : memref<10112x16xf32, #tpu.memory_space<vmem_shared>>) target(%dma_start3A_249 : memref<128x16xf32, #tpu.memory_space<vmem>>) offsets(%dma_start3A_252 : memref<128xi32, #tpu.memory_space<vmem>>) semaphore(%arg13 : memref<!tpu.dma_semaphore, #tpu.memory_space<semaphore_mem>>)
    %dma_wait3A_256 = arith.constant 5 : i32
    %dma_wait3A_257 = arith.constant 5 : i32
    %dma_wait3A_258 = arith.constant 0 : i32
    %dma_wait3A_259 = arith.constant 0 : i32
    %dma_wait3A_260 = tpu.memref_slice %arg9[%dma_wait3A_257, %dma_wait3A_258, %dma_wait3A_259] : memref<6x128x16xf32, #tpu.memory_space<vmem>> -> memref<1x128x16xf32, #tpu.memory_space<vmem>>
    %dma_wait3A_261 = tpu.memref_squeeze %dma_wait3A_260 : memref<1x128x16xf32, #tpu.memory_space<vmem>> -> memref<128x16xf32, #tpu.memory_space<vmem>>
    %dma_wait3A_262 = arith.constant 0 : i32
    %dma_wait3A_263 = tpu.memref_slice %arg7[%dma_wait3A_256, %dma_wait3A_262] : memref<79x128xi32, #tpu.memory_space<vmem>> -> memref<1x128xi32, #tpu.memory_space<vmem>>
    %dma_wait3A_264 = tpu.memref_squeeze %dma_wait3A_263 : memref<1x128xi32, #tpu.memory_space<vmem>> -> memref<128xi32, #tpu.memory_space<vmem>>
    %dma_wait3A_265 = arith.constant 0 : i32
    %dma_wait3A_266 = arith.constant 0 : i32
    %dma_wait3A_267 = tpu.memref_slice %arg10[%dma_wait3A_265, %dma_wait3A_266] : memref<10112x16xf32, #tpu.memory_space<vmem_shared>> -> memref<10112x16xf32, #tpu.memory_space<vmem_shared>>
    tpu.wait_indirect_dma semaphore(%arg17 : memref<!tpu.dma_semaphore, #tpu.memory_space<semaphore_mem>>) src(%dma_wait3A_267 : memref<10112x16xf32, #tpu.memory_space<vmem_shared>>) dst(%dma_wait3A_261 : memref<128x16xf32, #tpu.memory_space<vmem>>)
    %dma_start3A_268 = arith.constant 5 : i32
    %dma_start3A_269 = arith.constant 5 : i32
    %dma_start3A_270 = arith.constant 0 : i32
    %dma_start3A_271 = arith.constant 0 : i32
    %dma_start3A_272 = tpu.memref_slice %arg9[%dma_start3A_268, %dma_start3A_270, %dma_start3A_271] : memref<6x128x16xf32, #tpu.memory_space<vmem>> -> memref<1x128x16xf32, #tpu.memory_space<vmem>>
    %dma_start3A_273 = tpu.memref_squeeze %dma_start3A_272 : memref<1x128x16xf32, #tpu.memory_space<vmem>> -> memref<128x16xf32, #tpu.memory_space<vmem>>
    %dma_start3A_274 = arith.constant 0 : i32
    %dma_start3A_275 = tpu.memref_slice %arg8[%dma_start3A_269, %dma_start3A_274] : memref<79x128xi32, #tpu.memory_space<vmem>> -> memref<1x128xi32, #tpu.memory_space<vmem>>
    %dma_start3A_276 = tpu.memref_squeeze %dma_start3A_275 : memref<1x128xi32, #tpu.memory_space<vmem>> -> memref<128xi32, #tpu.memory_space<vmem>>
    %dma_start3A_277 = arith.constant 0 : i32
    %dma_start3A_278 = arith.constant 0 : i32
    %dma_start3A_279 = tpu.memref_slice %arg11[%dma_start3A_277, %dma_start3A_278] : memref<10112x16xf32, #tpu.memory_space<vmem_shared>> -> memref<10112x16xf32, #tpu.memory_space<vmem_shared>>
    tpu.enqueue_indirect_dma source(%dma_start3A_273 : memref<128x16xf32, #tpu.memory_space<vmem>>) target(%dma_start3A_279 : memref<10112x16xf32, #tpu.memory_space<vmem_shared>>) offsets(%dma_start3A_276 : memref<128xi32, #tpu.memory_space<vmem>>) semaphore(%arg23 : memref<!tpu.dma_semaphore, #tpu.memory_space<semaphore_mem>>) {add = true}
    %dma_wait3A_280 = arith.constant 2 : i32
    %dma_wait3A_281 = arith.constant 2 : i32
    %dma_wait3A_282 = arith.constant 0 : i32
    %dma_wait3A_283 = arith.constant 0 : i32
    %dma_wait3A_284 = tpu.memref_slice %arg9[%dma_wait3A_280, %dma_wait3A_282, %dma_wait3A_283] : memref<6x128x16xf32, #tpu.memory_space<vmem>> -> memref<1x128x16xf32, #tpu.memory_space<vmem>>
    %dma_wait3A_285 = tpu.memref_squeeze %dma_wait3A_284 : memref<1x128x16xf32, #tpu.memory_space<vmem>> -> memref<128x16xf32, #tpu.memory_space<vmem>>
    %dma_wait3A_286 = arith.constant 0 : i32
    %dma_wait3A_287 = tpu.memref_slice %arg8[%dma_wait3A_281, %dma_wait3A_286] : memref<79x128xi32, #tpu.memory_space<vmem>> -> memref<1x128xi32, #tpu.memory_space<vmem>>
    %dma_wait3A_288 = tpu.memref_squeeze %dma_wait3A_287 : memref<1x128xi32, #tpu.memory_space<vmem>> -> memref<128xi32, #tpu.memory_space<vmem>>
    %dma_wait3A_289 = arith.constant 0 : i32
    %dma_wait3A_290 = arith.constant 0 : i32
    %dma_wait3A_291 = tpu.memref_slice %arg11[%dma_wait3A_289, %dma_wait3A_290] : memref<10112x16xf32, #tpu.memory_space<vmem_shared>> -> memref<10112x16xf32, #tpu.memory_space<vmem_shared>>
    tpu.wait_indirect_dma semaphore(%arg20 : memref<!tpu.dma_semaphore, #tpu.memory_space<semaphore_mem>>) src(%dma_wait3A_285 : memref<128x16xf32, #tpu.memory_space<vmem>>) dst(%dma_wait3A_291 : memref<10112x16xf32, #tpu.memory_space<vmem_shared>>)
    %dma_start3A_292 = arith.constant 8 : i32
    %dma_start3A_293 = arith.constant 2 : i32
    %dma_start3A_294 = arith.constant 0 : i32
    %dma_start3A_295 = arith.constant 0 : i32
    %dma_start3A_296 = tpu.memref_slice %arg9[%dma_start3A_293, %dma_start3A_294, %dma_start3A_295] : memref<6x128x16xf32, #tpu.memory_space<vmem>> -> memref<1x128x16xf32, #tpu.memory_space<vmem>>
    %dma_start3A_297 = tpu.memref_squeeze %dma_start3A_296 : memref<1x128x16xf32, #tpu.memory_space<vmem>> -> memref<128x16xf32, #tpu.memory_space<vmem>>
    %dma_start3A_298 = arith.constant 0 : i32
    %dma_start3A_299 = tpu.memref_slice %arg7[%dma_start3A_292, %dma_start3A_298] : memref<79x128xi32, #tpu.memory_space<vmem>> -> memref<1x128xi32, #tpu.memory_space<vmem>>
    %dma_start3A_300 = tpu.memref_squeeze %dma_start3A_299 : memref<1x128xi32, #tpu.memory_space<vmem>> -> memref<128xi32, #tpu.memory_space<vmem>>
    %dma_start3A_301 = arith.constant 0 : i32
    %dma_start3A_302 = arith.constant 0 : i32
    %dma_start3A_303 = tpu.memref_slice %arg10[%dma_start3A_301, %dma_start3A_302] : memref<10112x16xf32, #tpu.memory_space<vmem_shared>> -> memref<10112x16xf32, #tpu.memory_space<vmem_shared>>
    tpu.enqueue_indirect_dma source(%dma_start3A_303 : memref<10112x16xf32, #tpu.memory_space<vmem_shared>>) target(%dma_start3A_297 : memref<128x16xf32, #tpu.memory_space<vmem>>) offsets(%dma_start3A_300 : memref<128xi32, #tpu.memory_space<vmem>>) semaphore(%arg14 : memref<!tpu.dma_semaphore, #tpu.memory_space<semaphore_mem>>)
    %scan3A = arith.constant 0 : i32
    %scan3A_304 = arith.constant 1 : i32
    %scan3A_305 = arith.constant 11 : i32
    %scan3A_306 = arith.addi %scan3A_304, %scan3A_305 : i32
    %scan3A_307 = arith.constant 1 : i32
    scf.for %scan3A_603 = %scan3A_304 to %scan3A_306 step %scan3A_307  : i32 {
      %mul3A_604 = arith.constant 6 : i32
      %mul3A_605 = arith.muli %scan3A_603, %mul3A_604 : i32
      %add3A_606 = arith.constant 0 : i32
      %add3A_607 = arith.addi %mul3A_605, %add3A_606 : i32
      %dma_wait3A_608 = arith.constant 0 : i32
      %dma_wait3A_609 = arith.constant 0 : i32
      %dma_wait3A_610 = arith.constant 0 : i32
      %dma_wait3A_611 = tpu.memref_slice %arg9[%dma_wait3A_608, %dma_wait3A_609, %dma_wait3A_610] : memref<6x128x16xf32, #tpu.memory_space<vmem>> -> memref<1x128x16xf32, #tpu.memory_space<vmem>>
      %dma_wait3A_612 = tpu.memref_squeeze %dma_wait3A_611 : memref<1x128x16xf32, #tpu.memory_space<vmem>> -> memref<128x16xf32, #tpu.memory_space<vmem>>
      %dma_wait3A_613 = arith.constant 0 : i32
      %dma_wait3A_614 = tpu.memref_slice %arg7[%add3A_607, %dma_wait3A_613] : memref<79x128xi32, #tpu.memory_space<vmem>> -> memref<1x128xi32, #tpu.memory_space<vmem>>
      %dma_wait3A_615 = tpu.memref_squeeze %dma_wait3A_614 : memref<1x128xi32, #tpu.memory_space<vmem>> -> memref<128xi32, #tpu.memory_space<vmem>>
      %dma_wait3A_616 = arith.constant 0 : i32
      %dma_wait3A_617 = arith.constant 0 : i32
      %dma_wait3A_618 = tpu.memref_slice %arg10[%dma_wait3A_616, %dma_wait3A_617] : memref<10112x16xf32, #tpu.memory_space<vmem_shared>> -> memref<10112x16xf32, #tpu.memory_space<vmem_shared>>
      tpu.wait_indirect_dma semaphore(%arg12 : memref<!tpu.dma_semaphore, #tpu.memory_space<semaphore_mem>>) src(%dma_wait3A_618 : memref<10112x16xf32, #tpu.memory_space<vmem_shared>>) dst(%dma_wait3A_612 : memref<128x16xf32, #tpu.memory_space<vmem>>)
      %dma_start3A_619 = arith.constant 0 : i32
      %dma_start3A_620 = arith.constant 0 : i32
      %dma_start3A_621 = arith.constant 0 : i32
      %dma_start3A_622 = tpu.memref_slice %arg9[%dma_start3A_619, %dma_start3A_620, %dma_start3A_621] : memref<6x128x16xf32, #tpu.memory_space<vmem>> -> memref<1x128x16xf32, #tpu.memory_space<vmem>>
      %dma_start3A_623 = tpu.memref_squeeze %dma_start3A_622 : memref<1x128x16xf32, #tpu.memory_space<vmem>> -> memref<128x16xf32, #tpu.memory_space<vmem>>
      %dma_start3A_624 = arith.constant 0 : i32
      %dma_start3A_625 = tpu.memref_slice %arg8[%add3A_607, %dma_start3A_624] : memref<79x128xi32, #tpu.memory_space<vmem>> -> memref<1x128xi32, #tpu.memory_space<vmem>>
      %dma_start3A_626 = tpu.memref_squeeze %dma_start3A_625 : memref<1x128xi32, #tpu.memory_space<vmem>> -> memref<128xi32, #tpu.memory_space<vmem>>
      %dma_start3A_627 = arith.constant 0 : i32
      %dma_start3A_628 = arith.constant 0 : i32
      %dma_start3A_629 = tpu.memref_slice %arg11[%dma_start3A_627, %dma_start3A_628] : memref<10112x16xf32, #tpu.memory_space<vmem_shared>> -> memref<10112x16xf32, #tpu.memory_space<vmem_shared>>
      tpu.enqueue_indirect_dma source(%dma_start3A_623 : memref<128x16xf32, #tpu.memory_space<vmem>>) target(%dma_start3A_629 : memref<10112x16xf32, #tpu.memory_space<vmem_shared>>) offsets(%dma_start3A_626 : memref<128xi32, #tpu.memory_space<vmem>>) semaphore(%arg18 : memref<!tpu.dma_semaphore, #tpu.memory_space<semaphore_mem>>) {add = true}
      %sub3A = arith.constant 3 : i32
      %sub3A_630 = arith.subi %add3A_607, %sub3A : i32
      %dma_wait3A_631 = arith.constant 3 : i32
      %dma_wait3A_632 = arith.constant 0 : i32
      %dma_wait3A_633 = arith.constant 0 : i32
      %dma_wait3A_634 = tpu.memref_slice %arg9[%dma_wait3A_631, %dma_wait3A_632, %dma_wait3A_633] : memref<6x128x16xf32, #tpu.memory_space<vmem>> -> memref<1x128x16xf32, #tpu.memory_space<vmem>>
      %dma_wait3A_635 = tpu.memref_squeeze %dma_wait3A_634 : memref<1x128x16xf32, #tpu.memory_space<vmem>> -> memref<128x16xf32, #tpu.memory_space<vmem>>
      %dma_wait3A_636 = arith.constant 0 : i32
      %dma_wait3A_637 = tpu.memref_slice %arg8[%sub3A_630, %dma_wait3A_636] : memref<79x128xi32, #tpu.memory_space<vmem>> -> memref<1x128xi32, #tpu.memory_space<vmem>>
      %dma_wait3A_638 = tpu.memref_squeeze %dma_wait3A_637 : memref<1x128xi32, #tpu.memory_space<vmem>> -> memref<128xi32, #tpu.memory_space<vmem>>
      %dma_wait3A_639 = arith.constant 0 : i32
      %dma_wait3A_640 = arith.constant 0 : i32
      %dma_wait3A_641 = tpu.memref_slice %arg11[%dma_wait3A_639, %dma_wait3A_640] : memref<10112x16xf32, #tpu.memory_space<vmem_shared>> -> memref<10112x16xf32, #tpu.memory_space<vmem_shared>>
      tpu.wait_indirect_dma semaphore(%arg21 : memref<!tpu.dma_semaphore, #tpu.memory_space<semaphore_mem>>) src(%dma_wait3A_635 : memref<128x16xf32, #tpu.memory_space<vmem>>) dst(%dma_wait3A_641 : memref<10112x16xf32, #tpu.memory_space<vmem_shared>>)
      %add3A_642 = arith.constant 3 : i32
      %add3A_643 = arith.addi %add3A_607, %add3A_642 : i32
      %dma_start3A_644 = arith.constant 3 : i32
      %dma_start3A_645 = arith.constant 0 : i32
      %dma_start3A_646 = arith.constant 0 : i32
      %dma_start3A_647 = tpu.memref_slice %arg9[%dma_start3A_644, %dma_start3A_645, %dma_start3A_646] : memref<6x128x16xf32, #tpu.memory_space<vmem>> -> memref<1x128x16xf32, #tpu.memory_space<vmem>>
      %dma_start3A_648 = tpu.memref_squeeze %dma_start3A_647 : memref<1x128x16xf32, #tpu.memory_space<vmem>> -> memref<128x16xf32, #tpu.memory_space<vmem>>
      %dma_start3A_649 = arith.constant 0 : i32
      %dma_start3A_650 = tpu.memref_slice %arg7[%add3A_643, %dma_start3A_649] : memref<79x128xi32, #tpu.memory_space<vmem>> -> memref<1x128xi32, #tpu.memory_space<vmem>>
      %dma_start3A_651 = tpu.memref_squeeze %dma_start3A_650 : memref<1x128xi32, #tpu.memory_space<vmem>> -> memref<128xi32, #tpu.memory_space<vmem>>
      %dma_start3A_652 = arith.constant 0 : i32
      %dma_start3A_653 = arith.constant 0 : i32
      %dma_start3A_654 = tpu.memref_slice %arg10[%dma_start3A_652, %dma_start3A_653] : memref<10112x16xf32, #tpu.memory_space<vmem_shared>> -> memref<10112x16xf32, #tpu.memory_space<vmem_shared>>
      tpu.enqueue_indirect_dma source(%dma_start3A_654 : memref<10112x16xf32, #tpu.memory_space<vmem_shared>>) target(%dma_start3A_648 : memref<128x16xf32, #tpu.memory_space<vmem>>) offsets(%dma_start3A_651 : memref<128xi32, #tpu.memory_space<vmem>>) semaphore(%arg15 : memref<!tpu.dma_semaphore, #tpu.memory_space<semaphore_mem>>)
      %add3A_655 = arith.constant 1 : i32
      %add3A_656 = arith.addi %mul3A_605, %add3A_655 : i32
      %dma_wait3A_657 = arith.constant 1 : i32
      %dma_wait3A_658 = arith.constant 0 : i32
      %dma_wait3A_659 = arith.constant 0 : i32
      %dma_wait3A_660 = tpu.memref_slice %arg9[%dma_wait3A_657, %dma_wait3A_658, %dma_wait3A_659] : memref<6x128x16xf32, #tpu.memory_space<vmem>> -> memref<1x128x16xf32, #tpu.memory_space<vmem>>
      %dma_wait3A_661 = tpu.memref_squeeze %dma_wait3A_660 : memref<1x128x16xf32, #tpu.memory_space<vmem>> -> memref<128x16xf32, #tpu.memory_space<vmem>>
      %dma_wait3A_662 = arith.constant 0 : i32
      %dma_wait3A_663 = tpu.memref_slice %arg7[%add3A_656, %dma_wait3A_662] : memref<79x128xi32, #tpu.memory_space<vmem>> -> memref<1x128xi32, #tpu.memory_space<vmem>>
      %dma_wait3A_664 = tpu.memref_squeeze %dma_wait3A_663 : memref<1x128xi32, #tpu.memory_space<vmem>> -> memref<128xi32, #tpu.memory_space<vmem>>
      %dma_wait3A_665 = arith.constant 0 : i32
      %dma_wait3A_666 = arith.constant 0 : i32
      %dma_wait3A_667 = tpu.memref_slice %arg10[%dma_wait3A_665, %dma_wait3A_666] : memref<10112x16xf32, #tpu.memory_space<vmem_shared>> -> memref<10112x16xf32, #tpu.memory_space<vmem_shared>>
      tpu.wait_indirect_dma semaphore(%arg13 : memref<!tpu.dma_semaphore, #tpu.memory_space<semaphore_mem>>) src(%dma_wait3A_667 : memref<10112x16xf32, #tpu.memory_space<vmem_shared>>) dst(%dma_wait3A_661 : memref<128x16xf32, #tpu.memory_space<vmem>>)
      %dma_start3A_668 = arith.constant 1 : i32
      %dma_start3A_669 = arith.constant 0 : i32
      %dma_start3A_670 = arith.constant 0 : i32
      %dma_start3A_671 = tpu.memref_slice %arg9[%dma_start3A_668, %dma_start3A_669, %dma_start3A_670] : memref<6x128x16xf32, #tpu.memory_space<vmem>> -> memref<1x128x16xf32, #tpu.memory_space<vmem>>
      %dma_start3A_672 = tpu.memref_squeeze %dma_start3A_671 : memref<1x128x16xf32, #tpu.memory_space<vmem>> -> memref<128x16xf32, #tpu.memory_space<vmem>>
      %dma_start3A_673 = arith.constant 0 : i32
      %dma_start3A_674 = tpu.memref_slice %arg8[%add3A_656, %dma_start3A_673] : memref<79x128xi32, #tpu.memory_space<vmem>> -> memref<1x128xi32, #tpu.memory_space<vmem>>
      %dma_start3A_675 = tpu.memref_squeeze %dma_start3A_674 : memref<1x128xi32, #tpu.memory_space<vmem>> -> memref<128xi32, #tpu.memory_space<vmem>>
      %dma_start3A_676 = arith.constant 0 : i32
      %dma_start3A_677 = arith.constant 0 : i32
      %dma_start3A_678 = tpu.memref_slice %arg11[%dma_start3A_676, %dma_start3A_677] : memref<10112x16xf32, #tpu.memory_space<vmem_shared>> -> memref<10112x16xf32, #tpu.memory_space<vmem_shared>>
      tpu.enqueue_indirect_dma source(%dma_start3A_672 : memref<128x16xf32, #tpu.memory_space<vmem>>) target(%dma_start3A_678 : memref<10112x16xf32, #tpu.memory_space<vmem_shared>>) offsets(%dma_start3A_675 : memref<128xi32, #tpu.memory_space<vmem>>) semaphore(%arg19 : memref<!tpu.dma_semaphore, #tpu.memory_space<semaphore_mem>>) {add = true}
      %sub3A_679 = arith.constant 3 : i32
      %sub3A_680 = arith.subi %add3A_656, %sub3A_679 : i32
      %dma_wait3A_681 = arith.constant 4 : i32
      %dma_wait3A_682 = arith.constant 0 : i32
      %dma_wait3A_683 = arith.constant 0 : i32
      %dma_wait3A_684 = tpu.memref_slice %arg9[%dma_wait3A_681, %dma_wait3A_682, %dma_wait3A_683] : memref<6x128x16xf32, #tpu.memory_space<vmem>> -> memref<1x128x16xf32, #tpu.memory_space<vmem>>
      %dma_wait3A_685 = tpu.memref_squeeze %dma_wait3A_684 : memref<1x128x16xf32, #tpu.memory_space<vmem>> -> memref<128x16xf32, #tpu.memory_space<vmem>>
      %dma_wait3A_686 = arith.constant 0 : i32
      %dma_wait3A_687 = tpu.memref_slice %arg8[%sub3A_680, %dma_wait3A_686] : memref<79x128xi32, #tpu.memory_space<vmem>> -> memref<1x128xi32, #tpu.memory_space<vmem>>
      %dma_wait3A_688 = tpu.memref_squeeze %dma_wait3A_687 : memref<1x128xi32, #tpu.memory_space<vmem>> -> memref<128xi32, #tpu.memory_space<vmem>>
      %dma_wait3A_689 = arith.constant 0 : i32
      %dma_wait3A_690 = arith.constant 0 : i32
      %dma_wait3A_691 = tpu.memref_slice %arg11[%dma_wait3A_689, %dma_wait3A_690] : memref<10112x16xf32, #tpu.memory_space<vmem_shared>> -> memref<10112x16xf32, #tpu.memory_space<vmem_shared>>
      tpu.wait_indirect_dma semaphore(%arg22 : memref<!tpu.dma_semaphore, #tpu.memory_space<semaphore_mem>>) src(%dma_wait3A_685 : memref<128x16xf32, #tpu.memory_space<vmem>>) dst(%dma_wait3A_691 : memref<10112x16xf32, #tpu.memory_space<vmem_shared>>)
      %add3A_692 = arith.constant 3 : i32
      %add3A_693 = arith.addi %add3A_656, %add3A_692 : i32
      %dma_start3A_694 = arith.constant 4 : i32
      %dma_start3A_695 = arith.constant 0 : i32
      %dma_start3A_696 = arith.constant 0 : i32
      %dma_start3A_697 = tpu.memref_slice %arg9[%dma_start3A_694, %dma_start3A_695, %dma_start3A_696] : memref<6x128x16xf32, #tpu.memory_space<vmem>> -> memref<1x128x16xf32, #tpu.memory_space<vmem>>
      %dma_start3A_698 = tpu.memref_squeeze %dma_start3A_697 : memref<1x128x16xf32, #tpu.memory_space<vmem>> -> memref<128x16xf32, #tpu.memory_space<vmem>>
      %dma_start3A_699 = arith.constant 0 : i32
      %dma_start3A_700 = tpu.memref_slice %arg7[%add3A_693, %dma_start3A_699] : memref<79x128xi32, #tpu.memory_space<vmem>> -> memref<1x128xi32, #tpu.memory_space<vmem>>
      %dma_start3A_701 = tpu.memref_squeeze %dma_start3A_700 : memref<1x128xi32, #tpu.memory_space<vmem>> -> memref<128xi32, #tpu.memory_space<vmem>>
      %dma_start3A_702 = arith.constant 0 : i32
      %dma_start3A_703 = arith.constant 0 : i32
      %dma_start3A_704 = tpu.memref_slice %arg10[%dma_start3A_702, %dma_start3A_703] : memref<10112x16xf32, #tpu.memory_space<vmem_shared>> -> memref<10112x16xf32, #tpu.memory_space<vmem_shared>>
      tpu.enqueue_indirect_dma source(%dma_start3A_704 : memref<10112x16xf32, #tpu.memory_space<vmem_shared>>) target(%dma_start3A_698 : memref<128x16xf32, #tpu.memory_space<vmem>>) offsets(%dma_start3A_701 : memref<128xi32, #tpu.memory_space<vmem>>) semaphore(%arg16 : memref<!tpu.dma_semaphore, #tpu.memory_space<semaphore_mem>>)
      %add3A_705 = arith.constant 2 : i32
      %add3A_706 = arith.addi %mul3A_605, %add3A_705 : i32
      %dma_wait3A_707 = arith.constant 2 : i32
      %dma_wait3A_708 = arith.constant 0 : i32
      %dma_wait3A_709 = arith.constant 0 : i32
      %dma_wait3A_710 = tpu.memref_slice %arg9[%dma_wait3A_707, %dma_wait3A_708, %dma_wait3A_709] : memref<6x128x16xf32, #tpu.memory_space<vmem>> -> memref<1x128x16xf32, #tpu.memory_space<vmem>>
      %dma_wait3A_711 = tpu.memref_squeeze %dma_wait3A_710 : memref<1x128x16xf32, #tpu.memory_space<vmem>> -> memref<128x16xf32, #tpu.memory_space<vmem>>
      %dma_wait3A_712 = arith.constant 0 : i32
      %dma_wait3A_713 = tpu.memref_slice %arg7[%add3A_706, %dma_wait3A_712] : memref<79x128xi32, #tpu.memory_space<vmem>> -> memref<1x128xi32, #tpu.memory_space<vmem>>
      %dma_wait3A_714 = tpu.memref_squeeze %dma_wait3A_713 : memref<1x128xi32, #tpu.memory_space<vmem>> -> memref<128xi32, #tpu.memory_space<vmem>>
      %dma_wait3A_715 = arith.constant 0 : i32
      %dma_wait3A_716 = arith.constant 0 : i32
      %dma_wait3A_717 = tpu.memref_slice %arg10[%dma_wait3A_715, %dma_wait3A_716] : memref<10112x16xf32, #tpu.memory_space<vmem_shared>> -> memref<10112x16xf32, #tpu.memory_space<vmem_shared>>
      tpu.wait_indirect_dma semaphore(%arg14 : memref<!tpu.dma_semaphore, #tpu.memory_space<semaphore_mem>>) src(%dma_wait3A_717 : memref<10112x16xf32, #tpu.memory_space<vmem_shared>>) dst(%dma_wait3A_711 : memref<128x16xf32, #tpu.memory_space<vmem>>)
      %dma_start3A_718 = arith.constant 2 : i32
      %dma_start3A_719 = arith.constant 0 : i32
      %dma_start3A_720 = arith.constant 0 : i32
      %dma_start3A_721 = tpu.memref_slice %arg9[%dma_start3A_718, %dma_start3A_719, %dma_start3A_720] : memref<6x128x16xf32, #tpu.memory_space<vmem>> -> memref<1x128x16xf32, #tpu.memory_space<vmem>>
      %dma_start3A_722 = tpu.memref_squeeze %dma_start3A_721 : memref<1x128x16xf32, #tpu.memory_space<vmem>> -> memref<128x16xf32, #tpu.memory_space<vmem>>
      %dma_start3A_723 = arith.constant 0 : i32
      %dma_start3A_724 = tpu.memref_slice %arg8[%add3A_706, %dma_start3A_723] : memref<79x128xi32, #tpu.memory_space<vmem>> -> memref<1x128xi32, #tpu.memory_space<vmem>>
      %dma_start3A_725 = tpu.memref_squeeze %dma_start3A_724 : memref<1x128xi32, #tpu.memory_space<vmem>> -> memref<128xi32, #tpu.memory_space<vmem>>
      %dma_start3A_726 = arith.constant 0 : i32
      %dma_start3A_727 = arith.constant 0 : i32
      %dma_start3A_728 = tpu.memref_slice %arg11[%dma_start3A_726, %dma_start3A_727] : memref<10112x16xf32, #tpu.memory_space<vmem_shared>> -> memref<10112x16xf32, #tpu.memory_space<vmem_shared>>
      tpu.enqueue_indirect_dma source(%dma_start3A_722 : memref<128x16xf32, #tpu.memory_space<vmem>>) target(%dma_start3A_728 : memref<10112x16xf32, #tpu.memory_space<vmem_shared>>) offsets(%dma_start3A_725 : memref<128xi32, #tpu.memory_space<vmem>>) semaphore(%arg20 : memref<!tpu.dma_semaphore, #tpu.memory_space<semaphore_mem>>) {add = true}
      %sub3A_729 = arith.constant 3 : i32
      %sub3A_730 = arith.subi %add3A_706, %sub3A_729 : i32
      %dma_wait3A_731 = arith.constant 5 : i32
      %dma_wait3A_732 = arith.constant 0 : i32
      %dma_wait3A_733 = arith.constant 0 : i32
      %dma_wait3A_734 = tpu.memref_slice %arg9[%dma_wait3A_731, %dma_wait3A_732, %dma_wait3A_733] : memref<6x128x16xf32, #tpu.memory_space<vmem>> -> memref<1x128x16xf32, #tpu.memory_space<vmem>>
      %dma_wait3A_735 = tpu.memref_squeeze %dma_wait3A_734 : memref<1x128x16xf32, #tpu.memory_space<vmem>> -> memref<128x16xf32, #tpu.memory_space<vmem>>
      %dma_wait3A_736 = arith.constant 0 : i32
      %dma_wait3A_737 = tpu.memref_slice %arg8[%sub3A_730, %dma_wait3A_736] : memref<79x128xi32, #tpu.memory_space<vmem>> -> memref<1x128xi32, #tpu.memory_space<vmem>>
      %dma_wait3A_738 = tpu.memref_squeeze %dma_wait3A_737 : memref<1x128xi32, #tpu.memory_space<vmem>> -> memref<128xi32, #tpu.memory_space<vmem>>
      %dma_wait3A_739 = arith.constant 0 : i32
      %dma_wait3A_740 = arith.constant 0 : i32
      %dma_wait3A_741 = tpu.memref_slice %arg11[%dma_wait3A_739, %dma_wait3A_740] : memref<10112x16xf32, #tpu.memory_space<vmem_shared>> -> memref<10112x16xf32, #tpu.memory_space<vmem_shared>>
      tpu.wait_indirect_dma semaphore(%arg23 : memref<!tpu.dma_semaphore, #tpu.memory_space<semaphore_mem>>) src(%dma_wait3A_735 : memref<128x16xf32, #tpu.memory_space<vmem>>) dst(%dma_wait3A_741 : memref<10112x16xf32, #tpu.memory_space<vmem_shared>>)
      %add3A_742 = arith.constant 3 : i32
      %add3A_743 = arith.addi %add3A_706, %add3A_742 : i32
      %dma_start3A_744 = arith.constant 5 : i32
      %dma_start3A_745 = arith.constant 0 : i32
      %dma_start3A_746 = arith.constant 0 : i32
      %dma_start3A_747 = tpu.memref_slice %arg9[%dma_start3A_744, %dma_start3A_745, %dma_start3A_746] : memref<6x128x16xf32, #tpu.memory_space<vmem>> -> memref<1x128x16xf32, #tpu.memory_space<vmem>>
      %dma_start3A_748 = tpu.memref_squeeze %dma_start3A_747 : memref<1x128x16xf32, #tpu.memory_space<vmem>> -> memref<128x16xf32, #tpu.memory_space<vmem>>
      %dma_start3A_749 = arith.constant 0 : i32
      %dma_start3A_750 = tpu.memref_slice %arg7[%add3A_743, %dma_start3A_749] : memref<79x128xi32, #tpu.memory_space<vmem>> -> memref<1x128xi32, #tpu.memory_space<vmem>>
      %dma_start3A_751 = tpu.memref_squeeze %dma_start3A_750 : memref<1x128xi32, #tpu.memory_space<vmem>> -> memref<128xi32, #tpu.memory_space<vmem>>
      %dma_start3A_752 = arith.constant 0 : i32
      %dma_start3A_753 = arith.constant 0 : i32
      %dma_start3A_754 = tpu.memref_slice %arg10[%dma_start3A_752, %dma_start3A_753] : memref<10112x16xf32, #tpu.memory_space<vmem_shared>> -> memref<10112x16xf32, #tpu.memory_space<vmem_shared>>
      tpu.enqueue_indirect_dma source(%dma_start3A_754 : memref<10112x16xf32, #tpu.memory_space<vmem_shared>>) target(%dma_start3A_748 : memref<128x16xf32, #tpu.memory_space<vmem>>) offsets(%dma_start3A_751 : memref<128xi32, #tpu.memory_space<vmem>>) semaphore(%arg17 : memref<!tpu.dma_semaphore, #tpu.memory_space<semaphore_mem>>)
      %add3A_755 = arith.constant 3 : i32
      %add3A_756 = arith.addi %mul3A_605, %add3A_755 : i32
      %dma_wait3A_757 = arith.constant 3 : i32
      %dma_wait3A_758 = arith.constant 0 : i32
      %dma_wait3A_759 = arith.constant 0 : i32
      %dma_wait3A_760 = tpu.memref_slice %arg9[%dma_wait3A_757, %dma_wait3A_758, %dma_wait3A_759] : memref<6x128x16xf32, #tpu.memory_space<vmem>> -> memref<1x128x16xf32, #tpu.memory_space<vmem>>
      %dma_wait3A_761 = tpu.memref_squeeze %dma_wait3A_760 : memref<1x128x16xf32, #tpu.memory_space<vmem>> -> memref<128x16xf32, #tpu.memory_space<vmem>>
      %dma_wait3A_762 = arith.constant 0 : i32
      %dma_wait3A_763 = tpu.memref_slice %arg7[%add3A_756, %dma_wait3A_762] : memref<79x128xi32, #tpu.memory_space<vmem>> -> memref<1x128xi32, #tpu.memory_space<vmem>>
      %dma_wait3A_764 = tpu.memref_squeeze %dma_wait3A_763 : memref<1x128xi32, #tpu.memory_space<vmem>> -> memref<128xi32, #tpu.memory_space<vmem>>
      %dma_wait3A_765 = arith.constant 0 : i32
      %dma_wait3A_766 = arith.constant 0 : i32
      %dma_wait3A_767 = tpu.memref_slice %arg10[%dma_wait3A_765, %dma_wait3A_766] : memref<10112x16xf32, #tpu.memory_space<vmem_shared>> -> memref<10112x16xf32, #tpu.memory_space<vmem_shared>>
      tpu.wait_indirect_dma semaphore(%arg15 : memref<!tpu.dma_semaphore, #tpu.memory_space<semaphore_mem>>) src(%dma_wait3A_767 : memref<10112x16xf32, #tpu.memory_space<vmem_shared>>) dst(%dma_wait3A_761 : memref<128x16xf32, #tpu.memory_space<vmem>>)
      %dma_start3A_768 = arith.constant 3 : i32
      %dma_start3A_769 = arith.constant 0 : i32
      %dma_start3A_770 = arith.constant 0 : i32
      %dma_start3A_771 = tpu.memref_slice %arg9[%dma_start3A_768, %dma_start3A_769, %dma_start3A_770] : memref<6x128x16xf32, #tpu.memory_space<vmem>> -> memref<1x128x16xf32, #tpu.memory_space<vmem>>
      %dma_start3A_772 = tpu.memref_squeeze %dma_start3A_771 : memref<1x128x16xf32, #tpu.memory_space<vmem>> -> memref<128x16xf32, #tpu.memory_space<vmem>>
      %dma_start3A_773 = arith.constant 0 : i32
      %dma_start3A_774 = tpu.memref_slice %arg8[%add3A_756, %dma_start3A_773] : memref<79x128xi32, #tpu.memory_space<vmem>> -> memref<1x128xi32, #tpu.memory_space<vmem>>
      %dma_start3A_775 = tpu.memref_squeeze %dma_start3A_774 : memref<1x128xi32, #tpu.memory_space<vmem>> -> memref<128xi32, #tpu.memory_space<vmem>>
      %dma_start3A_776 = arith.constant 0 : i32
      %dma_start3A_777 = arith.constant 0 : i32
      %dma_start3A_778 = tpu.memref_slice %arg11[%dma_start3A_776, %dma_start3A_777] : memref<10112x16xf32, #tpu.memory_space<vmem_shared>> -> memref<10112x16xf32, #tpu.memory_space<vmem_shared>>
      tpu.enqueue_indirect_dma source(%dma_start3A_772 : memref<128x16xf32, #tpu.memory_space<vmem>>) target(%dma_start3A_778 : memref<10112x16xf32, #tpu.memory_space<vmem_shared>>) offsets(%dma_start3A_775 : memref<128xi32, #tpu.memory_space<vmem>>) semaphore(%arg21 : memref<!tpu.dma_semaphore, #tpu.memory_space<semaphore_mem>>) {add = true}
      %sub3A_779 = arith.constant 3 : i32
      %sub3A_780 = arith.subi %add3A_756, %sub3A_779 : i32
      %dma_wait3A_781 = arith.constant 0 : i32
      %dma_wait3A_782 = arith.constant 0 : i32
      %dma_wait3A_783 = arith.constant 0 : i32
      %dma_wait3A_784 = tpu.memref_slice %arg9[%dma_wait3A_781, %dma_wait3A_782, %dma_wait3A_783] : memref<6x128x16xf32, #tpu.memory_space<vmem>> -> memref<1x128x16xf32, #tpu.memory_space<vmem>>
      %dma_wait3A_785 = tpu.memref_squeeze %dma_wait3A_784 : memref<1x128x16xf32, #tpu.memory_space<vmem>> -> memref<128x16xf32, #tpu.memory_space<vmem>>
      %dma_wait3A_786 = arith.constant 0 : i32
      %dma_wait3A_787 = tpu.memref_slice %arg8[%sub3A_780, %dma_wait3A_786] : memref<79x128xi32, #tpu.memory_space<vmem>> -> memref<1x128xi32, #tpu.memory_space<vmem>>
      %dma_wait3A_788 = tpu.memref_squeeze %dma_wait3A_787 : memref<1x128xi32, #tpu.memory_space<vmem>> -> memref<128xi32, #tpu.memory_space<vmem>>
      %dma_wait3A_789 = arith.constant 0 : i32
      %dma_wait3A_790 = arith.constant 0 : i32
      %dma_wait3A_791 = tpu.memref_slice %arg11[%dma_wait3A_789, %dma_wait3A_790] : memref<10112x16xf32, #tpu.memory_space<vmem_shared>> -> memref<10112x16xf32, #tpu.memory_space<vmem_shared>>
      tpu.wait_indirect_dma semaphore(%arg18 : memref<!tpu.dma_semaphore, #tpu.memory_space<semaphore_mem>>) src(%dma_wait3A_785 : memref<128x16xf32, #tpu.memory_space<vmem>>) dst(%dma_wait3A_791 : memref<10112x16xf32, #tpu.memory_space<vmem_shared>>)
      %add3A_792 = arith.constant 3 : i32
      %add3A_793 = arith.addi %add3A_756, %add3A_792 : i32
      %dma_start3A_794 = arith.constant 0 : i32
      %dma_start3A_795 = arith.constant 0 : i32
      %dma_start3A_796 = arith.constant 0 : i32
      %dma_start3A_797 = tpu.memref_slice %arg9[%dma_start3A_794, %dma_start3A_795, %dma_start3A_796] : memref<6x128x16xf32, #tpu.memory_space<vmem>> -> memref<1x128x16xf32, #tpu.memory_space<vmem>>
      %dma_start3A_798 = tpu.memref_squeeze %dma_start3A_797 : memref<1x128x16xf32, #tpu.memory_space<vmem>> -> memref<128x16xf32, #tpu.memory_space<vmem>>
      %dma_start3A_799 = arith.constant 0 : i32
      %dma_start3A_800 = tpu.memref_slice %arg7[%add3A_793, %dma_start3A_799] : memref<79x128xi32, #tpu.memory_space<vmem>> -> memref<1x128xi32, #tpu.memory_space<vmem>>
      %dma_start3A_801 = tpu.memref_squeeze %dma_start3A_800 : memref<1x128xi32, #tpu.memory_space<vmem>> -> memref<128xi32, #tpu.memory_space<vmem>>
      %dma_start3A_802 = arith.constant 0 : i32
      %dma_start3A_803 = arith.constant 0 : i32
      %dma_start3A_804 = tpu.memref_slice %arg10[%dma_start3A_802, %dma_start3A_803] : memref<10112x16xf32, #tpu.memory_space<vmem_shared>> -> memref<10112x16xf32, #tpu.memory_space<vmem_shared>>
      tpu.enqueue_indirect_dma source(%dma_start3A_804 : memref<10112x16xf32, #tpu.memory_space<vmem_shared>>) target(%dma_start3A_798 : memref<128x16xf32, #tpu.memory_space<vmem>>) offsets(%dma_start3A_801 : memref<128xi32, #tpu.memory_space<vmem>>) semaphore(%arg12 : memref<!tpu.dma_semaphore, #tpu.memory_space<semaphore_mem>>)
      %add3A_805 = arith.constant 4 : i32
      %add3A_806 = arith.addi %mul3A_605, %add3A_805 : i32
      %dma_wait3A_807 = arith.constant 4 : i32
      %dma_wait3A_808 = arith.constant 0 : i32
      %dma_wait3A_809 = arith.constant 0 : i32
      %dma_wait3A_810 = tpu.memref_slice %arg9[%dma_wait3A_807, %dma_wait3A_808, %dma_wait3A_809] : memref<6x128x16xf32, #tpu.memory_space<vmem>> -> memref<1x128x16xf32, #tpu.memory_space<vmem>>
      %dma_wait3A_811 = tpu.memref_squeeze %dma_wait3A_810 : memref<1x128x16xf32, #tpu.memory_space<vmem>> -> memref<128x16xf32, #tpu.memory_space<vmem>>
      %dma_wait3A_812 = arith.constant 0 : i32
      %dma_wait3A_813 = tpu.memref_slice %arg7[%add3A_806, %dma_wait3A_812] : memref<79x128xi32, #tpu.memory_space<vmem>> -> memref<1x128xi32, #tpu.memory_space<vmem>>
      %dma_wait3A_814 = tpu.memref_squeeze %dma_wait3A_813 : memref<1x128xi32, #tpu.memory_space<vmem>> -> memref<128xi32, #tpu.memory_space<vmem>>
      %dma_wait3A_815 = arith.constant 0 : i32
      %dma_wait3A_816 = arith.constant 0 : i32
      %dma_wait3A_817 = tpu.memref_slice %arg10[%dma_wait3A_815, %dma_wait3A_816] : memref<10112x16xf32, #tpu.memory_space<vmem_shared>> -> memref<10112x16xf32, #tpu.memory_space<vmem_shared>>
      tpu.wait_indirect_dma semaphore(%arg16 : memref<!tpu.dma_semaphore, #tpu.memory_space<semaphore_mem>>) src(%dma_wait3A_817 : memref<10112x16xf32, #tpu.memory_space<vmem_shared>>) dst(%dma_wait3A_811 : memref<128x16xf32, #tpu.memory_space<vmem>>)
      %dma_start3A_818 = arith.constant 4 : i32
      %dma_start3A_819 = arith.constant 0 : i32
      %dma_start3A_820 = arith.constant 0 : i32
      %dma_start3A_821 = tpu.memref_slice %arg9[%dma_start3A_818, %dma_start3A_819, %dma_start3A_820] : memref<6x128x16xf32, #tpu.memory_space<vmem>> -> memref<1x128x16xf32, #tpu.memory_space<vmem>>
      %dma_start3A_822 = tpu.memref_squeeze %dma_start3A_821 : memref<1x128x16xf32, #tpu.memory_space<vmem>> -> memref<128x16xf32, #tpu.memory_space<vmem>>
      %dma_start3A_823 = arith.constant 0 : i32
      %dma_start3A_824 = tpu.memref_slice %arg8[%add3A_806, %dma_start3A_823] : memref<79x128xi32, #tpu.memory_space<vmem>> -> memref<1x128xi32, #tpu.memory_space<vmem>>
      %dma_start3A_825 = tpu.memref_squeeze %dma_start3A_824 : memref<1x128xi32, #tpu.memory_space<vmem>> -> memref<128xi32, #tpu.memory_space<vmem>>
      %dma_start3A_826 = arith.constant 0 : i32
      %dma_start3A_827 = arith.constant 0 : i32
      %dma_start3A_828 = tpu.memref_slice %arg11[%dma_start3A_826, %dma_start3A_827] : memref<10112x16xf32, #tpu.memory_space<vmem_shared>> -> memref<10112x16xf32, #tpu.memory_space<vmem_shared>>
      tpu.enqueue_indirect_dma source(%dma_start3A_822 : memref<128x16xf32, #tpu.memory_space<vmem>>) target(%dma_start3A_828 : memref<10112x16xf32, #tpu.memory_space<vmem_shared>>) offsets(%dma_start3A_825 : memref<128xi32, #tpu.memory_space<vmem>>) semaphore(%arg22 : memref<!tpu.dma_semaphore, #tpu.memory_space<semaphore_mem>>) {add = true}
      %sub3A_829 = arith.constant 3 : i32
      %sub3A_830 = arith.subi %add3A_806, %sub3A_829 : i32
      %dma_wait3A_831 = arith.constant 1 : i32
      %dma_wait3A_832 = arith.constant 0 : i32
      %dma_wait3A_833 = arith.constant 0 : i32
      %dma_wait3A_834 = tpu.memref_slice %arg9[%dma_wait3A_831, %dma_wait3A_832, %dma_wait3A_833] : memref<6x128x16xf32, #tpu.memory_space<vmem>> -> memref<1x128x16xf32, #tpu.memory_space<vmem>>
      %dma_wait3A_835 = tpu.memref_squeeze %dma_wait3A_834 : memref<1x128x16xf32, #tpu.memory_space<vmem>> -> memref<128x16xf32, #tpu.memory_space<vmem>>
      %dma_wait3A_836 = arith.constant 0 : i32
      %dma_wait3A_837 = tpu.memref_slice %arg8[%sub3A_830, %dma_wait3A_836] : memref<79x128xi32, #tpu.memory_space<vmem>> -> memref<1x128xi32, #tpu.memory_space<vmem>>
      %dma_wait3A_838 = tpu.memref_squeeze %dma_wait3A_837 : memref<1x128xi32, #tpu.memory_space<vmem>> -> memref<128xi32, #tpu.memory_space<vmem>>
      %dma_wait3A_839 = arith.constant 0 : i32
      %dma_wait3A_840 = arith.constant 0 : i32
      %dma_wait3A_841 = tpu.memref_slice %arg11[%dma_wait3A_839, %dma_wait3A_840] : memref<10112x16xf32, #tpu.memory_space<vmem_shared>> -> memref<10112x16xf32, #tpu.memory_space<vmem_shared>>
      tpu.wait_indirect_dma semaphore(%arg19 : memref<!tpu.dma_semaphore, #tpu.memory_space<semaphore_mem>>) src(%dma_wait3A_835 : memref<128x16xf32, #tpu.memory_space<vmem>>) dst(%dma_wait3A_841 : memref<10112x16xf32, #tpu.memory_space<vmem_shared>>)
      %add3A_842 = arith.constant 3 : i32
      %add3A_843 = arith.addi %add3A_806, %add3A_842 : i32
      %dma_start3A_844 = arith.constant 1 : i32
      %dma_start3A_845 = arith.constant 0 : i32
      %dma_start3A_846 = arith.constant 0 : i32
      %dma_start3A_847 = tpu.memref_slice %arg9[%dma_start3A_844, %dma_start3A_845, %dma_start3A_846] : memref<6x128x16xf32, #tpu.memory_space<vmem>> -> memref<1x128x16xf32, #tpu.memory_space<vmem>>
      %dma_start3A_848 = tpu.memref_squeeze %dma_start3A_847 : memref<1x128x16xf32, #tpu.memory_space<vmem>> -> memref<128x16xf32, #tpu.memory_space<vmem>>
      %dma_start3A_849 = arith.constant 0 : i32
      %dma_start3A_850 = tpu.memref_slice %arg7[%add3A_843, %dma_start3A_849] : memref<79x128xi32, #tpu.memory_space<vmem>> -> memref<1x128xi32, #tpu.memory_space<vmem>>
      %dma_start3A_851 = tpu.memref_squeeze %dma_start3A_850 : memref<1x128xi32, #tpu.memory_space<vmem>> -> memref<128xi32, #tpu.memory_space<vmem>>
      %dma_start3A_852 = arith.constant 0 : i32
      %dma_start3A_853 = arith.constant 0 : i32
      %dma_start3A_854 = tpu.memref_slice %arg10[%dma_start3A_852, %dma_start3A_853] : memref<10112x16xf32, #tpu.memory_space<vmem_shared>> -> memref<10112x16xf32, #tpu.memory_space<vmem_shared>>
      tpu.enqueue_indirect_dma source(%dma_start3A_854 : memref<10112x16xf32, #tpu.memory_space<vmem_shared>>) target(%dma_start3A_848 : memref<128x16xf32, #tpu.memory_space<vmem>>) offsets(%dma_start3A_851 : memref<128xi32, #tpu.memory_space<vmem>>) semaphore(%arg13 : memref<!tpu.dma_semaphore, #tpu.memory_space<semaphore_mem>>)
      %add3A_855 = arith.constant 5 : i32
      %add3A_856 = arith.addi %mul3A_605, %add3A_855 : i32
      %dma_wait3A_857 = arith.constant 5 : i32
      %dma_wait3A_858 = arith.constant 0 : i32
      %dma_wait3A_859 = arith.constant 0 : i32
      %dma_wait3A_860 = tpu.memref_slice %arg9[%dma_wait3A_857, %dma_wait3A_858, %dma_wait3A_859] : memref<6x128x16xf32, #tpu.memory_space<vmem>> -> memref<1x128x16xf32, #tpu.memory_space<vmem>>
      %dma_wait3A_861 = tpu.memref_squeeze %dma_wait3A_860 : memref<1x128x16xf32, #tpu.memory_space<vmem>> -> memref<128x16xf32, #tpu.memory_space<vmem>>
      %dma_wait3A_862 = arith.constant 0 : i32
      %dma_wait3A_863 = tpu.memref_slice %arg7[%add3A_856, %dma_wait3A_862] : memref<79x128xi32, #tpu.memory_space<vmem>> -> memref<1x128xi32, #tpu.memory_space<vmem>>
      %dma_wait3A_864 = tpu.memref_squeeze %dma_wait3A_863 : memref<1x128xi32, #tpu.memory_space<vmem>> -> memref<128xi32, #tpu.memory_space<vmem>>
      %dma_wait3A_865 = arith.constant 0 : i32
      %dma_wait3A_866 = arith.constant 0 : i32
      %dma_wait3A_867 = tpu.memref_slice %arg10[%dma_wait3A_865, %dma_wait3A_866] : memref<10112x16xf32, #tpu.memory_space<vmem_shared>> -> memref<10112x16xf32, #tpu.memory_space<vmem_shared>>
      tpu.wait_indirect_dma semaphore(%arg17 : memref<!tpu.dma_semaphore, #tpu.memory_space<semaphore_mem>>) src(%dma_wait3A_867 : memref<10112x16xf32, #tpu.memory_space<vmem_shared>>) dst(%dma_wait3A_861 : memref<128x16xf32, #tpu.memory_space<vmem>>)
      %dma_start3A_868 = arith.constant 5 : i32
      %dma_start3A_869 = arith.constant 0 : i32
      %dma_start3A_870 = arith.constant 0 : i32
      %dma_start3A_871 = tpu.memref_slice %arg9[%dma_start3A_868, %dma_start3A_869, %dma_start3A_870] : memref<6x128x16xf32, #tpu.memory_space<vmem>> -> memref<1x128x16xf32, #tpu.memory_space<vmem>>
      %dma_start3A_872 = tpu.memref_squeeze %dma_start3A_871 : memref<1x128x16xf32, #tpu.memory_space<vmem>> -> memref<128x16xf32, #tpu.memory_space<vmem>>
      %dma_start3A_873 = arith.constant 0 : i32
      %dma_start3A_874 = tpu.memref_slice %arg8[%add3A_856, %dma_start3A_873] : memref<79x128xi32, #tpu.memory_space<vmem>> -> memref<1x128xi32, #tpu.memory_space<vmem>>
      %dma_start3A_875 = tpu.memref_squeeze %dma_start3A_874 : memref<1x128xi32, #tpu.memory_space<vmem>> -> memref<128xi32, #tpu.memory_space<vmem>>
      %dma_start3A_876 = arith.constant 0 : i32
      %dma_start3A_877 = arith.constant 0 : i32
      %dma_start3A_878 = tpu.memref_slice %arg11[%dma_start3A_876, %dma_start3A_877] : memref<10112x16xf32, #tpu.memory_space<vmem_shared>> -> memref<10112x16xf32, #tpu.memory_space<vmem_shared>>
      tpu.enqueue_indirect_dma source(%dma_start3A_872 : memref<128x16xf32, #tpu.memory_space<vmem>>) target(%dma_start3A_878 : memref<10112x16xf32, #tpu.memory_space<vmem_shared>>) offsets(%dma_start3A_875 : memref<128xi32, #tpu.memory_space<vmem>>) semaphore(%arg23 : memref<!tpu.dma_semaphore, #tpu.memory_space<semaphore_mem>>) {add = true}
      %sub3A_879 = arith.constant 3 : i32
      %sub3A_880 = arith.subi %add3A_856, %sub3A_879 : i32
      %dma_wait3A_881 = arith.constant 2 : i32
      %dma_wait3A_882 = arith.constant 0 : i32
      %dma_wait3A_883 = arith.constant 0 : i32
      %dma_wait3A_884 = tpu.memref_slice %arg9[%dma_wait3A_881, %dma_wait3A_882, %dma_wait3A_883] : memref<6x128x16xf32, #tpu.memory_space<vmem>> -> memref<1x128x16xf32, #tpu.memory_space<vmem>>
      %dma_wait3A_885 = tpu.memref_squeeze %dma_wait3A_884 : memref<1x128x16xf32, #tpu.memory_space<vmem>> -> memref<128x16xf32, #tpu.memory_space<vmem>>
      %dma_wait3A_886 = arith.constant 0 : i32
      %dma_wait3A_887 = tpu.memref_slice %arg8[%sub3A_880, %dma_wait3A_886] : memref<79x128xi32, #tpu.memory_space<vmem>> -> memref<1x128xi32, #tpu.memory_space<vmem>>
      %dma_wait3A_888 = tpu.memref_squeeze %dma_wait3A_887 : memref<1x128xi32, #tpu.memory_space<vmem>> -> memref<128xi32, #tpu.memory_space<vmem>>
      %dma_wait3A_889 = arith.constant 0 : i32
      %dma_wait3A_890 = arith.constant 0 : i32
      %dma_wait3A_891 = tpu.memref_slice %arg11[%dma_wait3A_889, %dma_wait3A_890] : memref<10112x16xf32, #tpu.memory_space<vmem_shared>> -> memref<10112x16xf32, #tpu.memory_space<vmem_shared>>
      tpu.wait_indirect_dma semaphore(%arg20 : memref<!tpu.dma_semaphore, #tpu.memory_space<semaphore_mem>>) src(%dma_wait3A_885 : memref<128x16xf32, #tpu.memory_space<vmem>>) dst(%dma_wait3A_891 : memref<10112x16xf32, #tpu.memory_space<vmem_shared>>)
      %add3A_892 = arith.constant 3 : i32
      %add3A_893 = arith.addi %add3A_856, %add3A_892 : i32
      %dma_start3A_894 = arith.constant 2 : i32
      %dma_start3A_895 = arith.constant 0 : i32
      %dma_start3A_896 = arith.constant 0 : i32
      %dma_start3A_897 = tpu.memref_slice %arg9[%dma_start3A_894, %dma_start3A_895, %dma_start3A_896] : memref<6x128x16xf32, #tpu.memory_space<vmem>> -> memref<1x128x16xf32, #tpu.memory_space<vmem>>
      %dma_start3A_898 = tpu.memref_squeeze %dma_start3A_897 : memref<1x128x16xf32, #tpu.memory_space<vmem>> -> memref<128x16xf32, #tpu.memory_space<vmem>>
      %dma_start3A_899 = arith.constant 0 : i32
      %dma_start3A_900 = tpu.memref_slice %arg7[%add3A_893, %dma_start3A_899] : memref<79x128xi32, #tpu.memory_space<vmem>> -> memref<1x128xi32, #tpu.memory_space<vmem>>
      %dma_start3A_901 = tpu.memref_squeeze %dma_start3A_900 : memref<1x128xi32, #tpu.memory_space<vmem>> -> memref<128xi32, #tpu.memory_space<vmem>>
      %dma_start3A_902 = arith.constant 0 : i32
      %dma_start3A_903 = arith.constant 0 : i32
      %dma_start3A_904 = tpu.memref_slice %arg10[%dma_start3A_902, %dma_start3A_903] : memref<10112x16xf32, #tpu.memory_space<vmem_shared>> -> memref<10112x16xf32, #tpu.memory_space<vmem_shared>>
      tpu.enqueue_indirect_dma source(%dma_start3A_904 : memref<10112x16xf32, #tpu.memory_space<vmem_shared>>) target(%dma_start3A_898 : memref<128x16xf32, #tpu.memory_space<vmem>>) offsets(%dma_start3A_901 : memref<128xi32, #tpu.memory_space<vmem>>) semaphore(%arg14 : memref<!tpu.dma_semaphore, #tpu.memory_space<semaphore_mem>>)
    }
    %scan3A_308 = arith.constant 11 : i32
    %dma_wait3A_309 = arith.constant 72 : i32
    %dma_wait3A_310 = arith.constant 0 : i32
    %dma_wait3A_311 = arith.constant 0 : i32
    %dma_wait3A_312 = arith.constant 0 : i32
    %dma_wait3A_313 = tpu.memref_slice %arg9[%dma_wait3A_310, %dma_wait3A_311, %dma_wait3A_312] : memref<6x128x16xf32, #tpu.memory_space<vmem>> -> memref<1x128x16xf32, #tpu.memory_space<vmem>>
    %dma_wait3A_314 = tpu.memref_squeeze %dma_wait3A_313 : memref<1x128x16xf32, #tpu.memory_space<vmem>> -> memref<128x16xf32, #tpu.memory_space<vmem>>
    %dma_wait3A_315 = arith.constant 0 : i32
    %dma_wait3A_316 = tpu.memref_slice %arg7[%dma_wait3A_309, %dma_wait3A_315] : memref<79x128xi32, #tpu.memory_space<vmem>> -> memref<1x128xi32, #tpu.memory_space<vmem>>
    %dma_wait3A_317 = tpu.memref_squeeze %dma_wait3A_316 : memref<1x128xi32, #tpu.memory_space<vmem>> -> memref<128xi32, #tpu.memory_space<vmem>>
    %dma_wait3A_318 = arith.constant 0 : i32
    %dma_wait3A_319 = arith.constant 0 : i32
    %dma_wait3A_320 = tpu.memref_slice %arg10[%dma_wait3A_318, %dma_wait3A_319] : memref<10112x16xf32, #tpu.memory_space<vmem_shared>> -> memref<10112x16xf32, #tpu.memory_space<vmem_shared>>
    tpu.wait_indirect_dma semaphore(%arg12 : memref<!tpu.dma_semaphore, #tpu.memory_space<semaphore_mem>>) src(%dma_wait3A_320 : memref<10112x16xf32, #tpu.memory_space<vmem_shared>>) dst(%dma_wait3A_314 : memref<128x16xf32, #tpu.memory_space<vmem>>)
    %dma_start3A_321 = arith.constant 0 : i32
    %dma_start3A_322 = arith.constant 72 : i32
    %dma_start3A_323 = arith.constant 0 : i32
    %dma_start3A_324 = arith.constant 0 : i32
    %dma_start3A_325 = tpu.memref_slice %arg9[%dma_start3A_321, %dma_start3A_323, %dma_start3A_324] : memref<6x128x16xf32, #tpu.memory_space<vmem>> -> memref<1x128x16xf32, #tpu.memory_space<vmem>>
    %dma_start3A_326 = tpu.memref_squeeze %dma_start3A_325 : memref<1x128x16xf32, #tpu.memory_space<vmem>> -> memref<128x16xf32, #tpu.memory_space<vmem>>
    %dma_start3A_327 = arith.constant 0 : i32
    %dma_start3A_328 = tpu.memref_slice %arg8[%dma_start3A_322, %dma_start3A_327] : memref<79x128xi32, #tpu.memory_space<vmem>> -> memref<1x128xi32, #tpu.memory_space<vmem>>
    %dma_start3A_329 = tpu.memref_squeeze %dma_start3A_328 : memref<1x128xi32, #tpu.memory_space<vmem>> -> memref<128xi32, #tpu.memory_space<vmem>>
    %dma_start3A_330 = arith.constant 0 : i32
    %dma_start3A_331 = arith.constant 0 : i32
    %dma_start3A_332 = tpu.memref_slice %arg11[%dma_start3A_330, %dma_start3A_331] : memref<10112x16xf32, #tpu.memory_space<vmem_shared>> -> memref<10112x16xf32, #tpu.memory_space<vmem_shared>>
    tpu.enqueue_indirect_dma source(%dma_start3A_326 : memref<128x16xf32, #tpu.memory_space<vmem>>) target(%dma_start3A_332 : memref<10112x16xf32, #tpu.memory_space<vmem_shared>>) offsets(%dma_start3A_329 : memref<128xi32, #tpu.memory_space<vmem>>) semaphore(%arg18 : memref<!tpu.dma_semaphore, #tpu.memory_space<semaphore_mem>>) {add = true}
    %dma_wait3A_333 = arith.constant 3 : i32
    %dma_wait3A_334 = arith.constant 69 : i32
    %dma_wait3A_335 = arith.constant 0 : i32
    %dma_wait3A_336 = arith.constant 0 : i32
    %dma_wait3A_337 = tpu.memref_slice %arg9[%dma_wait3A_333, %dma_wait3A_335, %dma_wait3A_336] : memref<6x128x16xf32, #tpu.memory_space<vmem>> -> memref<1x128x16xf32, #tpu.memory_space<vmem>>
    %dma_wait3A_338 = tpu.memref_squeeze %dma_wait3A_337 : memref<1x128x16xf32, #tpu.memory_space<vmem>> -> memref<128x16xf32, #tpu.memory_space<vmem>>
    %dma_wait3A_339 = arith.constant 0 : i32
    %dma_wait3A_340 = tpu.memref_slice %arg8[%dma_wait3A_334, %dma_wait3A_339] : memref<79x128xi32, #tpu.memory_space<vmem>> -> memref<1x128xi32, #tpu.memory_space<vmem>>
    %dma_wait3A_341 = tpu.memref_squeeze %dma_wait3A_340 : memref<1x128xi32, #tpu.memory_space<vmem>> -> memref<128xi32, #tpu.memory_space<vmem>>
    %dma_wait3A_342 = arith.constant 0 : i32
    %dma_wait3A_343 = arith.constant 0 : i32
    %dma_wait3A_344 = tpu.memref_slice %arg11[%dma_wait3A_342, %dma_wait3A_343] : memref<10112x16xf32, #tpu.memory_space<vmem_shared>> -> memref<10112x16xf32, #tpu.memory_space<vmem_shared>>
    tpu.wait_indirect_dma semaphore(%arg21 : memref<!tpu.dma_semaphore, #tpu.memory_space<semaphore_mem>>) src(%dma_wait3A_338 : memref<128x16xf32, #tpu.memory_space<vmem>>) dst(%dma_wait3A_344 : memref<10112x16xf32, #tpu.memory_space<vmem_shared>>)
    %dma_start3A_345 = arith.constant 75 : i32
    %dma_start3A_346 = arith.constant 3 : i32
    %dma_start3A_347 = arith.constant 0 : i32
    %dma_start3A_348 = arith.constant 0 : i32
    %dma_start3A_349 = tpu.memref_slice %arg9[%dma_start3A_346, %dma_start3A_347, %dma_start3A_348] : memref<6x128x16xf32, #tpu.memory_space<vmem>> -> memref<1x128x16xf32, #tpu.memory_space<vmem>>
    %dma_start3A_350 = tpu.memref_squeeze %dma_start3A_349 : memref<1x128x16xf32, #tpu.memory_space<vmem>> -> memref<128x16xf32, #tpu.memory_space<vmem>>
    %dma_start3A_351 = arith.constant 0 : i32
    %dma_start3A_352 = tpu.memref_slice %arg7[%dma_start3A_345, %dma_start3A_351] : memref<79x128xi32, #tpu.memory_space<vmem>> -> memref<1x128xi32, #tpu.memory_space<vmem>>
    %dma_start3A_353 = tpu.memref_squeeze %dma_start3A_352 : memref<1x128xi32, #tpu.memory_space<vmem>> -> memref<128xi32, #tpu.memory_space<vmem>>
    %dma_start3A_354 = arith.constant 0 : i32
    %dma_start3A_355 = arith.constant 0 : i32
    %dma_start3A_356 = tpu.memref_slice %arg10[%dma_start3A_354, %dma_start3A_355] : memref<10112x16xf32, #tpu.memory_space<vmem_shared>> -> memref<10112x16xf32, #tpu.memory_space<vmem_shared>>
    tpu.enqueue_indirect_dma source(%dma_start3A_356 : memref<10112x16xf32, #tpu.memory_space<vmem_shared>>) target(%dma_start3A_350 : memref<128x16xf32, #tpu.memory_space<vmem>>) offsets(%dma_start3A_353 : memref<128xi32, #tpu.memory_space<vmem>>) semaphore(%arg15 : memref<!tpu.dma_semaphore, #tpu.memory_space<semaphore_mem>>)
    %dma_wait3A_357 = arith.constant 73 : i32
    %dma_wait3A_358 = arith.constant 1 : i32
    %dma_wait3A_359 = arith.constant 0 : i32
    %dma_wait3A_360 = arith.constant 0 : i32
    %dma_wait3A_361 = tpu.memref_slice %arg9[%dma_wait3A_358, %dma_wait3A_359, %dma_wait3A_360] : memref<6x128x16xf32, #tpu.memory_space<vmem>> -> memref<1x128x16xf32, #tpu.memory_space<vmem>>
    %dma_wait3A_362 = tpu.memref_squeeze %dma_wait3A_361 : memref<1x128x16xf32, #tpu.memory_space<vmem>> -> memref<128x16xf32, #tpu.memory_space<vmem>>
    %dma_wait3A_363 = arith.constant 0 : i32
    %dma_wait3A_364 = tpu.memref_slice %arg7[%dma_wait3A_357, %dma_wait3A_363] : memref<79x128xi32, #tpu.memory_space<vmem>> -> memref<1x128xi32, #tpu.memory_space<vmem>>
    %dma_wait3A_365 = tpu.memref_squeeze %dma_wait3A_364 : memref<1x128xi32, #tpu.memory_space<vmem>> -> memref<128xi32, #tpu.memory_space<vmem>>
    %dma_wait3A_366 = arith.constant 0 : i32
    %dma_wait3A_367 = arith.constant 0 : i32
    %dma_wait3A_368 = tpu.memref_slice %arg10[%dma_wait3A_366, %dma_wait3A_367] : memref<10112x16xf32, #tpu.memory_space<vmem_shared>> -> memref<10112x16xf32, #tpu.memory_space<vmem_shared>>
    tpu.wait_indirect_dma semaphore(%arg13 : memref<!tpu.dma_semaphore, #tpu.memory_space<semaphore_mem>>) src(%dma_wait3A_368 : memref<10112x16xf32, #tpu.memory_space<vmem_shared>>) dst(%dma_wait3A_362 : memref<128x16xf32, #tpu.memory_space<vmem>>)
    %dma_start3A_369 = arith.constant 1 : i32
    %dma_start3A_370 = arith.constant 73 : i32
    %dma_start3A_371 = arith.constant 0 : i32
    %dma_start3A_372 = arith.constant 0 : i32
    %dma_start3A_373 = tpu.memref_slice %arg9[%dma_start3A_369, %dma_start3A_371, %dma_start3A_372] : memref<6x128x16xf32, #tpu.memory_space<vmem>> -> memref<1x128x16xf32, #tpu.memory_space<vmem>>
    %dma_start3A_374 = tpu.memref_squeeze %dma_start3A_373 : memref<1x128x16xf32, #tpu.memory_space<vmem>> -> memref<128x16xf32, #tpu.memory_space<vmem>>
    %dma_start3A_375 = arith.constant 0 : i32
    %dma_start3A_376 = tpu.memref_slice %arg8[%dma_start3A_370, %dma_start3A_375] : memref<79x128xi32, #tpu.memory_space<vmem>> -> memref<1x128xi32, #tpu.memory_space<vmem>>
    %dma_start3A_377 = tpu.memref_squeeze %dma_start3A_376 : memref<1x128xi32, #tpu.memory_space<vmem>> -> memref<128xi32, #tpu.memory_space<vmem>>
    %dma_start3A_378 = arith.constant 0 : i32
    %dma_start3A_379 = arith.constant 0 : i32
    %dma_start3A_380 = tpu.memref_slice %arg11[%dma_start3A_378, %dma_start3A_379] : memref<10112x16xf32, #tpu.memory_space<vmem_shared>> -> memref<10112x16xf32, #tpu.memory_space<vmem_shared>>
    tpu.enqueue_indirect_dma source(%dma_start3A_374 : memref<128x16xf32, #tpu.memory_space<vmem>>) target(%dma_start3A_380 : memref<10112x16xf32, #tpu.memory_space<vmem_shared>>) offsets(%dma_start3A_377 : memref<128xi32, #tpu.memory_space<vmem>>) semaphore(%arg19 : memref<!tpu.dma_semaphore, #tpu.memory_space<semaphore_mem>>) {add = true}
    %dma_wait3A_381 = arith.constant 4 : i32
    %dma_wait3A_382 = arith.constant 70 : i32
    %dma_wait3A_383 = arith.constant 0 : i32
    %dma_wait3A_384 = arith.constant 0 : i32
    %dma_wait3A_385 = tpu.memref_slice %arg9[%dma_wait3A_381, %dma_wait3A_383, %dma_wait3A_384] : memref<6x128x16xf32, #tpu.memory_space<vmem>> -> memref<1x128x16xf32, #tpu.memory_space<vmem>>
    %dma_wait3A_386 = tpu.memref_squeeze %dma_wait3A_385 : memref<1x128x16xf32, #tpu.memory_space<vmem>> -> memref<128x16xf32, #tpu.memory_space<vmem>>
    %dma_wait3A_387 = arith.constant 0 : i32
    %dma_wait3A_388 = tpu.memref_slice %arg8[%dma_wait3A_382, %dma_wait3A_387] : memref<79x128xi32, #tpu.memory_space<vmem>> -> memref<1x128xi32, #tpu.memory_space<vmem>>
    %dma_wait3A_389 = tpu.memref_squeeze %dma_wait3A_388 : memref<1x128xi32, #tpu.memory_space<vmem>> -> memref<128xi32, #tpu.memory_space<vmem>>
    %dma_wait3A_390 = arith.constant 0 : i32
    %dma_wait3A_391 = arith.constant 0 : i32
    %dma_wait3A_392 = tpu.memref_slice %arg11[%dma_wait3A_390, %dma_wait3A_391] : memref<10112x16xf32, #tpu.memory_space<vmem_shared>> -> memref<10112x16xf32, #tpu.memory_space<vmem_shared>>
    tpu.wait_indirect_dma semaphore(%arg22 : memref<!tpu.dma_semaphore, #tpu.memory_space<semaphore_mem>>) src(%dma_wait3A_386 : memref<128x16xf32, #tpu.memory_space<vmem>>) dst(%dma_wait3A_392 : memref<10112x16xf32, #tpu.memory_space<vmem_shared>>)
    %dma_start3A_393 = arith.constant 76 : i32
    %dma_start3A_394 = arith.constant 4 : i32
    %dma_start3A_395 = arith.constant 0 : i32
    %dma_start3A_396 = arith.constant 0 : i32
    %dma_start3A_397 = tpu.memref_slice %arg9[%dma_start3A_394, %dma_start3A_395, %dma_start3A_396] : memref<6x128x16xf32, #tpu.memory_space<vmem>> -> memref<1x128x16xf32, #tpu.memory_space<vmem>>
    %dma_start3A_398 = tpu.memref_squeeze %dma_start3A_397 : memref<1x128x16xf32, #tpu.memory_space<vmem>> -> memref<128x16xf32, #tpu.memory_space<vmem>>
    %dma_start3A_399 = arith.constant 0 : i32
    %dma_start3A_400 = tpu.memref_slice %arg7[%dma_start3A_393, %dma_start3A_399] : memref<79x128xi32, #tpu.memory_space<vmem>> -> memref<1x128xi32, #tpu.memory_space<vmem>>
    %dma_start3A_401 = tpu.memref_squeeze %dma_start3A_400 : memref<1x128xi32, #tpu.memory_space<vmem>> -> memref<128xi32, #tpu.memory_space<vmem>>
    %dma_start3A_402 = arith.constant 0 : i32
    %dma_start3A_403 = arith.constant 0 : i32
    %dma_start3A_404 = tpu.memref_slice %arg10[%dma_start3A_402, %dma_start3A_403] : memref<10112x16xf32, #tpu.memory_space<vmem_shared>> -> memref<10112x16xf32, #tpu.memory_space<vmem_shared>>
    tpu.enqueue_indirect_dma source(%dma_start3A_404 : memref<10112x16xf32, #tpu.memory_space<vmem_shared>>) target(%dma_start3A_398 : memref<128x16xf32, #tpu.memory_space<vmem>>) offsets(%dma_start3A_401 : memref<128xi32, #tpu.memory_space<vmem>>) semaphore(%arg16 : memref<!tpu.dma_semaphore, #tpu.memory_space<semaphore_mem>>)
    %dma_wait3A_405 = arith.constant 74 : i32
    %dma_wait3A_406 = arith.constant 2 : i32
    %dma_wait3A_407 = arith.constant 0 : i32
    %dma_wait3A_408 = arith.constant 0 : i32
    %dma_wait3A_409 = tpu.memref_slice %arg9[%dma_wait3A_406, %dma_wait3A_407, %dma_wait3A_408] : memref<6x128x16xf32, #tpu.memory_space<vmem>> -> memref<1x128x16xf32, #tpu.memory_space<vmem>>
    %dma_wait3A_410 = tpu.memref_squeeze %dma_wait3A_409 : memref<1x128x16xf32, #tpu.memory_space<vmem>> -> memref<128x16xf32, #tpu.memory_space<vmem>>
    %dma_wait3A_411 = arith.constant 0 : i32
    %dma_wait3A_412 = tpu.memref_slice %arg7[%dma_wait3A_405, %dma_wait3A_411] : memref<79x128xi32, #tpu.memory_space<vmem>> -> memref<1x128xi32, #tpu.memory_space<vmem>>
    %dma_wait3A_413 = tpu.memref_squeeze %dma_wait3A_412 : memref<1x128xi32, #tpu.memory_space<vmem>> -> memref<128xi32, #tpu.memory_space<vmem>>
    %dma_wait3A_414 = arith.constant 0 : i32
    %dma_wait3A_415 = arith.constant 0 : i32
    %dma_wait3A_416 = tpu.memref_slice %arg10[%dma_wait3A_414, %dma_wait3A_415] : memref<10112x16xf32, #tpu.memory_space<vmem_shared>> -> memref<10112x16xf32, #tpu.memory_space<vmem_shared>>
    tpu.wait_indirect_dma semaphore(%arg14 : memref<!tpu.dma_semaphore, #tpu.memory_space<semaphore_mem>>) src(%dma_wait3A_416 : memref<10112x16xf32, #tpu.memory_space<vmem_shared>>) dst(%dma_wait3A_410 : memref<128x16xf32, #tpu.memory_space<vmem>>)
    %dma_start3A_417 = arith.constant 2 : i32
    %dma_start3A_418 = arith.constant 74 : i32
    %dma_start3A_419 = arith.constant 0 : i32
    %dma_start3A_420 = arith.constant 0 : i32
    %dma_start3A_421 = tpu.memref_slice %arg9[%dma_start3A_417, %dma_start3A_419, %dma_start3A_420] : memref<6x128x16xf32, #tpu.memory_space<vmem>> -> memref<1x128x16xf32, #tpu.memory_space<vmem>>
    %dma_start3A_422 = tpu.memref_squeeze %dma_start3A_421 : memref<1x128x16xf32, #tpu.memory_space<vmem>> -> memref<128x16xf32, #tpu.memory_space<vmem>>
    %dma_start3A_423 = arith.constant 0 : i32
    %dma_start3A_424 = tpu.memref_slice %arg8[%dma_start3A_418, %dma_start3A_423] : memref<79x128xi32, #tpu.memory_space<vmem>> -> memref<1x128xi32, #tpu.memory_space<vmem>>
    %dma_start3A_425 = tpu.memref_squeeze %dma_start3A_424 : memref<1x128xi32, #tpu.memory_space<vmem>> -> memref<128xi32, #tpu.memory_space<vmem>>
    %dma_start3A_426 = arith.constant 0 : i32
    %dma_start3A_427 = arith.constant 0 : i32
    %dma_start3A_428 = tpu.memref_slice %arg11[%dma_start3A_426, %dma_start3A_427] : memref<10112x16xf32, #tpu.memory_space<vmem_shared>> -> memref<10112x16xf32, #tpu.memory_space<vmem_shared>>
    tpu.enqueue_indirect_dma source(%dma_start3A_422 : memref<128x16xf32, #tpu.memory_space<vmem>>) target(%dma_start3A_428 : memref<10112x16xf32, #tpu.memory_space<vmem_shared>>) offsets(%dma_start3A_425 : memref<128xi32, #tpu.memory_space<vmem>>) semaphore(%arg20 : memref<!tpu.dma_semaphore, #tpu.memory_space<semaphore_mem>>) {add = true}
    %dma_wait3A_429 = arith.constant 5 : i32
    %dma_wait3A_430 = arith.constant 71 : i32
    %dma_wait3A_431 = arith.constant 0 : i32
    %dma_wait3A_432 = arith.constant 0 : i32
    %dma_wait3A_433 = tpu.memref_slice %arg9[%dma_wait3A_429, %dma_wait3A_431, %dma_wait3A_432] : memref<6x128x16xf32, #tpu.memory_space<vmem>> -> memref<1x128x16xf32, #tpu.memory_space<vmem>>
    %dma_wait3A_434 = tpu.memref_squeeze %dma_wait3A_433 : memref<1x128x16xf32, #tpu.memory_space<vmem>> -> memref<128x16xf32, #tpu.memory_space<vmem>>
    %dma_wait3A_435 = arith.constant 0 : i32
    %dma_wait3A_436 = tpu.memref_slice %arg8[%dma_wait3A_430, %dma_wait3A_435] : memref<79x128xi32, #tpu.memory_space<vmem>> -> memref<1x128xi32, #tpu.memory_space<vmem>>
    %dma_wait3A_437 = tpu.memref_squeeze %dma_wait3A_436 : memref<1x128xi32, #tpu.memory_space<vmem>> -> memref<128xi32, #tpu.memory_space<vmem>>
    %dma_wait3A_438 = arith.constant 0 : i32
    %dma_wait3A_439 = arith.constant 0 : i32
    %dma_wait3A_440 = tpu.memref_slice %arg11[%dma_wait3A_438, %dma_wait3A_439] : memref<10112x16xf32, #tpu.memory_space<vmem_shared>> -> memref<10112x16xf32, #tpu.memory_space<vmem_shared>>
    tpu.wait_indirect_dma semaphore(%arg23 : memref<!tpu.dma_semaphore, #tpu.memory_space<semaphore_mem>>) src(%dma_wait3A_434 : memref<128x16xf32, #tpu.memory_space<vmem>>) dst(%dma_wait3A_440 : memref<10112x16xf32, #tpu.memory_space<vmem_shared>>)
    %dma_start3A_441 = arith.constant 77 : i32
    %dma_start3A_442 = arith.constant 5 : i32
    %dma_start3A_443 = arith.constant 0 : i32
    %dma_start3A_444 = arith.constant 0 : i32
    %dma_start3A_445 = tpu.memref_slice %arg9[%dma_start3A_442, %dma_start3A_443, %dma_start3A_444] : memref<6x128x16xf32, #tpu.memory_space<vmem>> -> memref<1x128x16xf32, #tpu.memory_space<vmem>>
    %dma_start3A_446 = tpu.memref_squeeze %dma_start3A_445 : memref<1x128x16xf32, #tpu.memory_space<vmem>> -> memref<128x16xf32, #tpu.memory_space<vmem>>
    %dma_start3A_447 = arith.constant 0 : i32
    %dma_start3A_448 = tpu.memref_slice %arg7[%dma_start3A_441, %dma_start3A_447] : memref<79x128xi32, #tpu.memory_space<vmem>> -> memref<1x128xi32, #tpu.memory_space<vmem>>
    %dma_start3A_449 = tpu.memref_squeeze %dma_start3A_448 : memref<1x128xi32, #tpu.memory_space<vmem>> -> memref<128xi32, #tpu.memory_space<vmem>>
    %dma_start3A_450 = arith.constant 0 : i32
    %dma_start3A_451 = arith.constant 0 : i32
    %dma_start3A_452 = tpu.memref_slice %arg10[%dma_start3A_450, %dma_start3A_451] : memref<10112x16xf32, #tpu.memory_space<vmem_shared>> -> memref<10112x16xf32, #tpu.memory_space<vmem_shared>>
    tpu.enqueue_indirect_dma source(%dma_start3A_452 : memref<10112x16xf32, #tpu.memory_space<vmem_shared>>) target(%dma_start3A_446 : memref<128x16xf32, #tpu.memory_space<vmem>>) offsets(%dma_start3A_449 : memref<128xi32, #tpu.memory_space<vmem>>) semaphore(%arg17 : memref<!tpu.dma_semaphore, #tpu.memory_space<semaphore_mem>>)
    %dma_wait3A_453 = arith.constant 75 : i32
    %dma_wait3A_454 = arith.constant 3 : i32
    %dma_wait3A_455 = arith.constant 0 : i32
    %dma_wait3A_456 = arith.constant 0 : i32
    %dma_wait3A_457 = tpu.memref_slice %arg9[%dma_wait3A_454, %dma_wait3A_455, %dma_wait3A_456] : memref<6x128x16xf32, #tpu.memory_space<vmem>> -> memref<1x128x16xf32, #tpu.memory_space<vmem>>
    %dma_wait3A_458 = tpu.memref_squeeze %dma_wait3A_457 : memref<1x128x16xf32, #tpu.memory_space<vmem>> -> memref<128x16xf32, #tpu.memory_space<vmem>>
    %dma_wait3A_459 = arith.constant 0 : i32
    %dma_wait3A_460 = tpu.memref_slice %arg7[%dma_wait3A_453, %dma_wait3A_459] : memref<79x128xi32, #tpu.memory_space<vmem>> -> memref<1x128xi32, #tpu.memory_space<vmem>>
    %dma_wait3A_461 = tpu.memref_squeeze %dma_wait3A_460 : memref<1x128xi32, #tpu.memory_space<vmem>> -> memref<128xi32, #tpu.memory_space<vmem>>
    %dma_wait3A_462 = arith.constant 0 : i32
    %dma_wait3A_463 = arith.constant 0 : i32
    %dma_wait3A_464 = tpu.memref_slice %arg10[%dma_wait3A_462, %dma_wait3A_463] : memref<10112x16xf32, #tpu.memory_space<vmem_shared>> -> memref<10112x16xf32, #tpu.memory_space<vmem_shared>>
    tpu.wait_indirect_dma semaphore(%arg15 : memref<!tpu.dma_semaphore, #tpu.memory_space<semaphore_mem>>) src(%dma_wait3A_464 : memref<10112x16xf32, #tpu.memory_space<vmem_shared>>) dst(%dma_wait3A_458 : memref<128x16xf32, #tpu.memory_space<vmem>>)
    %dma_start3A_465 = arith.constant 3 : i32
    %dma_start3A_466 = arith.constant 75 : i32
    %dma_start3A_467 = arith.constant 0 : i32
    %dma_start3A_468 = arith.constant 0 : i32
    %dma_start3A_469 = tpu.memref_slice %arg9[%dma_start3A_465, %dma_start3A_467, %dma_start3A_468] : memref<6x128x16xf32, #tpu.memory_space<vmem>> -> memref<1x128x16xf32, #tpu.memory_space<vmem>>
    %dma_start3A_470 = tpu.memref_squeeze %dma_start3A_469 : memref<1x128x16xf32, #tpu.memory_space<vmem>> -> memref<128x16xf32, #tpu.memory_space<vmem>>
    %dma_start3A_471 = arith.constant 0 : i32
    %dma_start3A_472 = tpu.memref_slice %arg8[%dma_start3A_466, %dma_start3A_471] : memref<79x128xi32, #tpu.memory_space<vmem>> -> memref<1x128xi32, #tpu.memory_space<vmem>>
    %dma_start3A_473 = tpu.memref_squeeze %dma_start3A_472 : memref<1x128xi32, #tpu.memory_space<vmem>> -> memref<128xi32, #tpu.memory_space<vmem>>
    %dma_start3A_474 = arith.constant 0 : i32
    %dma_start3A_475 = arith.constant 0 : i32
    %dma_start3A_476 = tpu.memref_slice %arg11[%dma_start3A_474, %dma_start3A_475] : memref<10112x16xf32, #tpu.memory_space<vmem_shared>> -> memref<10112x16xf32, #tpu.memory_space<vmem_shared>>
    tpu.enqueue_indirect_dma source(%dma_start3A_470 : memref<128x16xf32, #tpu.memory_space<vmem>>) target(%dma_start3A_476 : memref<10112x16xf32, #tpu.memory_space<vmem_shared>>) offsets(%dma_start3A_473 : memref<128xi32, #tpu.memory_space<vmem>>) semaphore(%arg21 : memref<!tpu.dma_semaphore, #tpu.memory_space<semaphore_mem>>) {add = true}
    %dma_wait3A_477 = arith.constant 0 : i32
    %dma_wait3A_478 = arith.constant 72 : i32
    %dma_wait3A_479 = arith.constant 0 : i32
    %dma_wait3A_480 = arith.constant 0 : i32
    %dma_wait3A_481 = tpu.memref_slice %arg9[%dma_wait3A_477, %dma_wait3A_479, %dma_wait3A_480] : memref<6x128x16xf32, #tpu.memory_space<vmem>> -> memref<1x128x16xf32, #tpu.memory_space<vmem>>
    %dma_wait3A_482 = tpu.memref_squeeze %dma_wait3A_481 : memref<1x128x16xf32, #tpu.memory_space<vmem>> -> memref<128x16xf32, #tpu.memory_space<vmem>>
    %dma_wait3A_483 = arith.constant 0 : i32
    %dma_wait3A_484 = tpu.memref_slice %arg8[%dma_wait3A_478, %dma_wait3A_483] : memref<79x128xi32, #tpu.memory_space<vmem>> -> memref<1x128xi32, #tpu.memory_space<vmem>>
    %dma_wait3A_485 = tpu.memref_squeeze %dma_wait3A_484 : memref<1x128xi32, #tpu.memory_space<vmem>> -> memref<128xi32, #tpu.memory_space<vmem>>
    %dma_wait3A_486 = arith.constant 0 : i32
    %dma_wait3A_487 = arith.constant 0 : i32
    %dma_wait3A_488 = tpu.memref_slice %arg11[%dma_wait3A_486, %dma_wait3A_487] : memref<10112x16xf32, #tpu.memory_space<vmem_shared>> -> memref<10112x16xf32, #tpu.memory_space<vmem_shared>>
    tpu.wait_indirect_dma semaphore(%arg18 : memref<!tpu.dma_semaphore, #tpu.memory_space<semaphore_mem>>) src(%dma_wait3A_482 : memref<128x16xf32, #tpu.memory_space<vmem>>) dst(%dma_wait3A_488 : memref<10112x16xf32, #tpu.memory_space<vmem_shared>>)
    %dma_wait3A_489 = arith.constant 76 : i32
    %dma_wait3A_490 = arith.constant 4 : i32
    %dma_wait3A_491 = arith.constant 0 : i32
    %dma_wait3A_492 = arith.constant 0 : i32
    %dma_wait3A_493 = tpu.memref_slice %arg9[%dma_wait3A_490, %dma_wait3A_491, %dma_wait3A_492] : memref<6x128x16xf32, #tpu.memory_space<vmem>> -> memref<1x128x16xf32, #tpu.memory_space<vmem>>
    %dma_wait3A_494 = tpu.memref_squeeze %dma_wait3A_493 : memref<1x128x16xf32, #tpu.memory_space<vmem>> -> memref<128x16xf32, #tpu.memory_space<vmem>>
    %dma_wait3A_495 = arith.constant 0 : i32
    %dma_wait3A_496 = tpu.memref_slice %arg7[%dma_wait3A_489, %dma_wait3A_495] : memref<79x128xi32, #tpu.memory_space<vmem>> -> memref<1x128xi32, #tpu.memory_space<vmem>>
    %dma_wait3A_497 = tpu.memref_squeeze %dma_wait3A_496 : memref<1x128xi32, #tpu.memory_space<vmem>> -> memref<128xi32, #tpu.memory_space<vmem>>
    %dma_wait3A_498 = arith.constant 0 : i32
    %dma_wait3A_499 = arith.constant 0 : i32
    %dma_wait3A_500 = tpu.memref_slice %arg10[%dma_wait3A_498, %dma_wait3A_499] : memref<10112x16xf32, #tpu.memory_space<vmem_shared>> -> memref<10112x16xf32, #tpu.memory_space<vmem_shared>>
    tpu.wait_indirect_dma semaphore(%arg16 : memref<!tpu.dma_semaphore, #tpu.memory_space<semaphore_mem>>) src(%dma_wait3A_500 : memref<10112x16xf32, #tpu.memory_space<vmem_shared>>) dst(%dma_wait3A_494 : memref<128x16xf32, #tpu.memory_space<vmem>>)
    %dma_start3A_501 = arith.constant 4 : i32
    %dma_start3A_502 = arith.constant 76 : i32
    %dma_start3A_503 = arith.constant 0 : i32
    %dma_start3A_504 = arith.constant 0 : i32
    %dma_start3A_505 = tpu.memref_slice %arg9[%dma_start3A_501, %dma_start3A_503, %dma_start3A_504] : memref<6x128x16xf32, #tpu.memory_space<vmem>> -> memref<1x128x16xf32, #tpu.memory_space<vmem>>
    %dma_start3A_506 = tpu.memref_squeeze %dma_start3A_505 : memref<1x128x16xf32, #tpu.memory_space<vmem>> -> memref<128x16xf32, #tpu.memory_space<vmem>>
    %dma_start3A_507 = arith.constant 0 : i32
    %dma_start3A_508 = tpu.memref_slice %arg8[%dma_start3A_502, %dma_start3A_507] : memref<79x128xi32, #tpu.memory_space<vmem>> -> memref<1x128xi32, #tpu.memory_space<vmem>>
    %dma_start3A_509 = tpu.memref_squeeze %dma_start3A_508 : memref<1x128xi32, #tpu.memory_space<vmem>> -> memref<128xi32, #tpu.memory_space<vmem>>
    %dma_start3A_510 = arith.constant 0 : i32
    %dma_start3A_511 = arith.constant 0 : i32
    %dma_start3A_512 = tpu.memref_slice %arg11[%dma_start3A_510, %dma_start3A_511] : memref<10112x16xf32, #tpu.memory_space<vmem_shared>> -> memref<10112x16xf32, #tpu.memory_space<vmem_shared>>
    tpu.enqueue_indirect_dma source(%dma_start3A_506 : memref<128x16xf32, #tpu.memory_space<vmem>>) target(%dma_start3A_512 : memref<10112x16xf32, #tpu.memory_space<vmem_shared>>) offsets(%dma_start3A_509 : memref<128xi32, #tpu.memory_space<vmem>>) semaphore(%arg22 : memref<!tpu.dma_semaphore, #tpu.memory_space<semaphore_mem>>) {add = true}
    %dma_wait3A_513 = arith.constant 1 : i32
    %dma_wait3A_514 = arith.constant 73 : i32
    %dma_wait3A_515 = arith.constant 0 : i32
    %dma_wait3A_516 = arith.constant 0 : i32
    %dma_wait3A_517 = tpu.memref_slice %arg9[%dma_wait3A_513, %dma_wait3A_515, %dma_wait3A_516] : memref<6x128x16xf32, #tpu.memory_space<vmem>> -> memref<1x128x16xf32, #tpu.memory_space<vmem>>
    %dma_wait3A_518 = tpu.memref_squeeze %dma_wait3A_517 : memref<1x128x16xf32, #tpu.memory_space<vmem>> -> memref<128x16xf32, #tpu.memory_space<vmem>>
    %dma_wait3A_519 = arith.constant 0 : i32
    %dma_wait3A_520 = tpu.memref_slice %arg8[%dma_wait3A_514, %dma_wait3A_519] : memref<79x128xi32, #tpu.memory_space<vmem>> -> memref<1x128xi32, #tpu.memory_space<vmem>>
    %dma_wait3A_521 = tpu.memref_squeeze %dma_wait3A_520 : memref<1x128xi32, #tpu.memory_space<vmem>> -> memref<128xi32, #tpu.memory_space<vmem>>
    %dma_wait3A_522 = arith.constant 0 : i32
    %dma_wait3A_523 = arith.constant 0 : i32
    %dma_wait3A_524 = tpu.memref_slice %arg11[%dma_wait3A_522, %dma_wait3A_523] : memref<10112x16xf32, #tpu.memory_space<vmem_shared>> -> memref<10112x16xf32, #tpu.memory_space<vmem_shared>>
    tpu.wait_indirect_dma semaphore(%arg19 : memref<!tpu.dma_semaphore, #tpu.memory_space<semaphore_mem>>) src(%dma_wait3A_518 : memref<128x16xf32, #tpu.memory_space<vmem>>) dst(%dma_wait3A_524 : memref<10112x16xf32, #tpu.memory_space<vmem_shared>>)
    %dma_wait3A_525 = arith.constant 77 : i32
    %dma_wait3A_526 = arith.constant 5 : i32
    %dma_wait3A_527 = arith.constant 0 : i32
    %dma_wait3A_528 = arith.constant 0 : i32
    %dma_wait3A_529 = tpu.memref_slice %arg9[%dma_wait3A_526, %dma_wait3A_527, %dma_wait3A_528] : memref<6x128x16xf32, #tpu.memory_space<vmem>> -> memref<1x128x16xf32, #tpu.memory_space<vmem>>
    %dma_wait3A_530 = tpu.memref_squeeze %dma_wait3A_529 : memref<1x128x16xf32, #tpu.memory_space<vmem>> -> memref<128x16xf32, #tpu.memory_space<vmem>>
    %dma_wait3A_531 = arith.constant 0 : i32
    %dma_wait3A_532 = tpu.memref_slice %arg7[%dma_wait3A_525, %dma_wait3A_531] : memref<79x128xi32, #tpu.memory_space<vmem>> -> memref<1x128xi32, #tpu.memory_space<vmem>>
    %dma_wait3A_533 = tpu.memref_squeeze %dma_wait3A_532 : memref<1x128xi32, #tpu.memory_space<vmem>> -> memref<128xi32, #tpu.memory_space<vmem>>
    %dma_wait3A_534 = arith.constant 0 : i32
    %dma_wait3A_535 = arith.constant 0 : i32
    %dma_wait3A_536 = tpu.memref_slice %arg10[%dma_wait3A_534, %dma_wait3A_535] : memref<10112x16xf32, #tpu.memory_space<vmem_shared>> -> memref<10112x16xf32, #tpu.memory_space<vmem_shared>>
    tpu.wait_indirect_dma semaphore(%arg17 : memref<!tpu.dma_semaphore, #tpu.memory_space<semaphore_mem>>) src(%dma_wait3A_536 : memref<10112x16xf32, #tpu.memory_space<vmem_shared>>) dst(%dma_wait3A_530 : memref<128x16xf32, #tpu.memory_space<vmem>>)
    %dma_start3A_537 = arith.constant 5 : i32
    %dma_start3A_538 = arith.constant 77 : i32
    %dma_start3A_539 = arith.constant 0 : i32
    %dma_start3A_540 = arith.constant 0 : i32
    %dma_start3A_541 = tpu.memref_slice %arg9[%dma_start3A_537, %dma_start3A_539, %dma_start3A_540] : memref<6x128x16xf32, #tpu.memory_space<vmem>> -> memref<1x128x16xf32, #tpu.memory_space<vmem>>
    %dma_start3A_542 = tpu.memref_squeeze %dma_start3A_541 : memref<1x128x16xf32, #tpu.memory_space<vmem>> -> memref<128x16xf32, #tpu.memory_space<vmem>>
    %dma_start3A_543 = arith.constant 0 : i32
    %dma_start3A_544 = tpu.memref_slice %arg8[%dma_start3A_538, %dma_start3A_543] : memref<79x128xi32, #tpu.memory_space<vmem>> -> memref<1x128xi32, #tpu.memory_space<vmem>>
    %dma_start3A_545 = tpu.memref_squeeze %dma_start3A_544 : memref<1x128xi32, #tpu.memory_space<vmem>> -> memref<128xi32, #tpu.memory_space<vmem>>
    %dma_start3A_546 = arith.constant 0 : i32
    %dma_start3A_547 = arith.constant 0 : i32
    %dma_start3A_548 = tpu.memref_slice %arg11[%dma_start3A_546, %dma_start3A_547] : memref<10112x16xf32, #tpu.memory_space<vmem_shared>> -> memref<10112x16xf32, #tpu.memory_space<vmem_shared>>
    tpu.enqueue_indirect_dma source(%dma_start3A_542 : memref<128x16xf32, #tpu.memory_space<vmem>>) target(%dma_start3A_548 : memref<10112x16xf32, #tpu.memory_space<vmem_shared>>) offsets(%dma_start3A_545 : memref<128xi32, #tpu.memory_space<vmem>>) semaphore(%arg23 : memref<!tpu.dma_semaphore, #tpu.memory_space<semaphore_mem>>) {add = true}
    %dma_wait3A_549 = arith.constant 2 : i32
    %dma_wait3A_550 = arith.constant 74 : i32
    %dma_wait3A_551 = arith.constant 0 : i32
    %dma_wait3A_552 = arith.constant 0 : i32
    %dma_wait3A_553 = tpu.memref_slice %arg9[%dma_wait3A_549, %dma_wait3A_551, %dma_wait3A_552] : memref<6x128x16xf32, #tpu.memory_space<vmem>> -> memref<1x128x16xf32, #tpu.memory_space<vmem>>
    %dma_wait3A_554 = tpu.memref_squeeze %dma_wait3A_553 : memref<1x128x16xf32, #tpu.memory_space<vmem>> -> memref<128x16xf32, #tpu.memory_space<vmem>>
    %dma_wait3A_555 = arith.constant 0 : i32
    %dma_wait3A_556 = tpu.memref_slice %arg8[%dma_wait3A_550, %dma_wait3A_555] : memref<79x128xi32, #tpu.memory_space<vmem>> -> memref<1x128xi32, #tpu.memory_space<vmem>>
    %dma_wait3A_557 = tpu.memref_squeeze %dma_wait3A_556 : memref<1x128xi32, #tpu.memory_space<vmem>> -> memref<128xi32, #tpu.memory_space<vmem>>
    %dma_wait3A_558 = arith.constant 0 : i32
    %dma_wait3A_559 = arith.constant 0 : i32
    %dma_wait3A_560 = tpu.memref_slice %arg11[%dma_wait3A_558, %dma_wait3A_559] : memref<10112x16xf32, #tpu.memory_space<vmem_shared>> -> memref<10112x16xf32, #tpu.memory_space<vmem_shared>>
    tpu.wait_indirect_dma semaphore(%arg20 : memref<!tpu.dma_semaphore, #tpu.memory_space<semaphore_mem>>) src(%dma_wait3A_554 : memref<128x16xf32, #tpu.memory_space<vmem>>) dst(%dma_wait3A_560 : memref<10112x16xf32, #tpu.memory_space<vmem_shared>>)
    %dma_wait3A_561 = arith.constant 3 : i32
    %dma_wait3A_562 = arith.constant 75 : i32
    %dma_wait3A_563 = arith.constant 0 : i32
    %dma_wait3A_564 = arith.constant 0 : i32
    %dma_wait3A_565 = tpu.memref_slice %arg9[%dma_wait3A_561, %dma_wait3A_563, %dma_wait3A_564] : memref<6x128x16xf32, #tpu.memory_space<vmem>> -> memref<1x128x16xf32, #tpu.memory_space<vmem>>
    %dma_wait3A_566 = tpu.memref_squeeze %dma_wait3A_565 : memref<1x128x16xf32, #tpu.memory_space<vmem>> -> memref<128x16xf32, #tpu.memory_space<vmem>>
    %dma_wait3A_567 = arith.constant 0 : i32
    %dma_wait3A_568 = tpu.memref_slice %arg8[%dma_wait3A_562, %dma_wait3A_567] : memref<79x128xi32, #tpu.memory_space<vmem>> -> memref<1x128xi32, #tpu.memory_space<vmem>>
    %dma_wait3A_569 = tpu.memref_squeeze %dma_wait3A_568 : memref<1x128xi32, #tpu.memory_space<vmem>> -> memref<128xi32, #tpu.memory_space<vmem>>
    %dma_wait3A_570 = arith.constant 0 : i32
    %dma_wait3A_571 = arith.constant 0 : i32
    %dma_wait3A_572 = tpu.memref_slice %arg11[%dma_wait3A_570, %dma_wait3A_571] : memref<10112x16xf32, #tpu.memory_space<vmem_shared>> -> memref<10112x16xf32, #tpu.memory_space<vmem_shared>>
    tpu.wait_indirect_dma semaphore(%arg21 : memref<!tpu.dma_semaphore, #tpu.memory_space<semaphore_mem>>) src(%dma_wait3A_566 : memref<128x16xf32, #tpu.memory_space<vmem>>) dst(%dma_wait3A_572 : memref<10112x16xf32, #tpu.memory_space<vmem_shared>>)
    %dma_wait3A_573 = arith.constant 4 : i32
    %dma_wait3A_574 = arith.constant 76 : i32
    %dma_wait3A_575 = arith.constant 0 : i32
    %dma_wait3A_576 = arith.constant 0 : i32
    %dma_wait3A_577 = tpu.memref_slice %arg9[%dma_wait3A_573, %dma_wait3A_575, %dma_wait3A_576] : memref<6x128x16xf32, #tpu.memory_space<vmem>> -> memref<1x128x16xf32, #tpu.memory_space<vmem>>
    %dma_wait3A_578 = tpu.memref_squeeze %dma_wait3A_577 : memref<1x128x16xf32, #tpu.memory_space<vmem>> -> memref<128x16xf32, #tpu.memory_space<vmem>>
    %dma_wait3A_579 = arith.constant 0 : i32
    %dma_wait3A_580 = tpu.memref_slice %arg8[%dma_wait3A_574, %dma_wait3A_579] : memref<79x128xi32, #tpu.memory_space<vmem>> -> memref<1x128xi32, #tpu.memory_space<vmem>>
    %dma_wait3A_581 = tpu.memref_squeeze %dma_wait3A_580 : memref<1x128xi32, #tpu.memory_space<vmem>> -> memref<128xi32, #tpu.memory_space<vmem>>
    %dma_wait3A_582 = arith.constant 0 : i32
    %dma_wait3A_583 = arith.constant 0 : i32
    %dma_wait3A_584 = tpu.memref_slice %arg11[%dma_wait3A_582, %dma_wait3A_583] : memref<10112x16xf32, #tpu.memory_space<vmem_shared>> -> memref<10112x16xf32, #tpu.memory_space<vmem_shared>>
    tpu.wait_indirect_dma semaphore(%arg22 : memref<!tpu.dma_semaphore, #tpu.memory_space<semaphore_mem>>) src(%dma_wait3A_578 : memref<128x16xf32, #tpu.memory_space<vmem>>) dst(%dma_wait3A_584 : memref<10112x16xf32, #tpu.memory_space<vmem_shared>>)
    %dma_wait3A_585 = arith.constant 5 : i32
    %dma_wait3A_586 = arith.constant 77 : i32
    %dma_wait3A_587 = arith.constant 0 : i32
    %dma_wait3A_588 = arith.constant 0 : i32
    %dma_wait3A_589 = tpu.memref_slice %arg9[%dma_wait3A_585, %dma_wait3A_587, %dma_wait3A_588] : memref<6x128x16xf32, #tpu.memory_space<vmem>> -> memref<1x128x16xf32, #tpu.memory_space<vmem>>
    %dma_wait3A_590 = tpu.memref_squeeze %dma_wait3A_589 : memref<1x128x16xf32, #tpu.memory_space<vmem>> -> memref<128x16xf32, #tpu.memory_space<vmem>>
    %dma_wait3A_591 = arith.constant 0 : i32
    %dma_wait3A_592 = tpu.memref_slice %arg8[%dma_wait3A_586, %dma_wait3A_591] : memref<79x128xi32, #tpu.memory_space<vmem>> -> memref<1x128xi32, #tpu.memory_space<vmem>>
    %dma_wait3A_593 = tpu.memref_squeeze %dma_wait3A_592 : memref<1x128xi32, #tpu.memory_space<vmem>> -> memref<128xi32, #tpu.memory_space<vmem>>
    %dma_wait3A_594 = arith.constant 0 : i32
    %dma_wait3A_595 = arith.constant 0 : i32
    %dma_wait3A_596 = tpu.memref_slice %arg11[%dma_wait3A_594, %dma_wait3A_595] : memref<10112x16xf32, #tpu.memory_space<vmem_shared>> -> memref<10112x16xf32, #tpu.memory_space<vmem_shared>>
    tpu.wait_indirect_dma semaphore(%arg23 : memref<!tpu.dma_semaphore, #tpu.memory_space<semaphore_mem>>) src(%dma_wait3A_590 : memref<128x16xf32, #tpu.memory_space<vmem>>) dst(%dma_wait3A_596 : memref<10112x16xf32, #tpu.memory_space<vmem_shared>>)
    %lt3A_597 = arith.constant 4 : i32
    %lt3A_598 = arith.cmpi slt, %add3A, %lt3A_597 : i32
    %convert_element_type3A_599 = arith.extui %lt3A_598 : i1 to i32
    %cond3A_600 = arith.constant 0 : i32
    %cond3A_601 = arith.cmpi ne, %convert_element_type3A_599, %cond3A_600 : i32
    scf.if %cond3A_601 {
      %run_scoped3A = arith.constant 78 : i32
      %run_scoped3A_603 = arith.constant 0 : i32
      "tpu.region"() ({
        %run_scoped3A_606 = tpu.sem_alloc : memref<!tpu.dma_semaphore, #tpu.memory_space<semaphore_mem>>
        %dma_start3A_607 = arith.constant 0 : i32
        %dma_start3A_608 = arith.constant 0 : i32
        %dma_start3A_609 = tpu.memref_slice %arg9[%run_scoped3A_603, %dma_start3A_607, %dma_start3A_608] : memref<6x128x16xf32, #tpu.memory_space<vmem>> -> memref<1x128x16xf32, #tpu.memory_space<vmem>>
        %dma_start3A_610 = tpu.memref_squeeze %dma_start3A_609 : memref<1x128x16xf32, #tpu.memory_space<vmem>> -> memref<128x16xf32, #tpu.memory_space<vmem>>
        %dma_start3A_611 = arith.constant 0 : i32
        %dma_start3A_612 = tpu.memref_slice %arg7[%run_scoped3A, %dma_start3A_611] : memref<79x128xi32, #tpu.memory_space<vmem>> -> memref<1x128xi32, #tpu.memory_space<vmem>>
        %dma_start3A_613 = tpu.memref_squeeze %dma_start3A_612 : memref<1x128xi32, #tpu.memory_space<vmem>> -> memref<128xi32, #tpu.memory_space<vmem>>
        %dma_start3A_614 = arith.constant 0 : i32
        %dma_start3A_615 = arith.constant 0 : i32
        %dma_start3A_616 = tpu.memref_slice %arg10[%dma_start3A_614, %dma_start3A_615] : memref<10112x16xf32, #tpu.memory_space<vmem_shared>> -> memref<10112x16xf32, #tpu.memory_space<vmem_shared>>
        tpu.enqueue_indirect_dma source(%dma_start3A_616 : memref<10112x16xf32, #tpu.memory_space<vmem_shared>>) target(%dma_start3A_610 : memref<128x16xf32, #tpu.memory_space<vmem>>) offsets(%dma_start3A_613 : memref<128xi32, #tpu.memory_space<vmem>>) semaphore(%run_scoped3A_606 : memref<!tpu.dma_semaphore, #tpu.memory_space<semaphore_mem>>)
        %dma_wait3A_617 = arith.constant 0 : i32
        %dma_wait3A_618 = arith.constant 0 : i32
        %dma_wait3A_619 = tpu.memref_slice %arg9[%run_scoped3A_603, %dma_wait3A_617, %dma_wait3A_618] : memref<6x128x16xf32, #tpu.memory_space<vmem>> -> memref<1x128x16xf32, #tpu.memory_space<vmem>>
        %dma_wait3A_620 = tpu.memref_squeeze %dma_wait3A_619 : memref<1x128x16xf32, #tpu.memory_space<vmem>> -> memref<128x16xf32, #tpu.memory_space<vmem>>
        %dma_wait3A_621 = arith.constant 0 : i32
        %dma_wait3A_622 = tpu.memref_slice %arg7[%run_scoped3A, %dma_wait3A_621] : memref<79x128xi32, #tpu.memory_space<vmem>> -> memref<1x128xi32, #tpu.memory_space<vmem>>
        %dma_wait3A_623 = tpu.memref_squeeze %dma_wait3A_622 : memref<1x128xi32, #tpu.memory_space<vmem>> -> memref<128xi32, #tpu.memory_space<vmem>>
        %dma_wait3A_624 = arith.constant 0 : i32
        %dma_wait3A_625 = arith.constant 0 : i32
        %dma_wait3A_626 = tpu.memref_slice %arg10[%dma_wait3A_624, %dma_wait3A_625] : memref<10112x16xf32, #tpu.memory_space<vmem_shared>> -> memref<10112x16xf32, #tpu.memory_space<vmem_shared>>
        tpu.wait_indirect_dma semaphore(%run_scoped3A_606 : memref<!tpu.dma_semaphore, #tpu.memory_space<semaphore_mem>>) src(%dma_wait3A_626 : memref<10112x16xf32, #tpu.memory_space<vmem_shared>>) dst(%dma_wait3A_620 : memref<128x16xf32, #tpu.memory_space<vmem>>)
        tpu.yield
      }) : () -> ()
      %run_scoped3A_604 = arith.constant 0 : i32
      %run_scoped3A_605 = arith.constant 78 : i32
      "tpu.region"() ({
        %run_scoped3A_606 = tpu.sem_alloc : memref<!tpu.dma_semaphore, #tpu.memory_space<semaphore_mem>>
        %dma_start3A_607 = arith.constant 0 : i32
        %dma_start3A_608 = arith.constant 0 : i32
        %dma_start3A_609 = tpu.memref_slice %arg9[%run_scoped3A_604, %dma_start3A_607, %dma_start3A_608] : memref<6x128x16xf32, #tpu.memory_space<vmem>> -> memref<1x128x16xf32, #tpu.memory_space<vmem>>
        %dma_start3A_610 = tpu.memref_squeeze %dma_start3A_609 : memref<1x128x16xf32, #tpu.memory_space<vmem>> -> memref<128x16xf32, #tpu.memory_space<vmem>>
        %dma_start3A_611 = arith.constant 0 : i32
        %dma_start3A_612 = tpu.memref_slice %arg8[%run_scoped3A_605, %dma_start3A_611] : memref<79x128xi32, #tpu.memory_space<vmem>> -> memref<1x128xi32, #tpu.memory_space<vmem>>
        %dma_start3A_613 = tpu.memref_squeeze %dma_start3A_612 : memref<1x128xi32, #tpu.memory_space<vmem>> -> memref<128xi32, #tpu.memory_space<vmem>>
        %dma_start3A_614 = arith.constant 0 : i32
        %dma_start3A_615 = arith.constant 0 : i32
        %dma_start3A_616 = tpu.memref_slice %arg11[%dma_start3A_614, %dma_start3A_615] : memref<10112x16xf32, #tpu.memory_space<vmem_shared>> -> memref<10112x16xf32, #tpu.memory_space<vmem_shared>>
        tpu.enqueue_indirect_dma source(%dma_start3A_610 : memref<128x16xf32, #tpu.memory_space<vmem>>) target(%dma_start3A_616 : memref<10112x16xf32, #tpu.memory_space<vmem_shared>>) offsets(%dma_start3A_613 : memref<128xi32, #tpu.memory_space<vmem>>) semaphore(%run_scoped3A_606 : memref<!tpu.dma_semaphore, #tpu.memory_space<semaphore_mem>>) {add = true}
        %dma_wait3A_617 = arith.constant 0 : i32
        %dma_wait3A_618 = arith.constant 0 : i32
        %dma_wait3A_619 = tpu.memref_slice %arg9[%run_scoped3A_604, %dma_wait3A_617, %dma_wait3A_618] : memref<6x128x16xf32, #tpu.memory_space<vmem>> -> memref<1x128x16xf32, #tpu.memory_space<vmem>>
        %dma_wait3A_620 = tpu.memref_squeeze %dma_wait3A_619 : memref<1x128x16xf32, #tpu.memory_space<vmem>> -> memref<128x16xf32, #tpu.memory_space<vmem>>
        %dma_wait3A_621 = arith.constant 0 : i32
        %dma_wait3A_622 = tpu.memref_slice %arg8[%run_scoped3A_605, %dma_wait3A_621] : memref<79x128xi32, #tpu.memory_space<vmem>> -> memref<1x128xi32, #tpu.memory_space<vmem>>
        %dma_wait3A_623 = tpu.memref_squeeze %dma_wait3A_622 : memref<1x128xi32, #tpu.memory_space<vmem>> -> memref<128xi32, #tpu.memory_space<vmem>>
        %dma_wait3A_624 = arith.constant 0 : i32
        %dma_wait3A_625 = arith.constant 0 : i32
        %dma_wait3A_626 = tpu.memref_slice %arg11[%dma_wait3A_624, %dma_wait3A_625] : memref<10112x16xf32, #tpu.memory_space<vmem_shared>> -> memref<10112x16xf32, #tpu.memory_space<vmem_shared>>
        tpu.wait_indirect_dma semaphore(%run_scoped3A_606 : memref<!tpu.dma_semaphore, #tpu.memory_space<semaphore_mem>>) src(%dma_wait3A_620 : memref<128x16xf32, #tpu.memory_space<vmem>>) dst(%dma_wait3A_626 : memref<10112x16xf32, #tpu.memory_space<vmem_shared>>)
        tpu.yield
      }) : () -> ()
    } else {
    }
    %barrier3A_602 = arith.constant 0 : index
    tpu.barrier barrier_id(%barrier3A_602)
    "tpu.region"() ({
      %run_scoped3A = tpu.sem_alloc : memref<!tpu.dma_semaphore, #tpu.memory_space<semaphore_mem>>
      %dma_start3A_603 = arith.constant 0 : i32
      %dma_start3A_604 = tpu.memref_slice %arg6[%arg0, %mul3A_2, %dma_start3A_603] : memref<2x10112x128xf32, #tpu.memory_space<hbm>> -> memref<1x632x16xf32, #tpu.memory_space<hbm>>
      %dma_start3A_605 = tpu.memref_squeeze %dma_start3A_604 : memref<1x632x16xf32, #tpu.memory_space<hbm>> -> memref<632x16xf32, #tpu.memory_space<hbm>>
      %dma_start3A_606 = arith.constant 0 : i32
      %dma_start3A_607 = tpu.memref_slice %arg11[%mul3A_2, %dma_start3A_606] : memref<10112x16xf32, #tpu.memory_space<vmem_shared>> -> memref<632x16xf32, #tpu.memory_space<vmem_shared>>
      tpu.enqueue_dma source(%dma_start3A_607 : memref<632x16xf32, #tpu.memory_space<vmem_shared>>) target(%dma_start3A_605 : memref<632x16xf32, #tpu.memory_space<hbm>>) target_semaphore(%run_scoped3A : memref<!tpu.dma_semaphore, #tpu.memory_space<semaphore_mem>>)
      %dma_wait3A_608 = arith.constant 0 : i32
      %dma_wait3A_609 = tpu.memref_slice %arg6[%arg0, %mul3A_2, %dma_wait3A_608] : memref<2x10112x128xf32, #tpu.memory_space<hbm>> -> memref<1x632x16xf32, #tpu.memory_space<hbm>>
      %dma_wait3A_610 = tpu.memref_squeeze %dma_wait3A_609 : memref<1x632x16xf32, #tpu.memory_space<hbm>> -> memref<632x16xf32, #tpu.memory_space<hbm>>
      %dma_wait3A_611 = arith.constant 0 : i32
      %dma_wait3A_612 = tpu.memref_slice %arg11[%mul3A_2, %dma_wait3A_611] : memref<10112x16xf32, #tpu.memory_space<vmem_shared>> -> memref<632x16xf32, #tpu.memory_space<vmem_shared>>
      tpu.wait_dma2 semaphore(%run_scoped3A : memref<!tpu.dma_semaphore, #tpu.memory_space<semaphore_mem>>) src(%dma_wait3A_612 : memref<632x16xf32, #tpu.memory_space<vmem_shared>>) dst(%dma_wait3A_610 : memref<632x16xf32, #tpu.memory_space<hbm>>)
      tpu.yield
    }) : () -> ()
    return
  }
}

module attributes {stable_mosaic.version = 14 : i64} {
  func.func @_proj_body(%arg0: memref<10000x128xf32, #tpu.memory_space<vmem>>, %arg1: memref<128x16xf32, #tpu.memory_space<vmem>>, %arg2: memref<128x16xf32, #tpu.memory_space<vmem>>, %arg3: memref<10112x128xf32, #tpu.memory_space<vmem>>, %arg4: memref<10112x128xf32, #tpu.memory_space<vmem>>) attributes {dimension_semantics = [], scalar_prefetch = 0 : i64, scratch_operands = 0 : i64, tpu.core_type = #tpu.core_type<tc>} {
    %get3A = arith.constant 0 : index
    %get3A_0 = arith.constant 0 : index
    %get3A_1 = vector.load %arg0[%get3A, %get3A_0] : memref<10000x128xf32, #tpu.memory_space<vmem>>, vector<10000x128xf32>
    %get3A_2 = arith.constant 0 : index
    %get3A_3 = arith.constant 0 : index
    %get3A_4 = vector.load %arg1[%get3A_2, %get3A_3] : memref<128x16xf32, #tpu.memory_space<vmem>>, vector<128x16xf32>
    %dot_general3A = arith.constant dense<0.000000e+00> : vector<10000x16xf32>
    %dot_general3A_5 = tpu.matmul %get3A_1, %get3A_4, %dot_general3A {dimension_numbers = #tpu.dot_dimension_numbers<[1], [0], [0], [1], [0, 0, 1, 1], [], []>, transpose_lhs_hint = false} : vector<10000x128xf32>, vector<128x16xf32>, vector<10000x16xf32> -> vector<10000x16xf32>
    %swap3A = arith.constant 0 : index
    %swap3A_6 = arith.constant 0 : index
    %swap3A_7 = vector.load %arg3[%swap3A, %swap3A_6] : memref<10112x128xf32, #tpu.memory_space<vmem>>, vector<10000x16xf32>
    tpu.vector_store %arg3[%swap3A, %swap3A_6], %dot_general3A_5 {strides = array<i32>} : memref<10112x128xf32, #tpu.memory_space<vmem>>, vector<10000x16xf32>,
    %get3A_8 = arith.constant 0 : index
    %get3A_9 = arith.constant 0 : index
    %get3A_10 = vector.load %arg2[%get3A_8, %get3A_9] : memref<128x16xf32, #tpu.memory_space<vmem>>, vector<128x16xf32>
    %dot_general3A_11 = arith.constant dense<0.000000e+00> : vector<10000x16xf32>
    %dot_general3A_12 = tpu.matmul %get3A_1, %get3A_10, %dot_general3A_11 {dimension_numbers = #tpu.dot_dimension_numbers<[1], [0], [0], [1], [0, 0, 1, 1], [], []>, transpose_lhs_hint = false} : vector<10000x128xf32>, vector<128x16xf32>, vector<10000x16xf32> -> vector<10000x16xf32>
    %swap3A_13 = arith.constant 0 : index
    %swap3A_14 = arith.constant 0 : index
    %swap3A_15 = vector.load %arg4[%swap3A_13, %swap3A_14] : memref<10112x128xf32, #tpu.memory_space<vmem>>, vector<10000x16xf32>
    tpu.vector_store %arg4[%swap3A_13, %swap3A_14], %dot_general3A_12 {strides = array<i32>} : memref<10112x128xf32, #tpu.memory_space<vmem>>, vector<10000x16xf32>,
    return
  }
}

module attributes {stable_mosaic.version = 14 : i64} {
  func.func @_mid_body(%arg0: memref<2x10112x128xf32, #tpu.memory_space<vmem>>, %arg1: memref<1x16xf32, #tpu.memory_space<vmem>>, %arg2: memref<16x16xf32, #tpu.memory_space<vmem>>, %arg3: memref<16x16xf32, #tpu.memory_space<vmem>>, %arg4: memref<10112x128xf32, #tpu.memory_space<vmem>>, %arg5: memref<10112x128xf32, #tpu.memory_space<vmem>>) attributes {dimension_semantics = [], scalar_prefetch = 0 : i64, scratch_operands = 0 : i64, tpu.core_type = #tpu.core_type<tc>} {
    %get3A = arith.constant 0 : index
    %get3A_0 = arith.constant 0 : index
    %get3A_1 = arith.constant 0 : index
    %get3A_2 = vector.load %arg0[%get3A, %get3A_0, %get3A_1] : memref<2x10112x128xf32, #tpu.memory_space<vmem>>, vector<1x10112x16xf32>
    %get3A_3 = vector.shape_cast %get3A_2 : vector<1x10112x16xf32> to vector<10112x16xf32>
    %get3A_4 = arith.constant 1 : index
    %get3A_5 = arith.constant 0 : index
    %get3A_6 = arith.constant 0 : index
    %get3A_7 = vector.load %arg0[%get3A_4, %get3A_5, %get3A_6] : memref<2x10112x128xf32, #tpu.memory_space<vmem>>, vector<1x10112x16xf32>
    %get3A_8 = vector.shape_cast %get3A_7 : vector<1x10112x16xf32> to vector<10112x16xf32>
    %add3A = arith.addf %get3A_3, %get3A_8 : vector<10112x16xf32>
    %get3A_9 = arith.constant 0 : index
    %get3A_10 = arith.constant 0 : index
    %get3A_11 = vector.load %arg1[%get3A_9, %get3A_10] : memref<1x16xf32, #tpu.memory_space<vmem>>, vector<1x16xf32>
    %add3A_12 = vector.broadcast %get3A_11 : vector<1x16xf32> to vector<10112x16xf32>
    %add3A_13 = arith.addf %add3A, %add3A_12 : vector<10112x16xf32>
    %max3A = arith.constant 0.000000e+00 : f32
    %max3A_14 = vector.broadcast %max3A : f32 to vector<10112x16xf32>
    %max3A_15 = arith.maximumf %add3A_13, %max3A_14 : vector<10112x16xf32>
    %get3A_16 = arith.constant 0 : index
    %get3A_17 = arith.constant 0 : index
    %get3A_18 = vector.load %arg2[%get3A_16, %get3A_17] : memref<16x16xf32, #tpu.memory_space<vmem>>, vector<16x16xf32>
    %dot_general3A = arith.constant dense<0.000000e+00> : vector<10112x16xf32>
    %dot_general3A_19 = tpu.matmul %max3A_15, %get3A_18, %dot_general3A {dimension_numbers = #tpu.dot_dimension_numbers<[1], [0], [0], [1], [0, 0, 1, 1], [], []>, transpose_lhs_hint = false} : vector<10112x16xf32>, vector<16x16xf32>, vector<10112x16xf32> -> vector<10112x16xf32>
    %swap3A = arith.constant 0 : index
    %swap3A_20 = arith.constant 0 : index
    %swap3A_21 = vector.load %arg4[%swap3A, %swap3A_20] : memref<10112x128xf32, #tpu.memory_space<vmem>>, vector<10112x16xf32>
    tpu.vector_store %arg4[%swap3A, %swap3A_20], %dot_general3A_19 {strides = array<i32>} : memref<10112x128xf32, #tpu.memory_space<vmem>>, vector<10112x16xf32>,
    %get3A_22 = arith.constant 0 : index
    %get3A_23 = arith.constant 0 : index
    %get3A_24 = vector.load %arg3[%get3A_22, %get3A_23] : memref<16x16xf32, #tpu.memory_space<vmem>>, vector<16x16xf32>
    %dot_general3A_25 = arith.constant dense<0.000000e+00> : vector<10112x16xf32>
    %dot_general3A_26 = tpu.matmul %max3A_15, %get3A_24, %dot_general3A_25 {dimension_numbers = #tpu.dot_dimension_numbers<[1], [0], [0], [1], [0, 0, 1, 1], [], []>, transpose_lhs_hint = false} : vector<10112x16xf32>, vector<16x16xf32>, vector<10112x16xf32> -> vector<10112x16xf32>
    %swap3A_27 = arith.constant 0 : index
    %swap3A_28 = arith.constant 0 : index
    %swap3A_29 = vector.load %arg5[%swap3A_27, %swap3A_28] : memref<10112x128xf32, #tpu.memory_space<vmem>>, vector<10112x16xf32>
    tpu.vector_store %arg5[%swap3A_27, %swap3A_28], %dot_general3A_26 {strides = array<i32>} : memref<10112x128xf32, #tpu.memory_space<vmem>>, vector<10112x16xf32>,
    return
  }
}

module attributes {stable_mosaic.version = 14 : i64} {
  func.func @_final_body(%arg0: memref<2x10112x128xf32, #tpu.memory_space<vmem>>, %arg1: memref<1x16xf32, #tpu.memory_space<vmem>>, %arg2: memref<10000x16xf32, #tpu.memory_space<vmem>>) attributes {dimension_semantics = [], scalar_prefetch = 0 : i64, scratch_operands = 0 : i64, tpu.core_type = #tpu.core_type<tc>} {
    %get3A = arith.constant 0 : index
    %get3A_0 = arith.constant 0 : index
    %get3A_1 = arith.constant 0 : index
    %get3A_2 = vector.load %arg0[%get3A, %get3A_0, %get3A_1] : memref<2x10112x128xf32, #tpu.memory_space<vmem>>, vector<1x10000x16xf32>
    %get3A_3 = vector.shape_cast %get3A_2 : vector<1x10000x16xf32> to vector<10000x16xf32>
    %get3A_4 = arith.constant 1 : index
    %get3A_5 = arith.constant 0 : index
    %get3A_6 = arith.constant 0 : index
    %get3A_7 = vector.load %arg0[%get3A_4, %get3A_5, %get3A_6] : memref<2x10112x128xf32, #tpu.memory_space<vmem>>, vector<1x10000x16xf32>
    %get3A_8 = vector.shape_cast %get3A_7 : vector<1x10000x16xf32> to vector<10000x16xf32>
    %add3A = arith.addf %get3A_3, %get3A_8 : vector<10000x16xf32>
    %get3A_9 = arith.constant 0 : index
    %get3A_10 = arith.constant 0 : index
    %get3A_11 = vector.load %arg1[%get3A_9, %get3A_10] : memref<1x16xf32, #tpu.memory_space<vmem>>, vector<1x16xf32>
    %add3A_12 = vector.broadcast %get3A_11 : vector<1x16xf32> to vector<10000x16xf32>
    %add3A_13 = arith.addf %add3A, %add3A_12 : vector<10000x16xf32>
    %reduce_max3A = arith.constant dense<0xFF800000> : vector<10000xf32>
    %reduce_max3A_14 = vector.multi_reduction <maximumf>, %add3A_13, %reduce_max3A [1] : vector<10000x16xf32> to vector<10000xf32>
    %broadcast_in_dim3A = vector.shape_cast %reduce_max3A_14 : vector<10000xf32> to vector<10000x1xf32>
    %sub3A = vector.broadcast %broadcast_in_dim3A : vector<10000x1xf32> to vector<10000x16xf32>
    %sub3A_15 = arith.subf %add3A_13, %sub3A : vector<10000x16xf32>
    %exp3A = math.exp %sub3A_15 : vector<10000x16xf32>
    %reduce_sum3A = arith.constant dense<0.000000e+00> : vector<10000xf32>
    %reduce_sum3A_16 = vector.multi_reduction <add>, %exp3A, %reduce_sum3A [1] : vector<10000x16xf32> to vector<10000xf32>
    %broadcast_in_dim3A_17 = vector.shape_cast %reduce_sum3A_16 : vector<10000xf32> to vector<10000x1xf32>
    %sub3A_18 = vector.broadcast %broadcast_in_dim3A : vector<10000x1xf32> to vector<10000x16xf32>
    %sub3A_19 = arith.subf %add3A_13, %sub3A_18 : vector<10000x16xf32>
    %log3A = math.log %broadcast_in_dim3A_17 : vector<10000x1xf32>
    %sub3A_20 = vector.broadcast %log3A : vector<10000x1xf32> to vector<10000x16xf32>
    %sub3A_21 = arith.subf %sub3A_19, %sub3A_20 : vector<10000x16xf32>
    %swap3A = arith.constant 0 : index
    %swap3A_22 = arith.constant 0 : index
    %swap3A_23 = vector.load %arg2[%swap3A, %swap3A_22] : memref<10000x16xf32, #tpu.memory_space<vmem>>, vector<10000x16xf32>
    tpu.vector_store %arg2[%swap3A, %swap3A_22], %sub3A_21 {strides = array<i32>} : memref<10000x16xf32, #tpu.memory_space<vmem>>, vector<10000x16xf32>,
    return
  }
}

</mosaic_0001>

<sc_bundles>
// kernel: kernel.10.cloned.1.call-start
scs
__scs_entry_jumppad:
0x0: {  	(pc) =	sbr.rel $0x88, $3  }
0x1: {  	(tag) =	ssettag $0x0;
	lr =	simm.s32 $0x1  }
0x2: {  	[smem:$0x3F99] =	sst lr;
	_ =	strace $0xD0000000  }
0x3: {  	_ = 	snop  }
0x4: {  	_ = 	snop  }
0x5: {  	_ = 	snop  }
0x6: {  	_ = 	snop  }
0x7: {  	_ = 	snop  }
__scs_overlays_trampoline_lowered:
0x8: {  	[smem:$0x3FA8] =	sst s0  }
0x9: {  	[smem:$0x3FA9] =	sst s1  }
0xa: {  	[smem:$0x3FAA] =	sst s2  }
0xb: {  	[smem:$0x3FAB] =	sst s3  }
0xc: {  	[smem:$0x3FAC] =	sst s4  }
0xd: {  	[smem:$0x3FAD] =	sst s5  }
0xe: {  	[smem:$0x3FAE] =	sst s6  }
0xf: {  	[smem:$0x3FAF] =	sst s7  }
0x10: {  	[smem:$0x3FB0] =	sst s8  }
0x11: {  	[smem:$0x3FB1] =	sst s9;
	s0 =	simm.s32 @!p0 $0x0  }
0x12: {  	s1 =	sld [smem:$0x3F97];
	s0 =	simm.s32 @p0 $0x1  }
0x13: {  	[smem:$0x3FB2] =	sst s0;
	s0 =	simm.s32 @!p1 $0x0  }
0x14: {  	s2 =	sld [smem:$0x3F96];
	s0 =	simm.s32 @p1 $0x1  }
0x15: {  	[smem:$0x3FB3] =	sst s0;
	s0 =	simm.s32 @!p2 $0x0  }
0x16: {  	s3 =	sld [smem:$0x3FDB];
	s0 =	simm.s32 @p2 $0x1  }
0x17: {  	s4 =	simm.s32 $0x1BF5;
	[smem:$0x3FB5] =	sst s0  }
0x18: {  	s0 =	sld [smem:$0x3F98];
	_ =	swait.ge [sflag:s4], $0x0  }
0x19: {  	s7 =	sld [smem:$0x3F99]  }
0x1a: {  	s8 =	sadd.s32 $0xFFFFE003, lr  }
0x1b: {  	s9 =	sadd.s32 $0xFFFFFEF7, lr;
	s5 =	simm.s32 $0xFFFFFFFF;
	p2 =	slt.u32 s8, $0xFFFFF086  }
0x1c: {  	p1 =	slt.u32 s9, $0xF7A;
	s5 =	simm.s32 @!p2 $0x0  }
0x1d: {  	s5 =	simm.s32 @p1 $0x1;
	p0 =	seq.s32 s7, s2  }
0x1e: {  	s7 =	smul.u32 @!p0 $0xF7A, s2;
	p2 =	seq.s32 @!p0 s5, $0x0  }
0x1f: {  	s9 =	smul.u32 $0xF7A, s1;
	s8 =	simm.s32 @!p0 $0x1BF5;
	p2 =	por !p2, p0  }
0x20: {  	[sflag:s8] =	ssyncset.s32 @!p0 $0xFFFFF086;
	s6 =	sadd.s32 @!p0 s3, s7;
	s7 =	simm.s32 @!p0 $0x108  }
0x21: {  	s3 =	sadd.s32 s3, s9;
	s6 =	sadd.s32 @!p0 $0x88, s6;
	s7 =	simm.s32 @p2 $0x1082  }
0x22: {  	[simem:s7], [sflag:s8] =	dma.local @!p0 [hbm:s6], $0xF7A  }
0x23: {  	s9 =	sor.u32 $0xD0000000, s2;
	s6 =	simm.s32 $0x108;
	_ =	swait.ge @!p0 [sflag:s8], $0x0  }
0x24: {  	s3 =	sadd.s32 $0x88, s3;
	s6 =	simm.s32 @!p1 $0x1082;
	[sflag:s4] =	ssyncset.s32 $0xFFFFF086  }
0x25: {  	[simem:s6], [sflag:s4] =	dma.local [hbm:s3], $0xF7A  }
0x26: {  	[smem:$0x3F99] =	sst s1;
	(tag) =	ssettag s2;
	_ =	strace s9  }
0x27: {  	s1 =	sld [smem:$0x3FA9]  }
0x28: {  	s2 =	sld [smem:$0x3FAA]  }
0x29: {  	s4 =	sld [smem:$0x3FAC]  }
0x2a: {  	p0 =	seq.s32 s5, $0x0;
	s5 =	sld [smem:$0x3FAD]  }
0x2b: {  	s6 =	sld [smem:$0x3FAE]  }
0x2c: {  	s7 =	sld [smem:$0x3FAF]  }
0x2d: {  	s3 =	simm.s32 $0x108;
	s8 =	sld [smem:$0x3FB0]  }
0x2e: {  	s3 =	simm.s32 @!p0 $0x1082;
	s9 =	sld [smem:$0x3FB1]  }
0x2f: {  	lr =	sadd.s32 s0, s3;
	s0 =	sld [smem:$0x3FA8]  }
0x30: {  	s3 =	sld [smem:$0x3FAB]  }
0x31: {  	[smem:$0x3FB4] =	sst s10  }
0x32: {  	s10 =	sld [smem:$0x3FB2];
	_ =	sdelay $0x3  }
0x33: {  	p0 =	seq.s32 s10, $0x1;
	s10 =	sld [smem:$0x3FB4];
	_ =	sdelay $0x3  }
0x34: {  	[smem:$0x3FB4] =	sst s10  }
0x35: {  	s10 =	sld [smem:$0x3FB3];
	_ =	sdelay $0x3  }
0x36: {  	p1 =	seq.s32 s10, $0x1;
	s10 =	sld [smem:$0x3FB4];
	_ =	sdelay $0x3  }
0x37: {  	[smem:$0x3FB4] =	sst s10  }
0x38: {  	s10 =	sld [smem:$0x3FB5]  }
0x39: {  	_ = 	snop;
	(pc) =	sbr.ind lr, $3  }
0x3a: {  	_ = 	snop  }
0x3b: {  	_ = 	snop  }
0x3c: {  	p2 =	seq.s32 s10, $0x1;
	s10 =	sld [smem:$0x3FB4]  }
0x3d: {  	_ =	shalt  }
0x3e: {  	_ =	shalt  }
0x3f: {  	_ =	shalt  }
0x40: {  	_ =	shalt  }
0x41: {  	_ =	shalt  }
0x42: {  	_ =	shalt  }
0x43: {  	_ =	shalt  }
0x44: {  	_ =	shalt  }
0x45: {  	_ =	shalt  }
0x46: {  	_ =	shalt  }
0x47: {  	_ =	shalt  }
0x48: {  	_ =	shalt  }
0x49: {  	_ =	shalt  }
0x4a: {  	_ =	shalt  }
0x4b: {  	_ =	shalt  }
0x4c: {  	_ =	shalt  }
0x4d: {  	_ =	shalt  }
0x4e: {  	_ =	shalt  }
0x4f: {  	_ =	shalt  }
0x50: {  	_ =	shalt  }
0x51: {  	_ =	shalt  }
0x52: {  	_ =	shalt  }
0x53: {  	_ =	shalt  }
0x54: {  	_ =	shalt  }
0x55: {  	_ =	shalt  }
0x56: {  	_ =	shalt  }
0x57: {  	_ =	shalt  }
0x58: {  	_ =	shalt  }
0x59: {  	_ =	shalt  }
0x5a: {  	_ =	shalt  }
0x5b: {  	_ =	shalt  }
0x5c: {  	_ =	shalt  }
0x5d: {  	_ =	shalt  }
0x5e: {  	_ =	shalt  }
0x5f: {  	_ =	shalt  }
0x60: {  	_ =	shalt  }
0x61: {  	_ =	shalt  }
0x62: {  	_ =	shalt  }
0x63: {  	_ =	shalt  }
0x64: {  	_ =	shalt  }
0x65: {  	_ =	shalt  }
0x66: {  	_ =	shalt  }
0x67: {  	_ =	shalt  }
0x68: {  	_ =	shalt  }
0x69: {  	_ =	shalt  }
0x6a: {  	_ =	shalt  }
0x6b: {  	_ =	shalt  }
0x6c: {  	_ =	shalt  }
0x6d: {  	_ =	shalt  }
0x6e: {  	_ =	shalt  }
0x6f: {  	_ =	shalt  }
0x70: {  	_ =	shalt  }
0x71: {  	_ =	shalt  }
0x72: {  	_ =	shalt  }
0x73: {  	_ =	shalt  }
0x74: {  	_ =	shalt  }
0x75: {  	_ =	shalt  }
0x76: {  	_ =	shalt  }
0x77: {  	_ =	shalt  }
0x78: {  	_ =	shalt  }
0x79: {  	_ =	shalt  }
0x7a: {  	_ =	shalt  }
0x7b: {  	_ =	shalt  }
0x7c: {  	_ =	shalt  }
0x7d: {  	_ =	shalt  }
0x7e: {  	_ =	shalt  }
0x7f: {  	_ =	shalt  }
0x80: {  	_ =	shalt  }
0x81: {  	_ =	shalt  }
0x82: {  	_ =	shalt  }
0x83: {  	_ =	shalt  }
0x84: {  	_ =	shalt  }
0x85: {  	_ =	shalt  }
0x86: {  	_ =	shalt  }
0x87: {  	_ =	shalt  }
.Lfunc_end0:
.L_simem_size_0:
called_computation.1_lowered:
.L_overlay_start_0:
0x88: {  	s2 =	sld [smem:$0x3FD9]  }
0x89: {  	s3 =	sld [smem:$0x3FFE];
	_ =	sdelay $0x1  }
0x8a: {  	s1 =	srdreg.scid  }
0x8b: {  	s0 =	sand.u32 $0x1, s1  }
0x8c: {  	s17 =	sshll.u32 s0, $0xA;
	s2 =	sadd.s32 s3, s2  }
0x8d: {  	s2 =	sadd.s32 s2, s17  }
0x8e: {  	[smem:$0x3FC0] =	sst s2  }
0x8f: {  	_ = 	snop  }
0x90: {  	s2 =	sld [smem:$0x3FD0];
	(tm) =	ssettm $0x1  }
0x91: {  	s18 =	sld [smem:$0x3FFB];
	_ =	sdelay $0x3  }
0x92: {  	_ =	strace s18  }
0x93: {  	s3 =	sld [smem:$0x3FFC];
	_ =	sdelay $0x3  }
0x94: {  	_ =	strace s3  }
0x95: {  	s3 =	sld [smem:$0x3FFD];
	_ =	sdelay $0x3  }
0x96: {  	_ =	strace s3  }
0x97: {  	_ =	strace $0x8FFFFFFF  }
0x98: {  	s19 =	sld [smem:$0x3FDB];
	_ =	sdelay $0x1  }
0x99: {  	s4 =	simm.s32 $_scs_section_size  }
0x9a: {  	s5 =	simm.s32 $_size__tile_overlayer_lowered;
	s6 =	simm.s32 $_tile_overlayer_lowered  }
0x9b: {  	s22 =	simm.s32 $0x1BFF;
	s21 =	sshll.u32 s6, $0x1;
	s3 =	sadd.s32 s4, s19  }
0x9c: {  	s7 =	simm.s32 $0x0;
	s20 =	sshll.u32 s5, $0x1;
	s5 =	sadd.s32 s21, s3  }
0x9d: {  	[timem:s7], [sflag:s22] =	dma.local [hbm:s5], s20  }
0x9e: {  	_ =	swait.ge [sflag:s22], s20  }
0x9f: {  	s4 =	ssub.s32 $0x0, s20;
	[sflag:s22] =	ssyncset.done $0x0  }
0xa0: {  	[sflag:s22] =	ssyncadd.s32 s4;
	_ =	sdelay $0x1  }
0xa1: {  	s23 =	simm.s32 $0x1B8B  }
0xa2: {  	_ =	swait.ge [sflag:s23], $0x1  }
0xa3: {  	[sflag:s23] =	ssyncset.done $0x0  }
0xa4: {  	s25 =	simm.s32 $0x1B8E;
	s24 =	sld [smem:$0x3FFE];
	[sflag:s23] =	ssyncadd.s32 $0xFFFFFFFF  }
0xa5: {  	s26 =	simm.s32 $execute0_lowered;
	[smem:$0x3FD2] =	sst s25  }
0xa6: {  	s5 =	sshll.u32 s26, $0x1;
	_ =	strace $0x80000049;
	[dreg:$0x1] =	wrdreg $0xFFFFFFFF  }
0xa7: {  	s28 =	simm.s32 $_size_execute0_lowered;
	s3 =	sadd.s32 s3, s5;
	[dreg:$0x0] =	wrdreg $0x0  }
0xa8: {  	s5 =	sshll.u32 s28, $0x1;
	[dreg:$0x2] =	wrdreg s3  }
0xa9: {  	[dreg:$0x3] =	wrdreg s5  }
0xaa: {  	[dreg:$0x4] =	wrdreg $0xC0  }
0xab: {  	_ =	task [dreg:s7], $0x5FFFF  }
0xac: {  	[dreg:$0x1] =	wrdreg $0xFFFFFFFF  }
0xad: {  	[dreg:$0x0] =	wrdreg $0x60  }
0xae: {  	[dreg:$0x2] =	wrdreg s24  }
0xaf: {  	[dreg:$0x3] =	wrdreg s2  }
0xb0: {  	[dreg:$0x4] =	wrdreg $0xA6800  }
0xb1: {  	[dreg:$0x5] =	wrdreg $0x7F000  }
0xb2: {  	[dreg:$0x6] =	wrdreg $0x9  }
0xb3: {  	_ =	task.clear_ibuf [dreg:s7], $0x7FFFF;
	_ =	strace $0x90000049  }
0xb4: {  	s29 =	simm.s32 $0x9;
	_ =	strace $0x8000004B  }
0xb5: {  	_ =	swait.ge [sflag:s29], $0x1  }
0xb6: {  	[sflag:s29] =	ssyncadd.s32 $0xFFFFFFFF  }
0xb7: {  	_ =	strace $0x9000004B  }
0xb8: {  	_ =	sfence  }
0xb9: {  	s30 =	sld [smem:$0x0];
	_ =	sdelay $0x2  }
0xba: {  	s31 =	sshll.u32 s1, $0xD;
	s1 =	sshrl.u32 s1, $0x2  }
0xbb: {  	s3 =	sand.u32 $0x4000, s31;
	s1 =	sadd.s32 s1, s30  }
0xbc: {  	s0 =	sor.u32 s3, s0;
	s1 =	sshll.u32 s1, $0x11  }
0xbd: {  	s0 =	sor.u32 s1, s0  }
0xbe: {  	s0 =	sadd.s32 $0x8F2B, s0  }
0xbf: {  	[sflag:s0] =	ssyncadd.remote.s32 $0x1  }
0xc0: {  	_ =	sfence.sel $0xFFFF  }
0xc1: {  	[dreg:$0x0] =	wrdreg $0xFFFFFFFF;
	(pc) =	sbr.abs _section_cstart, $3  }
0xc2: {  	[dreg:$0x1] =	wrdreg $0xFFFFFFFF  }
0xc3: {  	_ =	task.clear_ibuf [dreg:s7], $0x2FFFF;
	_ =	strace $0x9FFFFFFF  }
0xc4: {  	(tm) =	ssettm $0x7FFFFFFF  }
0xc5: {  	_ =	shalt  }
tec
execute0_lowered:
.L_overlay_start_1:
0x0: {  	(tag) =	ssettag $0x1  }
0x1: {  	s0 =	rddreg [dreg:$0x0]  }
0x2: {  	s1 =	rddreg [dreg:$0x1]  }
0x3: {  	s2 =	rddreg [dreg:$0x2]  }
0x4: {  	s3 =	rddreg [dreg:$0x3];
	s4 =	srdreg.scid  }
0x5: {  	s13 =	stileid.u32;
	s7 =	simm.s32 $0x0;
	s19 =	simm.s32 $0xD  }
0x6: {  	s29 =	simm.s32 $0x4F00;
	s30 =	simm.s32 $0x5700;
	s31 =	simm.s32 $0x5F00  }
0x7: {  	s4 =	sand.u32 $0x1, s4;
	s5 =	smul.u32 $0x13C00, s13;
	[smem:$0x7FF] =	sst s7  }
0x8: {  	s28 =	smul.u32 $0x2780, s13;
	s26 =	sshll.u32 s13, $0x6;
	s7 =	simm.s32 $0x4  }
0x9: {  	s6 =	sshll.u32 s4, $0x4;
	_ =	strace $0x8000004A;
	s11 =	smul.u32 $0x13C000, s4  }
0xa: {  	s14 =	ssub.s32 $0x2, s4;
	p0 =	seq.s32 s4, $0x1;
	s20 =	sor.u32 $0x1C0D, s26  }
0xb: {  	s26 =	simm.s32 $0x2780;
	s6 =	sor.u32 s13, s6;
	s9 =	sshrl.u32 s5, $0x3  }
0xc: {  	s12 =	sadd.s32 s28, s0;
	s15 =	sshrl.u32 s14, $0x1;
	s17 =	sshrl.u32 s28, $0x3  }
0xd: {  	s18 =	sadd.s32 s28, s3;
	s8 =	smul.u32 $0x4E, s6;
	s10 =	smin.u32 s6, $0x4  }
0xe: {  	s9 =	sadd.s32 s9, s0;
	s5 =	sadd.s32 s5, s11;
	s11 =	smul.u32 $0x9E00, s13  }
0xf: {  	s16 =	sadd.s32 $0x3DA00, s12;
	s1 =	sadd.s32 s1, s17;
	p1 =	sgt.u32 s6, $0x3  }
0x10: {  	s12 =	simm.s32 $0x9;
	s6 =	simm.s32 $0x0;
	[dreg:$0x5] =	wrdreg s16  }
0x11: {  	s5 =	sshrl.u32 s5, $0x3;
	[dreg:$0x7] =	wrdreg s1;
	s21 =	sadd.s32 $0x16200, s9  }
0x12: {  	s1 =	simm.s32 $0x6700;
	s9 =	simm.s32 $0x5;
	s8 =	sadd.s32 s10, s8  }
0x13: {  	s10 =	sshrl.u32 s11, $0x2;
	s11 =	sadd.s32 s28, s2;
	[dreg:$0x8] =	wrdreg s21  }
0x14: {  	s28 =	sshrl.u32 s18, $0x3;
	s8 =	sshll.u32 s8, $0x5;
	[dreg:$0x6] =	wrdreg s11  }
0x15: {  	s4 =	sadd.s32 s10, s2;
	[dreg:$0x13] =	wrdreg s28;
	s8 =	sadd.s32 s8, s0  }
0x16: {  	s10 =	simm.s32 $0x8;
	s0 =	sadd.s32 s5, s0;
	s22 =	sadd.s32 $0x2800, s8  }
0x17: {  	s5 =	ssub.s32 s14, s15;
	s23 =	sadd.s32 $0x2810, s8;
	[dreg:$0x9] =	wrdreg s22  }
0x18: {  	s14 =	simm.s32 $0xB;
	s24 =	sadd.s32 $0x31C0, s8;
	[dreg:$0xa] =	wrdreg s23  }
0x19: {  	s15 =	simm.s32 $0xC;
	s25 =	sadd.s32 $0x31D0, s8;
	[dreg:$0xb] =	wrdreg s24  }
0x1a: {  	s0 =	sadd.s32 $0x65200, s0;
	s5 =	smax.u32 s5, $0x1;
	[dreg:$0xc] =	wrdreg s25  }
0x1b: {  	s8 =	simm.s32 $0x7;
	[dreg:$0xd] =	wrdreg s0;
	s0 =	sshll.u32 @p0 s13, $0x6  }
0x1c: {  	[dreg:$0xe] =	wrdreg s5;
	s5 =	sshrl.u32 @p0 s11, $0x3;
	s22 =	simm.s32 $0x1  }
0x1d: {  	s23 =	simm.s32 $0x2;
	s25 =	simm.s32 $0x80;
	s0 =	sor.u32 @p0 $0x1C0D, s0  }
0x1e: {  	s11 =	simm.s32 $0x6;
	[dreg:$0xf] =	wrdreg s0;
	s0 =	sshll.u32 @!p0 s13, $0x6  }
0x1f: {  	[dreg:$0x10] =	wrdreg s5;
	s5 =	simm.s32 $0x7700;
	s0 =	sor.u32 @!p0 $0x1C0D, s0  }
0x20: {  	s13 =	simm.s32 $0xA;
	[dreg:$0x11] =	wrdreg s0;
	s0 =	sshrl.u32 @!p0 s4, $0x3  }
0x21: {  	s4 =	simm.s32 $0x3;
	[dreg:$0x12] =	wrdreg s0;
	s0 =	simm.s32 $0x6F00  }
.LBB2_1:
0x22: {  	s16 =	rddreg [dreg:$0x7]  }
0x23: {  	s17 =	rddreg [dreg:$0xf]  }
0x24: {  	s18 =	rddreg [dreg:$0x10]  }
0x25: {  	[spmem:s18], [sflag:s17] =	dma.local @p0 [hbm:s16], $0x4F0  }
0x26: {  	s24 =	rddreg [dreg:$0x5]  }
0x27: {  	s16 =	simm.s32 @!p0 $0x1;
	s28 =	rddreg [dreg:$0x11]  }
0x28: {  	s17 =	simm.s32 @!p0 $0x2;
	s18 =	simm.s32 @!p0 $0x10;
	s21 =	rddreg [dreg:$0x12]  }
0x29: {  	[spmem:s21@s17], [sflag:s28] =	dma.strided @!p0 [hbm:s24@s18], $0x4F0, s16, $0x2   }
0x2a: {  	_ =	swait.ge [sflag:s19], $0x4F0  }
0x2b: {  	[sflag:s19] =	ssyncset.done $0x0;
	s24 =	rddreg [dreg:$0x8]  }
0x2c: {  	s21 =	simm.s32 $0x10;
	s28 =	rddreg [dreg:$0x13];
	[sflag:s19] =	ssyncadd.s32 $0xFFFFFB10  }
0x2d: {  	[spmem:s28@s23], [sflag:s20] =	dma.strided [hbm:s24@s21], $0x4F0, s22, $0x2   }
0x2e: {  	_ =	swait.ge [sflag:s19], $0x4F0  }
0x2f: {  	s24 =	simm.s32 $0x0;
	[sflag:s19] =	ssyncset.done $0x0  }
0x30: {  	s21 =	simm.s32 $0x100;
	s17 =	rddreg [dreg:$0x9];
	[sflag:s19] =	ssyncadd.s32 $0xFFFFFB10  }
0x31: {  	[tilespmem:s24], [sflag:$0xD] =	stream.strided.gather [hbm4b:s17+s25], $0x2700, s21, s25, $0x38;
	[tilespmem:$0xCE00] =	vst v63  }
0x32: {  	_ =	swait.ge [sflag:s19], $0x2700  }
0x33: {  	[sflag:s19] =	ssyncset.done $0x0  }
0x34: {  	s18 =	rddreg [dreg:$0xa];
	[sflag:s19] =	ssyncadd.s32 $0xFFFFD900  }
0x35: {  	[tilespmem:s26], [sflag:$0xD] =	stream.strided.gather [hbm4b:s18+s25], $0x2700, s21, s25, $0x38;
	[tilespmem:$0xCE00] =	vst v63  }
0x36: {  	_ =	swait.ge [sflag:s19], $0x2700  }
0x37: {  	s16 =	simm.s32 @!p1 $0x0;
	[sflag:s19] =	ssyncset.done $0x0  }
0x38: {  	s17 =	simm.s32 @!p1 $0x2700;
	s18 =	rddreg [dreg:$0xb];
	[sflag:s19] =	ssyncadd.s32 $0xFFFFD900  }
0x39: {  	[tilespmem:s17], [sflag:$0xD] =	stream.linear.gather @!p1 [hbm4b:s18+s16], $0x80, $0x38;
	[tilespmem:$0xCE00] =	vst v63  }
0x3a: {  	s17 =	simm.s32 @!p1 $0xD  }
0x3b: {  	_ =	swait.ge @!p1 [sflag:s17], $0x80  }
0x3c: {  	[sflag:s17] =	ssyncset.done @!p1 $0x0  }
0x3d: {  	s18 =	simm.s32 @!p1 $0x4E80;
	s28 =	rddreg [dreg:$0xc];
	[sflag:s17] =	ssyncadd.s32 @!p1 $0xFFFFFF80  }
0x3e: {  	[tilespmem:s18], [sflag:$0xD] =	stream.linear.gather @!p1 [hbm4b:s28+s16], $0x80, $0x38;
	[tilespmem:$0xCE00] =	vst v63  }
0x3f: {  	_ =	swait.ge @!p1 [sflag:s17], $0x80  }
0x40: {  	[sflag:s17] =	ssyncset.done @!p1 $0x0  }
0x41: {  	[sflag:s17] =	ssyncadd.s32 @!p1 $0xFFFFFF80  }
0x42: {  	[bflag:$0x0] =	sbarrier.arrive $0xFFFF  }
0x43: {  	[tilespmem:s29], [sflag:$0x1] =	stream.indirect.gather [spmem:s3], $0x10, s24, s25, $0xb8;
	[tilespmem:$0xCE00] =	vst v63  }
0x44: {  	_ = 	snop  }
0x45: {  	[tilespmem:s30], [sflag:$0x2] =	stream.indirect.gather [spmem:s3], $0x10, s25, s25, $0xb8;
	[tilespmem:$0xCE00] =	vst v63  }
0x46: {  	_ = 	snop  }
0x47: {  	[tilespmem:s31], [sflag:$0x3] =	stream.indirect.gather [spmem:s3], $0x10, s21, s25, $0xb8;
	[tilespmem:$0xCE00] =	vst v63  }
0x48: {  	_ =	swait.ge [sflag:s22], $0x800  }
0x49: {  	[sflag:s22] =	ssyncset.done $0x0  }
0x4a: {  	[sflag:s22] =	ssyncadd.s32 $0xFFFFF800  }
0x4b: {  	[spmem:s2] =	stream.indirect.scatter.add.f32 [tilespmem:s29], [sflag:$0x7], $0x10, s26, s25, $0xb8;
	[tilespmem:$0xCE00] =	vst v63  }
0x4c: {  	s24 =	simm.s32 $0x180  }
0x4d: {  	[tilespmem:s1], [sflag:$0x4] =	stream.indirect.gather [spmem:s3], $0x10, s24, s25, $0xb8;
	[tilespmem:$0xCE00] =	vst v63  }
0x4e: {  	_ =	swait.ge [sflag:s23], $0x800  }
0x4f: {  	[sflag:s23] =	ssyncset.done $0x0  }
0x50: {  	s28 =	simm.s32 $0x2800;
	[sflag:s23] =	ssyncadd.s32 $0xFFFFF800  }
0x51: {  	[spmem:s2] =	stream.indirect.scatter.add.f32 [tilespmem:s30], [sflag:$0x8], $0x10, s28, s25, $0xb8;
	[tilespmem:$0xCE00] =	vst v63  }
0x52: {  	s17 =	simm.s32 $0x200  }
0x53: {  	[tilespmem:s0], [sflag:$0x5] =	stream.indirect.gather [spmem:s3], $0x10, s17, s25, $0xb8;
	[tilespmem:$0xCE00] =	vst v63  }
0x54: {  	_ =	swait.ge [sflag:s4], $0x800  }
0x55: {  	[sflag:s4] =	ssyncset.done $0x0  }
0x56: {  	s18 =	simm.s32 $0x2880;
	[sflag:s4] =	ssyncadd.s32 $0xFFFFF800  }
0x57: {  	[spmem:s2] =	stream.indirect.scatter.add.f32 [tilespmem:s31], [sflag:$0x9], $0x10, s18, s25, $0xb8;
	[tilespmem:$0xCE00] =	vst v63  }
0x58: {  	s21 =	simm.s32 $0x280  }
0x59: {  	[tilespmem:s5], [sflag:$0x6] =	stream.indirect.gather [spmem:s3], $0x10, s21, s25, $0xb8;
	[tilespmem:$0xCE00] =	vst v63  }
0x5a: {  	_ =	swait.ge [sflag:s7], $0x800  }
0x5b: {  	[sflag:s7] =	ssyncset.done $0x0  }
0x5c: {  	s24 =	simm.s32 $0x2900;
	[sflag:s7] =	ssyncadd.s32 $0xFFFFF800  }
0x5d: {  	[spmem:s2] =	stream.indirect.scatter.add.f32 [tilespmem:s1], [sflag:$0xA], $0x10, s24, s25, $0xb8;
	[tilespmem:$0xCE00] =	vst v63  }
0x5e: {  	_ =	swait.ge [sflag:s8], $0x800  }
0x5f: {  	[sflag:s8] =	ssyncset.done $0x0  }
0x60: {  	s28 =	simm.s32 $0x300;
	[sflag:s8] =	ssyncadd.s32 $0xFFFFF800  }
0x61: {  	[tilespmem:s29], [sflag:$0x1] =	stream.indirect.gather [spmem:s3], $0x10, s28, s25, $0xb8;
	[tilespmem:$0xCE00] =	vst v63  }
0x62: {  	_ =	swait.ge [sflag:s9], $0x800  }
0x63: {  	[sflag:s9] =	ssyncset.done $0x0  }
0x64: {  	s17 =	simm.s32 $0x2980;
	[sflag:s9] =	ssyncadd.s32 $0xFFFFF800  }
0x65: {  	[spmem:s2] =	stream.indirect.scatter.add.f32 [tilespmem:s0], [sflag:$0xB], $0x10, s17, s25, $0xb8;
	[tilespmem:$0xCE00] =	vst v63  }
0x66: {  	_ =	swait.ge [sflag:s10], $0x800  }
0x67: {  	[sflag:s10] =	ssyncset.done $0x0  }
0x68: {  	s18 =	simm.s32 $0x380;
	[sflag:s10] =	ssyncadd.s32 $0xFFFFF800  }
0x69: {  	[tilespmem:s30], [sflag:$0x2] =	stream.indirect.gather [spmem:s3], $0x10, s18, s25, $0xb8;
	[tilespmem:$0xCE00] =	vst v63  }
0x6a: {  	_ =	swait.ge [sflag:s11], $0x800  }
0x6b: {  	[sflag:s11] =	ssyncset.done $0x0  }
0x6c: {  	s21 =	simm.s32 $0x2A00;
	[sflag:s11] =	ssyncadd.s32 $0xFFFFF800  }
0x6d: {  	[spmem:s2] =	stream.indirect.scatter.add.f32 [tilespmem:s5], [sflag:$0xC], $0x10, s21, s25, $0xb8;
	[tilespmem:$0xCE00] =	vst v63  }
0x6e: {  	_ =	swait.ge [sflag:s12], $0x800  }
0x6f: {  	[sflag:s12] =	ssyncset.done $0x0  }
0x70: {  	s24 =	simm.s32 $0x400;
	[sflag:s12] =	ssyncadd.s32 $0xFFFFF800  }
0x71: {  	[tilespmem:s31], [sflag:$0x3] =	stream.indirect.gather [spmem:s3], $0x10, s24, s25, $0xb8;
	[tilespmem:$0xCE00] =	vst v63  }
0x72: {  	_ =	swait.ge [sflag:s22], $0x800  }
0x73: {  	[sflag:s22] =	ssyncset.done $0x0  }
0x74: {  	s28 =	simm.s32 $0x2A80;
	[sflag:s22] =	ssyncadd.s32 $0xFFFFF800  }
0x75: {  	[spmem:s2] =	stream.indirect.scatter.add.f32 [tilespmem:s29], [sflag:$0x7], $0x10, s28, s25, $0xb8;
	[tilespmem:$0xCE00] =	vst v63  }
0x76: {  	_ =	swait.ge [sflag:s13], $0x800  }
0x77: {  	[sflag:s13] =	ssyncset.done $0x0  }
0x78: {  	s17 =	simm.s32 $0x480;
	[sflag:s13] =	ssyncadd.s32 $0xFFFFF800  }
0x79: {  	[tilespmem:s1], [sflag:$0x4] =	stream.indirect.gather [spmem:s3], $0x10, s17, s25, $0xb8;
	[tilespmem:$0xCE00] =	vst v63  }
0x7a: {  	_ =	swait.ge [sflag:s23], $0x800  }
0x7b: {  	[sflag:s23] =	ssyncset.done $0x0  }
0x7c: {  	s18 =	simm.s32 $0x2B00;
	[sflag:s23] =	ssyncadd.s32 $0xFFFFF800  }
0x7d: {  	[spmem:s2] =	stream.indirect.scatter.add.f32 [tilespmem:s30], [sflag:$0x8], $0x10, s18, s25, $0xb8;
	[tilespmem:$0xCE00] =	vst v63  }
0x7e: {  	_ =	swait.ge [sflag:s14], $0x800  }
0x7f: {  	[sflag:s14] =	ssyncset.done $0x0  }
0x80: {  	s21 =	simm.s32 $0x500;
	[sflag:s14] =	ssyncadd.s32 $0xFFFFF800  }
0x81: {  	[tilespmem:s0], [sflag:$0x5] =	stream.indirect.gather [spmem:s3], $0x10, s21, s25, $0xb8;
	[tilespmem:$0xCE00] =	vst v63  }
0x82: {  	_ =	swait.ge [sflag:s4], $0x800  }
0x83: {  	[sflag:s4] =	ssyncset.done $0x0  }
0x84: {  	s24 =	simm.s32 $0x2B80;
	[sflag:s4] =	ssyncadd.s32 $0xFFFFF800  }
0x85: {  	[spmem:s2] =	stream.indirect.scatter.add.f32 [tilespmem:s31], [sflag:$0x9], $0x10, s24, s25, $0xb8;
	[tilespmem:$0xCE00] =	vst v63  }
0x86: {  	_ =	swait.ge [sflag:s15], $0x800  }
0x87: {  	[sflag:s15] =	ssyncset.done $0x0  }
0x88: {  	s28 =	simm.s32 $0x580;
	[sflag:s15] =	ssyncadd.s32 $0xFFFFF800  }
0x89: {  	[tilespmem:s5], [sflag:$0x6] =	stream.indirect.gather [spmem:s3], $0x10, s28, s25, $0xb8;
	[tilespmem:$0xCE00] =	vst v63  }
0x8a: {  	_ =	swait.ge [sflag:s7], $0x800  }
0x8b: {  	[sflag:s7] =	ssyncset.done $0x0  }
0x8c: {  	s17 =	simm.s32 $0x2C00;
	[sflag:s7] =	ssyncadd.s32 $0xFFFFF800  }
0x8d: {  	[spmem:s2] =	stream.indirect.scatter.add.f32 [tilespmem:s1], [sflag:$0xA], $0x10, s17, s25, $0xb8;
	[tilespmem:$0xCE00] =	vst v63  }
0x8e: {  	_ =	swait.ge [sflag:s8], $0x800  }
0x8f: {  	[sflag:s8] =	ssyncset.done $0x0  }
0x90: {  	s18 =	simm.s32 $0x600;
	[sflag:s8] =	ssyncadd.s32 $0xFFFFF800  }
0x91: {  	[tilespmem:s29], [sflag:$0x1] =	stream.indirect.gather [spmem:s3], $0x10, s18, s25, $0xb8;
	[tilespmem:$0xCE00] =	vst v63  }
0x92: {  	_ =	swait.ge [sflag:s9], $0x800  }
0x93: {  	[sflag:s9] =	ssyncset.done $0x0  }
0x94: {  	s21 =	simm.s32 $0x2C80;
	[sflag:s9] =	ssyncadd.s32 $0xFFFFF800  }
0x95: {  	[spmem:s2] =	stream.indirect.scatter.add.f32 [tilespmem:s0], [sflag:$0xB], $0x10, s21, s25, $0xb8;
	[tilespmem:$0xCE00] =	vst v63  }
0x96: {  	_ =	swait.ge [sflag:s10], $0x800  }
0x97: {  	[sflag:s10] =	ssyncset.done $0x0  }
0x98: {  	s24 =	simm.s32 $0x680;
	[sflag:s10] =	ssyncadd.s32 $0xFFFFF800  }
0x99: {  	[tilespmem:s30], [sflag:$0x2] =	stream.indirect.gather [spmem:s3], $0x10, s24, s25, $0xb8;
	[tilespmem:$0xCE00] =	vst v63  }
0x9a: {  	_ =	swait.ge [sflag:s11], $0x800  }
0x9b: {  	[sflag:s11] =	ssyncset.done $0x0  }
0x9c: {  	s28 =	simm.s32 $0x2D00;
	[sflag:s11] =	ssyncadd.s32 $0xFFFFF800  }
0x9d: {  	[spmem:s2] =	stream.indirect.scatter.add.f32 [tilespmem:s5], [sflag:$0xC], $0x10, s28, s25, $0xb8;
	[tilespmem:$0xCE00] =	vst v63  }
0x9e: {  	_ =	swait.ge [sflag:s12], $0x800  }
0x9f: {  	[sflag:s12] =	ssyncset.done $0x0  }
0xa0: {  	s16 =	simm.s32 $0xC00;
	s17 =	simm.s32 $0x700;
	[sflag:s12] =	ssyncadd.s32 $0xFFFFF800  }
.LBB2_2:
0xa1: {  	[tilespmem:s31], [sflag:$0x3] =	stream.indirect.gather [spmem:s3], $0x10, s17, s25, $0xb8;
	[tilespmem:$0xCE00] =	vst v63  }
0xa2: {  	s17 =	smov.u32 s16  }
0xa3: {  	p2 =	sne.s32 s16, $0x7800;
	s16 =	sadd.s32 $0xC00, s16;
	_ =	swait.ge [sflag:s22], $0x800  }
0xa4: {  	s17 =	sshra.s32 s17, $0x2;
	[sflag:s22] =	ssyncset.done $0x0  }
0xa5: {  	s18 =	sadd.s32 $0x2A80, s17;
	[sflag:s22] =	ssyncadd.s32 $0xFFFFF800  }
0xa6: {  	[spmem:s2] =	stream.indirect.scatter.add.f32 [tilespmem:s29], [sflag:$0x7], $0x10, s18, s25, $0xb8;
	[tilespmem:$0xCE00] =	vst v63  }
0xa7: {  	_ =	swait.ge [sflag:s13], $0x800  }
0xa8: {  	[sflag:s13] =	ssyncset.done $0x0  }
0xa9: {  	s18 =	sadd.s32 $0x480, s17;
	[sflag:s13] =	ssyncadd.s32 $0xFFFFF800  }
0xaa: {  	[tilespmem:s1], [sflag:$0x4] =	stream.indirect.gather [spmem:s3], $0x10, s18, s25, $0xb8;
	[tilespmem:$0xCE00] =	vst v63  }
0xab: {  	_ =	swait.ge [sflag:s23], $0x800  }
0xac: {  	[sflag:s23] =	ssyncset.done $0x0  }
0xad: {  	s18 =	sadd.s32 $0x2B00, s17;
	[sflag:s23] =	ssyncadd.s32 $0xFFFFF800  }
0xae: {  	[spmem:s2] =	stream.indirect.scatter.add.f32 [tilespmem:s30], [sflag:$0x8], $0x10, s18, s25, $0xb8;
	[tilespmem:$0xCE00] =	vst v63  }
0xaf: {  	_ =	swait.ge [sflag:s14], $0x800  }
0xb0: {  	[sflag:s14] =	ssyncset.done $0x0  }
0xb1: {  	s18 =	sadd.s32 $0x500, s17;
	[sflag:s14] =	ssyncadd.s32 $0xFFFFF800  }
0xb2: {  	[tilespmem:s0], [sflag:$0x5] =	stream.indirect.gather [spmem:s3], $0x10, s18, s25, $0xb8;
	[tilespmem:$0xCE00] =	vst v63  }
0xb3: {  	_ =	swait.ge [sflag:s4], $0x800  }
0xb4: {  	[sflag:s4] =	ssyncset.done $0x0  }
0xb5: {  	s18 =	sadd.s32 $0x2B80, s17;
	[sflag:s4] =	ssyncadd.s32 $0xFFFFF800  }
0xb6: {  	[spmem:s2] =	stream.indirect.scatter.add.f32 [tilespmem:s31], [sflag:$0x9], $0x10, s18, s25, $0xb8;
	[tilespmem:$0xCE00] =	vst v63  }
0xb7: {  	_ =	swait.ge [sflag:s15], $0x800  }
0xb8: {  	[sflag:s15] =	ssyncset.done $0x0  }
0xb9: {  	s18 =	sadd.s32 $0x580, s17;
	[sflag:s15] =	ssyncadd.s32 $0xFFFFF800  }
0xba: {  	[tilespmem:s5], [sflag:$0x6] =	stream.indirect.gather [spmem:s3], $0x10, s18, s25, $0xb8;
	[tilespmem:$0xCE00] =	vst v63  }
0xbb: {  	_ =	swait.ge [sflag:s7], $0x800  }
0xbc: {  	[sflag:s7] =	ssyncset.done $0x0  }
0xbd: {  	s18 =	sadd.s32 $0x2C00, s17;
	[sflag:s7] =	ssyncadd.s32 $0xFFFFF800  }
0xbe: {  	[spmem:s2] =	stream.indirect.scatter.add.f32 [tilespmem:s1], [sflag:$0xA], $0x10, s18, s25, $0xb8;
	[tilespmem:$0xCE00] =	vst v63  }
0xbf: {  	_ =	swait.ge [sflag:s8], $0x800  }
0xc0: {  	[sflag:s8] =	ssyncset.done $0x0  }
0xc1: {  	s18 =	sadd.s32 $0x600, s17;
	[sflag:s8] =	ssyncadd.s32 $0xFFFFF800  }
0xc2: {  	[tilespmem:s29], [sflag:$0x1] =	stream.indirect.gather [spmem:s3], $0x10, s18, s25, $0xb8;
	[tilespmem:$0xCE00] =	vst v63  }
0xc3: {  	_ =	swait.ge [sflag:s9], $0x800  }
0xc4: {  	[sflag:s9] =	ssyncset.done $0x0  }
0xc5: {  	s18 =	sadd.s32 $0x2C80, s17;
	[sflag:s9] =	ssyncadd.s32 $0xFFFFF800  }
0xc6: {  	[spmem:s2] =	stream.indirect.scatter.add.f32 [tilespmem:s0], [sflag:$0xB], $0x10, s18, s25, $0xb8;
	[tilespmem:$0xCE00] =	vst v63  }
0xc7: {  	_ =	swait.ge [sflag:s10], $0x800  }
0xc8: {  	[sflag:s10] =	ssyncset.done $0x0  }
0xc9: {  	s18 =	sadd.s32 $0x680, s17;
	[sflag:s10] =	ssyncadd.s32 $0xFFFFF800  }
0xca: {  	[tilespmem:s30], [sflag:$0x2] =	stream.indirect.gather [spmem:s3], $0x10, s18, s25, $0xb8;
	[tilespmem:$0xCE00] =	vst v63  }
0xcb: {  	_ =	swait.ge [sflag:s11], $0x800  }
0xcc: {  	[sflag:s11] =	ssyncset.done $0x0  }
.Ltmp0:
0xcd: {  	s18 =	sadd.s32 $0x2D00, s17;
	[sflag:s11] =	ssyncadd.s32 $0xFFFFF800;
	(pc) =	sbr.rel @p2 .LBB2_2-.Ltmp0, $4  }
0xce: {  	[spmem:s2] =	stream.indirect.scatter.add.f32 [tilespmem:s5], [sflag:$0xC], $0x10, s18, s25, $0xb8;
	[tilespmem:$0xCE00] =	vst v63  }
0xcf: {  	_ =	swait.ge [sflag:s12], $0x800  }
0xd0: {  	[sflag:s12] =	ssyncset.done $0x0  }
0xd1: {  	s17 =	sadd.s32 $0x700, s17;
	[sflag:s12] =	ssyncadd.s32 $0xFFFFF800  }
0xd2: {  	[tilespmem:s31], [sflag:$0x3] =	stream.indirect.gather [spmem:s3], $0x10, s17, s25, $0xb8;
	[tilespmem:$0xCE00] =	vst v63  }
0xd3: {  	_ =	swait.ge [sflag:s22], $0x800  }
0xd4: {  	[sflag:s22] =	ssyncset.done $0x0  }
0xd5: {  	s16 =	simm.s32 $0x4B80;
	[sflag:s22] =	ssyncadd.s32 $0xFFFFF800  }
0xd6: {  	[spmem:s2] =	stream.indirect.scatter.add.f32 [tilespmem:s29], [sflag:$0x7], $0x10, s16, s25, $0xb8;
	[tilespmem:$0xCE00] =	vst v63  }
0xd7: {  	_ =	swait.ge [sflag:s13], $0x800  }
0xd8: {  	[sflag:s13] =	ssyncset.done $0x0  }
0xd9: {  	s24 =	simm.s32 $0x2580;
	[sflag:s13] =	ssyncadd.s32 $0xFFFFF800  }
0xda: {  	[tilespmem:s1], [sflag:$0x4] =	stream.indirect.gather [spmem:s3], $0x10, s24, s25, $0xb8;
	[tilespmem:$0xCE00] =	vst v63  }
0xdb: {  	_ =	swait.ge [sflag:s23], $0x800  }
0xdc: {  	[sflag:s23] =	ssyncset.done $0x0  }
0xdd: {  	s28 =	simm.s32 $0x4C00;
	[sflag:s23] =	ssyncadd.s32 $0xFFFFF800  }
0xde: {  	[spmem:s2] =	stream.indirect.scatter.add.f32 [tilespmem:s30], [sflag:$0x8], $0x10, s28, s25, $0xb8;
	[tilespmem:$0xCE00] =	vst v63  }
0xdf: {  	_ =	swait.ge [sflag:s14], $0x800  }
0xe0: {  	[sflag:s14] =	ssyncset.done $0x0  }
0xe1: {  	s17 =	simm.s32 $0x2600;
	[sflag:s14] =	ssyncadd.s32 $0xFFFFF800  }
0xe2: {  	[tilespmem:s0], [sflag:$0x5] =	stream.indirect.gather [spmem:s3], $0x10, s17, s25, $0xb8;
	[tilespmem:$0xCE00] =	vst v63  }
0xe3: {  	_ =	swait.ge [sflag:s4], $0x800  }
0xe4: {  	[sflag:s4] =	ssyncset.done $0x0  }
0xe5: {  	s18 =	simm.s32 $0x4C80;
	[sflag:s4] =	ssyncadd.s32 $0xFFFFF800  }
0xe6: {  	[spmem:s2] =	stream.indirect.scatter.add.f32 [tilespmem:s31], [sflag:$0x9], $0x10, s18, s25, $0xb8;
	[tilespmem:$0xCE00] =	vst v63  }
0xe7: {  	_ =	swait.ge [sflag:s15], $0x800  }
0xe8: {  	[sflag:s15] =	ssyncset.done $0x0  }
0xe9: {  	s21 =	simm.s32 $0x2680;
	[sflag:s15] =	ssyncadd.s32 $0xFFFFF800  }
0xea: {  	[tilespmem:s5], [sflag:$0x6] =	stream.indirect.gather [spmem:s3], $0x10, s21, s25, $0xb8;
	[tilespmem:$0xCE00] =	vst v63  }
0xeb: {  	_ =	swait.ge [sflag:s7], $0x800  }
0xec: {  	[sflag:s7] =	ssyncset.done $0x0  }
0xed: {  	s24 =	simm.s32 $0x4D00;
	[sflag:s7] =	ssyncadd.s32 $0xFFFFF800  }
0xee: {  	[spmem:s2] =	stream.indirect.scatter.add.f32 [tilespmem:s1], [sflag:$0xA], $0x10, s24, s25, $0xb8;
	[tilespmem:$0xCE00] =	vst v63  }
0xef: {  	_ =	swait.ge [sflag:s8], $0x800  }
0xf0: {  	[sflag:s8] =	ssyncset.done $0x0  }
0xf1: {  	[sflag:s8] =	ssyncadd.s32 $0xFFFFF800  }
0xf2: {  	_ =	swait.ge [sflag:s9], $0x800  }
0xf3: {  	[sflag:s9] =	ssyncset.done $0x0  }
0xf4: {  	s28 =	simm.s32 $0x4D80;
	[sflag:s9] =	ssyncadd.s32 $0xFFFFF800  }
0xf5: {  	[spmem:s2] =	stream.indirect.scatter.add.f32 [tilespmem:s0], [sflag:$0xB], $0x10, s28, s25, $0xb8;
	[tilespmem:$0xCE00] =	vst v63  }
0xf6: {  	_ =	swait.ge [sflag:s10], $0x800  }
0xf7: {  	[sflag:s10] =	ssyncset.done $0x0  }
0xf8: {  	[sflag:s10] =	ssyncadd.s32 $0xFFFFF800  }
0xf9: {  	_ =	swait.ge [sflag:s11], $0x800  }
0xfa: {  	[sflag:s11] =	ssyncset.done $0x0  }
0xfb: {  	s17 =	simm.s32 $0x4E00;
	[sflag:s11] =	ssyncadd.s32 $0xFFFFF800  }
0xfc: {  	[spmem:s2] =	stream.indirect.scatter.add.f32 [tilespmem:s5], [sflag:$0xC], $0x10, s17, s25, $0xb8;
	[tilespmem:$0xCE00] =	vst v63  }
0xfd: {  	_ =	swait.ge [sflag:s12], $0x800  }
0xfe: {  	[sflag:s12] =	ssyncset.done $0x0  }
0xff: {  	[sflag:s12] =	ssyncadd.s32 $0xFFFFF800  }
0x100: {  	_ =	swait.ge [sflag:s13], $0x800  }
0x101: {  	[sflag:s13] =	ssyncset.done $0x0  }
0x102: {  	[sflag:s13] =	ssyncadd.s32 $0xFFFFF800  }
0x103: {  	_ =	swait.ge [sflag:s14], $0x800  }
0x104: {  	[sflag:s14] =	ssyncset.done $0x0  }
0x105: {  	[sflag:s14] =	ssyncadd.s32 $0xFFFFF800  }
0x106: {  	_ =	swait.ge [sflag:s15], $0x800  }
0x107: {  	s16 =	simm.s32 @!p1 $0x80;
	[sflag:s15] =	ssyncset.done $0x0  }
0x108: {  	s18 =	simm.s32 @!p1 $0x4F00;
	s17 =	simm.s32 @!p1 $0x2700;
	[sflag:s15] =	ssyncadd.s32 $0xFFFFF800  }
0x109: {  	[tilespmem:s18], [sflag:$0xD] =	stream.indirect.gather @!p1 [spmem:s3], $0x10, s17, s16, $0xb8;
	[tilespmem:$0xCE00] =	vst v63  }
0x10a: {  	s17 =	simm.s32 @!p1 $0xD  }
0x10b: {  	_ =	swait.ge @!p1 [sflag:s17], $0x800  }
0x10c: {  	[sflag:s17] =	ssyncset.done @!p1 $0x0  }
0x10d: {  	s24 =	simm.s32 @!p1 $0x4E80;
	[sflag:s17] =	ssyncadd.s32 @!p1 $0xFFFFF800  }
0x10e: {  	[spmem:s2] =	stream.indirect.scatter.add.f32 @!p1 [tilespmem:s18], [sflag:$0xD], $0x10, s24, s16, $0xb8;
	[tilespmem:$0xCE00] =	vst v63  }
0x10f: {  	_ =	swait.ge @!p1 [sflag:s17], $0x800  }
0x110: {  	[sflag:s17] =	ssyncset.done @!p1 $0x0  }
0x111: {  	[sflag:s17] =	ssyncadd.s32 @!p1 $0xFFFFF800  }
0x112: {  	[bflag:$0x0] =	sbarrier.arrive $0xFFFF  }
0x113: {  	s18 =	rddreg [dreg:$0x6]  }
0x114: {  	s24 =	simm.s32 $0x10;
	s21 =	rddreg [dreg:$0xd];
	s16 =	sshrl.u32 s18, $0x3  }
0x115: {  	[hbm:s21@s24], [sflag:s20] =	dma.strided [spmem:s16@s23], $0x4F0, s22, $0x2   }
0x116: {  	_ =	swait.ge [sflag:s19], $0x4F0  }
0x117: {  	s6 =	sadd.s32 $0x1, s6;
	s28 =	rddreg [dreg:$0xe]  }
0x118: {  	p2 =	sne.s32 s6, s28  }
.Ltmp1:
0x119: {  	_ = 	snop;
	(pc) =	sbr.rel @p2 .LBB2_1-.Ltmp1, $3  }
0x11a: {  	_ =	sdelay $0x1  }
0x11b: {  	[sflag:s19] =	ssyncset.done $0x0  }
0x11c: {  	[sflag:s19] =	ssyncadd.s32 $0xFFFFFB10  }
0x11d: {  	_ =	sfence.sel $0x180000  }
0x11e: {  	[bflag:$0x0] =	sbarrier.arrive $0xFFFF  }
0x11f: {  	_ =	strace $0x9000004A  }
0x120: {  	s0 =	stileid.u32;
	[bflag:$0x2] =	sbarrier.arrive $0xFFFF  }
0x121: {  	p0 =	sne.s32 s0, $0x0;
	s0 =	rddreg [dreg:$0x4]  }
0x122: {  	s0 =	sadd.s32 @!p0 $0x100000, s0  }
0x123: {  	[sflag:s0] =	ssyncadd.tile.s32 @!p0 $0x1;
	_ =	shalt  }
.Lfunc_end2:
_tile_overlayer_lowered:
.L_overlay_start_2:
0x124: {  	(tag) =	ssettag $0x2  }
0x125: {  	s0 =	rddreg [dreg:$0x0];
	s2 =	stileid.u32  }
0x126: {  	s1 =	rddreg [dreg:$0x1];
	p0 =	sne.s32 s2, $0x0  }
0x127: {  	s3 =	rddreg [dreg:$0x2];
	[bflag:$0x3] =	sbarrier.arrive $0xFFFF;
	s2 =	simm.s32 @!p0 $0x1C0D  }
0x128: {  	[timem:s3], [sflag:s2] =	dma.local @!p0 [hbm:s0], s1  }
0x129: {  	s0 =	simm.s32 @!p0 $0xD  }
0x12a: {  	_ =	swait.ge @!p0 [sflag:s0], s1  }
0x12b: {  	s1 =	ssub.s32 @!p0 $0x0, s1;
	[sflag:s0] =	ssyncset.done @!p0 $0x0  }
0x12c: {  	[sflag:s0] =	ssyncadd.s32 @!p0 s1  }
0x12d: {  	[bflag:$0x3] =	sbarrier.arrive $0xFFFF  }
0x12e: {  	_ =	shalt  }

// kernel: kernel.7.cloned.1.call-start
scs
__scs_entry_jumppad:
0x0: {  	(pc) =	sbr.rel $0x88, $3  }
0x1: {  	(tag) =	ssettag $0x0;
	lr =	simm.s32 $0x1  }
0x2: {  	[smem:$0x3F99] =	sst lr;
	_ =	strace $0xD0000000  }
0x3: {  	_ = 	snop  }
0x4: {  	_ = 	snop  }
0x5: {  	_ = 	snop  }
0x6: {  	_ = 	snop  }
0x7: {  	_ = 	snop  }
__scs_overlays_trampoline_lowered:
0x8: {  	[smem:$0x3FA8] =	sst s0  }
0x9: {  	[smem:$0x3FA9] =	sst s1  }
0xa: {  	[smem:$0x3FAA] =	sst s2  }
0xb: {  	[smem:$0x3FAB] =	sst s3  }
0xc: {  	[smem:$0x3FAC] =	sst s4  }
0xd: {  	[smem:$0x3FAD] =	sst s5  }
0xe: {  	[smem:$0x3FAE] =	sst s6  }
0xf: {  	[smem:$0x3FAF] =	sst s7  }
0x10: {  	[smem:$0x3FB0] =	sst s8  }
0x11: {  	[smem:$0x3FB1] =	sst s9;
	s0 =	simm.s32 @!p0 $0x0  }
0x12: {  	s1 =	sld [smem:$0x3F97];
	s0 =	simm.s32 @p0 $0x1  }
0x13: {  	[smem:$0x3FB2] =	sst s0;
	s0 =	simm.s32 @!p1 $0x0  }
0x14: {  	s2 =	sld [smem:$0x3F96];
	s0 =	simm.s32 @p1 $0x1  }
0x15: {  	[smem:$0x3FB3] =	sst s0;
	s0 =	simm.s32 @!p2 $0x0  }
0x16: {  	s3 =	sld [smem:$0x3FDB];
	s0 =	simm.s32 @p2 $0x1  }
0x17: {  	s4 =	simm.s32 $0x1BF5;
	[smem:$0x3FB5] =	sst s0  }
0x18: {  	s0 =	sld [smem:$0x3F98];
	_ =	swait.ge [sflag:s4], $0x0  }
0x19: {  	s7 =	sld [smem:$0x3F99]  }
0x1a: {  	s8 =	sadd.s32 $0xFFFFE003, lr  }
0x1b: {  	s9 =	sadd.s32 $0xFFFFFEF7, lr;
	s5 =	simm.s32 $0xFFFFFFFF;
	p2 =	slt.u32 s8, $0xFFFFF086  }
0x1c: {  	p1 =	slt.u32 s9, $0xF7A;
	s5 =	simm.s32 @!p2 $0x0  }
0x1d: {  	s5 =	simm.s32 @p1 $0x1;
	p0 =	seq.s32 s7, s2  }
0x1e: {  	s7 =	smul.u32 @!p0 $0xF7A, s2;
	p2 =	seq.s32 @!p0 s5, $0x0  }
0x1f: {  	s9 =	smul.u32 $0xF7A, s1;
	s8 =	simm.s32 @!p0 $0x1BF5;
	p2 =	por !p2, p0  }
0x20: {  	[sflag:s8] =	ssyncset.s32 @!p0 $0xFFFFF086;
	s6 =	sadd.s32 @!p0 s3, s7;
	s7 =	simm.s32 @!p0 $0x108  }
0x21: {  	s3 =	sadd.s32 s3, s9;
	s6 =	sadd.s32 @!p0 $0x88, s6;
	s7 =	simm.s32 @p2 $0x1082  }
0x22: {  	[simem:s7], [sflag:s8] =	dma.local @!p0 [hbm:s6], $0xF7A  }
0x23: {  	s9 =	sor.u32 $0xD0000000, s2;
	s6 =	simm.s32 $0x108;
	_ =	swait.ge @!p0 [sflag:s8], $0x0  }
0x24: {  	s3 =	sadd.s32 $0x88, s3;
	s6 =	simm.s32 @!p1 $0x1082;
	[sflag:s4] =	ssyncset.s32 $0xFFFFF086  }
0x25: {  	[simem:s6], [sflag:s4] =	dma.local [hbm:s3], $0xF7A  }
0x26: {  	[smem:$0x3F99] =	sst s1;
	(tag) =	ssettag s2;
	_ =	strace s9  }
0x27: {  	s1 =	sld [smem:$0x3FA9]  }
0x28: {  	s2 =	sld [smem:$0x3FAA]  }
0x29: {  	s4 =	sld [smem:$0x3FAC]  }
0x2a: {  	p0 =	seq.s32 s5, $0x0;
	s5 =	sld [smem:$0x3FAD]  }
0x2b: {  	s6 =	sld [smem:$0x3FAE]  }
0x2c: {  	s7 =	sld [smem:$0x3FAF]  }
0x2d: {  	s3 =	simm.s32 $0x108;
	s8 =	sld [smem:$0x3FB0]  }
0x2e: {  	s3 =	simm.s32 @!p0 $0x1082;
	s9 =	sld [smem:$0x3FB1]  }
0x2f: {  	lr =	sadd.s32 s0, s3;
	s0 =	sld [smem:$0x3FA8]  }
0x30: {  	s3 =	sld [smem:$0x3FAB]  }
0x31: {  	[smem:$0x3FB4] =	sst s10  }
0x32: {  	s10 =	sld [smem:$0x3FB2];
	_ =	sdelay $0x3  }
0x33: {  	p0 =	seq.s32 s10, $0x1;
	s10 =	sld [smem:$0x3FB4];
	_ =	sdelay $0x3  }
0x34: {  	[smem:$0x3FB4] =	sst s10  }
0x35: {  	s10 =	sld [smem:$0x3FB3];
	_ =	sdelay $0x3  }
0x36: {  	p1 =	seq.s32 s10, $0x1;
	s10 =	sld [smem:$0x3FB4];
	_ =	sdelay $0x3  }
0x37: {  	[smem:$0x3FB4] =	sst s10  }
0x38: {  	s10 =	sld [smem:$0x3FB5]  }
0x39: {  	_ = 	snop;
	(pc) =	sbr.ind lr, $3  }
0x3a: {  	_ = 	snop  }
0x3b: {  	_ = 	snop  }
0x3c: {  	p2 =	seq.s32 s10, $0x1;
	s10 =	sld [smem:$0x3FB4]  }
0x3d: {  	_ =	shalt  }
0x3e: {  	_ =	shalt  }
0x3f: {  	_ =	shalt  }
0x40: {  	_ =	shalt  }
0x41: {  	_ =	shalt  }
0x42: {  	_ =	shalt  }
0x43: {  	_ =	shalt  }
0x44: {  	_ =	shalt  }
0x45: {  	_ =	shalt  }
0x46: {  	_ =	shalt  }
0x47: {  	_ =	shalt  }
0x48: {  	_ =	shalt  }
0x49: {  	_ =	shalt  }
0x4a: {  	_ =	shalt  }
0x4b: {  	_ =	shalt  }
0x4c: {  	_ =	shalt  }
0x4d: {  	_ =	shalt  }
0x4e: {  	_ =	shalt  }
0x4f: {  	_ =	shalt  }
0x50: {  	_ =	shalt  }
0x51: {  	_ =	shalt  }
0x52: {  	_ =	shalt  }
0x53: {  	_ =	shalt  }
0x54: {  	_ =	shalt  }
0x55: {  	_ =	shalt  }
0x56: {  	_ =	shalt  }
0x57: {  	_ =	shalt  }
0x58: {  	_ =	shalt  }
0x59: {  	_ =	shalt  }
0x5a: {  	_ =	shalt  }
0x5b: {  	_ =	shalt  }
0x5c: {  	_ =	shalt  }
0x5d: {  	_ =	shalt  }
0x5e: {  	_ =	shalt  }
0x5f: {  	_ =	shalt  }
0x60: {  	_ =	shalt  }
0x61: {  	_ =	shalt  }
0x62: {  	_ =	shalt  }
0x63: {  	_ =	shalt  }
0x64: {  	_ =	shalt  }
0x65: {  	_ =	shalt  }
0x66: {  	_ =	shalt  }
0x67: {  	_ =	shalt  }
0x68: {  	_ =	shalt  }
0x69: {  	_ =	shalt  }
0x6a: {  	_ =	shalt  }
0x6b: {  	_ =	shalt  }
0x6c: {  	_ =	shalt  }
0x6d: {  	_ =	shalt  }
0x6e: {  	_ =	shalt  }
0x6f: {  	_ =	shalt  }
0x70: {  	_ =	shalt  }
0x71: {  	_ =	shalt  }
0x72: {  	_ =	shalt  }
0x73: {  	_ =	shalt  }
0x74: {  	_ =	shalt  }
0x75: {  	_ =	shalt  }
0x76: {  	_ =	shalt  }
0x77: {  	_ =	shalt  }
0x78: {  	_ =	shalt  }
0x79: {  	_ =	shalt  }
0x7a: {  	_ =	shalt  }
0x7b: {  	_ =	shalt  }
0x7c: {  	_ =	shalt  }
0x7d: {  	_ =	shalt  }
0x7e: {  	_ =	shalt  }
0x7f: {  	_ =	shalt  }
0x80: {  	_ =	shalt  }
0x81: {  	_ =	shalt  }
0x82: {  	_ =	shalt  }
0x83: {  	_ =	shalt  }
0x84: {  	_ =	shalt  }
0x85: {  	_ =	shalt  }
0x86: {  	_ =	shalt  }
0x87: {  	_ =	shalt  }
.Lfunc_end0:
.L_simem_size_0:
called_computation_lowered:
.L_overlay_start_0:
0x88: {  	s2 =	sld [smem:$0x3FD9]  }
0x89: {  	s3 =	sld [smem:$0x3FFE];
	_ =	sdelay $0x1  }
0x8a: {  	s1 =	srdreg.scid  }
0x8b: {  	s0 =	sand.u32 $0x1, s1  }
0x8c: {  	s17 =	sshll.u32 s0, $0xA;
	s2 =	sadd.s32 s3, s2  }
0x8d: {  	s2 =	sadd.s32 s2, s17  }
0x8e: {  	[smem:$0x3FC0] =	sst s2  }
0x8f: {  	_ = 	snop  }
0x90: {  	s2 =	sld [smem:$0x3FD0];
	(tm) =	ssettm $0x1  }
0x91: {  	s18 =	sld [smem:$0x3FFB];
	_ =	sdelay $0x3  }
0x92: {  	_ =	strace s18  }
0x93: {  	s3 =	sld [smem:$0x3FFC];
	_ =	sdelay $0x3  }
0x94: {  	_ =	strace s3  }
0x95: {  	s3 =	sld [smem:$0x3FFD];
	_ =	sdelay $0x3  }
0x96: {  	_ =	strace s3  }
0x97: {  	_ =	strace $0x8FFFFFFF  }
0x98: {  	s19 =	sld [smem:$0x3FDB];
	_ =	sdelay $0x1  }
0x99: {  	s4 =	simm.s32 $_scs_section_size  }
0x9a: {  	s5 =	simm.s32 $_size__tile_overlayer_lowered;
	s6 =	simm.s32 $_tile_overlayer_lowered  }
0x9b: {  	s22 =	simm.s32 $0x1BFF;
	s21 =	sshll.u32 s6, $0x1;
	s3 =	sadd.s32 s4, s19  }
0x9c: {  	s7 =	simm.s32 $0x0;
	s20 =	sshll.u32 s5, $0x1;
	s5 =	sadd.s32 s21, s3  }
0x9d: {  	[timem:s7], [sflag:s22] =	dma.local [hbm:s5], s20  }
0x9e: {  	_ =	swait.ge [sflag:s22], s20  }
0x9f: {  	s4 =	ssub.s32 $0x0, s20;
	[sflag:s22] =	ssyncset.done $0x0  }
0xa0: {  	[sflag:s22] =	ssyncadd.s32 s4;
	_ =	sdelay $0x1  }
0xa1: {  	s23 =	simm.s32 $0x1B8B  }
0xa2: {  	_ =	swait.ge [sflag:s23], $0x1  }
0xa3: {  	[sflag:s23] =	ssyncset.done $0x0  }
0xa4: {  	s25 =	simm.s32 $0x1B8E;
	s24 =	sld [smem:$0x3FFE];
	[sflag:s23] =	ssyncadd.s32 $0xFFFFFFFF  }
0xa5: {  	s26 =	simm.s32 $execute0_lowered;
	[smem:$0x3FD2] =	sst s25  }
0xa6: {  	s5 =	sshll.u32 s26, $0x1;
	_ =	strace $0x80000046;
	[dreg:$0x1] =	wrdreg $0xFFFFFFFF  }
0xa7: {  	s28 =	simm.s32 $_size_execute0_lowered;
	s3 =	sadd.s32 s3, s5;
	[dreg:$0x0] =	wrdreg $0x0  }
0xa8: {  	s5 =	sshll.u32 s28, $0x1;
	[dreg:$0x2] =	wrdreg s3  }
0xa9: {  	[dreg:$0x3] =	wrdreg s5  }
0xaa: {  	[dreg:$0x4] =	wrdreg $0xC0  }
0xab: {  	_ =	task [dreg:s7], $0x5FFFF  }
0xac: {  	[dreg:$0x1] =	wrdreg $0xFFFFFFFF  }
0xad: {  	[dreg:$0x0] =	wrdreg $0x60  }
0xae: {  	[dreg:$0x2] =	wrdreg s24  }
0xaf: {  	[dreg:$0x3] =	wrdreg s2  }
0xb0: {  	[dreg:$0x4] =	wrdreg $0xA6800  }
0xb1: {  	[dreg:$0x5] =	wrdreg $0x7F000  }
0xb2: {  	[dreg:$0x6] =	wrdreg $0x9  }
0xb3: {  	_ =	task.clear_ibuf [dreg:s7], $0x7FFFF;
	_ =	strace $0x90000046  }
0xb4: {  	s29 =	simm.s32 $0x9;
	_ =	strace $0x80000048  }
0xb5: {  	_ =	swait.ge [sflag:s29], $0x1  }
0xb6: {  	[sflag:s29] =	ssyncadd.s32 $0xFFFFFFFF  }
0xb7: {  	_ =	strace $0x90000048  }
0xb8: {  	_ =	sfence  }
0xb9: {  	s30 =	sld [smem:$0x0];
	_ =	sdelay $0x2  }
0xba: {  	s31 =	sshll.u32 s1, $0xD;
	s1 =	sshrl.u32 s1, $0x2  }
0xbb: {  	s3 =	sand.u32 $0x4000, s31;
	s1 =	sadd.s32 s1, s30  }
0xbc: {  	s0 =	sor.u32 s3, s0;
	s1 =	sshll.u32 s1, $0x11  }
0xbd: {  	s0 =	sor.u32 s1, s0  }
0xbe: {  	s0 =	sadd.s32 $0x8F2B, s0  }
0xbf: {  	[sflag:s0] =	ssyncadd.remote.s32 $0x1  }
0xc0: {  	_ =	sfence.sel $0xFFFF  }
0xc1: {  	[dreg:$0x0] =	wrdreg $0xFFFFFFFF;
	(pc) =	sbr.abs _section_cstart, $3  }
0xc2: {  	[dreg:$0x1] =	wrdreg $0xFFFFFFFF  }
0xc3: {  	_ =	task.clear_ibuf [dreg:s7], $0x2FFFF;
	_ =	strace $0x9FFFFFFF  }
0xc4: {  	(tm) =	ssettm $0x7FFFFFFF  }
0xc5: {  	_ =	shalt  }
tec
execute0_lowered:
.L_overlay_start_1:
0x0: {  	(tag) =	ssettag $0x1  }
0x1: {  	s0 =	rddreg [dreg:$0x0]  }
0x2: {  	s1 =	rddreg [dreg:$0x1]  }
0x3: {  	s2 =	rddreg [dreg:$0x2]  }
0x4: {  	s3 =	rddreg [dreg:$0x3];
	s4 =	srdreg.scid  }
0x5: {  	s13 =	stileid.u32;
	s7 =	simm.s32 $0x0;
	s19 =	simm.s32 $0xD  }
0x6: {  	s29 =	simm.s32 $0x4F00;
	s30 =	simm.s32 $0x5700;
	s31 =	simm.s32 $0x5F00  }
0x7: {  	s4 =	sand.u32 $0x1, s4;
	s5 =	smul.u32 $0x13C00, s13;
	[smem:$0x7FF] =	sst s7  }
0x8: {  	s28 =	smul.u32 $0x2780, s13;
	s26 =	sshll.u32 s13, $0x6;
	s7 =	simm.s32 $0x4  }
0x9: {  	s6 =	sshll.u32 s4, $0x4;
	_ =	strace $0x80000047;
	s11 =	smul.u32 $0x13C000, s4  }
0xa: {  	s14 =	ssub.s32 $0x2, s4;
	p0 =	seq.s32 s4, $0x1;
	s20 =	sor.u32 $0x1C0D, s26  }
0xb: {  	s26 =	simm.s32 $0x2780;
	s6 =	sor.u32 s13, s6;
	s9 =	sshrl.u32 s5, $0x3  }
0xc: {  	s12 =	sadd.s32 s28, s0;
	s15 =	sshrl.u32 s14, $0x1;
	s17 =	sshrl.u32 s28, $0x3  }
0xd: {  	s18 =	sadd.s32 s28, s3;
	s8 =	smul.u32 $0x4E, s6;
	s10 =	smin.u32 s6, $0x4  }
0xe: {  	s9 =	sadd.s32 s9, s0;
	s5 =	sadd.s32 s5, s11;
	s11 =	smul.u32 $0x9E00, s13  }
0xf: {  	s16 =	sadd.s32 $0x3DA00, s12;
	s1 =	sadd.s32 s1, s17;
	p1 =	sgt.u32 s6, $0x3  }
0x10: {  	s12 =	simm.s32 $0x9;
	s6 =	simm.s32 $0x0;
	[dreg:$0x5] =	wrdreg s16  }
0x11: {  	s5 =	sshrl.u32 s5, $0x3;
	[dreg:$0x7] =	wrdreg s1;
	s21 =	sadd.s32 $0x16200, s9  }
0x12: {  	s1 =	simm.s32 $0x6700;
	s9 =	simm.s32 $0x5;
	s8 =	sadd.s32 s10, s8  }
0x13: {  	s10 =	sshrl.u32 s11, $0x2;
	s11 =	sadd.s32 s28, s2;
	[dreg:$0x8] =	wrdreg s21  }
0x14: {  	s28 =	sshrl.u32 s18, $0x3;
	s8 =	sshll.u32 s8, $0x5;
	[dreg:$0x6] =	wrdreg s11  }
0x15: {  	s4 =	sadd.s32 s10, s2;
	[dreg:$0x13] =	wrdreg s28;
	s8 =	sadd.s32 s8, s0  }
0x16: {  	s10 =	simm.s32 $0x8;
	s0 =	sadd.s32 s5, s0;
	s22 =	sadd.s32 $0x2800, s8  }
0x17: {  	s5 =	ssub.s32 s14, s15;
	s23 =	sadd.s32 $0x2810, s8;
	[dreg:$0x9] =	wrdreg s22  }
0x18: {  	s14 =	simm.s32 $0xB;
	s24 =	sadd.s32 $0x31C0, s8;
	[dreg:$0xa] =	wrdreg s23  }
0x19: {  	s15 =	simm.s32 $0xC;
	s25 =	sadd.s32 $0x31D0, s8;
	[dreg:$0xb] =	wrdreg s24  }
0x1a: {  	s0 =	sadd.s32 $0x65200, s0;
	s5 =	smax.u32 s5, $0x1;
	[dreg:$0xc] =	wrdreg s25  }
0x1b: {  	s8 =	simm.s32 $0x7;
	[dreg:$0xd] =	wrdreg s0;
	s0 =	sshll.u32 @p0 s13, $0x6  }
0x1c: {  	[dreg:$0xe] =	wrdreg s5;
	s5 =	sshrl.u32 @p0 s11, $0x3;
	s22 =	simm.s32 $0x1  }
0x1d: {  	s23 =	simm.s32 $0x2;
	s25 =	simm.s32 $0x80;
	s0 =	sor.u32 @p0 $0x1C0D, s0  }
0x1e: {  	s11 =	simm.s32 $0x6;
	[dreg:$0xf] =	wrdreg s0;
	s0 =	sshll.u32 @!p0 s13, $0x6  }
0x1f: {  	[dreg:$0x10] =	wrdreg s5;
	s5 =	simm.s32 $0x7700;
	s0 =	sor.u32 @!p0 $0x1C0D, s0  }
0x20: {  	s13 =	simm.s32 $0xA;
	[dreg:$0x11] =	wrdreg s0;
	s0 =	sshrl.u32 @!p0 s4, $0x3  }
0x21: {  	s4 =	simm.s32 $0x3;
	[dreg:$0x12] =	wrdreg s0;
	s0 =	simm.s32 $0x6F00  }
.LBB2_1:
0x22: {  	s16 =	rddreg [dreg:$0x7]  }
0x23: {  	s17 =	rddreg [dreg:$0xf]  }
0x24: {  	s18 =	rddreg [dreg:$0x10]  }
0x25: {  	[spmem:s18], [sflag:s17] =	dma.local @p0 [hbm:s16], $0x4F0  }
0x26: {  	s24 =	rddreg [dreg:$0x5]  }
0x27: {  	s16 =	simm.s32 @!p0 $0x1;
	s28 =	rddreg [dreg:$0x11]  }
0x28: {  	s17 =	simm.s32 @!p0 $0x2;
	s18 =	simm.s32 @!p0 $0x10;
	s21 =	rddreg [dreg:$0x12]  }
0x29: {  	[spmem:s21@s17], [sflag:s28] =	dma.strided @!p0 [hbm:s24@s18], $0x4F0, s16, $0x2   }
0x2a: {  	_ =	swait.ge [sflag:s19], $0x4F0  }
0x2b: {  	[sflag:s19] =	ssyncset.done $0x0;
	s24 =	rddreg [dreg:$0x8]  }
0x2c: {  	s21 =	simm.s32 $0x10;
	s28 =	rddreg [dreg:$0x13];
	[sflag:s19] =	ssyncadd.s32 $0xFFFFFB10  }
0x2d: {  	[spmem:s28@s23], [sflag:s20] =	dma.strided [hbm:s24@s21], $0x4F0, s22, $0x2   }
0x2e: {  	_ =	swait.ge [sflag:s19], $0x4F0  }
0x2f: {  	s24 =	simm.s32 $0x0;
	[sflag:s19] =	ssyncset.done $0x0  }
0x30: {  	s21 =	simm.s32 $0x100;
	s17 =	rddreg [dreg:$0x9];
	[sflag:s19] =	ssyncadd.s32 $0xFFFFFB10  }
0x31: {  	[tilespmem:s24], [sflag:$0xD] =	stream.strided.gather [hbm4b:s17+s25], $0x2700, s21, s25, $0x38;
	[tilespmem:$0xCE00] =	vst v63  }
0x32: {  	_ =	swait.ge [sflag:s19], $0x2700  }
0x33: {  	[sflag:s19] =	ssyncset.done $0x0  }
0x34: {  	s18 =	rddreg [dreg:$0xa];
	[sflag:s19] =	ssyncadd.s32 $0xFFFFD900  }
0x35: {  	[tilespmem:s26], [sflag:$0xD] =	stream.strided.gather [hbm4b:s18+s25], $0x2700, s21, s25, $0x38;
	[tilespmem:$0xCE00] =	vst v63  }
0x36: {  	_ =	swait.ge [sflag:s19], $0x2700  }
0x37: {  	s16 =	simm.s32 @!p1 $0x0;
	[sflag:s19] =	ssyncset.done $0x0  }
0x38: {  	s17 =	simm.s32 @!p1 $0x2700;
	s18 =	rddreg [dreg:$0xb];
	[sflag:s19] =	ssyncadd.s32 $0xFFFFD900  }
0x39: {  	[tilespmem:s17], [sflag:$0xD] =	stream.linear.gather @!p1 [hbm4b:s18+s16], $0x80, $0x38;
	[tilespmem:$0xCE00] =	vst v63  }
0x3a: {  	s17 =	simm.s32 @!p1 $0xD  }
0x3b: {  	_ =	swait.ge @!p1 [sflag:s17], $0x80  }
0x3c: {  	[sflag:s17] =	ssyncset.done @!p1 $0x0  }
0x3d: {  	s18 =	simm.s32 @!p1 $0x4E80;
	s28 =	rddreg [dreg:$0xc];
	[sflag:s17] =	ssyncadd.s32 @!p1 $0xFFFFFF80  }
0x3e: {  	[tilespmem:s18], [sflag:$0xD] =	stream.linear.gather @!p1 [hbm4b:s28+s16], $0x80, $0x38;
	[tilespmem:$0xCE00] =	vst v63  }
0x3f: {  	_ =	swait.ge @!p1 [sflag:s17], $0x80  }
0x40: {  	[sflag:s17] =	ssyncset.done @!p1 $0x0  }
0x41: {  	[sflag:s17] =	ssyncadd.s32 @!p1 $0xFFFFFF80  }
0x42: {  	[bflag:$0x0] =	sbarrier.arrive $0xFFFF  }
0x43: {  	[tilespmem:s29], [sflag:$0x1] =	stream.indirect.gather [spmem:s3], $0x10, s24, s25, $0xb8;
	[tilespmem:$0xCE00] =	vst v63  }
0x44: {  	_ = 	snop  }
0x45: {  	[tilespmem:s30], [sflag:$0x2] =	stream.indirect.gather [spmem:s3], $0x10, s25, s25, $0xb8;
	[tilespmem:$0xCE00] =	vst v63  }
0x46: {  	_ = 	snop  }
0x47: {  	[tilespmem:s31], [sflag:$0x3] =	stream.indirect.gather [spmem:s3], $0x10, s21, s25, $0xb8;
	[tilespmem:$0xCE00] =	vst v63  }
0x48: {  	_ =	swait.ge [sflag:s22], $0x800  }
0x49: {  	[sflag:s22] =	ssyncset.done $0x0  }
0x4a: {  	[sflag:s22] =	ssyncadd.s32 $0xFFFFF800  }
0x4b: {  	[spmem:s2] =	stream.indirect.scatter.add.f32 [tilespmem:s29], [sflag:$0x7], $0x10, s26, s25, $0xb8;
	[tilespmem:$0xCE00] =	vst v63  }
0x4c: {  	s24 =	simm.s32 $0x180  }
0x4d: {  	[tilespmem:s1], [sflag:$0x4] =	stream.indirect.gather [spmem:s3], $0x10, s24, s25, $0xb8;
	[tilespmem:$0xCE00] =	vst v63  }
0x4e: {  	_ =	swait.ge [sflag:s23], $0x800  }
0x4f: {  	[sflag:s23] =	ssyncset.done $0x0  }
0x50: {  	s28 =	simm.s32 $0x2800;
	[sflag:s23] =	ssyncadd.s32 $0xFFFFF800  }
0x51: {  	[spmem:s2] =	stream.indirect.scatter.add.f32 [tilespmem:s30], [sflag:$0x8], $0x10, s28, s25, $0xb8;
	[tilespmem:$0xCE00] =	vst v63  }
0x52: {  	s17 =	simm.s32 $0x200  }
0x53: {  	[tilespmem:s0], [sflag:$0x5] =	stream.indirect.gather [spmem:s3], $0x10, s17, s25, $0xb8;
	[tilespmem:$0xCE00] =	vst v63  }
0x54: {  	_ =	swait.ge [sflag:s4], $0x800  }
0x55: {  	[sflag:s4] =	ssyncset.done $0x0  }
0x56: {  	s18 =	simm.s32 $0x2880;
	[sflag:s4] =	ssyncadd.s32 $0xFFFFF800  }
0x57: {  	[spmem:s2] =	stream.indirect.scatter.add.f32 [tilespmem:s31], [sflag:$0x9], $0x10, s18, s25, $0xb8;
	[tilespmem:$0xCE00] =	vst v63  }
0x58: {  	s21 =	simm.s32 $0x280  }
0x59: {  	[tilespmem:s5], [sflag:$0x6] =	stream.indirect.gather [spmem:s3], $0x10, s21, s25, $0xb8;
	[tilespmem:$0xCE00] =	vst v63  }
0x5a: {  	_ =	swait.ge [sflag:s7], $0x800  }
0x5b: {  	[sflag:s7] =	ssyncset.done $0x0  }
0x5c: {  	s24 =	simm.s32 $0x2900;
	[sflag:s7] =	ssyncadd.s32 $0xFFFFF800  }
0x5d: {  	[spmem:s2] =	stream.indirect.scatter.add.f32 [tilespmem:s1], [sflag:$0xA], $0x10, s24, s25, $0xb8;
	[tilespmem:$0xCE00] =	vst v63  }
0x5e: {  	_ =	swait.ge [sflag:s8], $0x800  }
0x5f: {  	[sflag:s8] =	ssyncset.done $0x0  }
0x60: {  	s28 =	simm.s32 $0x300;
	[sflag:s8] =	ssyncadd.s32 $0xFFFFF800  }
0x61: {  	[tilespmem:s29], [sflag:$0x1] =	stream.indirect.gather [spmem:s3], $0x10, s28, s25, $0xb8;
	[tilespmem:$0xCE00] =	vst v63  }
0x62: {  	_ =	swait.ge [sflag:s9], $0x800  }
0x63: {  	[sflag:s9] =	ssyncset.done $0x0  }
0x64: {  	s17 =	simm.s32 $0x2980;
	[sflag:s9] =	ssyncadd.s32 $0xFFFFF800  }
0x65: {  	[spmem:s2] =	stream.indirect.scatter.add.f32 [tilespmem:s0], [sflag:$0xB], $0x10, s17, s25, $0xb8;
	[tilespmem:$0xCE00] =	vst v63  }
0x66: {  	_ =	swait.ge [sflag:s10], $0x800  }
0x67: {  	[sflag:s10] =	ssyncset.done $0x0  }
0x68: {  	s18 =	simm.s32 $0x380;
	[sflag:s10] =	ssyncadd.s32 $0xFFFFF800  }
0x69: {  	[tilespmem:s30], [sflag:$0x2] =	stream.indirect.gather [spmem:s3], $0x10, s18, s25, $0xb8;
	[tilespmem:$0xCE00] =	vst v63  }
0x6a: {  	_ =	swait.ge [sflag:s11], $0x800  }
0x6b: {  	[sflag:s11] =	ssyncset.done $0x0  }
0x6c: {  	s21 =	simm.s32 $0x2A00;
	[sflag:s11] =	ssyncadd.s32 $0xFFFFF800  }
0x6d: {  	[spmem:s2] =	stream.indirect.scatter.add.f32 [tilespmem:s5], [sflag:$0xC], $0x10, s21, s25, $0xb8;
	[tilespmem:$0xCE00] =	vst v63  }
0x6e: {  	_ =	swait.ge [sflag:s12], $0x800  }
0x6f: {  	[sflag:s12] =	ssyncset.done $0x0  }
0x70: {  	s24 =	simm.s32 $0x400;
	[sflag:s12] =	ssyncadd.s32 $0xFFFFF800  }
0x71: {  	[tilespmem:s31], [sflag:$0x3] =	stream.indirect.gather [spmem:s3], $0x10, s24, s25, $0xb8;
	[tilespmem:$0xCE00] =	vst v63  }
0x72: {  	_ =	swait.ge [sflag:s22], $0x800  }
0x73: {  	[sflag:s22] =	ssyncset.done $0x0  }
0x74: {  	s28 =	simm.s32 $0x2A80;
	[sflag:s22] =	ssyncadd.s32 $0xFFFFF800  }
0x75: {  	[spmem:s2] =	stream.indirect.scatter.add.f32 [tilespmem:s29], [sflag:$0x7], $0x10, s28, s25, $0xb8;
	[tilespmem:$0xCE00] =	vst v63  }
0x76: {  	_ =	swait.ge [sflag:s13], $0x800  }
0x77: {  	[sflag:s13] =	ssyncset.done $0x0  }
0x78: {  	s17 =	simm.s32 $0x480;
	[sflag:s13] =	ssyncadd.s32 $0xFFFFF800  }
0x79: {  	[tilespmem:s1], [sflag:$0x4] =	stream.indirect.gather [spmem:s3], $0x10, s17, s25, $0xb8;
	[tilespmem:$0xCE00] =	vst v63  }
0x7a: {  	_ =	swait.ge [sflag:s23], $0x800  }
0x7b: {  	[sflag:s23] =	ssyncset.done $0x0  }
0x7c: {  	s18 =	simm.s32 $0x2B00;
	[sflag:s23] =	ssyncadd.s32 $0xFFFFF800  }
0x7d: {  	[spmem:s2] =	stream.indirect.scatter.add.f32 [tilespmem:s30], [sflag:$0x8], $0x10, s18, s25, $0xb8;
	[tilespmem:$0xCE00] =	vst v63  }
0x7e: {  	_ =	swait.ge [sflag:s14], $0x800  }
0x7f: {  	[sflag:s14] =	ssyncset.done $0x0  }
0x80: {  	s21 =	simm.s32 $0x500;
	[sflag:s14] =	ssyncadd.s32 $0xFFFFF800  }
0x81: {  	[tilespmem:s0], [sflag:$0x5] =	stream.indirect.gather [spmem:s3], $0x10, s21, s25, $0xb8;
	[tilespmem:$0xCE00] =	vst v63  }
0x82: {  	_ =	swait.ge [sflag:s4], $0x800  }
0x83: {  	[sflag:s4] =	ssyncset.done $0x0  }
0x84: {  	s24 =	simm.s32 $0x2B80;
	[sflag:s4] =	ssyncadd.s32 $0xFFFFF800  }
0x85: {  	[spmem:s2] =	stream.indirect.scatter.add.f32 [tilespmem:s31], [sflag:$0x9], $0x10, s24, s25, $0xb8;
	[tilespmem:$0xCE00] =	vst v63  }
0x86: {  	_ =	swait.ge [sflag:s15], $0x800  }
0x87: {  	[sflag:s15] =	ssyncset.done $0x0  }
0x88: {  	s28 =	simm.s32 $0x580;
	[sflag:s15] =	ssyncadd.s32 $0xFFFFF800  }
0x89: {  	[tilespmem:s5], [sflag:$0x6] =	stream.indirect.gather [spmem:s3], $0x10, s28, s25, $0xb8;
	[tilespmem:$0xCE00] =	vst v63  }
0x8a: {  	_ =	swait.ge [sflag:s7], $0x800  }
0x8b: {  	[sflag:s7] =	ssyncset.done $0x0  }
0x8c: {  	s17 =	simm.s32 $0x2C00;
	[sflag:s7] =	ssyncadd.s32 $0xFFFFF800  }
0x8d: {  	[spmem:s2] =	stream.indirect.scatter.add.f32 [tilespmem:s1], [sflag:$0xA], $0x10, s17, s25, $0xb8;
	[tilespmem:$0xCE00] =	vst v63  }
0x8e: {  	_ =	swait.ge [sflag:s8], $0x800  }
0x8f: {  	[sflag:s8] =	ssyncset.done $0x0  }
0x90: {  	s18 =	simm.s32 $0x600;
	[sflag:s8] =	ssyncadd.s32 $0xFFFFF800  }
0x91: {  	[tilespmem:s29], [sflag:$0x1] =	stream.indirect.gather [spmem:s3], $0x10, s18, s25, $0xb8;
	[tilespmem:$0xCE00] =	vst v63  }
0x92: {  	_ =	swait.ge [sflag:s9], $0x800  }
0x93: {  	[sflag:s9] =	ssyncset.done $0x0  }
0x94: {  	s21 =	simm.s32 $0x2C80;
	[sflag:s9] =	ssyncadd.s32 $0xFFFFF800  }
0x95: {  	[spmem:s2] =	stream.indirect.scatter.add.f32 [tilespmem:s0], [sflag:$0xB], $0x10, s21, s25, $0xb8;
	[tilespmem:$0xCE00] =	vst v63  }
0x96: {  	_ =	swait.ge [sflag:s10], $0x800  }
0x97: {  	[sflag:s10] =	ssyncset.done $0x0  }
0x98: {  	s24 =	simm.s32 $0x680;
	[sflag:s10] =	ssyncadd.s32 $0xFFFFF800  }
0x99: {  	[tilespmem:s30], [sflag:$0x2] =	stream.indirect.gather [spmem:s3], $0x10, s24, s25, $0xb8;
	[tilespmem:$0xCE00] =	vst v63  }
0x9a: {  	_ =	swait.ge [sflag:s11], $0x800  }
0x9b: {  	[sflag:s11] =	ssyncset.done $0x0  }
0x9c: {  	s28 =	simm.s32 $0x2D00;
	[sflag:s11] =	ssyncadd.s32 $0xFFFFF800  }
0x9d: {  	[spmem:s2] =	stream.indirect.scatter.add.f32 [tilespmem:s5], [sflag:$0xC], $0x10, s28, s25, $0xb8;
	[tilespmem:$0xCE00] =	vst v63  }
0x9e: {  	_ =	swait.ge [sflag:s12], $0x800  }
0x9f: {  	[sflag:s12] =	ssyncset.done $0x0  }
0xa0: {  	s16 =	simm.s32 $0xC00;
	s17 =	simm.s32 $0x700;
	[sflag:s12] =	ssyncadd.s32 $0xFFFFF800  }
.LBB2_2:
0xa1: {  	[tilespmem:s31], [sflag:$0x3] =	stream.indirect.gather [spmem:s3], $0x10, s17, s25, $0xb8;
	[tilespmem:$0xCE00] =	vst v63  }
0xa2: {  	s17 =	smov.u32 s16  }
0xa3: {  	p2 =	sne.s32 s16, $0x7800;
	s16 =	sadd.s32 $0xC00, s16;
	_ =	swait.ge [sflag:s22], $0x800  }
0xa4: {  	s17 =	sshra.s32 s17, $0x2;
	[sflag:s22] =	ssyncset.done $0x0  }
0xa5: {  	s18 =	sadd.s32 $0x2A80, s17;
	[sflag:s22] =	ssyncadd.s32 $0xFFFFF800  }
0xa6: {  	[spmem:s2] =	stream.indirect.scatter.add.f32 [tilespmem:s29], [sflag:$0x7], $0x10, s18, s25, $0xb8;
	[tilespmem:$0xCE00] =	vst v63  }
0xa7: {  	_ =	swait.ge [sflag:s13], $0x800  }
0xa8: {  	[sflag:s13] =	ssyncset.done $0x0  }
0xa9: {  	s18 =	sadd.s32 $0x480, s17;
	[sflag:s13] =	ssyncadd.s32 $0xFFFFF800  }
0xaa: {  	[tilespmem:s1], [sflag:$0x4] =	stream.indirect.gather [spmem:s3], $0x10, s18, s25, $0xb8;
	[tilespmem:$0xCE00] =	vst v63  }
0xab: {  	_ =	swait.ge [sflag:s23], $0x800  }
0xac: {  	[sflag:s23] =	ssyncset.done $0x0  }
0xad: {  	s18 =	sadd.s32 $0x2B00, s17;
	[sflag:s23] =	ssyncadd.s32 $0xFFFFF800  }
0xae: {  	[spmem:s2] =	stream.indirect.scatter.add.f32 [tilespmem:s30], [sflag:$0x8], $0x10, s18, s25, $0xb8;
	[tilespmem:$0xCE00] =	vst v63  }
0xaf: {  	_ =	swait.ge [sflag:s14], $0x800  }
0xb0: {  	[sflag:s14] =	ssyncset.done $0x0  }
0xb1: {  	s18 =	sadd.s32 $0x500, s17;
	[sflag:s14] =	ssyncadd.s32 $0xFFFFF800  }
0xb2: {  	[tilespmem:s0], [sflag:$0x5] =	stream.indirect.gather [spmem:s3], $0x10, s18, s25, $0xb8;
	[tilespmem:$0xCE00] =	vst v63  }
0xb3: {  	_ =	swait.ge [sflag:s4], $0x800  }
0xb4: {  	[sflag:s4] =	ssyncset.done $0x0  }
0xb5: {  	s18 =	sadd.s32 $0x2B80, s17;
	[sflag:s4] =	ssyncadd.s32 $0xFFFFF800  }
0xb6: {  	[spmem:s2] =	stream.indirect.scatter.add.f32 [tilespmem:s31], [sflag:$0x9], $0x10, s18, s25, $0xb8;
	[tilespmem:$0xCE00] =	vst v63  }
0xb7: {  	_ =	swait.ge [sflag:s15], $0x800  }
0xb8: {  	[sflag:s15] =	ssyncset.done $0x0  }
0xb9: {  	s18 =	sadd.s32 $0x580, s17;
	[sflag:s15] =	ssyncadd.s32 $0xFFFFF800  }
0xba: {  	[tilespmem:s5], [sflag:$0x6] =	stream.indirect.gather [spmem:s3], $0x10, s18, s25, $0xb8;
	[tilespmem:$0xCE00] =	vst v63  }
0xbb: {  	_ =	swait.ge [sflag:s7], $0x800  }
0xbc: {  	[sflag:s7] =	ssyncset.done $0x0  }
0xbd: {  	s18 =	sadd.s32 $0x2C00, s17;
	[sflag:s7] =	ssyncadd.s32 $0xFFFFF800  }
0xbe: {  	[spmem:s2] =	stream.indirect.scatter.add.f32 [tilespmem:s1], [sflag:$0xA], $0x10, s18, s25, $0xb8;
	[tilespmem:$0xCE00] =	vst v63  }
0xbf: {  	_ =	swait.ge [sflag:s8], $0x800  }
0xc0: {  	[sflag:s8] =	ssyncset.done $0x0  }
0xc1: {  	s18 =	sadd.s32 $0x600, s17;
	[sflag:s8] =	ssyncadd.s32 $0xFFFFF800  }
0xc2: {  	[tilespmem:s29], [sflag:$0x1] =	stream.indirect.gather [spmem:s3], $0x10, s18, s25, $0xb8;
	[tilespmem:$0xCE00] =	vst v63  }
0xc3: {  	_ =	swait.ge [sflag:s9], $0x800  }
0xc4: {  	[sflag:s9] =	ssyncset.done $0x0  }
0xc5: {  	s18 =	sadd.s32 $0x2C80, s17;
	[sflag:s9] =	ssyncadd.s32 $0xFFFFF800  }
0xc6: {  	[spmem:s2] =	stream.indirect.scatter.add.f32 [tilespmem:s0], [sflag:$0xB], $0x10, s18, s25, $0xb8;
	[tilespmem:$0xCE00] =	vst v63  }
0xc7: {  	_ =	swait.ge [sflag:s10], $0x800  }
0xc8: {  	[sflag:s10] =	ssyncset.done $0x0  }
0xc9: {  	s18 =	sadd.s32 $0x680, s17;
	[sflag:s10] =	ssyncadd.s32 $0xFFFFF800  }
0xca: {  	[tilespmem:s30], [sflag:$0x2] =	stream.indirect.gather [spmem:s3], $0x10, s18, s25, $0xb8;
	[tilespmem:$0xCE00] =	vst v63  }
0xcb: {  	_ =	swait.ge [sflag:s11], $0x800  }
0xcc: {  	[sflag:s11] =	ssyncset.done $0x0  }
.Ltmp0:
0xcd: {  	s18 =	sadd.s32 $0x2D00, s17;
	[sflag:s11] =	ssyncadd.s32 $0xFFFFF800;
	(pc) =	sbr.rel @p2 .LBB2_2-.Ltmp0, $4  }
0xce: {  	[spmem:s2] =	stream.indirect.scatter.add.f32 [tilespmem:s5], [sflag:$0xC], $0x10, s18, s25, $0xb8;
	[tilespmem:$0xCE00] =	vst v63  }
0xcf: {  	_ =	swait.ge [sflag:s12], $0x800  }
0xd0: {  	[sflag:s12] =	ssyncset.done $0x0  }
0xd1: {  	s17 =	sadd.s32 $0x700, s17;
	[sflag:s12] =	ssyncadd.s32 $0xFFFFF800  }
0xd2: {  	[tilespmem:s31], [sflag:$0x3] =	stream.indirect.gather [spmem:s3], $0x10, s17, s25, $0xb8;
	[tilespmem:$0xCE00] =	vst v63  }
0xd3: {  	_ =	swait.ge [sflag:s22], $0x800  }
0xd4: {  	[sflag:s22] =	ssyncset.done $0x0  }
0xd5: {  	s16 =	simm.s32 $0x4B80;
	[sflag:s22] =	ssyncadd.s32 $0xFFFFF800  }
0xd6: {  	[spmem:s2] =	stream.indirect.scatter.add.f32 [tilespmem:s29], [sflag:$0x7], $0x10, s16, s25, $0xb8;
	[tilespmem:$0xCE00] =	vst v63  }
0xd7: {  	_ =	swait.ge [sflag:s13], $0x800  }
0xd8: {  	[sflag:s13] =	ssyncset.done $0x0  }
0xd9: {  	s24 =	simm.s32 $0x2580;
	[sflag:s13] =	ssyncadd.s32 $0xFFFFF800  }
0xda: {  	[tilespmem:s1], [sflag:$0x4] =	stream.indirect.gather [spmem:s3], $0x10, s24, s25, $0xb8;
	[tilespmem:$0xCE00] =	vst v63  }
0xdb: {  	_ =	swait.ge [sflag:s23], $0x800  }
0xdc: {  	[sflag:s23] =	ssyncset.done $0x0  }
0xdd: {  	s28 =	simm.s32 $0x4C00;
	[sflag:s23] =	ssyncadd.s32 $0xFFFFF800  }
0xde: {  	[spmem:s2] =	stream.indirect.scatter.add.f32 [tilespmem:s30], [sflag:$0x8], $0x10, s28, s25, $0xb8;
	[tilespmem:$0xCE00] =	vst v63  }
0xdf: {  	_ =	swait.ge [sflag:s14], $0x800  }
0xe0: {  	[sflag:s14] =	ssyncset.done $0x0  }
0xe1: {  	s17 =	simm.s32 $0x2600;
	[sflag:s14] =	ssyncadd.s32 $0xFFFFF800  }
0xe2: {  	[tilespmem:s0], [sflag:$0x5] =	stream.indirect.gather [spmem:s3], $0x10, s17, s25, $0xb8;
	[tilespmem:$0xCE00] =	vst v63  }
0xe3: {  	_ =	swait.ge [sflag:s4], $0x800  }
0xe4: {  	[sflag:s4] =	ssyncset.done $0x0  }
0xe5: {  	s18 =	simm.s32 $0x4C80;
	[sflag:s4] =	ssyncadd.s32 $0xFFFFF800  }
0xe6: {  	[spmem:s2] =	stream.indirect.scatter.add.f32 [tilespmem:s31], [sflag:$0x9], $0x10, s18, s25, $0xb8;
	[tilespmem:$0xCE00] =	vst v63  }
0xe7: {  	_ =	swait.ge [sflag:s15], $0x800  }
0xe8: {  	[sflag:s15] =	ssyncset.done $0x0  }
0xe9: {  	s21 =	simm.s32 $0x2680;
	[sflag:s15] =	ssyncadd.s32 $0xFFFFF800  }
0xea: {  	[tilespmem:s5], [sflag:$0x6] =	stream.indirect.gather [spmem:s3], $0x10, s21, s25, $0xb8;
	[tilespmem:$0xCE00] =	vst v63  }
0xeb: {  	_ =	swait.ge [sflag:s7], $0x800  }
0xec: {  	[sflag:s7] =	ssyncset.done $0x0  }
0xed: {  	s24 =	simm.s32 $0x4D00;
	[sflag:s7] =	ssyncadd.s32 $0xFFFFF800  }
0xee: {  	[spmem:s2] =	stream.indirect.scatter.add.f32 [tilespmem:s1], [sflag:$0xA], $0x10, s24, s25, $0xb8;
	[tilespmem:$0xCE00] =	vst v63  }
0xef: {  	_ =	swait.ge [sflag:s8], $0x800  }
0xf0: {  	[sflag:s8] =	ssyncset.done $0x0  }
0xf1: {  	[sflag:s8] =	ssyncadd.s32 $0xFFFFF800  }
0xf2: {  	_ =	swait.ge [sflag:s9], $0x800  }
0xf3: {  	[sflag:s9] =	ssyncset.done $0x0  }
0xf4: {  	s28 =	simm.s32 $0x4D80;
	[sflag:s9] =	ssyncadd.s32 $0xFFFFF800  }
0xf5: {  	[spmem:s2] =	stream.indirect.scatter.add.f32 [tilespmem:s0], [sflag:$0xB], $0x10, s28, s25, $0xb8;
	[tilespmem:$0xCE00] =	vst v63  }
0xf6: {  	_ =	swait.ge [sflag:s10], $0x800  }
0xf7: {  	[sflag:s10] =	ssyncset.done $0x0  }
0xf8: {  	[sflag:s10] =	ssyncadd.s32 $0xFFFFF800  }
0xf9: {  	_ =	swait.ge [sflag:s11], $0x800  }
0xfa: {  	[sflag:s11] =	ssyncset.done $0x0  }
0xfb: {  	s17 =	simm.s32 $0x4E00;
	[sflag:s11] =	ssyncadd.s32 $0xFFFFF800  }
0xfc: {  	[spmem:s2] =	stream.indirect.scatter.add.f32 [tilespmem:s5], [sflag:$0xC], $0x10, s17, s25, $0xb8;
	[tilespmem:$0xCE00] =	vst v63  }
0xfd: {  	_ =	swait.ge [sflag:s12], $0x800  }
0xfe: {  	[sflag:s12] =	ssyncset.done $0x0  }
0xff: {  	[sflag:s12] =	ssyncadd.s32 $0xFFFFF800  }
0x100: {  	_ =	swait.ge [sflag:s13], $0x800  }
0x101: {  	[sflag:s13] =	ssyncset.done $0x0  }
0x102: {  	[sflag:s13] =	ssyncadd.s32 $0xFFFFF800  }
0x103: {  	_ =	swait.ge [sflag:s14], $0x800  }
0x104: {  	[sflag:s14] =	ssyncset.done $0x0  }
0x105: {  	[sflag:s14] =	ssyncadd.s32 $0xFFFFF800  }
0x106: {  	_ =	swait.ge [sflag:s15], $0x800  }
0x107: {  	s16 =	simm.s32 @!p1 $0x80;
	[sflag:s15] =	ssyncset.done $0x0  }
0x108: {  	s18 =	simm.s32 @!p1 $0x4F00;
	s17 =	simm.s32 @!p1 $0x2700;
	[sflag:s15] =	ssyncadd.s32 $0xFFFFF800  }
0x109: {  	[tilespmem:s18], [sflag:$0xD] =	stream.indirect.gather @!p1 [spmem:s3], $0x10, s17, s16, $0xb8;
	[tilespmem:$0xCE00] =	vst v63  }
0x10a: {  	s17 =	simm.s32 @!p1 $0xD  }
0x10b: {  	_ =	swait.ge @!p1 [sflag:s17], $0x800  }
0x10c: {  	[sflag:s17] =	ssyncset.done @!p1 $0x0  }
0x10d: {  	s24 =	simm.s32 @!p1 $0x4E80;
	[sflag:s17] =	ssyncadd.s32 @!p1 $0xFFFFF800  }
0x10e: {  	[spmem:s2] =	stream.indirect.scatter.add.f32 @!p1 [tilespmem:s18], [sflag:$0xD], $0x10, s24, s16, $0xb8;
	[tilespmem:$0xCE00] =	vst v63  }
0x10f: {  	_ =	swait.ge @!p1 [sflag:s17], $0x800  }
0x110: {  	[sflag:s17] =	ssyncset.done @!p1 $0x0  }
0x111: {  	[sflag:s17] =	ssyncadd.s32 @!p1 $0xFFFFF800  }
0x112: {  	[bflag:$0x0] =	sbarrier.arrive $0xFFFF  }
0x113: {  	s18 =	rddreg [dreg:$0x6]  }
0x114: {  	s24 =	simm.s32 $0x10;
	s21 =	rddreg [dreg:$0xd];
	s16 =	sshrl.u32 s18, $0x3  }
0x115: {  	[hbm:s21@s24], [sflag:s20] =	dma.strided [spmem:s16@s23], $0x4F0, s22, $0x2   }
0x116: {  	_ =	swait.ge [sflag:s19], $0x4F0  }
0x117: {  	s6 =	sadd.s32 $0x1, s6;
	s28 =	rddreg [dreg:$0xe]  }
0x118: {  	p2 =	sne.s32 s6, s28  }
.Ltmp1:
0x119: {  	_ = 	snop;
	(pc) =	sbr.rel @p2 .LBB2_1-.Ltmp1, $3  }
0x11a: {  	_ =	sdelay $0x1  }
0x11b: {  	[sflag:s19] =	ssyncset.done $0x0  }
0x11c: {  	[sflag:s19] =	ssyncadd.s32 $0xFFFFFB10  }
0x11d: {  	_ =	sfence.sel $0x180000  }
0x11e: {  	[bflag:$0x0] =	sbarrier.arrive $0xFFFF  }
0x11f: {  	_ =	strace $0x90000047  }
0x120: {  	s0 =	stileid.u32;
	[bflag:$0x2] =	sbarrier.arrive $0xFFFF  }
0x121: {  	p0 =	sne.s32 s0, $0x0;
	s0 =	rddreg [dreg:$0x4]  }
0x122: {  	s0 =	sadd.s32 @!p0 $0x100000, s0  }
0x123: {  	[sflag:s0] =	ssyncadd.tile.s32 @!p0 $0x1;
	_ =	shalt  }
.Lfunc_end2:
_tile_overlayer_lowered:
.L_overlay_start_2:
0x124: {  	(tag) =	ssettag $0x2  }
0x125: {  	s0 =	rddreg [dreg:$0x0];
	s2 =	stileid.u32  }
0x126: {  	s1 =	rddreg [dreg:$0x1];
	p0 =	sne.s32 s2, $0x0  }
0x127: {  	s3 =	rddreg [dreg:$0x2];
	[bflag:$0x3] =	sbarrier.arrive $0xFFFF;
	s2 =	simm.s32 @!p0 $0x1C0D  }
0x128: {  	[timem:s3], [sflag:s2] =	dma.local @!p0 [hbm:s0], s1  }
0x129: {  	s0 =	simm.s32 @!p0 $0xD  }
0x12a: {  	_ =	swait.ge @!p0 [sflag:s0], s1  }
0x12b: {  	s1 =	ssub.s32 @!p0 $0x0, s1;
	[sflag:s0] =	ssyncset.done @!p0 $0x0  }
0x12c: {  	[sflag:s0] =	ssyncadd.s32 @!p0 s1  }
0x12d: {  	[bflag:$0x3] =	sbarrier.arrive $0xFFFF  }
0x12e: {  	_ =	shalt  }

</sc_bundles>
